<compile_context>
chip_gen: v7x
topology: tpu7x:2x2x1
jax: 0.10.2.dev20260603
libtpu: 0.0.44.dev20260713+nightly
codegen_flags: <defaults>
</compile_context>

<pallas_src>
import functools

import jax
import jax.numpy as jnp
from jax import lax
from jax.experimental import pallas as pl
from jax.experimental.pallas import tpu as pltpu
from jax.experimental.pallas import tpu_sc as plsc

_W = 4096
_KW = 16
_CH = 64


def _emb_lookup_cm(idx, tab3, tail3):
    A, R, V = tab3.shape
    D = A * R
    B, = idx.shape
    info = plsc.get_sparse_core_info()
    NC, NS = info.num_cores, info.num_subcores
    a_per_c = A // NC
    n_grp = B // 16
    cap = B + 16
    cap2 = B + 256
    P = B + NS * _KW * _CH
    n_ph = a_per_c * _KW
    last_w0 = V // _W * _W
    last_len = (V - last_w0) // 128 * 128
    v_max = last_w0 + last_len
    mesh = plsc.VectorSubcoreMesh(core_axis_name="c", subcore_axis_name="s")

    @functools.partial(
        pl.kernel,
        mesh=mesh,
        out_type=(jax.ShapeDtypeStruct((D * P,), jnp.float32),
                  jax.ShapeDtypeStruct((P,), jnp.int32)),
        scratch_types=[
            pltpu.VMEM((B,), jnp.int32),
            pltpu.VMEM((cap,), jnp.int32),
            pltpu.VMEM((cap2,), jnp.int32),
            pltpu.VMEM((16,), jnp.int32),
            pltpu.VMEM((16,), jnp.int32),
            pltpu.VMEM((2, R, _W), jnp.float32),
            pltpu.VMEM((16,), jnp.int32),
            pltpu.SMEM((8,), jnp.int32),
        ] + [pltpu.VMEM((_CH,), jnp.float32) for _ in range(2 * R)] + [
            pltpu.VMEM((_CH,), jnp.int32) for _ in range(2)
        ] + [
            pltpu.SemaphoreType.DMA,
            pltpu.SemaphoreType.DMA,
        ],
        compiler_params=pltpu.CompilerParams(needs_layout_passes=False),
    )
    def emb(idx_hbm, tab_hbm, tail_hbm, vals_hbm, pos_hbm, idx_all, lst, lst2,
            off_v, cnt_v, seg_v, off2_v, smem, *rest):
        vb = [[rest[sl * R + dd] for sl in range(2)] for dd in range(R)]
        jb = [rest[2 * R], rest[2 * R + 1]]
        ssem, gsem = rest[2 * R + 2], rest[2 * R + 3]
        c = lax.axis_index("c")
        s = lax.axis_index("s")
        lanes = lax.iota(jnp.int32, 16)

        pltpu.sync_copy(idx_hbm, idx_all)

        def init(g, carry):
            lst[pl.ds(g * 16, 16)] = jnp.full((16,), B << 16, jnp.int32)
            return carry

        lax.fori_loop(0, cap // 16, init, 0)

        def scan(g, n):
            v = idx_all[pl.ds(g * 16, 16)]
            tl = v >= v_max
            m = jnp.where(tl, s == NS - 1,
                          lax.shift_right_logical(v, 16) == s)
            kf = jnp.where(tl, _KW - 1,
                           lax.shift_right_logical(v, 12) & (_KW - 1))
            loc = jnp.where(tl, v - v_max, v & (_W - 1))
            pk = lax.shift_left(lanes + g * 16, 16) | loc | (
                lax.shift_left(kf, 12))
            plsc.store_compressed(lst.at[pl.ds(n, 16)], pk, mask=m)
            return n + plsc.all_reduce_population_count(m)[0]

        n = lax.fori_loop(0, n_grp, scan, 0)
        ng = lax.shift_right_logical(n + 15, 4)

        offs = jnp.zeros((16,), jnp.int32)
        cnts = jnp.zeros((16,), jnp.int32)
        cur = 0
        for k in range(_KW):
            def split(g, m_cur, k=k):
                pk = lst[pl.ds(g * 16, 16)]
                m = (lax.shift_right_logical(pk, 12) & (_KW - 1)) == k
                plsc.store_compressed(lst2.at[pl.ds(m_cur, 16)], pk, mask=m)
                return m_cur + plsc.all_reduce_population_count(m)[0]

            nxt = lax.fori_loop(0, ng, split, cur)
            offs = jnp.where(lanes == k, cur, offs)
            cnts = jnp.where(lanes == k, nxt - cur, cnts)
            cur = nxt
        off_v[...] = offs
        cnt_v[...] = cnts

        offs2 = jnp.zeros((16,), jnp.int32)
        cur2 = 0
        for k in range(_KW):
            offs2 = jnp.where(lanes == k, cur2, offs2)
            nk2 = plsc.load_gather(cnt_v,
                                   [jnp.full((16,), k, jnp.int32)])[0]
            cur2 = cur2 + lax.shift_left(
                lax.shift_right_logical(nk2 + _CH - 1, 6), 6)
        off2_v[...] = offs2
        smem[0] = 0
        plsc.subcore_barrier()
        for t in range(NS):
            @pl.when(s < t)
            def _(t=t):
                plsc.fetch_and_add(smem.at[0], cur2, subcore_id=t)
        plsc.subcore_barrier()
        pref = smem[0]

        def stage_parts(p):
            k = p & (_KW - 1)
            kv = jnp.broadcast_to(k, (16,)).astype(jnp.int32)
            n_k = plsc.load_gather(cnt_v, [kv])[0]
            w0 = pl.multiple_of((s * _KW + k) * _W, 128)
            a = c * a_per_c + lax.shift_right_logical(p, 4)
            return n_k, w0, a

        def stage_issue(p, slot):
            n_k, w0, a = stage_parts(p)
            k = p & (_KW - 1)
            is_tail = (s == NS - 1) & (k == _KW - 1)

            @pl.when((n_k > 0) & (w0 < last_w0) & (~is_tail))
            def _():
                pltpu.async_copy(tab_hbm.at[a, :, pl.ds(w0, _W)],
                                 seg_v.at[slot], gsem)

            @pl.when((n_k > 0) & (w0 == last_w0))
            def _():
                pltpu.async_copy(
                    tab_hbm.at[a, :, pl.ds(last_w0, last_len)],
                    seg_v.at[slot, :, pl.ds(0, last_len)], gsem)

            @pl.when((n_k > 0) & is_tail)
            def _():
                pltpu.async_copy(tail_hbm.at[a],
                                 seg_v.at[slot, :, pl.ds(0, 128)], gsem)

        def stage_wait(p, slot):
            n_k, w0, a = stage_parts(p)
            k = p & (_KW - 1)
            is_tail = (s == NS - 1) & (k == _KW - 1)

            @pl.when((n_k > 0) & (w0 < last_w0) & (~is_tail))
            def _():
                pltpu.make_async_copy(tab_hbm.at[a, :, pl.ds(w0, _W)],
                                      seg_v.at[slot], gsem).wait()

            @pl.when((n_k > 0) & (w0 == last_w0))
            def _():
                pltpu.make_async_copy(
                    tab_hbm.at[a, :, pl.ds(last_w0, last_len)],
                    seg_v.at[slot, :, pl.ds(0, last_len)], gsem).wait()

            @pl.when((n_k > 0) & is_tail)
            def _():
                pltpu.make_async_copy(
                    tail_hbm.at[a],
                    seg_v.at[slot, :, pl.ds(0, 128)], gsem).wait()

        stage_issue(0, 0)

        def phase(p, pcarry):
            sg = p & 1
            stage_wait(p, sg)

            @pl.when(p + 1 < n_ph)
            def _():
                stage_issue(p + 1, 1 - sg)

            a = c * a_per_c + lax.shift_right_logical(p, 4)
            k = p & (_KW - 1)
            kvec = jnp.broadcast_to(k, (16,)).astype(jnp.int32)
            n_k = plsc.load_gather(cnt_v, [kvec])[0]
            o_k = plsc.load_gather(off_v, [kvec])[0]
            base = pl.multiple_of(
                pref + plsc.load_gather(off2_v, [kvec])[0], 64)
            nch = lax.shift_right_logical(n_k + _CH - 1, 6)
            d0 = a * R
            wpos = p < _KW
            sgv = jnp.broadcast_to(sg, (16,)).astype(jnp.int32)

            def chunk(ch, carry):
                wbase = pl.multiple_of(base + ch * _CH, 64)
                for slot in range(2):
                    @pl.when((ch & 1) == slot)
                    def _(slot=slot):
                        @pl.when(ch >= 2)
                        def _():
                            for dd in range(R):
                                pltpu.make_async_copy(
                                    vb[dd][slot],
                                    vals_hbm.at[pl.ds(wbase, _CH)],
                                    ssem,
                                ).wait()
                            @pl.when(wpos)
                            def _():
                                pltpu.make_async_copy(
                                    jb[slot],
                                    pos_hbm.at[pl.ds(wbase, _CH)],
                                    ssem).wait()

                        for g2 in range(_CH // 16):
                            e0 = ch * _CH + g2 * 16
                            pk = lst2[pl.ds(o_k + e0, 16)]
                            j = lax.shift_right_logical(pk, 16)
                            loc = pk & (_W - 1)
                            ok = ((lanes + e0) < n_k) & (j < B)
                            for dd in range(R):
                                vals = plsc.load_gather(
                                    seg_v,
                                    [sgv, jnp.full((16,), dd, jnp.int32),
                                     loc])
                                vb[dd][slot][pl.ds(g2 * 16, 16)] = vals
                            @pl.when(wpos)
                            def _(g2=g2, ok=ok, j=j):
                                jb[slot][pl.ds(g2 * 16, 16)] = jnp.where(
                                    ok, j, B)

                        for dd in range(R):
                            pltpu.async_copy(
                                vb[dd][slot],
                                vals_hbm.at[
                                    pl.ds((d0 + dd) * P + wbase, _CH)],
                                ssem,
                            )
                        @pl.when(wpos)
                        def _():
                            pltpu.async_copy(
                                jb[slot], pos_hbm.at[pl.ds(wbase, _CH)],
                                ssem)
                return carry

            lax.fori_loop(0, nch, chunk, 0)

            def drain(ch, dcarry):
                wbase = pl.multiple_of(base + ch * _CH, 64)
                for slot in range(2):
                    @pl.when((ch & 1) == slot)
                    def _(slot=slot):
                        for dd in range(R):
                            pltpu.make_async_copy(
                                vb[dd][slot],
                                vals_hbm.at[pl.ds(wbase, _CH)],
                                ssem,
                            ).wait()
                        @pl.when(wpos)
                        def _():
                            pltpu.make_async_copy(
                                jb[slot], pos_hbm.at[pl.ds(wbase, _CH)],
                                ssem).wait()
                return dcarry

            lax.fori_loop(jnp.maximum(nch - 2, 0), nch, drain, 0)
            return pcarry

        lax.fori_loop(0, n_ph, phase, 0)

    return emb(idx, tab3, tail3)


def kernel(input, table):
    idx = input.astype(jnp.int32)
    V, D = table.shape
    B, = idx.shape
    v_max = V // 4096 * 4096 + (V - V // 4096 * 4096) // 128 * 128
    tail3 = jnp.pad(table[v_max:].T,
                    ((0, 0), (0, 128 - (V - v_max)))).reshape(8, 8, 128)
    vals1, pos = _emb_lookup_cm(idx, table.T.reshape(8, 8, V), tail3)
    P = pos.shape[0]
    vals = vals1.reshape(D, P).T
    ar = jnp.arange(P, dtype=jnp.int32)
    r = jnp.where(pos < B, pos, B + ar)
    rank = jnp.zeros((B + P,), jnp.int32).at[r].add(ar, mode="drop",
                                                    unique_indices=True)
    out = jnp.take(vals, rank[:B], axis=0)
    return out.reshape(1, 1, -1)

# --- scband reference (transcript-rebuilt; emitter-appended) ---
"""Pipeline reference for scband-cond-embed-3891240370938 (READ-ONLY COPY).

The authoritative reference and input builder live on the scoring server;
editing this copy changes nothing except your own understanding.
"""

import jax, jax.numpy as jnp
import numpy as np

NUM_EMB = 1000000
EMB_DIM = 64
PAD_ID = 0
BATCH = 16384


def setup_inputs(seed: int = 0) -> dict:
    key = jax.random.key(seed)
    k1, k2 = jax.random.split(key)
    inp = jax.random.randint(k1, (BATCH,), 0, NUM_EMB, dtype=jnp.int64 if jax.config.jax_enable_x64 else jnp.int32)
    table = jax.random.normal(k2, (NUM_EMB, EMB_DIM), dtype=jnp.float32)
    # padding_idx row is initialized to zero in nn.Embedding
    table = table.at[PAD_ID].set(0.0)
    return {"input": inp, "table": table}


def reference(input, table):
    # nn.Embedding lookup (padding row already zeroed in table)
    emb = jnp.take(table, input, axis=0)           # [BATCH, EMB_DIM]
    out = emb.reshape(1, 1, -1)                    # .view(1, 1, -1)
    # dropout is identity in eval mode
    return out

if __name__ == "__main__":
    import jax
    _d = setup_inputs()
    print(jax.jit(kernel)(*tuple(_d.values())))

</pallas_src>

<mosaic_0001>
#map = affine_map<(d0, d1) -> (0)>
#map1 = affine_map<(d0, d1) -> (0, 0, 0)>
module attributes {stable_mosaic.version = 14 : i64} {
  func.func @emb(%arg0: i32, %arg1: i32, %arg2: memref<16384xi32, #tpu.memory_space<hbm>>, %arg3: memref<8x8x1000000xf32, #tpu.memory_space<hbm>>, %arg4: memref<8x8x128xf32, #tpu.memory_space<hbm>>, %arg5: memref<2097152xf32, #tpu.memory_space<hbm>>, %arg6: memref<32768xi32, #tpu.memory_space<hbm>>, %arg7: memref<16384xi32, #tpu.memory_space<vmem>>, %arg8: memref<16400xi32, #tpu.memory_space<vmem>>, %arg9: memref<16640xi32, #tpu.memory_space<vmem>>, %arg10: memref<16xi32, #tpu.memory_space<vmem>>, %arg11: memref<16xi32, #tpu.memory_space<vmem>>, %arg12: memref<2x8x4096xf32, #tpu.memory_space<vmem>>, %arg13: memref<16xi32, #tpu.memory_space<vmem>>, %arg14: memref<8xi32, #tpu.memory_space<smem>>, %arg15: memref<64xf32, #tpu.memory_space<vmem>>, %arg16: memref<64xf32, #tpu.memory_space<vmem>>, %arg17: memref<64xf32, #tpu.memory_space<vmem>>, %arg18: memref<64xf32, #tpu.memory_space<vmem>>, %arg19: memref<64xf32, #tpu.memory_space<vmem>>, %arg20: memref<64xf32, #tpu.memory_space<vmem>>, %arg21: memref<64xf32, #tpu.memory_space<vmem>>, %arg22: memref<64xf32, #tpu.memory_space<vmem>>, %arg23: memref<64xf32, #tpu.memory_space<vmem>>, %arg24: memref<64xf32, #tpu.memory_space<vmem>>, %arg25: memref<64xf32, #tpu.memory_space<vmem>>, %arg26: memref<64xf32, #tpu.memory_space<vmem>>, %arg27: memref<64xf32, #tpu.memory_space<vmem>>, %arg28: memref<64xf32, #tpu.memory_space<vmem>>, %arg29: memref<64xf32, #tpu.memory_space<vmem>>, %arg30: memref<64xf32, #tpu.memory_space<vmem>>, %arg31: memref<64xi32, #tpu.memory_space<vmem>>, %arg32: memref<64xi32, #tpu.memory_space<vmem>>, %arg33: memref<!tpu.dma_semaphore, #tpu.memory_space<semaphore_mem>>, %arg34: memref<!tpu.dma_semaphore, #tpu.memory_space<semaphore_mem>>) attributes {dimension_semantics = [#tpu.dimension_semantics<core_parallel>, #tpu.dimension_semantics<subcore_parallel>], iteration_bounds = array<i64: 2, 16>, scalar_prefetch = 0 : i64, scratch_operands = 28 : i64, tpu.core_type = #tpu.core_type<sc_vector_subcore>, window_params = [{transform_indices = #map}, {transform_indices = #map1}, {transform_indices = #map1}, {transform_indices = #map}, {transform_indices = #map}]} {
    %iota3A = tpu.iota {dimensions = array<i32: 0>} : vector<16xi32>
    "tpu.region"() ({
      %run_scoped3A = tpu.sem_alloc : memref<!tpu.dma_semaphore, #tpu.memory_space<semaphore_mem>>
      tpu.enqueue_dma source(%arg2 : memref<16384xi32, #tpu.memory_space<hbm>>) target(%arg7 : memref<16384xi32, #tpu.memory_space<vmem>>) target_semaphore(%run_scoped3A : memref<!tpu.dma_semaphore, #tpu.memory_space<semaphore_mem>>)
      tpu.wait_dma2 semaphore(%run_scoped3A : memref<!tpu.dma_semaphore, #tpu.memory_space<semaphore_mem>>) src(%arg2 : memref<16384xi32, #tpu.memory_space<hbm>>) dst(%arg7 : memref<16384xi32, #tpu.memory_space<vmem>>)
      tpu.yield
    }) : () -> ()
    %scan3A = arith.constant 0 : i32
    %scan3A_0 = arith.constant 0 : i32
    %scan3A_1 = arith.constant 1025 : i32
    %scan3A_2 = arith.addi %scan3A_0, %scan3A_1 : i32
    %scan3A_3 = arith.constant 1 : i32
    scf.for %scan3A_808 = %scan3A_0 to %scan3A_2 step %scan3A_3  : i32 {
      %broadcast_in_dim3A_809 = arith.constant 1073741824 : i32
      %broadcast_in_dim3A_810 = vector.broadcast %broadcast_in_dim3A_809 : i32 to vector<16xi32>
      %mul3A_811 = arith.constant 16 : i32
      %mul3A_812 = arith.muli %scan3A_808, %mul3A_811 : i32
      %swap3A_813 = arith.index_cast %mul3A_812 : i32 to index
      %swap3A_814 = tpu.vector_load %arg8[%swap3A_813] {strides = array<i32>} : memref<16400xi32, #tpu.memory_space<vmem>>, vector<16xi32>,
      tpu.vector_store %arg8[%swap3A_813], %broadcast_in_dim3A_810 {strides = array<i32>} : memref<16400xi32, #tpu.memory_space<vmem>>, vector<16xi32>,
    }
    %scan3A_4 = arith.constant 1025 : i32
    %scan3A_5 = arith.constant 0 : i32
    %scan3A_6 = arith.constant 0 : i32
    %scan3A_7 = arith.constant 1024 : i32
    %scan3A_8 = arith.addi %scan3A_6, %scan3A_7 : i32
    %scan3A_9 = arith.constant 1 : i32
    %scan3A_10 = scf.for %scan3A_808 = %scan3A_6 to %scan3A_8 step %scan3A_9 iter_args(%scan3A_809 = %scan3A_5) -> (i32)  : i32 {
      %mul3A_810 = arith.constant 16 : i32
      %mul3A_811 = arith.muli %scan3A_808, %mul3A_810 : i32
      %get3A_812 = arith.index_cast %mul3A_811 : i32 to index
      %get3A_813 = tpu.vector_load %arg7[%get3A_812] {strides = array<i32>} : memref<16384xi32, #tpu.memory_space<vmem>>, vector<16xi32>,
      %ge3A = arith.constant 999936 : i32
      %ge3A_814 = vector.broadcast %ge3A : i32 to vector<16xi32>
      %ge3A_815 = arith.cmpi sge, %get3A_813, %ge3A_814 : vector<16xi32>
      %eq3A_816 = arith.constant 15 : i32
      %eq3A_817 = arith.cmpi eq, %arg1, %eq3A_816 : i32
      %shift_right_logical3A_818 = arith.constant 16 : i32
      %shift_right_logical3A_819 = vector.broadcast %shift_right_logical3A_818 : i32 to vector<16xi32>
      %shift_right_logical3A_820 = arith.shrui %get3A_813, %shift_right_logical3A_819 : vector<16xi32>
      %eq3A_821 = vector.broadcast %arg1 : i32 to vector<16xi32>
      %eq3A_822 = arith.cmpi eq, %shift_right_logical3A_820, %eq3A_821 : vector<16xi32>
      %broadcast_in_dim3A_823 = vector.broadcast %eq3A_817 : i1 to vector<16xi1>
      %select_n3A_824 = arith.select %ge3A_815, %broadcast_in_dim3A_823, %eq3A_822 : vector<16xi1>, vector<16xi1>
      %shift_right_logical3A_825 = arith.constant 12 : i32
      %shift_right_logical3A_826 = vector.broadcast %shift_right_logical3A_825 : i32 to vector<16xi32>
      %shift_right_logical3A_827 = arith.shrui %get3A_813, %shift_right_logical3A_826 : vector<16xi32>
      %and3A_828 = arith.constant 15 : i32
      %and3A_829 = vector.broadcast %and3A_828 : i32 to vector<16xi32>
      %and3A_830 = arith.andi %shift_right_logical3A_827, %and3A_829 : vector<16xi32>
      %jit3A_831 = arith.constant 15 : i32
      %broadcast_in_dim3A_832 = vector.broadcast %jit3A_831 : i32 to vector<16xi32>
      %select_n3A_833 = arith.select %ge3A_815, %broadcast_in_dim3A_832, %and3A_830 : vector<16xi1>, vector<16xi32>
      %sub3A_834 = arith.constant 999936 : i32
      %sub3A_835 = vector.broadcast %sub3A_834 : i32 to vector<16xi32>
      %sub3A_836 = arith.subi %get3A_813, %sub3A_835 : vector<16xi32>
      %and3A_837 = arith.constant 4095 : i32
      %and3A_838 = vector.broadcast %and3A_837 : i32 to vector<16xi32>
      %and3A_839 = arith.andi %get3A_813, %and3A_838 : vector<16xi32>
      %select_n3A_840 = arith.select %ge3A_815, %sub3A_836, %and3A_839 : vector<16xi1>, vector<16xi32>
      %mul3A_841 = arith.constant 16 : i32
      %mul3A_842 = arith.muli %scan3A_808, %mul3A_841 : i32
      %add3A_843 = vector.broadcast %mul3A_842 : i32 to vector<16xi32>
      %add3A_844 = arith.addi %iota3A, %add3A_843 : vector<16xi32>
      %shift_left3A_845 = arith.constant 16 : i32
      %shift_left3A_846 = vector.broadcast %shift_left3A_845 : i32 to vector<16xi32>
      %shift_left3A_847 = arith.shli %add3A_844, %shift_left3A_846 : vector<16xi32>
      %or3A = arith.ori %shift_left3A_847, %select_n3A_840 : vector<16xi32>
      %shift_left3A_848 = arith.constant 12 : i32
      %shift_left3A_849 = vector.broadcast %shift_left3A_848 : i32 to vector<16xi32>
      %shift_left3A_850 = arith.shli %select_n3A_833, %shift_left3A_849 : vector<16xi32>
      %or3A_851 = arith.ori %or3A, %shift_left3A_850 : vector<16xi32>
      %swap3A_852 = arith.index_cast %scan3A_809 : i32 to index
      %swap3A_853 = tpu.vector_load %arg8[%swap3A_852] masked %select_n3A_824 {strides = array<i32>} : memref<16400xi32, #tpu.memory_space<vmem>>, vector<16xi32>, vector<16xi1>
      tpu.vector_store %arg8[%swap3A_852], %or3A_851 masked %select_n3A_824 {strides = array<i32>} : memref<16400xi32, #tpu.memory_space<vmem>>, vector<16xi32>, vector<16xi1>
      %all_reduce_population_count3A = tpu.all_reduce %select_n3A_824 {dim = 0 : i64, kind = #tpu.reduction_kind<sum>} : vector<16xi1> -> vector<16xi32>
      %slice3A_854 = vector.extract_strided_slice %all_reduce_population_count3A {offsets = [0], sizes = [1], strides = [1]} : vector<16xi32> to vector<1xi32>
      %squeeze3A_855 = vector.extract %slice3A_854[0] : i32 from vector<1xi32>
      %add3A_856 = arith.addi %scan3A_809, %squeeze3A_855 : i32
      scf.yield %add3A_856 : i32
    }
    %scan3A_11 = arith.constant 1024 : i32
    %add3A = arith.constant 15 : i32
    %add3A_12 = arith.addi %scan3A_10, %add3A : i32
    %shift_right_logical3A = arith.constant 4 : i32
    %shift_right_logical3A_13 = arith.shrui %add3A_12, %shift_right_logical3A : i32
    %broadcast_in_dim3A = arith.constant 0 : i32
    %broadcast_in_dim3A_14 = vector.broadcast %broadcast_in_dim3A : i32 to vector<16xi32>
    %broadcast_in_dim3A_15 = arith.constant 0 : i32
    %broadcast_in_dim3A_16 = vector.broadcast %broadcast_in_dim3A_15 : i32 to vector<16xi32>
    %while3A = arith.constant 0 : i32
    %while3A_17 = arith.constant 0 : i32
    %while3A_18 = arith.subi %shift_right_logical3A_13, %while3A : i32
    %while3A_19 = arith.addi %while3A, %while3A_18 : i32
    %while3A_20 = arith.constant 1 : i32
    %while3A_21 = arith.divsi %while3A_18, %while3A_20 : i32
    %while3A_22 = arith.muli %while3A_21, %while3A_20 : i32
    %while3A_23 = arith.addi %while3A, %while3A_22 : i32
    %while3A_24 = arith.constant 1 : i32
    %while3A_25 = scf.for %while3A_808 = %while3A to %while3A_23 step %while3A_24 iter_args(%while3A_809 = %while3A_17) -> (i32)  : i32 {
      %mul3A_810 = arith.constant 16 : i32
      %mul3A_811 = arith.muli %while3A_808, %mul3A_810 : i32
      %get3A_812 = arith.index_cast %mul3A_811 : i32 to index
      %get3A_813 = tpu.vector_load %arg8[%get3A_812] {strides = array<i32>} : memref<16400xi32, #tpu.memory_space<vmem>>, vector<16xi32>,
      %shift_right_logical3A_814 = arith.constant 12 : i32
      %shift_right_logical3A_815 = vector.broadcast %shift_right_logical3A_814 : i32 to vector<16xi32>
      %shift_right_logical3A_816 = arith.shrui %get3A_813, %shift_right_logical3A_815 : vector<16xi32>
      %and3A_817 = arith.constant 15 : i32
      %and3A_818 = vector.broadcast %and3A_817 : i32 to vector<16xi32>
      %and3A_819 = arith.andi %shift_right_logical3A_816, %and3A_818 : vector<16xi32>
      %eq3A_820 = arith.constant 0 : i32
      %eq3A_821 = vector.broadcast %eq3A_820 : i32 to vector<16xi32>
      %eq3A_822 = arith.cmpi eq, %and3A_819, %eq3A_821 : vector<16xi32>
      %swap3A_823 = arith.index_cast %while3A_809 : i32 to index
      %swap3A_824 = tpu.vector_load %arg9[%swap3A_823] masked %eq3A_822 {strides = array<i32>} : memref<16640xi32, #tpu.memory_space<vmem>>, vector<16xi32>, vector<16xi1>
      tpu.vector_store %arg9[%swap3A_823], %get3A_813 masked %eq3A_822 {strides = array<i32>} : memref<16640xi32, #tpu.memory_space<vmem>>, vector<16xi32>, vector<16xi1>
      %all_reduce_population_count3A = tpu.all_reduce %eq3A_822 {dim = 0 : i64, kind = #tpu.reduction_kind<sum>} : vector<16xi1> -> vector<16xi32>
      %slice3A_825 = vector.extract_strided_slice %all_reduce_population_count3A {offsets = [0], sizes = [1], strides = [1]} : vector<16xi32> to vector<1xi32>
      %squeeze3A_826 = vector.extract %slice3A_825[0] : i32 from vector<1xi32>
      %add3A_827 = arith.addi %while3A_809, %squeeze3A_826 : i32
      scf.yield %add3A_827 : i32
    }
    %while3A_26 = arith.constant 1 : i32
    %while3A_27 = scf.for %while3A_808 = %while3A_23 to %while3A_19 step %while3A_26 iter_args(%while3A_809 = %while3A_25) -> (i32)  : i32 {
      %mul3A_810 = arith.constant 16 : i32
      %mul3A_811 = arith.muli %while3A_808, %mul3A_810 : i32
      %get3A_812 = arith.index_cast %mul3A_811 : i32 to index
      %get3A_813 = tpu.vector_load %arg8[%get3A_812] {strides = array<i32>} : memref<16400xi32, #tpu.memory_space<vmem>>, vector<16xi32>,
      %shift_right_logical3A_814 = arith.constant 12 : i32
      %shift_right_logical3A_815 = vector.broadcast %shift_right_logical3A_814 : i32 to vector<16xi32>
      %shift_right_logical3A_816 = arith.shrui %get3A_813, %shift_right_logical3A_815 : vector<16xi32>
      %and3A_817 = arith.constant 15 : i32
      %and3A_818 = vector.broadcast %and3A_817 : i32 to vector<16xi32>
      %and3A_819 = arith.andi %shift_right_logical3A_816, %and3A_818 : vector<16xi32>
      %eq3A_820 = arith.constant 0 : i32
      %eq3A_821 = vector.broadcast %eq3A_820 : i32 to vector<16xi32>
      %eq3A_822 = arith.cmpi eq, %and3A_819, %eq3A_821 : vector<16xi32>
      %swap3A_823 = arith.index_cast %while3A_809 : i32 to index
      %swap3A_824 = tpu.vector_load %arg9[%swap3A_823] masked %eq3A_822 {strides = array<i32>} : memref<16640xi32, #tpu.memory_space<vmem>>, vector<16xi32>, vector<16xi1>
      tpu.vector_store %arg9[%swap3A_823], %get3A_813 masked %eq3A_822 {strides = array<i32>} : memref<16640xi32, #tpu.memory_space<vmem>>, vector<16xi32>, vector<16xi1>
      %all_reduce_population_count3A = tpu.all_reduce %eq3A_822 {dim = 0 : i64, kind = #tpu.reduction_kind<sum>} : vector<16xi1> -> vector<16xi32>
      %slice3A_825 = vector.extract_strided_slice %all_reduce_population_count3A {offsets = [0], sizes = [1], strides = [1]} : vector<16xi32> to vector<1xi32>
      %squeeze3A_826 = vector.extract %slice3A_825[0] : i32 from vector<1xi32>
      %add3A_827 = arith.addi %while3A_809, %squeeze3A_826 : i32
      scf.yield %add3A_827 : i32
    }
    %eq3A = arith.constant 0 : i32
    %eq3A_28 = vector.broadcast %eq3A : i32 to vector<16xi32>
    %eq3A_29 = arith.cmpi eq, %iota3A, %eq3A_28 : vector<16xi32>
    %jit3A = arith.constant 0 : i32
    %broadcast_in_dim3A_30 = vector.broadcast %jit3A : i32 to vector<16xi32>
    %select_n3A = arith.select %eq3A_29, %broadcast_in_dim3A_30, %broadcast_in_dim3A_14 : vector<16xi1>, vector<16xi32>
    %eq3A_31 = arith.constant 0 : i32
    %eq3A_32 = vector.broadcast %eq3A_31 : i32 to vector<16xi32>
    %eq3A_33 = arith.cmpi eq, %iota3A, %eq3A_32 : vector<16xi32>
    %sub3A = arith.constant 0 : i32
    %sub3A_34 = arith.subi %while3A_27, %sub3A : i32
    %broadcast_in_dim3A_35 = vector.broadcast %sub3A_34 : i32 to vector<16xi32>
    %select_n3A_36 = arith.select %eq3A_33, %broadcast_in_dim3A_35, %broadcast_in_dim3A_16 : vector<16xi1>, vector<16xi32>
    %while3A_37 = arith.constant 0 : i32
    %while3A_38 = arith.subi %shift_right_logical3A_13, %while3A_37 : i32
    %while3A_39 = arith.addi %while3A_37, %while3A_38 : i32
    %while3A_40 = arith.constant 1 : i32
    %while3A_41 = arith.divsi %while3A_38, %while3A_40 : i32
    %while3A_42 = arith.muli %while3A_41, %while3A_40 : i32
    %while3A_43 = arith.addi %while3A_37, %while3A_42 : i32
    %while3A_44 = arith.constant 1 : i32
    %while3A_45 = scf.for %while3A_808 = %while3A_37 to %while3A_43 step %while3A_44 iter_args(%while3A_809 = %while3A_27) -> (i32)  : i32 {
      %mul3A_810 = arith.constant 16 : i32
      %mul3A_811 = arith.muli %while3A_808, %mul3A_810 : i32
      %get3A_812 = arith.index_cast %mul3A_811 : i32 to index
      %get3A_813 = tpu.vector_load %arg8[%get3A_812] {strides = array<i32>} : memref<16400xi32, #tpu.memory_space<vmem>>, vector<16xi32>,
      %shift_right_logical3A_814 = arith.constant 12 : i32
      %shift_right_logical3A_815 = vector.broadcast %shift_right_logical3A_814 : i32 to vector<16xi32>
      %shift_right_logical3A_816 = arith.shrui %get3A_813, %shift_right_logical3A_815 : vector<16xi32>
      %and3A_817 = arith.constant 15 : i32
      %and3A_818 = vector.broadcast %and3A_817 : i32 to vector<16xi32>
      %and3A_819 = arith.andi %shift_right_logical3A_816, %and3A_818 : vector<16xi32>
      %eq3A_820 = arith.constant 1 : i32
      %eq3A_821 = vector.broadcast %eq3A_820 : i32 to vector<16xi32>
      %eq3A_822 = arith.cmpi eq, %and3A_819, %eq3A_821 : vector<16xi32>
      %swap3A_823 = arith.index_cast %while3A_809 : i32 to index
      %swap3A_824 = tpu.vector_load %arg9[%swap3A_823] masked %eq3A_822 {strides = array<i32>} : memref<16640xi32, #tpu.memory_space<vmem>>, vector<16xi32>, vector<16xi1>
      tpu.vector_store %arg9[%swap3A_823], %get3A_813 masked %eq3A_822 {strides = array<i32>} : memref<16640xi32, #tpu.memory_space<vmem>>, vector<16xi32>, vector<16xi1>
      %all_reduce_population_count3A = tpu.all_reduce %eq3A_822 {dim = 0 : i64, kind = #tpu.reduction_kind<sum>} : vector<16xi1> -> vector<16xi32>
      %slice3A_825 = vector.extract_strided_slice %all_reduce_population_count3A {offsets = [0], sizes = [1], strides = [1]} : vector<16xi32> to vector<1xi32>
      %squeeze3A_826 = vector.extract %slice3A_825[0] : i32 from vector<1xi32>
      %add3A_827 = arith.addi %while3A_809, %squeeze3A_826 : i32
      scf.yield %add3A_827 : i32
    }
    %while3A_46 = arith.constant 1 : i32
    %while3A_47 = scf.for %while3A_808 = %while3A_43 to %while3A_39 step %while3A_46 iter_args(%while3A_809 = %while3A_45) -> (i32)  : i32 {
      %mul3A_810 = arith.constant 16 : i32
      %mul3A_811 = arith.muli %while3A_808, %mul3A_810 : i32
      %get3A_812 = arith.index_cast %mul3A_811 : i32 to index
      %get3A_813 = tpu.vector_load %arg8[%get3A_812] {strides = array<i32>} : memref<16400xi32, #tpu.memory_space<vmem>>, vector<16xi32>,
      %shift_right_logical3A_814 = arith.constant 12 : i32
      %shift_right_logical3A_815 = vector.broadcast %shift_right_logical3A_814 : i32 to vector<16xi32>
      %shift_right_logical3A_816 = arith.shrui %get3A_813, %shift_right_logical3A_815 : vector<16xi32>
      %and3A_817 = arith.constant 15 : i32
      %and3A_818 = vector.broadcast %and3A_817 : i32 to vector<16xi32>
      %and3A_819 = arith.andi %shift_right_logical3A_816, %and3A_818 : vector<16xi32>
      %eq3A_820 = arith.constant 1 : i32
      %eq3A_821 = vector.broadcast %eq3A_820 : i32 to vector<16xi32>
      %eq3A_822 = arith.cmpi eq, %and3A_819, %eq3A_821 : vector<16xi32>
      %swap3A_823 = arith.index_cast %while3A_809 : i32 to index
      %swap3A_824 = tpu.vector_load %arg9[%swap3A_823] masked %eq3A_822 {strides = array<i32>} : memref<16640xi32, #tpu.memory_space<vmem>>, vector<16xi32>, vector<16xi1>
      tpu.vector_store %arg9[%swap3A_823], %get3A_813 masked %eq3A_822 {strides = array<i32>} : memref<16640xi32, #tpu.memory_space<vmem>>, vector<16xi32>, vector<16xi1>
      %all_reduce_population_count3A = tpu.all_reduce %eq3A_822 {dim = 0 : i64, kind = #tpu.reduction_kind<sum>} : vector<16xi1> -> vector<16xi32>
      %slice3A_825 = vector.extract_strided_slice %all_reduce_population_count3A {offsets = [0], sizes = [1], strides = [1]} : vector<16xi32> to vector<1xi32>
      %squeeze3A_826 = vector.extract %slice3A_825[0] : i32 from vector<1xi32>
      %add3A_827 = arith.addi %while3A_809, %squeeze3A_826 : i32
      scf.yield %add3A_827 : i32
    }
    %eq3A_48 = arith.constant 1 : i32
    %eq3A_49 = vector.broadcast %eq3A_48 : i32 to vector<16xi32>
    %eq3A_50 = arith.cmpi eq, %iota3A, %eq3A_49 : vector<16xi32>
    %broadcast_in_dim3A_51 = vector.broadcast %while3A_27 : i32 to vector<16xi32>
    %select_n3A_52 = arith.select %eq3A_50, %broadcast_in_dim3A_51, %select_n3A : vector<16xi1>, vector<16xi32>
    %eq3A_53 = arith.constant 1 : i32
    %eq3A_54 = vector.broadcast %eq3A_53 : i32 to vector<16xi32>
    %eq3A_55 = arith.cmpi eq, %iota3A, %eq3A_54 : vector<16xi32>
    %sub3A_56 = arith.subi %while3A_47, %while3A_27 : i32
    %broadcast_in_dim3A_57 = vector.broadcast %sub3A_56 : i32 to vector<16xi32>
    %select_n3A_58 = arith.select %eq3A_55, %broadcast_in_dim3A_57, %select_n3A_36 : vector<16xi1>, vector<16xi32>
    %while3A_59 = arith.constant 0 : i32
    %while3A_60 = arith.subi %shift_right_logical3A_13, %while3A_59 : i32
    %while3A_61 = arith.addi %while3A_59, %while3A_60 : i32
    %while3A_62 = arith.constant 1 : i32
    %while3A_63 = arith.divsi %while3A_60, %while3A_62 : i32
    %while3A_64 = arith.muli %while3A_63, %while3A_62 : i32
    %while3A_65 = arith.addi %while3A_59, %while3A_64 : i32
    %while3A_66 = arith.constant 1 : i32
    %while3A_67 = scf.for %while3A_808 = %while3A_59 to %while3A_65 step %while3A_66 iter_args(%while3A_809 = %while3A_47) -> (i32)  : i32 {
      %mul3A_810 = arith.constant 16 : i32
      %mul3A_811 = arith.muli %while3A_808, %mul3A_810 : i32
      %get3A_812 = arith.index_cast %mul3A_811 : i32 to index
      %get3A_813 = tpu.vector_load %arg8[%get3A_812] {strides = array<i32>} : memref<16400xi32, #tpu.memory_space<vmem>>, vector<16xi32>,
      %shift_right_logical3A_814 = arith.constant 12 : i32
      %shift_right_logical3A_815 = vector.broadcast %shift_right_logical3A_814 : i32 to vector<16xi32>
      %shift_right_logical3A_816 = arith.shrui %get3A_813, %shift_right_logical3A_815 : vector<16xi32>
      %and3A_817 = arith.constant 15 : i32
      %and3A_818 = vector.broadcast %and3A_817 : i32 to vector<16xi32>
      %and3A_819 = arith.andi %shift_right_logical3A_816, %and3A_818 : vector<16xi32>
      %eq3A_820 = arith.constant 2 : i32
      %eq3A_821 = vector.broadcast %eq3A_820 : i32 to vector<16xi32>
      %eq3A_822 = arith.cmpi eq, %and3A_819, %eq3A_821 : vector<16xi32>
      %swap3A_823 = arith.index_cast %while3A_809 : i32 to index
      %swap3A_824 = tpu.vector_load %arg9[%swap3A_823] masked %eq3A_822 {strides = array<i32>} : memref<16640xi32, #tpu.memory_space<vmem>>, vector<16xi32>, vector<16xi1>
      tpu.vector_store %arg9[%swap3A_823], %get3A_813 masked %eq3A_822 {strides = array<i32>} : memref<16640xi32, #tpu.memory_space<vmem>>, vector<16xi32>, vector<16xi1>
      %all_reduce_population_count3A = tpu.all_reduce %eq3A_822 {dim = 0 : i64, kind = #tpu.reduction_kind<sum>} : vector<16xi1> -> vector<16xi32>
      %slice3A_825 = vector.extract_strided_slice %all_reduce_population_count3A {offsets = [0], sizes = [1], strides = [1]} : vector<16xi32> to vector<1xi32>
      %squeeze3A_826 = vector.extract %slice3A_825[0] : i32 from vector<1xi32>
      %add3A_827 = arith.addi %while3A_809, %squeeze3A_826 : i32
      scf.yield %add3A_827 : i32
    }
    %while3A_68 = arith.constant 1 : i32
    %while3A_69 = scf.for %while3A_808 = %while3A_65 to %while3A_61 step %while3A_68 iter_args(%while3A_809 = %while3A_67) -> (i32)  : i32 {
      %mul3A_810 = arith.constant 16 : i32
      %mul3A_811 = arith.muli %while3A_808, %mul3A_810 : i32
      %get3A_812 = arith.index_cast %mul3A_811 : i32 to index
      %get3A_813 = tpu.vector_load %arg8[%get3A_812] {strides = array<i32>} : memref<16400xi32, #tpu.memory_space<vmem>>, vector<16xi32>,
      %shift_right_logical3A_814 = arith.constant 12 : i32
      %shift_right_logical3A_815 = vector.broadcast %shift_right_logical3A_814 : i32 to vector<16xi32>
      %shift_right_logical3A_816 = arith.shrui %get3A_813, %shift_right_logical3A_815 : vector<16xi32>
      %and3A_817 = arith.constant 15 : i32
      %and3A_818 = vector.broadcast %and3A_817 : i32 to vector<16xi32>
      %and3A_819 = arith.andi %shift_right_logical3A_816, %and3A_818 : vector<16xi32>
      %eq3A_820 = arith.constant 2 : i32
      %eq3A_821 = vector.broadcast %eq3A_820 : i32 to vector<16xi32>
      %eq3A_822 = arith.cmpi eq, %and3A_819, %eq3A_821 : vector<16xi32>
      %swap3A_823 = arith.index_cast %while3A_809 : i32 to index
      %swap3A_824 = tpu.vector_load %arg9[%swap3A_823] masked %eq3A_822 {strides = array<i32>} : memref<16640xi32, #tpu.memory_space<vmem>>, vector<16xi32>, vector<16xi1>
      tpu.vector_store %arg9[%swap3A_823], %get3A_813 masked %eq3A_822 {strides = array<i32>} : memref<16640xi32, #tpu.memory_space<vmem>>, vector<16xi32>, vector<16xi1>
      %all_reduce_population_count3A = tpu.all_reduce %eq3A_822 {dim = 0 : i64, kind = #tpu.reduction_kind<sum>} : vector<16xi1> -> vector<16xi32>
      %slice3A_825 = vector.extract_strided_slice %all_reduce_population_count3A {offsets = [0], sizes = [1], strides = [1]} : vector<16xi32> to vector<1xi32>
      %squeeze3A_826 = vector.extract %slice3A_825[0] : i32 from vector<1xi32>
      %add3A_827 = arith.addi %while3A_809, %squeeze3A_826 : i32
      scf.yield %add3A_827 : i32
    }
    %eq3A_70 = arith.constant 2 : i32
    %eq3A_71 = vector.broadcast %eq3A_70 : i32 to vector<16xi32>
    %eq3A_72 = arith.cmpi eq, %iota3A, %eq3A_71 : vector<16xi32>
    %broadcast_in_dim3A_73 = vector.broadcast %while3A_47 : i32 to vector<16xi32>
    %select_n3A_74 = arith.select %eq3A_72, %broadcast_in_dim3A_73, %select_n3A_52 : vector<16xi1>, vector<16xi32>
    %eq3A_75 = arith.constant 2 : i32
    %eq3A_76 = vector.broadcast %eq3A_75 : i32 to vector<16xi32>
    %eq3A_77 = arith.cmpi eq, %iota3A, %eq3A_76 : vector<16xi32>
    %sub3A_78 = arith.subi %while3A_69, %while3A_47 : i32
    %broadcast_in_dim3A_79 = vector.broadcast %sub3A_78 : i32 to vector<16xi32>
    %select_n3A_80 = arith.select %eq3A_77, %broadcast_in_dim3A_79, %select_n3A_58 : vector<16xi1>, vector<16xi32>
    %while3A_81 = arith.constant 0 : i32
    %while3A_82 = arith.subi %shift_right_logical3A_13, %while3A_81 : i32
    %while3A_83 = arith.addi %while3A_81, %while3A_82 : i32
    %while3A_84 = arith.constant 1 : i32
    %while3A_85 = arith.divsi %while3A_82, %while3A_84 : i32
    %while3A_86 = arith.muli %while3A_85, %while3A_84 : i32
    %while3A_87 = arith.addi %while3A_81, %while3A_86 : i32
    %while3A_88 = arith.constant 1 : i32
    %while3A_89 = scf.for %while3A_808 = %while3A_81 to %while3A_87 step %while3A_88 iter_args(%while3A_809 = %while3A_69) -> (i32)  : i32 {
      %mul3A_810 = arith.constant 16 : i32
      %mul3A_811 = arith.muli %while3A_808, %mul3A_810 : i32
      %get3A_812 = arith.index_cast %mul3A_811 : i32 to index
      %get3A_813 = tpu.vector_load %arg8[%get3A_812] {strides = array<i32>} : memref<16400xi32, #tpu.memory_space<vmem>>, vector<16xi32>,
      %shift_right_logical3A_814 = arith.constant 12 : i32
      %shift_right_logical3A_815 = vector.broadcast %shift_right_logical3A_814 : i32 to vector<16xi32>
      %shift_right_logical3A_816 = arith.shrui %get3A_813, %shift_right_logical3A_815 : vector<16xi32>
      %and3A_817 = arith.constant 15 : i32
      %and3A_818 = vector.broadcast %and3A_817 : i32 to vector<16xi32>
      %and3A_819 = arith.andi %shift_right_logical3A_816, %and3A_818 : vector<16xi32>
      %eq3A_820 = arith.constant 3 : i32
      %eq3A_821 = vector.broadcast %eq3A_820 : i32 to vector<16xi32>
      %eq3A_822 = arith.cmpi eq, %and3A_819, %eq3A_821 : vector<16xi32>
      %swap3A_823 = arith.index_cast %while3A_809 : i32 to index
      %swap3A_824 = tpu.vector_load %arg9[%swap3A_823] masked %eq3A_822 {strides = array<i32>} : memref<16640xi32, #tpu.memory_space<vmem>>, vector<16xi32>, vector<16xi1>
      tpu.vector_store %arg9[%swap3A_823], %get3A_813 masked %eq3A_822 {strides = array<i32>} : memref<16640xi32, #tpu.memory_space<vmem>>, vector<16xi32>, vector<16xi1>
      %all_reduce_population_count3A = tpu.all_reduce %eq3A_822 {dim = 0 : i64, kind = #tpu.reduction_kind<sum>} : vector<16xi1> -> vector<16xi32>
      %slice3A_825 = vector.extract_strided_slice %all_reduce_population_count3A {offsets = [0], sizes = [1], strides = [1]} : vector<16xi32> to vector<1xi32>
      %squeeze3A_826 = vector.extract %slice3A_825[0] : i32 from vector<1xi32>
      %add3A_827 = arith.addi %while3A_809, %squeeze3A_826 : i32
      scf.yield %add3A_827 : i32
    }
    %while3A_90 = arith.constant 1 : i32
    %while3A_91 = scf.for %while3A_808 = %while3A_87 to %while3A_83 step %while3A_90 iter_args(%while3A_809 = %while3A_89) -> (i32)  : i32 {
      %mul3A_810 = arith.constant 16 : i32
      %mul3A_811 = arith.muli %while3A_808, %mul3A_810 : i32
      %get3A_812 = arith.index_cast %mul3A_811 : i32 to index
      %get3A_813 = tpu.vector_load %arg8[%get3A_812] {strides = array<i32>} : memref<16400xi32, #tpu.memory_space<vmem>>, vector<16xi32>,
      %shift_right_logical3A_814 = arith.constant 12 : i32
      %shift_right_logical3A_815 = vector.broadcast %shift_right_logical3A_814 : i32 to vector<16xi32>
      %shift_right_logical3A_816 = arith.shrui %get3A_813, %shift_right_logical3A_815 : vector<16xi32>
      %and3A_817 = arith.constant 15 : i32
      %and3A_818 = vector.broadcast %and3A_817 : i32 to vector<16xi32>
      %and3A_819 = arith.andi %shift_right_logical3A_816, %and3A_818 : vector<16xi32>
      %eq3A_820 = arith.constant 3 : i32
      %eq3A_821 = vector.broadcast %eq3A_820 : i32 to vector<16xi32>
      %eq3A_822 = arith.cmpi eq, %and3A_819, %eq3A_821 : vector<16xi32>
      %swap3A_823 = arith.index_cast %while3A_809 : i32 to index
      %swap3A_824 = tpu.vector_load %arg9[%swap3A_823] masked %eq3A_822 {strides = array<i32>} : memref<16640xi32, #tpu.memory_space<vmem>>, vector<16xi32>, vector<16xi1>
      tpu.vector_store %arg9[%swap3A_823], %get3A_813 masked %eq3A_822 {strides = array<i32>} : memref<16640xi32, #tpu.memory_space<vmem>>, vector<16xi32>, vector<16xi1>
      %all_reduce_population_count3A = tpu.all_reduce %eq3A_822 {dim = 0 : i64, kind = #tpu.reduction_kind<sum>} : vector<16xi1> -> vector<16xi32>
      %slice3A_825 = vector.extract_strided_slice %all_reduce_population_count3A {offsets = [0], sizes = [1], strides = [1]} : vector<16xi32> to vector<1xi32>
      %squeeze3A_826 = vector.extract %slice3A_825[0] : i32 from vector<1xi32>
      %add3A_827 = arith.addi %while3A_809, %squeeze3A_826 : i32
      scf.yield %add3A_827 : i32
    }
    %eq3A_92 = arith.constant 3 : i32
    %eq3A_93 = vector.broadcast %eq3A_92 : i32 to vector<16xi32>
    %eq3A_94 = arith.cmpi eq, %iota3A, %eq3A_93 : vector<16xi32>
    %broadcast_in_dim3A_95 = vector.broadcast %while3A_69 : i32 to vector<16xi32>
    %select_n3A_96 = arith.select %eq3A_94, %broadcast_in_dim3A_95, %select_n3A_74 : vector<16xi1>, vector<16xi32>
    %eq3A_97 = arith.constant 3 : i32
    %eq3A_98 = vector.broadcast %eq3A_97 : i32 to vector<16xi32>
    %eq3A_99 = arith.cmpi eq, %iota3A, %eq3A_98 : vector<16xi32>
    %sub3A_100 = arith.subi %while3A_91, %while3A_69 : i32
    %broadcast_in_dim3A_101 = vector.broadcast %sub3A_100 : i32 to vector<16xi32>
    %select_n3A_102 = arith.select %eq3A_99, %broadcast_in_dim3A_101, %select_n3A_80 : vector<16xi1>, vector<16xi32>
    %while3A_103 = arith.constant 0 : i32
    %while3A_104 = arith.subi %shift_right_logical3A_13, %while3A_103 : i32
    %while3A_105 = arith.addi %while3A_103, %while3A_104 : i32
    %while3A_106 = arith.constant 1 : i32
    %while3A_107 = arith.divsi %while3A_104, %while3A_106 : i32
    %while3A_108 = arith.muli %while3A_107, %while3A_106 : i32
    %while3A_109 = arith.addi %while3A_103, %while3A_108 : i32
    %while3A_110 = arith.constant 1 : i32
    %while3A_111 = scf.for %while3A_808 = %while3A_103 to %while3A_109 step %while3A_110 iter_args(%while3A_809 = %while3A_91) -> (i32)  : i32 {
      %mul3A_810 = arith.constant 16 : i32
      %mul3A_811 = arith.muli %while3A_808, %mul3A_810 : i32
      %get3A_812 = arith.index_cast %mul3A_811 : i32 to index
      %get3A_813 = tpu.vector_load %arg8[%get3A_812] {strides = array<i32>} : memref<16400xi32, #tpu.memory_space<vmem>>, vector<16xi32>,
      %shift_right_logical3A_814 = arith.constant 12 : i32
      %shift_right_logical3A_815 = vector.broadcast %shift_right_logical3A_814 : i32 to vector<16xi32>
      %shift_right_logical3A_816 = arith.shrui %get3A_813, %shift_right_logical3A_815 : vector<16xi32>
      %and3A_817 = arith.constant 15 : i32
      %and3A_818 = vector.broadcast %and3A_817 : i32 to vector<16xi32>
      %and3A_819 = arith.andi %shift_right_logical3A_816, %and3A_818 : vector<16xi32>
      %eq3A_820 = arith.constant 4 : i32
      %eq3A_821 = vector.broadcast %eq3A_820 : i32 to vector<16xi32>
      %eq3A_822 = arith.cmpi eq, %and3A_819, %eq3A_821 : vector<16xi32>
      %swap3A_823 = arith.index_cast %while3A_809 : i32 to index
      %swap3A_824 = tpu.vector_load %arg9[%swap3A_823] masked %eq3A_822 {strides = array<i32>} : memref<16640xi32, #tpu.memory_space<vmem>>, vector<16xi32>, vector<16xi1>
      tpu.vector_store %arg9[%swap3A_823], %get3A_813 masked %eq3A_822 {strides = array<i32>} : memref<16640xi32, #tpu.memory_space<vmem>>, vector<16xi32>, vector<16xi1>
      %all_reduce_population_count3A = tpu.all_reduce %eq3A_822 {dim = 0 : i64, kind = #tpu.reduction_kind<sum>} : vector<16xi1> -> vector<16xi32>
      %slice3A_825 = vector.extract_strided_slice %all_reduce_population_count3A {offsets = [0], sizes = [1], strides = [1]} : vector<16xi32> to vector<1xi32>
      %squeeze3A_826 = vector.extract %slice3A_825[0] : i32 from vector<1xi32>
      %add3A_827 = arith.addi %while3A_809, %squeeze3A_826 : i32
      scf.yield %add3A_827 : i32
    }
    %while3A_112 = arith.constant 1 : i32
    %while3A_113 = scf.for %while3A_808 = %while3A_109 to %while3A_105 step %while3A_112 iter_args(%while3A_809 = %while3A_111) -> (i32)  : i32 {
      %mul3A_810 = arith.constant 16 : i32
      %mul3A_811 = arith.muli %while3A_808, %mul3A_810 : i32
      %get3A_812 = arith.index_cast %mul3A_811 : i32 to index
      %get3A_813 = tpu.vector_load %arg8[%get3A_812] {strides = array<i32>} : memref<16400xi32, #tpu.memory_space<vmem>>, vector<16xi32>,
      %shift_right_logical3A_814 = arith.constant 12 : i32
      %shift_right_logical3A_815 = vector.broadcast %shift_right_logical3A_814 : i32 to vector<16xi32>
      %shift_right_logical3A_816 = arith.shrui %get3A_813, %shift_right_logical3A_815 : vector<16xi32>
      %and3A_817 = arith.constant 15 : i32
      %and3A_818 = vector.broadcast %and3A_817 : i32 to vector<16xi32>
      %and3A_819 = arith.andi %shift_right_logical3A_816, %and3A_818 : vector<16xi32>
      %eq3A_820 = arith.constant 4 : i32
      %eq3A_821 = vector.broadcast %eq3A_820 : i32 to vector<16xi32>
      %eq3A_822 = arith.cmpi eq, %and3A_819, %eq3A_821 : vector<16xi32>
      %swap3A_823 = arith.index_cast %while3A_809 : i32 to index
      %swap3A_824 = tpu.vector_load %arg9[%swap3A_823] masked %eq3A_822 {strides = array<i32>} : memref<16640xi32, #tpu.memory_space<vmem>>, vector<16xi32>, vector<16xi1>
      tpu.vector_store %arg9[%swap3A_823], %get3A_813 masked %eq3A_822 {strides = array<i32>} : memref<16640xi32, #tpu.memory_space<vmem>>, vector<16xi32>, vector<16xi1>
      %all_reduce_population_count3A = tpu.all_reduce %eq3A_822 {dim = 0 : i64, kind = #tpu.reduction_kind<sum>} : vector<16xi1> -> vector<16xi32>
      %slice3A_825 = vector.extract_strided_slice %all_reduce_population_count3A {offsets = [0], sizes = [1], strides = [1]} : vector<16xi32> to vector<1xi32>
      %squeeze3A_826 = vector.extract %slice3A_825[0] : i32 from vector<1xi32>
      %add3A_827 = arith.addi %while3A_809, %squeeze3A_826 : i32
      scf.yield %add3A_827 : i32
    }
    %eq3A_114 = arith.constant 4 : i32
    %eq3A_115 = vector.broadcast %eq3A_114 : i32 to vector<16xi32>
    %eq3A_116 = arith.cmpi eq, %iota3A, %eq3A_115 : vector<16xi32>
    %broadcast_in_dim3A_117 = vector.broadcast %while3A_91 : i32 to vector<16xi32>
    %select_n3A_118 = arith.select %eq3A_116, %broadcast_in_dim3A_117, %select_n3A_96 : vector<16xi1>, vector<16xi32>
    %eq3A_119 = arith.constant 4 : i32
    %eq3A_120 = vector.broadcast %eq3A_119 : i32 to vector<16xi32>
    %eq3A_121 = arith.cmpi eq, %iota3A, %eq3A_120 : vector<16xi32>
    %sub3A_122 = arith.subi %while3A_113, %while3A_91 : i32
    %broadcast_in_dim3A_123 = vector.broadcast %sub3A_122 : i32 to vector<16xi32>
    %select_n3A_124 = arith.select %eq3A_121, %broadcast_in_dim3A_123, %select_n3A_102 : vector<16xi1>, vector<16xi32>
    %while3A_125 = arith.constant 0 : i32
    %while3A_126 = arith.subi %shift_right_logical3A_13, %while3A_125 : i32
    %while3A_127 = arith.addi %while3A_125, %while3A_126 : i32
    %while3A_128 = arith.constant 1 : i32
    %while3A_129 = arith.divsi %while3A_126, %while3A_128 : i32
    %while3A_130 = arith.muli %while3A_129, %while3A_128 : i32
    %while3A_131 = arith.addi %while3A_125, %while3A_130 : i32
    %while3A_132 = arith.constant 1 : i32
    %while3A_133 = scf.for %while3A_808 = %while3A_125 to %while3A_131 step %while3A_132 iter_args(%while3A_809 = %while3A_113) -> (i32)  : i32 {
      %mul3A_810 = arith.constant 16 : i32
      %mul3A_811 = arith.muli %while3A_808, %mul3A_810 : i32
      %get3A_812 = arith.index_cast %mul3A_811 : i32 to index
      %get3A_813 = tpu.vector_load %arg8[%get3A_812] {strides = array<i32>} : memref<16400xi32, #tpu.memory_space<vmem>>, vector<16xi32>,
      %shift_right_logical3A_814 = arith.constant 12 : i32
      %shift_right_logical3A_815 = vector.broadcast %shift_right_logical3A_814 : i32 to vector<16xi32>
      %shift_right_logical3A_816 = arith.shrui %get3A_813, %shift_right_logical3A_815 : vector<16xi32>
      %and3A_817 = arith.constant 15 : i32
      %and3A_818 = vector.broadcast %and3A_817 : i32 to vector<16xi32>
      %and3A_819 = arith.andi %shift_right_logical3A_816, %and3A_818 : vector<16xi32>
      %eq3A_820 = arith.constant 5 : i32
      %eq3A_821 = vector.broadcast %eq3A_820 : i32 to vector<16xi32>
      %eq3A_822 = arith.cmpi eq, %and3A_819, %eq3A_821 : vector<16xi32>
      %swap3A_823 = arith.index_cast %while3A_809 : i32 to index
      %swap3A_824 = tpu.vector_load %arg9[%swap3A_823] masked %eq3A_822 {strides = array<i32>} : memref<16640xi32, #tpu.memory_space<vmem>>, vector<16xi32>, vector<16xi1>
      tpu.vector_store %arg9[%swap3A_823], %get3A_813 masked %eq3A_822 {strides = array<i32>} : memref<16640xi32, #tpu.memory_space<vmem>>, vector<16xi32>, vector<16xi1>
      %all_reduce_population_count3A = tpu.all_reduce %eq3A_822 {dim = 0 : i64, kind = #tpu.reduction_kind<sum>} : vector<16xi1> -> vector<16xi32>
      %slice3A_825 = vector.extract_strided_slice %all_reduce_population_count3A {offsets = [0], sizes = [1], strides = [1]} : vector<16xi32> to vector<1xi32>
      %squeeze3A_826 = vector.extract %slice3A_825[0] : i32 from vector<1xi32>
      %add3A_827 = arith.addi %while3A_809, %squeeze3A_826 : i32
      scf.yield %add3A_827 : i32
    }
    %while3A_134 = arith.constant 1 : i32
    %while3A_135 = scf.for %while3A_808 = %while3A_131 to %while3A_127 step %while3A_134 iter_args(%while3A_809 = %while3A_133) -> (i32)  : i32 {
      %mul3A_810 = arith.constant 16 : i32
      %mul3A_811 = arith.muli %while3A_808, %mul3A_810 : i32
      %get3A_812 = arith.index_cast %mul3A_811 : i32 to index
      %get3A_813 = tpu.vector_load %arg8[%get3A_812] {strides = array<i32>} : memref<16400xi32, #tpu.memory_space<vmem>>, vector<16xi32>,
      %shift_right_logical3A_814 = arith.constant 12 : i32
      %shift_right_logical3A_815 = vector.broadcast %shift_right_logical3A_814 : i32 to vector<16xi32>
      %shift_right_logical3A_816 = arith.shrui %get3A_813, %shift_right_logical3A_815 : vector<16xi32>
      %and3A_817 = arith.constant 15 : i32
      %and3A_818 = vector.broadcast %and3A_817 : i32 to vector<16xi32>
      %and3A_819 = arith.andi %shift_right_logical3A_816, %and3A_818 : vector<16xi32>
      %eq3A_820 = arith.constant 5 : i32
      %eq3A_821 = vector.broadcast %eq3A_820 : i32 to vector<16xi32>
      %eq3A_822 = arith.cmpi eq, %and3A_819, %eq3A_821 : vector<16xi32>
      %swap3A_823 = arith.index_cast %while3A_809 : i32 to index
      %swap3A_824 = tpu.vector_load %arg9[%swap3A_823] masked %eq3A_822 {strides = array<i32>} : memref<16640xi32, #tpu.memory_space<vmem>>, vector<16xi32>, vector<16xi1>
      tpu.vector_store %arg9[%swap3A_823], %get3A_813 masked %eq3A_822 {strides = array<i32>} : memref<16640xi32, #tpu.memory_space<vmem>>, vector<16xi32>, vector<16xi1>
      %all_reduce_population_count3A = tpu.all_reduce %eq3A_822 {dim = 0 : i64, kind = #tpu.reduction_kind<sum>} : vector<16xi1> -> vector<16xi32>
      %slice3A_825 = vector.extract_strided_slice %all_reduce_population_count3A {offsets = [0], sizes = [1], strides = [1]} : vector<16xi32> to vector<1xi32>
      %squeeze3A_826 = vector.extract %slice3A_825[0] : i32 from vector<1xi32>
      %add3A_827 = arith.addi %while3A_809, %squeeze3A_826 : i32
      scf.yield %add3A_827 : i32
    }
    %eq3A_136 = arith.constant 5 : i32
    %eq3A_137 = vector.broadcast %eq3A_136 : i32 to vector<16xi32>
    %eq3A_138 = arith.cmpi eq, %iota3A, %eq3A_137 : vector<16xi32>
    %broadcast_in_dim3A_139 = vector.broadcast %while3A_113 : i32 to vector<16xi32>
    %select_n3A_140 = arith.select %eq3A_138, %broadcast_in_dim3A_139, %select_n3A_118 : vector<16xi1>, vector<16xi32>
    %eq3A_141 = arith.constant 5 : i32
    %eq3A_142 = vector.broadcast %eq3A_141 : i32 to vector<16xi32>
    %eq3A_143 = arith.cmpi eq, %iota3A, %eq3A_142 : vector<16xi32>
    %sub3A_144 = arith.subi %while3A_135, %while3A_113 : i32
    %broadcast_in_dim3A_145 = vector.broadcast %sub3A_144 : i32 to vector<16xi32>
    %select_n3A_146 = arith.select %eq3A_143, %broadcast_in_dim3A_145, %select_n3A_124 : vector<16xi1>, vector<16xi32>
    %while3A_147 = arith.constant 0 : i32
    %while3A_148 = arith.subi %shift_right_logical3A_13, %while3A_147 : i32
    %while3A_149 = arith.addi %while3A_147, %while3A_148 : i32
    %while3A_150 = arith.constant 1 : i32
    %while3A_151 = arith.divsi %while3A_148, %while3A_150 : i32
    %while3A_152 = arith.muli %while3A_151, %while3A_150 : i32
    %while3A_153 = arith.addi %while3A_147, %while3A_152 : i32
    %while3A_154 = arith.constant 1 : i32
    %while3A_155 = scf.for %while3A_808 = %while3A_147 to %while3A_153 step %while3A_154 iter_args(%while3A_809 = %while3A_135) -> (i32)  : i32 {
      %mul3A_810 = arith.constant 16 : i32
      %mul3A_811 = arith.muli %while3A_808, %mul3A_810 : i32
      %get3A_812 = arith.index_cast %mul3A_811 : i32 to index
      %get3A_813 = tpu.vector_load %arg8[%get3A_812] {strides = array<i32>} : memref<16400xi32, #tpu.memory_space<vmem>>, vector<16xi32>,
      %shift_right_logical3A_814 = arith.constant 12 : i32
      %shift_right_logical3A_815 = vector.broadcast %shift_right_logical3A_814 : i32 to vector<16xi32>
      %shift_right_logical3A_816 = arith.shrui %get3A_813, %shift_right_logical3A_815 : vector<16xi32>
      %and3A_817 = arith.constant 15 : i32
      %and3A_818 = vector.broadcast %and3A_817 : i32 to vector<16xi32>
      %and3A_819 = arith.andi %shift_right_logical3A_816, %and3A_818 : vector<16xi32>
      %eq3A_820 = arith.constant 6 : i32
      %eq3A_821 = vector.broadcast %eq3A_820 : i32 to vector<16xi32>
      %eq3A_822 = arith.cmpi eq, %and3A_819, %eq3A_821 : vector<16xi32>
      %swap3A_823 = arith.index_cast %while3A_809 : i32 to index
      %swap3A_824 = tpu.vector_load %arg9[%swap3A_823] masked %eq3A_822 {strides = array<i32>} : memref<16640xi32, #tpu.memory_space<vmem>>, vector<16xi32>, vector<16xi1>
      tpu.vector_store %arg9[%swap3A_823], %get3A_813 masked %eq3A_822 {strides = array<i32>} : memref<16640xi32, #tpu.memory_space<vmem>>, vector<16xi32>, vector<16xi1>
      %all_reduce_population_count3A = tpu.all_reduce %eq3A_822 {dim = 0 : i64, kind = #tpu.reduction_kind<sum>} : vector<16xi1> -> vector<16xi32>
      %slice3A_825 = vector.extract_strided_slice %all_reduce_population_count3A {offsets = [0], sizes = [1], strides = [1]} : vector<16xi32> to vector<1xi32>
      %squeeze3A_826 = vector.extract %slice3A_825[0] : i32 from vector<1xi32>
      %add3A_827 = arith.addi %while3A_809, %squeeze3A_826 : i32
      scf.yield %add3A_827 : i32
    }
    %while3A_156 = arith.constant 1 : i32
    %while3A_157 = scf.for %while3A_808 = %while3A_153 to %while3A_149 step %while3A_156 iter_args(%while3A_809 = %while3A_155) -> (i32)  : i32 {
      %mul3A_810 = arith.constant 16 : i32
      %mul3A_811 = arith.muli %while3A_808, %mul3A_810 : i32
      %get3A_812 = arith.index_cast %mul3A_811 : i32 to index
      %get3A_813 = tpu.vector_load %arg8[%get3A_812] {strides = array<i32>} : memref<16400xi32, #tpu.memory_space<vmem>>, vector<16xi32>,
      %shift_right_logical3A_814 = arith.constant 12 : i32
      %shift_right_logical3A_815 = vector.broadcast %shift_right_logical3A_814 : i32 to vector<16xi32>
      %shift_right_logical3A_816 = arith.shrui %get3A_813, %shift_right_logical3A_815 : vector<16xi32>
      %and3A_817 = arith.constant 15 : i32
      %and3A_818 = vector.broadcast %and3A_817 : i32 to vector<16xi32>
      %and3A_819 = arith.andi %shift_right_logical3A_816, %and3A_818 : vector<16xi32>
      %eq3A_820 = arith.constant 6 : i32
      %eq3A_821 = vector.broadcast %eq3A_820 : i32 to vector<16xi32>
      %eq3A_822 = arith.cmpi eq, %and3A_819, %eq3A_821 : vector<16xi32>
      %swap3A_823 = arith.index_cast %while3A_809 : i32 to index
      %swap3A_824 = tpu.vector_load %arg9[%swap3A_823] masked %eq3A_822 {strides = array<i32>} : memref<16640xi32, #tpu.memory_space<vmem>>, vector<16xi32>, vector<16xi1>
      tpu.vector_store %arg9[%swap3A_823], %get3A_813 masked %eq3A_822 {strides = array<i32>} : memref<16640xi32, #tpu.memory_space<vmem>>, vector<16xi32>, vector<16xi1>
      %all_reduce_population_count3A = tpu.all_reduce %eq3A_822 {dim = 0 : i64, kind = #tpu.reduction_kind<sum>} : vector<16xi1> -> vector<16xi32>
      %slice3A_825 = vector.extract_strided_slice %all_reduce_population_count3A {offsets = [0], sizes = [1], strides = [1]} : vector<16xi32> to vector<1xi32>
      %squeeze3A_826 = vector.extract %slice3A_825[0] : i32 from vector<1xi32>
      %add3A_827 = arith.addi %while3A_809, %squeeze3A_826 : i32
      scf.yield %add3A_827 : i32
    }
    %eq3A_158 = arith.constant 6 : i32
    %eq3A_159 = vector.broadcast %eq3A_158 : i32 to vector<16xi32>
    %eq3A_160 = arith.cmpi eq, %iota3A, %eq3A_159 : vector<16xi32>
    %broadcast_in_dim3A_161 = vector.broadcast %while3A_135 : i32 to vector<16xi32>
    %select_n3A_162 = arith.select %eq3A_160, %broadcast_in_dim3A_161, %select_n3A_140 : vector<16xi1>, vector<16xi32>
    %eq3A_163 = arith.constant 6 : i32
    %eq3A_164 = vector.broadcast %eq3A_163 : i32 to vector<16xi32>
    %eq3A_165 = arith.cmpi eq, %iota3A, %eq3A_164 : vector<16xi32>
    %sub3A_166 = arith.subi %while3A_157, %while3A_135 : i32
    %broadcast_in_dim3A_167 = vector.broadcast %sub3A_166 : i32 to vector<16xi32>
    %select_n3A_168 = arith.select %eq3A_165, %broadcast_in_dim3A_167, %select_n3A_146 : vector<16xi1>, vector<16xi32>
    %while3A_169 = arith.constant 0 : i32
    %while3A_170 = arith.subi %shift_right_logical3A_13, %while3A_169 : i32
    %while3A_171 = arith.addi %while3A_169, %while3A_170 : i32
    %while3A_172 = arith.constant 1 : i32
    %while3A_173 = arith.divsi %while3A_170, %while3A_172 : i32
    %while3A_174 = arith.muli %while3A_173, %while3A_172 : i32
    %while3A_175 = arith.addi %while3A_169, %while3A_174 : i32
    %while3A_176 = arith.constant 1 : i32
    %while3A_177 = scf.for %while3A_808 = %while3A_169 to %while3A_175 step %while3A_176 iter_args(%while3A_809 = %while3A_157) -> (i32)  : i32 {
      %mul3A_810 = arith.constant 16 : i32
      %mul3A_811 = arith.muli %while3A_808, %mul3A_810 : i32
      %get3A_812 = arith.index_cast %mul3A_811 : i32 to index
      %get3A_813 = tpu.vector_load %arg8[%get3A_812] {strides = array<i32>} : memref<16400xi32, #tpu.memory_space<vmem>>, vector<16xi32>,
      %shift_right_logical3A_814 = arith.constant 12 : i32
      %shift_right_logical3A_815 = vector.broadcast %shift_right_logical3A_814 : i32 to vector<16xi32>
      %shift_right_logical3A_816 = arith.shrui %get3A_813, %shift_right_logical3A_815 : vector<16xi32>
      %and3A_817 = arith.constant 15 : i32
      %and3A_818 = vector.broadcast %and3A_817 : i32 to vector<16xi32>
      %and3A_819 = arith.andi %shift_right_logical3A_816, %and3A_818 : vector<16xi32>
      %eq3A_820 = arith.constant 7 : i32
      %eq3A_821 = vector.broadcast %eq3A_820 : i32 to vector<16xi32>
      %eq3A_822 = arith.cmpi eq, %and3A_819, %eq3A_821 : vector<16xi32>
      %swap3A_823 = arith.index_cast %while3A_809 : i32 to index
      %swap3A_824 = tpu.vector_load %arg9[%swap3A_823] masked %eq3A_822 {strides = array<i32>} : memref<16640xi32, #tpu.memory_space<vmem>>, vector<16xi32>, vector<16xi1>
      tpu.vector_store %arg9[%swap3A_823], %get3A_813 masked %eq3A_822 {strides = array<i32>} : memref<16640xi32, #tpu.memory_space<vmem>>, vector<16xi32>, vector<16xi1>
      %all_reduce_population_count3A = tpu.all_reduce %eq3A_822 {dim = 0 : i64, kind = #tpu.reduction_kind<sum>} : vector<16xi1> -> vector<16xi32>
      %slice3A_825 = vector.extract_strided_slice %all_reduce_population_count3A {offsets = [0], sizes = [1], strides = [1]} : vector<16xi32> to vector<1xi32>
      %squeeze3A_826 = vector.extract %slice3A_825[0] : i32 from vector<1xi32>
      %add3A_827 = arith.addi %while3A_809, %squeeze3A_826 : i32
      scf.yield %add3A_827 : i32
    }
    %while3A_178 = arith.constant 1 : i32
    %while3A_179 = scf.for %while3A_808 = %while3A_175 to %while3A_171 step %while3A_178 iter_args(%while3A_809 = %while3A_177) -> (i32)  : i32 {
      %mul3A_810 = arith.constant 16 : i32
      %mul3A_811 = arith.muli %while3A_808, %mul3A_810 : i32
      %get3A_812 = arith.index_cast %mul3A_811 : i32 to index
      %get3A_813 = tpu.vector_load %arg8[%get3A_812] {strides = array<i32>} : memref<16400xi32, #tpu.memory_space<vmem>>, vector<16xi32>,
      %shift_right_logical3A_814 = arith.constant 12 : i32
      %shift_right_logical3A_815 = vector.broadcast %shift_right_logical3A_814 : i32 to vector<16xi32>
      %shift_right_logical3A_816 = arith.shrui %get3A_813, %shift_right_logical3A_815 : vector<16xi32>
      %and3A_817 = arith.constant 15 : i32
      %and3A_818 = vector.broadcast %and3A_817 : i32 to vector<16xi32>
      %and3A_819 = arith.andi %shift_right_logical3A_816, %and3A_818 : vector<16xi32>
      %eq3A_820 = arith.constant 7 : i32
      %eq3A_821 = vector.broadcast %eq3A_820 : i32 to vector<16xi32>
      %eq3A_822 = arith.cmpi eq, %and3A_819, %eq3A_821 : vector<16xi32>
      %swap3A_823 = arith.index_cast %while3A_809 : i32 to index
      %swap3A_824 = tpu.vector_load %arg9[%swap3A_823] masked %eq3A_822 {strides = array<i32>} : memref<16640xi32, #tpu.memory_space<vmem>>, vector<16xi32>, vector<16xi1>
      tpu.vector_store %arg9[%swap3A_823], %get3A_813 masked %eq3A_822 {strides = array<i32>} : memref<16640xi32, #tpu.memory_space<vmem>>, vector<16xi32>, vector<16xi1>
      %all_reduce_population_count3A = tpu.all_reduce %eq3A_822 {dim = 0 : i64, kind = #tpu.reduction_kind<sum>} : vector<16xi1> -> vector<16xi32>
      %slice3A_825 = vector.extract_strided_slice %all_reduce_population_count3A {offsets = [0], sizes = [1], strides = [1]} : vector<16xi32> to vector<1xi32>
      %squeeze3A_826 = vector.extract %slice3A_825[0] : i32 from vector<1xi32>
      %add3A_827 = arith.addi %while3A_809, %squeeze3A_826 : i32
      scf.yield %add3A_827 : i32
    }
    %eq3A_180 = arith.constant 7 : i32
    %eq3A_181 = vector.broadcast %eq3A_180 : i32 to vector<16xi32>
    %eq3A_182 = arith.cmpi eq, %iota3A, %eq3A_181 : vector<16xi32>
    %broadcast_in_dim3A_183 = vector.broadcast %while3A_157 : i32 to vector<16xi32>
    %select_n3A_184 = arith.select %eq3A_182, %broadcast_in_dim3A_183, %select_n3A_162 : vector<16xi1>, vector<16xi32>
    %eq3A_185 = arith.constant 7 : i32
    %eq3A_186 = vector.broadcast %eq3A_185 : i32 to vector<16xi32>
    %eq3A_187 = arith.cmpi eq, %iota3A, %eq3A_186 : vector<16xi32>
    %sub3A_188 = arith.subi %while3A_179, %while3A_157 : i32
    %broadcast_in_dim3A_189 = vector.broadcast %sub3A_188 : i32 to vector<16xi32>
    %select_n3A_190 = arith.select %eq3A_187, %broadcast_in_dim3A_189, %select_n3A_168 : vector<16xi1>, vector<16xi32>
    %while3A_191 = arith.constant 0 : i32
    %while3A_192 = arith.subi %shift_right_logical3A_13, %while3A_191 : i32
    %while3A_193 = arith.addi %while3A_191, %while3A_192 : i32
    %while3A_194 = arith.constant 1 : i32
    %while3A_195 = arith.divsi %while3A_192, %while3A_194 : i32
    %while3A_196 = arith.muli %while3A_195, %while3A_194 : i32
    %while3A_197 = arith.addi %while3A_191, %while3A_196 : i32
    %while3A_198 = arith.constant 1 : i32
    %while3A_199 = scf.for %while3A_808 = %while3A_191 to %while3A_197 step %while3A_198 iter_args(%while3A_809 = %while3A_179) -> (i32)  : i32 {
      %mul3A_810 = arith.constant 16 : i32
      %mul3A_811 = arith.muli %while3A_808, %mul3A_810 : i32
      %get3A_812 = arith.index_cast %mul3A_811 : i32 to index
      %get3A_813 = tpu.vector_load %arg8[%get3A_812] {strides = array<i32>} : memref<16400xi32, #tpu.memory_space<vmem>>, vector<16xi32>,
      %shift_right_logical3A_814 = arith.constant 12 : i32
      %shift_right_logical3A_815 = vector.broadcast %shift_right_logical3A_814 : i32 to vector<16xi32>
      %shift_right_logical3A_816 = arith.shrui %get3A_813, %shift_right_logical3A_815 : vector<16xi32>
      %and3A_817 = arith.constant 15 : i32
      %and3A_818 = vector.broadcast %and3A_817 : i32 to vector<16xi32>
      %and3A_819 = arith.andi %shift_right_logical3A_816, %and3A_818 : vector<16xi32>
      %eq3A_820 = arith.constant 8 : i32
      %eq3A_821 = vector.broadcast %eq3A_820 : i32 to vector<16xi32>
      %eq3A_822 = arith.cmpi eq, %and3A_819, %eq3A_821 : vector<16xi32>
      %swap3A_823 = arith.index_cast %while3A_809 : i32 to index
      %swap3A_824 = tpu.vector_load %arg9[%swap3A_823] masked %eq3A_822 {strides = array<i32>} : memref<16640xi32, #tpu.memory_space<vmem>>, vector<16xi32>, vector<16xi1>
      tpu.vector_store %arg9[%swap3A_823], %get3A_813 masked %eq3A_822 {strides = array<i32>} : memref<16640xi32, #tpu.memory_space<vmem>>, vector<16xi32>, vector<16xi1>
      %all_reduce_population_count3A = tpu.all_reduce %eq3A_822 {dim = 0 : i64, kind = #tpu.reduction_kind<sum>} : vector<16xi1> -> vector<16xi32>
      %slice3A_825 = vector.extract_strided_slice %all_reduce_population_count3A {offsets = [0], sizes = [1], strides = [1]} : vector<16xi32> to vector<1xi32>
      %squeeze3A_826 = vector.extract %slice3A_825[0] : i32 from vector<1xi32>
      %add3A_827 = arith.addi %while3A_809, %squeeze3A_826 : i32
      scf.yield %add3A_827 : i32
    }
    %while3A_200 = arith.constant 1 : i32
    %while3A_201 = scf.for %while3A_808 = %while3A_197 to %while3A_193 step %while3A_200 iter_args(%while3A_809 = %while3A_199) -> (i32)  : i32 {
      %mul3A_810 = arith.constant 16 : i32
      %mul3A_811 = arith.muli %while3A_808, %mul3A_810 : i32
      %get3A_812 = arith.index_cast %mul3A_811 : i32 to index
      %get3A_813 = tpu.vector_load %arg8[%get3A_812] {strides = array<i32>} : memref<16400xi32, #tpu.memory_space<vmem>>, vector<16xi32>,
      %shift_right_logical3A_814 = arith.constant 12 : i32
      %shift_right_logical3A_815 = vector.broadcast %shift_right_logical3A_814 : i32 to vector<16xi32>
      %shift_right_logical3A_816 = arith.shrui %get3A_813, %shift_right_logical3A_815 : vector<16xi32>
      %and3A_817 = arith.constant 15 : i32
      %and3A_818 = vector.broadcast %and3A_817 : i32 to vector<16xi32>
      %and3A_819 = arith.andi %shift_right_logical3A_816, %and3A_818 : vector<16xi32>
      %eq3A_820 = arith.constant 8 : i32
      %eq3A_821 = vector.broadcast %eq3A_820 : i32 to vector<16xi32>
      %eq3A_822 = arith.cmpi eq, %and3A_819, %eq3A_821 : vector<16xi32>
      %swap3A_823 = arith.index_cast %while3A_809 : i32 to index
      %swap3A_824 = tpu.vector_load %arg9[%swap3A_823] masked %eq3A_822 {strides = array<i32>} : memref<16640xi32, #tpu.memory_space<vmem>>, vector<16xi32>, vector<16xi1>
      tpu.vector_store %arg9[%swap3A_823], %get3A_813 masked %eq3A_822 {strides = array<i32>} : memref<16640xi32, #tpu.memory_space<vmem>>, vector<16xi32>, vector<16xi1>
      %all_reduce_population_count3A = tpu.all_reduce %eq3A_822 {dim = 0 : i64, kind = #tpu.reduction_kind<sum>} : vector<16xi1> -> vector<16xi32>
      %slice3A_825 = vector.extract_strided_slice %all_reduce_population_count3A {offsets = [0], sizes = [1], strides = [1]} : vector<16xi32> to vector<1xi32>
      %squeeze3A_826 = vector.extract %slice3A_825[0] : i32 from vector<1xi32>
      %add3A_827 = arith.addi %while3A_809, %squeeze3A_826 : i32
      scf.yield %add3A_827 : i32
    }
    %eq3A_202 = arith.constant 8 : i32
    %eq3A_203 = vector.broadcast %eq3A_202 : i32 to vector<16xi32>
    %eq3A_204 = arith.cmpi eq, %iota3A, %eq3A_203 : vector<16xi32>
    %broadcast_in_dim3A_205 = vector.broadcast %while3A_179 : i32 to vector<16xi32>
    %select_n3A_206 = arith.select %eq3A_204, %broadcast_in_dim3A_205, %select_n3A_184 : vector<16xi1>, vector<16xi32>
    %eq3A_207 = arith.constant 8 : i32
    %eq3A_208 = vector.broadcast %eq3A_207 : i32 to vector<16xi32>
    %eq3A_209 = arith.cmpi eq, %iota3A, %eq3A_208 : vector<16xi32>
    %sub3A_210 = arith.subi %while3A_201, %while3A_179 : i32
    %broadcast_in_dim3A_211 = vector.broadcast %sub3A_210 : i32 to vector<16xi32>
    %select_n3A_212 = arith.select %eq3A_209, %broadcast_in_dim3A_211, %select_n3A_190 : vector<16xi1>, vector<16xi32>
    %while3A_213 = arith.constant 0 : i32
    %while3A_214 = arith.subi %shift_right_logical3A_13, %while3A_213 : i32
    %while3A_215 = arith.addi %while3A_213, %while3A_214 : i32
    %while3A_216 = arith.constant 1 : i32
    %while3A_217 = arith.divsi %while3A_214, %while3A_216 : i32
    %while3A_218 = arith.muli %while3A_217, %while3A_216 : i32
    %while3A_219 = arith.addi %while3A_213, %while3A_218 : i32
    %while3A_220 = arith.constant 1 : i32
    %while3A_221 = scf.for %while3A_808 = %while3A_213 to %while3A_219 step %while3A_220 iter_args(%while3A_809 = %while3A_201) -> (i32)  : i32 {
      %mul3A_810 = arith.constant 16 : i32
      %mul3A_811 = arith.muli %while3A_808, %mul3A_810 : i32
      %get3A_812 = arith.index_cast %mul3A_811 : i32 to index
      %get3A_813 = tpu.vector_load %arg8[%get3A_812] {strides = array<i32>} : memref<16400xi32, #tpu.memory_space<vmem>>, vector<16xi32>,
      %shift_right_logical3A_814 = arith.constant 12 : i32
      %shift_right_logical3A_815 = vector.broadcast %shift_right_logical3A_814 : i32 to vector<16xi32>
      %shift_right_logical3A_816 = arith.shrui %get3A_813, %shift_right_logical3A_815 : vector<16xi32>
      %and3A_817 = arith.constant 15 : i32
      %and3A_818 = vector.broadcast %and3A_817 : i32 to vector<16xi32>
      %and3A_819 = arith.andi %shift_right_logical3A_816, %and3A_818 : vector<16xi32>
      %eq3A_820 = arith.constant 9 : i32
      %eq3A_821 = vector.broadcast %eq3A_820 : i32 to vector<16xi32>
      %eq3A_822 = arith.cmpi eq, %and3A_819, %eq3A_821 : vector<16xi32>
      %swap3A_823 = arith.index_cast %while3A_809 : i32 to index
      %swap3A_824 = tpu.vector_load %arg9[%swap3A_823] masked %eq3A_822 {strides = array<i32>} : memref<16640xi32, #tpu.memory_space<vmem>>, vector<16xi32>, vector<16xi1>
      tpu.vector_store %arg9[%swap3A_823], %get3A_813 masked %eq3A_822 {strides = array<i32>} : memref<16640xi32, #tpu.memory_space<vmem>>, vector<16xi32>, vector<16xi1>
      %all_reduce_population_count3A = tpu.all_reduce %eq3A_822 {dim = 0 : i64, kind = #tpu.reduction_kind<sum>} : vector<16xi1> -> vector<16xi32>
      %slice3A_825 = vector.extract_strided_slice %all_reduce_population_count3A {offsets = [0], sizes = [1], strides = [1]} : vector<16xi32> to vector<1xi32>
      %squeeze3A_826 = vector.extract %slice3A_825[0] : i32 from vector<1xi32>
      %add3A_827 = arith.addi %while3A_809, %squeeze3A_826 : i32
      scf.yield %add3A_827 : i32
    }
    %while3A_222 = arith.constant 1 : i32
    %while3A_223 = scf.for %while3A_808 = %while3A_219 to %while3A_215 step %while3A_222 iter_args(%while3A_809 = %while3A_221) -> (i32)  : i32 {
      %mul3A_810 = arith.constant 16 : i32
      %mul3A_811 = arith.muli %while3A_808, %mul3A_810 : i32
      %get3A_812 = arith.index_cast %mul3A_811 : i32 to index
      %get3A_813 = tpu.vector_load %arg8[%get3A_812] {strides = array<i32>} : memref<16400xi32, #tpu.memory_space<vmem>>, vector<16xi32>,
      %shift_right_logical3A_814 = arith.constant 12 : i32
      %shift_right_logical3A_815 = vector.broadcast %shift_right_logical3A_814 : i32 to vector<16xi32>
      %shift_right_logical3A_816 = arith.shrui %get3A_813, %shift_right_logical3A_815 : vector<16xi32>
      %and3A_817 = arith.constant 15 : i32
      %and3A_818 = vector.broadcast %and3A_817 : i32 to vector<16xi32>
      %and3A_819 = arith.andi %shift_right_logical3A_816, %and3A_818 : vector<16xi32>
      %eq3A_820 = arith.constant 9 : i32
      %eq3A_821 = vector.broadcast %eq3A_820 : i32 to vector<16xi32>
      %eq3A_822 = arith.cmpi eq, %and3A_819, %eq3A_821 : vector<16xi32>
      %swap3A_823 = arith.index_cast %while3A_809 : i32 to index
      %swap3A_824 = tpu.vector_load %arg9[%swap3A_823] masked %eq3A_822 {strides = array<i32>} : memref<16640xi32, #tpu.memory_space<vmem>>, vector<16xi32>, vector<16xi1>
      tpu.vector_store %arg9[%swap3A_823], %get3A_813 masked %eq3A_822 {strides = array<i32>} : memref<16640xi32, #tpu.memory_space<vmem>>, vector<16xi32>, vector<16xi1>
      %all_reduce_population_count3A = tpu.all_reduce %eq3A_822 {dim = 0 : i64, kind = #tpu.reduction_kind<sum>} : vector<16xi1> -> vector<16xi32>
      %slice3A_825 = vector.extract_strided_slice %all_reduce_population_count3A {offsets = [0], sizes = [1], strides = [1]} : vector<16xi32> to vector<1xi32>
      %squeeze3A_826 = vector.extract %slice3A_825[0] : i32 from vector<1xi32>
      %add3A_827 = arith.addi %while3A_809, %squeeze3A_826 : i32
      scf.yield %add3A_827 : i32
    }
    %eq3A_224 = arith.constant 9 : i32
    %eq3A_225 = vector.broadcast %eq3A_224 : i32 to vector<16xi32>
    %eq3A_226 = arith.cmpi eq, %iota3A, %eq3A_225 : vector<16xi32>
    %broadcast_in_dim3A_227 = vector.broadcast %while3A_201 : i32 to vector<16xi32>
    %select_n3A_228 = arith.select %eq3A_226, %broadcast_in_dim3A_227, %select_n3A_206 : vector<16xi1>, vector<16xi32>
    %eq3A_229 = arith.constant 9 : i32
    %eq3A_230 = vector.broadcast %eq3A_229 : i32 to vector<16xi32>
    %eq3A_231 = arith.cmpi eq, %iota3A, %eq3A_230 : vector<16xi32>
    %sub3A_232 = arith.subi %while3A_223, %while3A_201 : i32
    %broadcast_in_dim3A_233 = vector.broadcast %sub3A_232 : i32 to vector<16xi32>
    %select_n3A_234 = arith.select %eq3A_231, %broadcast_in_dim3A_233, %select_n3A_212 : vector<16xi1>, vector<16xi32>
    %while3A_235 = arith.constant 0 : i32
    %while3A_236 = arith.subi %shift_right_logical3A_13, %while3A_235 : i32
    %while3A_237 = arith.addi %while3A_235, %while3A_236 : i32
    %while3A_238 = arith.constant 1 : i32
    %while3A_239 = arith.divsi %while3A_236, %while3A_238 : i32
    %while3A_240 = arith.muli %while3A_239, %while3A_238 : i32
    %while3A_241 = arith.addi %while3A_235, %while3A_240 : i32
    %while3A_242 = arith.constant 1 : i32
    %while3A_243 = scf.for %while3A_808 = %while3A_235 to %while3A_241 step %while3A_242 iter_args(%while3A_809 = %while3A_223) -> (i32)  : i32 {
      %mul3A_810 = arith.constant 16 : i32
      %mul3A_811 = arith.muli %while3A_808, %mul3A_810 : i32
      %get3A_812 = arith.index_cast %mul3A_811 : i32 to index
      %get3A_813 = tpu.vector_load %arg8[%get3A_812] {strides = array<i32>} : memref<16400xi32, #tpu.memory_space<vmem>>, vector<16xi32>,
      %shift_right_logical3A_814 = arith.constant 12 : i32
      %shift_right_logical3A_815 = vector.broadcast %shift_right_logical3A_814 : i32 to vector<16xi32>
      %shift_right_logical3A_816 = arith.shrui %get3A_813, %shift_right_logical3A_815 : vector<16xi32>
      %and3A_817 = arith.constant 15 : i32
      %and3A_818 = vector.broadcast %and3A_817 : i32 to vector<16xi32>
      %and3A_819 = arith.andi %shift_right_logical3A_816, %and3A_818 : vector<16xi32>
      %eq3A_820 = arith.constant 10 : i32
      %eq3A_821 = vector.broadcast %eq3A_820 : i32 to vector<16xi32>
      %eq3A_822 = arith.cmpi eq, %and3A_819, %eq3A_821 : vector<16xi32>
      %swap3A_823 = arith.index_cast %while3A_809 : i32 to index
      %swap3A_824 = tpu.vector_load %arg9[%swap3A_823] masked %eq3A_822 {strides = array<i32>} : memref<16640xi32, #tpu.memory_space<vmem>>, vector<16xi32>, vector<16xi1>
      tpu.vector_store %arg9[%swap3A_823], %get3A_813 masked %eq3A_822 {strides = array<i32>} : memref<16640xi32, #tpu.memory_space<vmem>>, vector<16xi32>, vector<16xi1>
      %all_reduce_population_count3A = tpu.all_reduce %eq3A_822 {dim = 0 : i64, kind = #tpu.reduction_kind<sum>} : vector<16xi1> -> vector<16xi32>
      %slice3A_825 = vector.extract_strided_slice %all_reduce_population_count3A {offsets = [0], sizes = [1], strides = [1]} : vector<16xi32> to vector<1xi32>
      %squeeze3A_826 = vector.extract %slice3A_825[0] : i32 from vector<1xi32>
      %add3A_827 = arith.addi %while3A_809, %squeeze3A_826 : i32
      scf.yield %add3A_827 : i32
    }
    %while3A_244 = arith.constant 1 : i32
    %while3A_245 = scf.for %while3A_808 = %while3A_241 to %while3A_237 step %while3A_244 iter_args(%while3A_809 = %while3A_243) -> (i32)  : i32 {
      %mul3A_810 = arith.constant 16 : i32
      %mul3A_811 = arith.muli %while3A_808, %mul3A_810 : i32
      %get3A_812 = arith.index_cast %mul3A_811 : i32 to index
      %get3A_813 = tpu.vector_load %arg8[%get3A_812] {strides = array<i32>} : memref<16400xi32, #tpu.memory_space<vmem>>, vector<16xi32>,
      %shift_right_logical3A_814 = arith.constant 12 : i32
      %shift_right_logical3A_815 = vector.broadcast %shift_right_logical3A_814 : i32 to vector<16xi32>
      %shift_right_logical3A_816 = arith.shrui %get3A_813, %shift_right_logical3A_815 : vector<16xi32>
      %and3A_817 = arith.constant 15 : i32
      %and3A_818 = vector.broadcast %and3A_817 : i32 to vector<16xi32>
      %and3A_819 = arith.andi %shift_right_logical3A_816, %and3A_818 : vector<16xi32>
      %eq3A_820 = arith.constant 10 : i32
      %eq3A_821 = vector.broadcast %eq3A_820 : i32 to vector<16xi32>
      %eq3A_822 = arith.cmpi eq, %and3A_819, %eq3A_821 : vector<16xi32>
      %swap3A_823 = arith.index_cast %while3A_809 : i32 to index
      %swap3A_824 = tpu.vector_load %arg9[%swap3A_823] masked %eq3A_822 {strides = array<i32>} : memref<16640xi32, #tpu.memory_space<vmem>>, vector<16xi32>, vector<16xi1>
      tpu.vector_store %arg9[%swap3A_823], %get3A_813 masked %eq3A_822 {strides = array<i32>} : memref<16640xi32, #tpu.memory_space<vmem>>, vector<16xi32>, vector<16xi1>
      %all_reduce_population_count3A = tpu.all_reduce %eq3A_822 {dim = 0 : i64, kind = #tpu.reduction_kind<sum>} : vector<16xi1> -> vector<16xi32>
      %slice3A_825 = vector.extract_strided_slice %all_reduce_population_count3A {offsets = [0], sizes = [1], strides = [1]} : vector<16xi32> to vector<1xi32>
      %squeeze3A_826 = vector.extract %slice3A_825[0] : i32 from vector<1xi32>
      %add3A_827 = arith.addi %while3A_809, %squeeze3A_826 : i32
      scf.yield %add3A_827 : i32
    }
    %eq3A_246 = arith.constant 10 : i32
    %eq3A_247 = vector.broadcast %eq3A_246 : i32 to vector<16xi32>
    %eq3A_248 = arith.cmpi eq, %iota3A, %eq3A_247 : vector<16xi32>
    %broadcast_in_dim3A_249 = vector.broadcast %while3A_223 : i32 to vector<16xi32>
    %select_n3A_250 = arith.select %eq3A_248, %broadcast_in_dim3A_249, %select_n3A_228 : vector<16xi1>, vector<16xi32>
    %eq3A_251 = arith.constant 10 : i32
    %eq3A_252 = vector.broadcast %eq3A_251 : i32 to vector<16xi32>
    %eq3A_253 = arith.cmpi eq, %iota3A, %eq3A_252 : vector<16xi32>
    %sub3A_254 = arith.subi %while3A_245, %while3A_223 : i32
    %broadcast_in_dim3A_255 = vector.broadcast %sub3A_254 : i32 to vector<16xi32>
    %select_n3A_256 = arith.select %eq3A_253, %broadcast_in_dim3A_255, %select_n3A_234 : vector<16xi1>, vector<16xi32>
    %while3A_257 = arith.constant 0 : i32
    %while3A_258 = arith.subi %shift_right_logical3A_13, %while3A_257 : i32
    %while3A_259 = arith.addi %while3A_257, %while3A_258 : i32
    %while3A_260 = arith.constant 1 : i32
    %while3A_261 = arith.divsi %while3A_258, %while3A_260 : i32
    %while3A_262 = arith.muli %while3A_261, %while3A_260 : i32
    %while3A_263 = arith.addi %while3A_257, %while3A_262 : i32
    %while3A_264 = arith.constant 1 : i32
    %while3A_265 = scf.for %while3A_808 = %while3A_257 to %while3A_263 step %while3A_264 iter_args(%while3A_809 = %while3A_245) -> (i32)  : i32 {
      %mul3A_810 = arith.constant 16 : i32
      %mul3A_811 = arith.muli %while3A_808, %mul3A_810 : i32
      %get3A_812 = arith.index_cast %mul3A_811 : i32 to index
      %get3A_813 = tpu.vector_load %arg8[%get3A_812] {strides = array<i32>} : memref<16400xi32, #tpu.memory_space<vmem>>, vector<16xi32>,
      %shift_right_logical3A_814 = arith.constant 12 : i32
      %shift_right_logical3A_815 = vector.broadcast %shift_right_logical3A_814 : i32 to vector<16xi32>
      %shift_right_logical3A_816 = arith.shrui %get3A_813, %shift_right_logical3A_815 : vector<16xi32>
      %and3A_817 = arith.constant 15 : i32
      %and3A_818 = vector.broadcast %and3A_817 : i32 to vector<16xi32>
      %and3A_819 = arith.andi %shift_right_logical3A_816, %and3A_818 : vector<16xi32>
      %eq3A_820 = arith.constant 11 : i32
      %eq3A_821 = vector.broadcast %eq3A_820 : i32 to vector<16xi32>
      %eq3A_822 = arith.cmpi eq, %and3A_819, %eq3A_821 : vector<16xi32>
      %swap3A_823 = arith.index_cast %while3A_809 : i32 to index
      %swap3A_824 = tpu.vector_load %arg9[%swap3A_823] masked %eq3A_822 {strides = array<i32>} : memref<16640xi32, #tpu.memory_space<vmem>>, vector<16xi32>, vector<16xi1>
      tpu.vector_store %arg9[%swap3A_823], %get3A_813 masked %eq3A_822 {strides = array<i32>} : memref<16640xi32, #tpu.memory_space<vmem>>, vector<16xi32>, vector<16xi1>
      %all_reduce_population_count3A = tpu.all_reduce %eq3A_822 {dim = 0 : i64, kind = #tpu.reduction_kind<sum>} : vector<16xi1> -> vector<16xi32>
      %slice3A_825 = vector.extract_strided_slice %all_reduce_population_count3A {offsets = [0], sizes = [1], strides = [1]} : vector<16xi32> to vector<1xi32>
      %squeeze3A_826 = vector.extract %slice3A_825[0] : i32 from vector<1xi32>
      %add3A_827 = arith.addi %while3A_809, %squeeze3A_826 : i32
      scf.yield %add3A_827 : i32
    }
    %while3A_266 = arith.constant 1 : i32
    %while3A_267 = scf.for %while3A_808 = %while3A_263 to %while3A_259 step %while3A_266 iter_args(%while3A_809 = %while3A_265) -> (i32)  : i32 {
      %mul3A_810 = arith.constant 16 : i32
      %mul3A_811 = arith.muli %while3A_808, %mul3A_810 : i32
      %get3A_812 = arith.index_cast %mul3A_811 : i32 to index
      %get3A_813 = tpu.vector_load %arg8[%get3A_812] {strides = array<i32>} : memref<16400xi32, #tpu.memory_space<vmem>>, vector<16xi32>,
      %shift_right_logical3A_814 = arith.constant 12 : i32
      %shift_right_logical3A_815 = vector.broadcast %shift_right_logical3A_814 : i32 to vector<16xi32>
      %shift_right_logical3A_816 = arith.shrui %get3A_813, %shift_right_logical3A_815 : vector<16xi32>
      %and3A_817 = arith.constant 15 : i32
      %and3A_818 = vector.broadcast %and3A_817 : i32 to vector<16xi32>
      %and3A_819 = arith.andi %shift_right_logical3A_816, %and3A_818 : vector<16xi32>
      %eq3A_820 = arith.constant 11 : i32
      %eq3A_821 = vector.broadcast %eq3A_820 : i32 to vector<16xi32>
      %eq3A_822 = arith.cmpi eq, %and3A_819, %eq3A_821 : vector<16xi32>
      %swap3A_823 = arith.index_cast %while3A_809 : i32 to index
      %swap3A_824 = tpu.vector_load %arg9[%swap3A_823] masked %eq3A_822 {strides = array<i32>} : memref<16640xi32, #tpu.memory_space<vmem>>, vector<16xi32>, vector<16xi1>
      tpu.vector_store %arg9[%swap3A_823], %get3A_813 masked %eq3A_822 {strides = array<i32>} : memref<16640xi32, #tpu.memory_space<vmem>>, vector<16xi32>, vector<16xi1>
      %all_reduce_population_count3A = tpu.all_reduce %eq3A_822 {dim = 0 : i64, kind = #tpu.reduction_kind<sum>} : vector<16xi1> -> vector<16xi32>
      %slice3A_825 = vector.extract_strided_slice %all_reduce_population_count3A {offsets = [0], sizes = [1], strides = [1]} : vector<16xi32> to vector<1xi32>
      %squeeze3A_826 = vector.extract %slice3A_825[0] : i32 from vector<1xi32>
      %add3A_827 = arith.addi %while3A_809, %squeeze3A_826 : i32
      scf.yield %add3A_827 : i32
    }
    %eq3A_268 = arith.constant 11 : i32
    %eq3A_269 = vector.broadcast %eq3A_268 : i32 to vector<16xi32>
    %eq3A_270 = arith.cmpi eq, %iota3A, %eq3A_269 : vector<16xi32>
    %broadcast_in_dim3A_271 = vector.broadcast %while3A_245 : i32 to vector<16xi32>
    %select_n3A_272 = arith.select %eq3A_270, %broadcast_in_dim3A_271, %select_n3A_250 : vector<16xi1>, vector<16xi32>
    %eq3A_273 = arith.constant 11 : i32
    %eq3A_274 = vector.broadcast %eq3A_273 : i32 to vector<16xi32>
    %eq3A_275 = arith.cmpi eq, %iota3A, %eq3A_274 : vector<16xi32>
    %sub3A_276 = arith.subi %while3A_267, %while3A_245 : i32
    %broadcast_in_dim3A_277 = vector.broadcast %sub3A_276 : i32 to vector<16xi32>
    %select_n3A_278 = arith.select %eq3A_275, %broadcast_in_dim3A_277, %select_n3A_256 : vector<16xi1>, vector<16xi32>
    %while3A_279 = arith.constant 0 : i32
    %while3A_280 = arith.subi %shift_right_logical3A_13, %while3A_279 : i32
    %while3A_281 = arith.addi %while3A_279, %while3A_280 : i32
    %while3A_282 = arith.constant 1 : i32
    %while3A_283 = arith.divsi %while3A_280, %while3A_282 : i32
    %while3A_284 = arith.muli %while3A_283, %while3A_282 : i32
    %while3A_285 = arith.addi %while3A_279, %while3A_284 : i32
    %while3A_286 = arith.constant 1 : i32
    %while3A_287 = scf.for %while3A_808 = %while3A_279 to %while3A_285 step %while3A_286 iter_args(%while3A_809 = %while3A_267) -> (i32)  : i32 {
      %mul3A_810 = arith.constant 16 : i32
      %mul3A_811 = arith.muli %while3A_808, %mul3A_810 : i32
      %get3A_812 = arith.index_cast %mul3A_811 : i32 to index
      %get3A_813 = tpu.vector_load %arg8[%get3A_812] {strides = array<i32>} : memref<16400xi32, #tpu.memory_space<vmem>>, vector<16xi32>,
      %shift_right_logical3A_814 = arith.constant 12 : i32
      %shift_right_logical3A_815 = vector.broadcast %shift_right_logical3A_814 : i32 to vector<16xi32>
      %shift_right_logical3A_816 = arith.shrui %get3A_813, %shift_right_logical3A_815 : vector<16xi32>
      %and3A_817 = arith.constant 15 : i32
      %and3A_818 = vector.broadcast %and3A_817 : i32 to vector<16xi32>
      %and3A_819 = arith.andi %shift_right_logical3A_816, %and3A_818 : vector<16xi32>
      %eq3A_820 = arith.constant 12 : i32
      %eq3A_821 = vector.broadcast %eq3A_820 : i32 to vector<16xi32>
      %eq3A_822 = arith.cmpi eq, %and3A_819, %eq3A_821 : vector<16xi32>
      %swap3A_823 = arith.index_cast %while3A_809 : i32 to index
      %swap3A_824 = tpu.vector_load %arg9[%swap3A_823] masked %eq3A_822 {strides = array<i32>} : memref<16640xi32, #tpu.memory_space<vmem>>, vector<16xi32>, vector<16xi1>
      tpu.vector_store %arg9[%swap3A_823], %get3A_813 masked %eq3A_822 {strides = array<i32>} : memref<16640xi32, #tpu.memory_space<vmem>>, vector<16xi32>, vector<16xi1>
      %all_reduce_population_count3A = tpu.all_reduce %eq3A_822 {dim = 0 : i64, kind = #tpu.reduction_kind<sum>} : vector<16xi1> -> vector<16xi32>
      %slice3A_825 = vector.extract_strided_slice %all_reduce_population_count3A {offsets = [0], sizes = [1], strides = [1]} : vector<16xi32> to vector<1xi32>
      %squeeze3A_826 = vector.extract %slice3A_825[0] : i32 from vector<1xi32>
      %add3A_827 = arith.addi %while3A_809, %squeeze3A_826 : i32
      scf.yield %add3A_827 : i32
    }
    %while3A_288 = arith.constant 1 : i32
    %while3A_289 = scf.for %while3A_808 = %while3A_285 to %while3A_281 step %while3A_288 iter_args(%while3A_809 = %while3A_287) -> (i32)  : i32 {
      %mul3A_810 = arith.constant 16 : i32
      %mul3A_811 = arith.muli %while3A_808, %mul3A_810 : i32
      %get3A_812 = arith.index_cast %mul3A_811 : i32 to index
      %get3A_813 = tpu.vector_load %arg8[%get3A_812] {strides = array<i32>} : memref<16400xi32, #tpu.memory_space<vmem>>, vector<16xi32>,
      %shift_right_logical3A_814 = arith.constant 12 : i32
      %shift_right_logical3A_815 = vector.broadcast %shift_right_logical3A_814 : i32 to vector<16xi32>
      %shift_right_logical3A_816 = arith.shrui %get3A_813, %shift_right_logical3A_815 : vector<16xi32>
      %and3A_817 = arith.constant 15 : i32
      %and3A_818 = vector.broadcast %and3A_817 : i32 to vector<16xi32>
      %and3A_819 = arith.andi %shift_right_logical3A_816, %and3A_818 : vector<16xi32>
      %eq3A_820 = arith.constant 12 : i32
      %eq3A_821 = vector.broadcast %eq3A_820 : i32 to vector<16xi32>
      %eq3A_822 = arith.cmpi eq, %and3A_819, %eq3A_821 : vector<16xi32>
      %swap3A_823 = arith.index_cast %while3A_809 : i32 to index
      %swap3A_824 = tpu.vector_load %arg9[%swap3A_823] masked %eq3A_822 {strides = array<i32>} : memref<16640xi32, #tpu.memory_space<vmem>>, vector<16xi32>, vector<16xi1>
      tpu.vector_store %arg9[%swap3A_823], %get3A_813 masked %eq3A_822 {strides = array<i32>} : memref<16640xi32, #tpu.memory_space<vmem>>, vector<16xi32>, vector<16xi1>
      %all_reduce_population_count3A = tpu.all_reduce %eq3A_822 {dim = 0 : i64, kind = #tpu.reduction_kind<sum>} : vector<16xi1> -> vector<16xi32>
      %slice3A_825 = vector.extract_strided_slice %all_reduce_population_count3A {offsets = [0], sizes = [1], strides = [1]} : vector<16xi32> to vector<1xi32>
      %squeeze3A_826 = vector.extract %slice3A_825[0] : i32 from vector<1xi32>
      %add3A_827 = arith.addi %while3A_809, %squeeze3A_826 : i32
      scf.yield %add3A_827 : i32
    }
    %eq3A_290 = arith.constant 12 : i32
    %eq3A_291 = vector.broadcast %eq3A_290 : i32 to vector<16xi32>
    %eq3A_292 = arith.cmpi eq, %iota3A, %eq3A_291 : vector<16xi32>
    %broadcast_in_dim3A_293 = vector.broadcast %while3A_267 : i32 to vector<16xi32>
    %select_n3A_294 = arith.select %eq3A_292, %broadcast_in_dim3A_293, %select_n3A_272 : vector<16xi1>, vector<16xi32>
    %eq3A_295 = arith.constant 12 : i32
    %eq3A_296 = vector.broadcast %eq3A_295 : i32 to vector<16xi32>
    %eq3A_297 = arith.cmpi eq, %iota3A, %eq3A_296 : vector<16xi32>
    %sub3A_298 = arith.subi %while3A_289, %while3A_267 : i32
    %broadcast_in_dim3A_299 = vector.broadcast %sub3A_298 : i32 to vector<16xi32>
    %select_n3A_300 = arith.select %eq3A_297, %broadcast_in_dim3A_299, %select_n3A_278 : vector<16xi1>, vector<16xi32>
    %while3A_301 = arith.constant 0 : i32
    %while3A_302 = arith.subi %shift_right_logical3A_13, %while3A_301 : i32
    %while3A_303 = arith.addi %while3A_301, %while3A_302 : i32
    %while3A_304 = arith.constant 1 : i32
    %while3A_305 = arith.divsi %while3A_302, %while3A_304 : i32
    %while3A_306 = arith.muli %while3A_305, %while3A_304 : i32
    %while3A_307 = arith.addi %while3A_301, %while3A_306 : i32
    %while3A_308 = arith.constant 1 : i32
    %while3A_309 = scf.for %while3A_808 = %while3A_301 to %while3A_307 step %while3A_308 iter_args(%while3A_809 = %while3A_289) -> (i32)  : i32 {
      %mul3A_810 = arith.constant 16 : i32
      %mul3A_811 = arith.muli %while3A_808, %mul3A_810 : i32
      %get3A_812 = arith.index_cast %mul3A_811 : i32 to index
      %get3A_813 = tpu.vector_load %arg8[%get3A_812] {strides = array<i32>} : memref<16400xi32, #tpu.memory_space<vmem>>, vector<16xi32>,
      %shift_right_logical3A_814 = arith.constant 12 : i32
      %shift_right_logical3A_815 = vector.broadcast %shift_right_logical3A_814 : i32 to vector<16xi32>
      %shift_right_logical3A_816 = arith.shrui %get3A_813, %shift_right_logical3A_815 : vector<16xi32>
      %and3A_817 = arith.constant 15 : i32
      %and3A_818 = vector.broadcast %and3A_817 : i32 to vector<16xi32>
      %and3A_819 = arith.andi %shift_right_logical3A_816, %and3A_818 : vector<16xi32>
      %eq3A_820 = arith.constant 13 : i32
      %eq3A_821 = vector.broadcast %eq3A_820 : i32 to vector<16xi32>
      %eq3A_822 = arith.cmpi eq, %and3A_819, %eq3A_821 : vector<16xi32>
      %swap3A_823 = arith.index_cast %while3A_809 : i32 to index
      %swap3A_824 = tpu.vector_load %arg9[%swap3A_823] masked %eq3A_822 {strides = array<i32>} : memref<16640xi32, #tpu.memory_space<vmem>>, vector<16xi32>, vector<16xi1>
      tpu.vector_store %arg9[%swap3A_823], %get3A_813 masked %eq3A_822 {strides = array<i32>} : memref<16640xi32, #tpu.memory_space<vmem>>, vector<16xi32>, vector<16xi1>
      %all_reduce_population_count3A = tpu.all_reduce %eq3A_822 {dim = 0 : i64, kind = #tpu.reduction_kind<sum>} : vector<16xi1> -> vector<16xi32>
      %slice3A_825 = vector.extract_strided_slice %all_reduce_population_count3A {offsets = [0], sizes = [1], strides = [1]} : vector<16xi32> to vector<1xi32>
      %squeeze3A_826 = vector.extract %slice3A_825[0] : i32 from vector<1xi32>
      %add3A_827 = arith.addi %while3A_809, %squeeze3A_826 : i32
      scf.yield %add3A_827 : i32
    }
    %while3A_310 = arith.constant 1 : i32
    %while3A_311 = scf.for %while3A_808 = %while3A_307 to %while3A_303 step %while3A_310 iter_args(%while3A_809 = %while3A_309) -> (i32)  : i32 {
      %mul3A_810 = arith.constant 16 : i32
      %mul3A_811 = arith.muli %while3A_808, %mul3A_810 : i32
      %get3A_812 = arith.index_cast %mul3A_811 : i32 to index
      %get3A_813 = tpu.vector_load %arg8[%get3A_812] {strides = array<i32>} : memref<16400xi32, #tpu.memory_space<vmem>>, vector<16xi32>,
      %shift_right_logical3A_814 = arith.constant 12 : i32
      %shift_right_logical3A_815 = vector.broadcast %shift_right_logical3A_814 : i32 to vector<16xi32>
      %shift_right_logical3A_816 = arith.shrui %get3A_813, %shift_right_logical3A_815 : vector<16xi32>
      %and3A_817 = arith.constant 15 : i32
      %and3A_818 = vector.broadcast %and3A_817 : i32 to vector<16xi32>
      %and3A_819 = arith.andi %shift_right_logical3A_816, %and3A_818 : vector<16xi32>
      %eq3A_820 = arith.constant 13 : i32
      %eq3A_821 = vector.broadcast %eq3A_820 : i32 to vector<16xi32>
      %eq3A_822 = arith.cmpi eq, %and3A_819, %eq3A_821 : vector<16xi32>
      %swap3A_823 = arith.index_cast %while3A_809 : i32 to index
      %swap3A_824 = tpu.vector_load %arg9[%swap3A_823] masked %eq3A_822 {strides = array<i32>} : memref<16640xi32, #tpu.memory_space<vmem>>, vector<16xi32>, vector<16xi1>
      tpu.vector_store %arg9[%swap3A_823], %get3A_813 masked %eq3A_822 {strides = array<i32>} : memref<16640xi32, #tpu.memory_space<vmem>>, vector<16xi32>, vector<16xi1>
      %all_reduce_population_count3A = tpu.all_reduce %eq3A_822 {dim = 0 : i64, kind = #tpu.reduction_kind<sum>} : vector<16xi1> -> vector<16xi32>
      %slice3A_825 = vector.extract_strided_slice %all_reduce_population_count3A {offsets = [0], sizes = [1], strides = [1]} : vector<16xi32> to vector<1xi32>
      %squeeze3A_826 = vector.extract %slice3A_825[0] : i32 from vector<1xi32>
      %add3A_827 = arith.addi %while3A_809, %squeeze3A_826 : i32
      scf.yield %add3A_827 : i32
    }
    %eq3A_312 = arith.constant 13 : i32
    %eq3A_313 = vector.broadcast %eq3A_312 : i32 to vector<16xi32>
    %eq3A_314 = arith.cmpi eq, %iota3A, %eq3A_313 : vector<16xi32>
    %broadcast_in_dim3A_315 = vector.broadcast %while3A_289 : i32 to vector<16xi32>
    %select_n3A_316 = arith.select %eq3A_314, %broadcast_in_dim3A_315, %select_n3A_294 : vector<16xi1>, vector<16xi32>
    %eq3A_317 = arith.constant 13 : i32
    %eq3A_318 = vector.broadcast %eq3A_317 : i32 to vector<16xi32>
    %eq3A_319 = arith.cmpi eq, %iota3A, %eq3A_318 : vector<16xi32>
    %sub3A_320 = arith.subi %while3A_311, %while3A_289 : i32
    %broadcast_in_dim3A_321 = vector.broadcast %sub3A_320 : i32 to vector<16xi32>
    %select_n3A_322 = arith.select %eq3A_319, %broadcast_in_dim3A_321, %select_n3A_300 : vector<16xi1>, vector<16xi32>
    %while3A_323 = arith.constant 0 : i32
    %while3A_324 = arith.subi %shift_right_logical3A_13, %while3A_323 : i32
    %while3A_325 = arith.addi %while3A_323, %while3A_324 : i32
    %while3A_326 = arith.constant 1 : i32
    %while3A_327 = arith.divsi %while3A_324, %while3A_326 : i32
    %while3A_328 = arith.muli %while3A_327, %while3A_326 : i32
    %while3A_329 = arith.addi %while3A_323, %while3A_328 : i32
    %while3A_330 = arith.constant 1 : i32
    %while3A_331 = scf.for %while3A_808 = %while3A_323 to %while3A_329 step %while3A_330 iter_args(%while3A_809 = %while3A_311) -> (i32)  : i32 {
      %mul3A_810 = arith.constant 16 : i32
      %mul3A_811 = arith.muli %while3A_808, %mul3A_810 : i32
      %get3A_812 = arith.index_cast %mul3A_811 : i32 to index
      %get3A_813 = tpu.vector_load %arg8[%get3A_812] {strides = array<i32>} : memref<16400xi32, #tpu.memory_space<vmem>>, vector<16xi32>,
      %shift_right_logical3A_814 = arith.constant 12 : i32
      %shift_right_logical3A_815 = vector.broadcast %shift_right_logical3A_814 : i32 to vector<16xi32>
      %shift_right_logical3A_816 = arith.shrui %get3A_813, %shift_right_logical3A_815 : vector<16xi32>
      %and3A_817 = arith.constant 15 : i32
      %and3A_818 = vector.broadcast %and3A_817 : i32 to vector<16xi32>
      %and3A_819 = arith.andi %shift_right_logical3A_816, %and3A_818 : vector<16xi32>
      %eq3A_820 = arith.constant 14 : i32
      %eq3A_821 = vector.broadcast %eq3A_820 : i32 to vector<16xi32>
      %eq3A_822 = arith.cmpi eq, %and3A_819, %eq3A_821 : vector<16xi32>
      %swap3A_823 = arith.index_cast %while3A_809 : i32 to index
      %swap3A_824 = tpu.vector_load %arg9[%swap3A_823] masked %eq3A_822 {strides = array<i32>} : memref<16640xi32, #tpu.memory_space<vmem>>, vector<16xi32>, vector<16xi1>
      tpu.vector_store %arg9[%swap3A_823], %get3A_813 masked %eq3A_822 {strides = array<i32>} : memref<16640xi32, #tpu.memory_space<vmem>>, vector<16xi32>, vector<16xi1>
      %all_reduce_population_count3A = tpu.all_reduce %eq3A_822 {dim = 0 : i64, kind = #tpu.reduction_kind<sum>} : vector<16xi1> -> vector<16xi32>
      %slice3A_825 = vector.extract_strided_slice %all_reduce_population_count3A {offsets = [0], sizes = [1], strides = [1]} : vector<16xi32> to vector<1xi32>
      %squeeze3A_826 = vector.extract %slice3A_825[0] : i32 from vector<1xi32>
      %add3A_827 = arith.addi %while3A_809, %squeeze3A_826 : i32
      scf.yield %add3A_827 : i32
    }
    %while3A_332 = arith.constant 1 : i32
    %while3A_333 = scf.for %while3A_808 = %while3A_329 to %while3A_325 step %while3A_332 iter_args(%while3A_809 = %while3A_331) -> (i32)  : i32 {
      %mul3A_810 = arith.constant 16 : i32
      %mul3A_811 = arith.muli %while3A_808, %mul3A_810 : i32
      %get3A_812 = arith.index_cast %mul3A_811 : i32 to index
      %get3A_813 = tpu.vector_load %arg8[%get3A_812] {strides = array<i32>} : memref<16400xi32, #tpu.memory_space<vmem>>, vector<16xi32>,
      %shift_right_logical3A_814 = arith.constant 12 : i32
      %shift_right_logical3A_815 = vector.broadcast %shift_right_logical3A_814 : i32 to vector<16xi32>
      %shift_right_logical3A_816 = arith.shrui %get3A_813, %shift_right_logical3A_815 : vector<16xi32>
      %and3A_817 = arith.constant 15 : i32
      %and3A_818 = vector.broadcast %and3A_817 : i32 to vector<16xi32>
      %and3A_819 = arith.andi %shift_right_logical3A_816, %and3A_818 : vector<16xi32>
      %eq3A_820 = arith.constant 14 : i32
      %eq3A_821 = vector.broadcast %eq3A_820 : i32 to vector<16xi32>
      %eq3A_822 = arith.cmpi eq, %and3A_819, %eq3A_821 : vector<16xi32>
      %swap3A_823 = arith.index_cast %while3A_809 : i32 to index
      %swap3A_824 = tpu.vector_load %arg9[%swap3A_823] masked %eq3A_822 {strides = array<i32>} : memref<16640xi32, #tpu.memory_space<vmem>>, vector<16xi32>, vector<16xi1>
      tpu.vector_store %arg9[%swap3A_823], %get3A_813 masked %eq3A_822 {strides = array<i32>} : memref<16640xi32, #tpu.memory_space<vmem>>, vector<16xi32>, vector<16xi1>
      %all_reduce_population_count3A = tpu.all_reduce %eq3A_822 {dim = 0 : i64, kind = #tpu.reduction_kind<sum>} : vector<16xi1> -> vector<16xi32>
      %slice3A_825 = vector.extract_strided_slice %all_reduce_population_count3A {offsets = [0], sizes = [1], strides = [1]} : vector<16xi32> to vector<1xi32>
      %squeeze3A_826 = vector.extract %slice3A_825[0] : i32 from vector<1xi32>
      %add3A_827 = arith.addi %while3A_809, %squeeze3A_826 : i32
      scf.yield %add3A_827 : i32
    }
    %eq3A_334 = arith.constant 14 : i32
    %eq3A_335 = vector.broadcast %eq3A_334 : i32 to vector<16xi32>
    %eq3A_336 = arith.cmpi eq, %iota3A, %eq3A_335 : vector<16xi32>
    %broadcast_in_dim3A_337 = vector.broadcast %while3A_311 : i32 to vector<16xi32>
    %select_n3A_338 = arith.select %eq3A_336, %broadcast_in_dim3A_337, %select_n3A_316 : vector<16xi1>, vector<16xi32>
    %eq3A_339 = arith.constant 14 : i32
    %eq3A_340 = vector.broadcast %eq3A_339 : i32 to vector<16xi32>
    %eq3A_341 = arith.cmpi eq, %iota3A, %eq3A_340 : vector<16xi32>
    %sub3A_342 = arith.subi %while3A_333, %while3A_311 : i32
    %broadcast_in_dim3A_343 = vector.broadcast %sub3A_342 : i32 to vector<16xi32>
    %select_n3A_344 = arith.select %eq3A_341, %broadcast_in_dim3A_343, %select_n3A_322 : vector<16xi1>, vector<16xi32>
    %while3A_345 = arith.constant 0 : i32
    %while3A_346 = arith.subi %shift_right_logical3A_13, %while3A_345 : i32
    %while3A_347 = arith.addi %while3A_345, %while3A_346 : i32
    %while3A_348 = arith.constant 1 : i32
    %while3A_349 = arith.divsi %while3A_346, %while3A_348 : i32
    %while3A_350 = arith.muli %while3A_349, %while3A_348 : i32
    %while3A_351 = arith.addi %while3A_345, %while3A_350 : i32
    %while3A_352 = arith.constant 1 : i32
    %while3A_353 = scf.for %while3A_808 = %while3A_345 to %while3A_351 step %while3A_352 iter_args(%while3A_809 = %while3A_333) -> (i32)  : i32 {
      %mul3A_810 = arith.constant 16 : i32
      %mul3A_811 = arith.muli %while3A_808, %mul3A_810 : i32
      %get3A_812 = arith.index_cast %mul3A_811 : i32 to index
      %get3A_813 = tpu.vector_load %arg8[%get3A_812] {strides = array<i32>} : memref<16400xi32, #tpu.memory_space<vmem>>, vector<16xi32>,
      %shift_right_logical3A_814 = arith.constant 12 : i32
      %shift_right_logical3A_815 = vector.broadcast %shift_right_logical3A_814 : i32 to vector<16xi32>
      %shift_right_logical3A_816 = arith.shrui %get3A_813, %shift_right_logical3A_815 : vector<16xi32>
      %and3A_817 = arith.constant 15 : i32
      %and3A_818 = vector.broadcast %and3A_817 : i32 to vector<16xi32>
      %and3A_819 = arith.andi %shift_right_logical3A_816, %and3A_818 : vector<16xi32>
      %eq3A_820 = arith.constant 15 : i32
      %eq3A_821 = vector.broadcast %eq3A_820 : i32 to vector<16xi32>
      %eq3A_822 = arith.cmpi eq, %and3A_819, %eq3A_821 : vector<16xi32>
      %swap3A_823 = arith.index_cast %while3A_809 : i32 to index
      %swap3A_824 = tpu.vector_load %arg9[%swap3A_823] masked %eq3A_822 {strides = array<i32>} : memref<16640xi32, #tpu.memory_space<vmem>>, vector<16xi32>, vector<16xi1>
      tpu.vector_store %arg9[%swap3A_823], %get3A_813 masked %eq3A_822 {strides = array<i32>} : memref<16640xi32, #tpu.memory_space<vmem>>, vector<16xi32>, vector<16xi1>
      %all_reduce_population_count3A = tpu.all_reduce %eq3A_822 {dim = 0 : i64, kind = #tpu.reduction_kind<sum>} : vector<16xi1> -> vector<16xi32>
      %slice3A_825 = vector.extract_strided_slice %all_reduce_population_count3A {offsets = [0], sizes = [1], strides = [1]} : vector<16xi32> to vector<1xi32>
      %squeeze3A_826 = vector.extract %slice3A_825[0] : i32 from vector<1xi32>
      %add3A_827 = arith.addi %while3A_809, %squeeze3A_826 : i32
      scf.yield %add3A_827 : i32
    }
    %while3A_354 = arith.constant 1 : i32
    %while3A_355 = scf.for %while3A_808 = %while3A_351 to %while3A_347 step %while3A_354 iter_args(%while3A_809 = %while3A_353) -> (i32)  : i32 {
      %mul3A_810 = arith.constant 16 : i32
      %mul3A_811 = arith.muli %while3A_808, %mul3A_810 : i32
      %get3A_812 = arith.index_cast %mul3A_811 : i32 to index
      %get3A_813 = tpu.vector_load %arg8[%get3A_812] {strides = array<i32>} : memref<16400xi32, #tpu.memory_space<vmem>>, vector<16xi32>,
      %shift_right_logical3A_814 = arith.constant 12 : i32
      %shift_right_logical3A_815 = vector.broadcast %shift_right_logical3A_814 : i32 to vector<16xi32>
      %shift_right_logical3A_816 = arith.shrui %get3A_813, %shift_right_logical3A_815 : vector<16xi32>
      %and3A_817 = arith.constant 15 : i32
      %and3A_818 = vector.broadcast %and3A_817 : i32 to vector<16xi32>
      %and3A_819 = arith.andi %shift_right_logical3A_816, %and3A_818 : vector<16xi32>
      %eq3A_820 = arith.constant 15 : i32
      %eq3A_821 = vector.broadcast %eq3A_820 : i32 to vector<16xi32>
      %eq3A_822 = arith.cmpi eq, %and3A_819, %eq3A_821 : vector<16xi32>
      %swap3A_823 = arith.index_cast %while3A_809 : i32 to index
      %swap3A_824 = tpu.vector_load %arg9[%swap3A_823] masked %eq3A_822 {strides = array<i32>} : memref<16640xi32, #tpu.memory_space<vmem>>, vector<16xi32>, vector<16xi1>
      tpu.vector_store %arg9[%swap3A_823], %get3A_813 masked %eq3A_822 {strides = array<i32>} : memref<16640xi32, #tpu.memory_space<vmem>>, vector<16xi32>, vector<16xi1>
      %all_reduce_population_count3A = tpu.all_reduce %eq3A_822 {dim = 0 : i64, kind = #tpu.reduction_kind<sum>} : vector<16xi1> -> vector<16xi32>
      %slice3A_825 = vector.extract_strided_slice %all_reduce_population_count3A {offsets = [0], sizes = [1], strides = [1]} : vector<16xi32> to vector<1xi32>
      %squeeze3A_826 = vector.extract %slice3A_825[0] : i32 from vector<1xi32>
      %add3A_827 = arith.addi %while3A_809, %squeeze3A_826 : i32
      scf.yield %add3A_827 : i32
    }
    %eq3A_356 = arith.constant 15 : i32
    %eq3A_357 = vector.broadcast %eq3A_356 : i32 to vector<16xi32>
    %eq3A_358 = arith.cmpi eq, %iota3A, %eq3A_357 : vector<16xi32>
    %broadcast_in_dim3A_359 = vector.broadcast %while3A_333 : i32 to vector<16xi32>
    %select_n3A_360 = arith.select %eq3A_358, %broadcast_in_dim3A_359, %select_n3A_338 : vector<16xi1>, vector<16xi32>
    %eq3A_361 = arith.constant 15 : i32
    %eq3A_362 = vector.broadcast %eq3A_361 : i32 to vector<16xi32>
    %eq3A_363 = arith.cmpi eq, %iota3A, %eq3A_362 : vector<16xi32>
    %sub3A_364 = arith.subi %while3A_355, %while3A_333 : i32
    %broadcast_in_dim3A_365 = vector.broadcast %sub3A_364 : i32 to vector<16xi32>
    %select_n3A_366 = arith.select %eq3A_363, %broadcast_in_dim3A_365, %select_n3A_344 : vector<16xi1>, vector<16xi32>
    %swap3A = arith.constant 0 : index
    %swap3A_367 = tpu.vector_load %arg10[%swap3A] {strides = array<i32>} : memref<16xi32, #tpu.memory_space<vmem>>, vector<16xi32>,
    tpu.vector_store %arg10[%swap3A], %select_n3A_360 {strides = array<i32>} : memref<16xi32, #tpu.memory_space<vmem>>, vector<16xi32>,
    %swap3A_368 = arith.constant 0 : index
    %swap3A_369 = tpu.vector_load %arg11[%swap3A_368] {strides = array<i32>} : memref<16xi32, #tpu.memory_space<vmem>>, vector<16xi32>,
    tpu.vector_store %arg11[%swap3A_368], %select_n3A_366 {strides = array<i32>} : memref<16xi32, #tpu.memory_space<vmem>>, vector<16xi32>,
    %broadcast_in_dim3A_370 = arith.constant 0 : i32
    %broadcast_in_dim3A_371 = vector.broadcast %broadcast_in_dim3A_370 : i32 to vector<16xi32>
    %eq3A_372 = arith.constant 0 : i32
    %eq3A_373 = vector.broadcast %eq3A_372 : i32 to vector<16xi32>
    %eq3A_374 = arith.cmpi eq, %iota3A, %eq3A_373 : vector<16xi32>
    %jit3A_375 = arith.constant 0 : i32
    %broadcast_in_dim3A_376 = vector.broadcast %jit3A_375 : i32 to vector<16xi32>
    %select_n3A_377 = arith.select %eq3A_374, %broadcast_in_dim3A_376, %broadcast_in_dim3A_371 : vector<16xi1>, vector<16xi32>
    %broadcast_in_dim3A_378 = arith.constant 0 : i32
    %broadcast_in_dim3A_379 = vector.broadcast %broadcast_in_dim3A_378 : i32 to vector<16xi32>
    %gather3A = tpu.vector_load_idx %arg11[%broadcast_in_dim3A_379] : memref<16xi32, #tpu.memory_space<vmem>>[vector<16xi32>], vector<16xi32>,
    %slice3A = vector.extract_strided_slice %gather3A {offsets = [0], sizes = [1], strides = [1]} : vector<16xi32> to vector<1xi32>
    %squeeze3A = vector.extract %slice3A[0] : i32 from vector<1xi32>
    %add3A_380 = arith.constant 64 : i32
    %add3A_381 = arith.addi %squeeze3A, %add3A_380 : i32
    %sub3A_382 = arith.constant 1 : i32
    %sub3A_383 = arith.subi %add3A_381, %sub3A_382 : i32
    %shift_right_logical3A_384 = arith.constant 6 : i32
    %shift_right_logical3A_385 = arith.shrui %sub3A_383, %shift_right_logical3A_384 : i32
    %shift_left3A = arith.constant 6 : i32
    %shift_left3A_386 = arith.shli %shift_right_logical3A_385, %shift_left3A : i32
    %add3A_387 = arith.constant 0 : i32
    %add3A_388 = arith.addi %add3A_387, %shift_left3A_386 : i32
    %eq3A_389 = arith.constant 1 : i32
    %eq3A_390 = vector.broadcast %eq3A_389 : i32 to vector<16xi32>
    %eq3A_391 = arith.cmpi eq, %iota3A, %eq3A_390 : vector<16xi32>
    %broadcast_in_dim3A_392 = vector.broadcast %add3A_388 : i32 to vector<16xi32>
    %select_n3A_393 = arith.select %eq3A_391, %broadcast_in_dim3A_392, %select_n3A_377 : vector<16xi1>, vector<16xi32>
    %broadcast_in_dim3A_394 = arith.constant 1 : i32
    %broadcast_in_dim3A_395 = vector.broadcast %broadcast_in_dim3A_394 : i32 to vector<16xi32>
    %gather3A_396 = tpu.vector_load_idx %arg11[%broadcast_in_dim3A_395] : memref<16xi32, #tpu.memory_space<vmem>>[vector<16xi32>], vector<16xi32>,
    %slice3A_397 = vector.extract_strided_slice %gather3A_396 {offsets = [0], sizes = [1], strides = [1]} : vector<16xi32> to vector<1xi32>
    %squeeze3A_398 = vector.extract %slice3A_397[0] : i32 from vector<1xi32>
    %add3A_399 = arith.constant 64 : i32
    %add3A_400 = arith.addi %squeeze3A_398, %add3A_399 : i32
    %sub3A_401 = arith.constant 1 : i32
    %sub3A_402 = arith.subi %add3A_400, %sub3A_401 : i32
    %shift_right_logical3A_403 = arith.constant 6 : i32
    %shift_right_logical3A_404 = arith.shrui %sub3A_402, %shift_right_logical3A_403 : i32
    %shift_left3A_405 = arith.constant 6 : i32
    %shift_left3A_406 = arith.shli %shift_right_logical3A_404, %shift_left3A_405 : i32
    %add3A_407 = arith.addi %add3A_388, %shift_left3A_406 : i32
    %eq3A_408 = arith.constant 2 : i32
    %eq3A_409 = vector.broadcast %eq3A_408 : i32 to vector<16xi32>
    %eq3A_410 = arith.cmpi eq, %iota3A, %eq3A_409 : vector<16xi32>
    %broadcast_in_dim3A_411 = vector.broadcast %add3A_407 : i32 to vector<16xi32>
    %select_n3A_412 = arith.select %eq3A_410, %broadcast_in_dim3A_411, %select_n3A_393 : vector<16xi1>, vector<16xi32>
    %broadcast_in_dim3A_413 = arith.constant 2 : i32
    %broadcast_in_dim3A_414 = vector.broadcast %broadcast_in_dim3A_413 : i32 to vector<16xi32>
    %gather3A_415 = tpu.vector_load_idx %arg11[%broadcast_in_dim3A_414] : memref<16xi32, #tpu.memory_space<vmem>>[vector<16xi32>], vector<16xi32>,
    %slice3A_416 = vector.extract_strided_slice %gather3A_415 {offsets = [0], sizes = [1], strides = [1]} : vector<16xi32> to vector<1xi32>
    %squeeze3A_417 = vector.extract %slice3A_416[0] : i32 from vector<1xi32>
    %add3A_418 = arith.constant 64 : i32
    %add3A_419 = arith.addi %squeeze3A_417, %add3A_418 : i32
    %sub3A_420 = arith.constant 1 : i32
    %sub3A_421 = arith.subi %add3A_419, %sub3A_420 : i32
    %shift_right_logical3A_422 = arith.constant 6 : i32
    %shift_right_logical3A_423 = arith.shrui %sub3A_421, %shift_right_logical3A_422 : i32
    %shift_left3A_424 = arith.constant 6 : i32
    %shift_left3A_425 = arith.shli %shift_right_logical3A_423, %shift_left3A_424 : i32
    %add3A_426 = arith.addi %add3A_407, %shift_left3A_425 : i32
    %eq3A_427 = arith.constant 3 : i32
    %eq3A_428 = vector.broadcast %eq3A_427 : i32 to vector<16xi32>
    %eq3A_429 = arith.cmpi eq, %iota3A, %eq3A_428 : vector<16xi32>
    %broadcast_in_dim3A_430 = vector.broadcast %add3A_426 : i32 to vector<16xi32>
    %select_n3A_431 = arith.select %eq3A_429, %broadcast_in_dim3A_430, %select_n3A_412 : vector<16xi1>, vector<16xi32>
    %broadcast_in_dim3A_432 = arith.constant 3 : i32
    %broadcast_in_dim3A_433 = vector.broadcast %broadcast_in_dim3A_432 : i32 to vector<16xi32>
    %gather3A_434 = tpu.vector_load_idx %arg11[%broadcast_in_dim3A_433] : memref<16xi32, #tpu.memory_space<vmem>>[vector<16xi32>], vector<16xi32>,
    %slice3A_435 = vector.extract_strided_slice %gather3A_434 {offsets = [0], sizes = [1], strides = [1]} : vector<16xi32> to vector<1xi32>
    %squeeze3A_436 = vector.extract %slice3A_435[0] : i32 from vector<1xi32>
    %add3A_437 = arith.constant 64 : i32
    %add3A_438 = arith.addi %squeeze3A_436, %add3A_437 : i32
    %sub3A_439 = arith.constant 1 : i32
    %sub3A_440 = arith.subi %add3A_438, %sub3A_439 : i32
    %shift_right_logical3A_441 = arith.constant 6 : i32
    %shift_right_logical3A_442 = arith.shrui %sub3A_440, %shift_right_logical3A_441 : i32
    %shift_left3A_443 = arith.constant 6 : i32
    %shift_left3A_444 = arith.shli %shift_right_logical3A_442, %shift_left3A_443 : i32
    %add3A_445 = arith.addi %add3A_426, %shift_left3A_444 : i32
    %eq3A_446 = arith.constant 4 : i32
    %eq3A_447 = vector.broadcast %eq3A_446 : i32 to vector<16xi32>
    %eq3A_448 = arith.cmpi eq, %iota3A, %eq3A_447 : vector<16xi32>
    %broadcast_in_dim3A_449 = vector.broadcast %add3A_445 : i32 to vector<16xi32>
    %select_n3A_450 = arith.select %eq3A_448, %broadcast_in_dim3A_449, %select_n3A_431 : vector<16xi1>, vector<16xi32>
    %broadcast_in_dim3A_451 = arith.constant 4 : i32
    %broadcast_in_dim3A_452 = vector.broadcast %broadcast_in_dim3A_451 : i32 to vector<16xi32>
    %gather3A_453 = tpu.vector_load_idx %arg11[%broadcast_in_dim3A_452] : memref<16xi32, #tpu.memory_space<vmem>>[vector<16xi32>], vector<16xi32>,
    %slice3A_454 = vector.extract_strided_slice %gather3A_453 {offsets = [0], sizes = [1], strides = [1]} : vector<16xi32> to vector<1xi32>
    %squeeze3A_455 = vector.extract %slice3A_454[0] : i32 from vector<1xi32>
    %add3A_456 = arith.constant 64 : i32
    %add3A_457 = arith.addi %squeeze3A_455, %add3A_456 : i32
    %sub3A_458 = arith.constant 1 : i32
    %sub3A_459 = arith.subi %add3A_457, %sub3A_458 : i32
    %shift_right_logical3A_460 = arith.constant 6 : i32
    %shift_right_logical3A_461 = arith.shrui %sub3A_459, %shift_right_logical3A_460 : i32
    %shift_left3A_462 = arith.constant 6 : i32
    %shift_left3A_463 = arith.shli %shift_right_logical3A_461, %shift_left3A_462 : i32
    %add3A_464 = arith.addi %add3A_445, %shift_left3A_463 : i32
    %eq3A_465 = arith.constant 5 : i32
    %eq3A_466 = vector.broadcast %eq3A_465 : i32 to vector<16xi32>
    %eq3A_467 = arith.cmpi eq, %iota3A, %eq3A_466 : vector<16xi32>
    %broadcast_in_dim3A_468 = vector.broadcast %add3A_464 : i32 to vector<16xi32>
    %select_n3A_469 = arith.select %eq3A_467, %broadcast_in_dim3A_468, %select_n3A_450 : vector<16xi1>, vector<16xi32>
    %broadcast_in_dim3A_470 = arith.constant 5 : i32
    %broadcast_in_dim3A_471 = vector.broadcast %broadcast_in_dim3A_470 : i32 to vector<16xi32>
    %gather3A_472 = tpu.vector_load_idx %arg11[%broadcast_in_dim3A_471] : memref<16xi32, #tpu.memory_space<vmem>>[vector<16xi32>], vector<16xi32>,
    %slice3A_473 = vector.extract_strided_slice %gather3A_472 {offsets = [0], sizes = [1], strides = [1]} : vector<16xi32> to vector<1xi32>
    %squeeze3A_474 = vector.extract %slice3A_473[0] : i32 from vector<1xi32>
    %add3A_475 = arith.constant 64 : i32
    %add3A_476 = arith.addi %squeeze3A_474, %add3A_475 : i32
    %sub3A_477 = arith.constant 1 : i32
    %sub3A_478 = arith.subi %add3A_476, %sub3A_477 : i32
    %shift_right_logical3A_479 = arith.constant 6 : i32
    %shift_right_logical3A_480 = arith.shrui %sub3A_478, %shift_right_logical3A_479 : i32
    %shift_left3A_481 = arith.constant 6 : i32
    %shift_left3A_482 = arith.shli %shift_right_logical3A_480, %shift_left3A_481 : i32
    %add3A_483 = arith.addi %add3A_464, %shift_left3A_482 : i32
    %eq3A_484 = arith.constant 6 : i32
    %eq3A_485 = vector.broadcast %eq3A_484 : i32 to vector<16xi32>
    %eq3A_486 = arith.cmpi eq, %iota3A, %eq3A_485 : vector<16xi32>
    %broadcast_in_dim3A_487 = vector.broadcast %add3A_483 : i32 to vector<16xi32>
    %select_n3A_488 = arith.select %eq3A_486, %broadcast_in_dim3A_487, %select_n3A_469 : vector<16xi1>, vector<16xi32>
    %broadcast_in_dim3A_489 = arith.constant 6 : i32
    %broadcast_in_dim3A_490 = vector.broadcast %broadcast_in_dim3A_489 : i32 to vector<16xi32>
    %gather3A_491 = tpu.vector_load_idx %arg11[%broadcast_in_dim3A_490] : memref<16xi32, #tpu.memory_space<vmem>>[vector<16xi32>], vector<16xi32>,
    %slice3A_492 = vector.extract_strided_slice %gather3A_491 {offsets = [0], sizes = [1], strides = [1]} : vector<16xi32> to vector<1xi32>
    %squeeze3A_493 = vector.extract %slice3A_492[0] : i32 from vector<1xi32>
    %add3A_494 = arith.constant 64 : i32
    %add3A_495 = arith.addi %squeeze3A_493, %add3A_494 : i32
    %sub3A_496 = arith.constant 1 : i32
    %sub3A_497 = arith.subi %add3A_495, %sub3A_496 : i32
    %shift_right_logical3A_498 = arith.constant 6 : i32
    %shift_right_logical3A_499 = arith.shrui %sub3A_497, %shift_right_logical3A_498 : i32
    %shift_left3A_500 = arith.constant 6 : i32
    %shift_left3A_501 = arith.shli %shift_right_logical3A_499, %shift_left3A_500 : i32
    %add3A_502 = arith.addi %add3A_483, %shift_left3A_501 : i32
    %eq3A_503 = arith.constant 7 : i32
    %eq3A_504 = vector.broadcast %eq3A_503 : i32 to vector<16xi32>
    %eq3A_505 = arith.cmpi eq, %iota3A, %eq3A_504 : vector<16xi32>
    %broadcast_in_dim3A_506 = vector.broadcast %add3A_502 : i32 to vector<16xi32>
    %select_n3A_507 = arith.select %eq3A_505, %broadcast_in_dim3A_506, %select_n3A_488 : vector<16xi1>, vector<16xi32>
    %broadcast_in_dim3A_508 = arith.constant 7 : i32
    %broadcast_in_dim3A_509 = vector.broadcast %broadcast_in_dim3A_508 : i32 to vector<16xi32>
    %gather3A_510 = tpu.vector_load_idx %arg11[%broadcast_in_dim3A_509] : memref<16xi32, #tpu.memory_space<vmem>>[vector<16xi32>], vector<16xi32>,
    %slice3A_511 = vector.extract_strided_slice %gather3A_510 {offsets = [0], sizes = [1], strides = [1]} : vector<16xi32> to vector<1xi32>
    %squeeze3A_512 = vector.extract %slice3A_511[0] : i32 from vector<1xi32>
    %add3A_513 = arith.constant 64 : i32
    %add3A_514 = arith.addi %squeeze3A_512, %add3A_513 : i32
    %sub3A_515 = arith.constant 1 : i32
    %sub3A_516 = arith.subi %add3A_514, %sub3A_515 : i32
    %shift_right_logical3A_517 = arith.constant 6 : i32
    %shift_right_logical3A_518 = arith.shrui %sub3A_516, %shift_right_logical3A_517 : i32
    %shift_left3A_519 = arith.constant 6 : i32
    %shift_left3A_520 = arith.shli %shift_right_logical3A_518, %shift_left3A_519 : i32
    %add3A_521 = arith.addi %add3A_502, %shift_left3A_520 : i32
    %eq3A_522 = arith.constant 8 : i32
    %eq3A_523 = vector.broadcast %eq3A_522 : i32 to vector<16xi32>
    %eq3A_524 = arith.cmpi eq, %iota3A, %eq3A_523 : vector<16xi32>
    %broadcast_in_dim3A_525 = vector.broadcast %add3A_521 : i32 to vector<16xi32>
    %select_n3A_526 = arith.select %eq3A_524, %broadcast_in_dim3A_525, %select_n3A_507 : vector<16xi1>, vector<16xi32>
    %broadcast_in_dim3A_527 = arith.constant 8 : i32
    %broadcast_in_dim3A_528 = vector.broadcast %broadcast_in_dim3A_527 : i32 to vector<16xi32>
    %gather3A_529 = tpu.vector_load_idx %arg11[%broadcast_in_dim3A_528] : memref<16xi32, #tpu.memory_space<vmem>>[vector<16xi32>], vector<16xi32>,
    %slice3A_530 = vector.extract_strided_slice %gather3A_529 {offsets = [0], sizes = [1], strides = [1]} : vector<16xi32> to vector<1xi32>
    %squeeze3A_531 = vector.extract %slice3A_530[0] : i32 from vector<1xi32>
    %add3A_532 = arith.constant 64 : i32
    %add3A_533 = arith.addi %squeeze3A_531, %add3A_532 : i32
    %sub3A_534 = arith.constant 1 : i32
    %sub3A_535 = arith.subi %add3A_533, %sub3A_534 : i32
    %shift_right_logical3A_536 = arith.constant 6 : i32
    %shift_right_logical3A_537 = arith.shrui %sub3A_535, %shift_right_logical3A_536 : i32
    %shift_left3A_538 = arith.constant 6 : i32
    %shift_left3A_539 = arith.shli %shift_right_logical3A_537, %shift_left3A_538 : i32
    %add3A_540 = arith.addi %add3A_521, %shift_left3A_539 : i32
    %eq3A_541 = arith.constant 9 : i32
    %eq3A_542 = vector.broadcast %eq3A_541 : i32 to vector<16xi32>
    %eq3A_543 = arith.cmpi eq, %iota3A, %eq3A_542 : vector<16xi32>
    %broadcast_in_dim3A_544 = vector.broadcast %add3A_540 : i32 to vector<16xi32>
    %select_n3A_545 = arith.select %eq3A_543, %broadcast_in_dim3A_544, %select_n3A_526 : vector<16xi1>, vector<16xi32>
    %broadcast_in_dim3A_546 = arith.constant 9 : i32
    %broadcast_in_dim3A_547 = vector.broadcast %broadcast_in_dim3A_546 : i32 to vector<16xi32>
    %gather3A_548 = tpu.vector_load_idx %arg11[%broadcast_in_dim3A_547] : memref<16xi32, #tpu.memory_space<vmem>>[vector<16xi32>], vector<16xi32>,
    %slice3A_549 = vector.extract_strided_slice %gather3A_548 {offsets = [0], sizes = [1], strides = [1]} : vector<16xi32> to vector<1xi32>
    %squeeze3A_550 = vector.extract %slice3A_549[0] : i32 from vector<1xi32>
    %add3A_551 = arith.constant 64 : i32
    %add3A_552 = arith.addi %squeeze3A_550, %add3A_551 : i32
    %sub3A_553 = arith.constant 1 : i32
    %sub3A_554 = arith.subi %add3A_552, %sub3A_553 : i32
    %shift_right_logical3A_555 = arith.constant 6 : i32
    %shift_right_logical3A_556 = arith.shrui %sub3A_554, %shift_right_logical3A_555 : i32
    %shift_left3A_557 = arith.constant 6 : i32
    %shift_left3A_558 = arith.shli %shift_right_logical3A_556, %shift_left3A_557 : i32
    %add3A_559 = arith.addi %add3A_540, %shift_left3A_558 : i32
    %eq3A_560 = arith.constant 10 : i32
    %eq3A_561 = vector.broadcast %eq3A_560 : i32 to vector<16xi32>
    %eq3A_562 = arith.cmpi eq, %iota3A, %eq3A_561 : vector<16xi32>
    %broadcast_in_dim3A_563 = vector.broadcast %add3A_559 : i32 to vector<16xi32>
    %select_n3A_564 = arith.select %eq3A_562, %broadcast_in_dim3A_563, %select_n3A_545 : vector<16xi1>, vector<16xi32>
    %broadcast_in_dim3A_565 = arith.constant 10 : i32
    %broadcast_in_dim3A_566 = vector.broadcast %broadcast_in_dim3A_565 : i32 to vector<16xi32>
    %gather3A_567 = tpu.vector_load_idx %arg11[%broadcast_in_dim3A_566] : memref<16xi32, #tpu.memory_space<vmem>>[vector<16xi32>], vector<16xi32>,
    %slice3A_568 = vector.extract_strided_slice %gather3A_567 {offsets = [0], sizes = [1], strides = [1]} : vector<16xi32> to vector<1xi32>
    %squeeze3A_569 = vector.extract %slice3A_568[0] : i32 from vector<1xi32>
    %add3A_570 = arith.constant 64 : i32
    %add3A_571 = arith.addi %squeeze3A_569, %add3A_570 : i32
    %sub3A_572 = arith.constant 1 : i32
    %sub3A_573 = arith.subi %add3A_571, %sub3A_572 : i32
    %shift_right_logical3A_574 = arith.constant 6 : i32
    %shift_right_logical3A_575 = arith.shrui %sub3A_573, %shift_right_logical3A_574 : i32
    %shift_left3A_576 = arith.constant 6 : i32
    %shift_left3A_577 = arith.shli %shift_right_logical3A_575, %shift_left3A_576 : i32
    %add3A_578 = arith.addi %add3A_559, %shift_left3A_577 : i32
    %eq3A_579 = arith.constant 11 : i32
    %eq3A_580 = vector.broadcast %eq3A_579 : i32 to vector<16xi32>
    %eq3A_581 = arith.cmpi eq, %iota3A, %eq3A_580 : vector<16xi32>
    %broadcast_in_dim3A_582 = vector.broadcast %add3A_578 : i32 to vector<16xi32>
    %select_n3A_583 = arith.select %eq3A_581, %broadcast_in_dim3A_582, %select_n3A_564 : vector<16xi1>, vector<16xi32>
    %broadcast_in_dim3A_584 = arith.constant 11 : i32
    %broadcast_in_dim3A_585 = vector.broadcast %broadcast_in_dim3A_584 : i32 to vector<16xi32>
    %gather3A_586 = tpu.vector_load_idx %arg11[%broadcast_in_dim3A_585] : memref<16xi32, #tpu.memory_space<vmem>>[vector<16xi32>], vector<16xi32>,
    %slice3A_587 = vector.extract_strided_slice %gather3A_586 {offsets = [0], sizes = [1], strides = [1]} : vector<16xi32> to vector<1xi32>
    %squeeze3A_588 = vector.extract %slice3A_587[0] : i32 from vector<1xi32>
    %add3A_589 = arith.constant 64 : i32
    %add3A_590 = arith.addi %squeeze3A_588, %add3A_589 : i32
    %sub3A_591 = arith.constant 1 : i32
    %sub3A_592 = arith.subi %add3A_590, %sub3A_591 : i32
    %shift_right_logical3A_593 = arith.constant 6 : i32
    %shift_right_logical3A_594 = arith.shrui %sub3A_592, %shift_right_logical3A_593 : i32
    %shift_left3A_595 = arith.constant 6 : i32
    %shift_left3A_596 = arith.shli %shift_right_logical3A_594, %shift_left3A_595 : i32
    %add3A_597 = arith.addi %add3A_578, %shift_left3A_596 : i32
    %eq3A_598 = arith.constant 12 : i32
    %eq3A_599 = vector.broadcast %eq3A_598 : i32 to vector<16xi32>
    %eq3A_600 = arith.cmpi eq, %iota3A, %eq3A_599 : vector<16xi32>
    %broadcast_in_dim3A_601 = vector.broadcast %add3A_597 : i32 to vector<16xi32>
    %select_n3A_602 = arith.select %eq3A_600, %broadcast_in_dim3A_601, %select_n3A_583 : vector<16xi1>, vector<16xi32>
    %broadcast_in_dim3A_603 = arith.constant 12 : i32
    %broadcast_in_dim3A_604 = vector.broadcast %broadcast_in_dim3A_603 : i32 to vector<16xi32>
    %gather3A_605 = tpu.vector_load_idx %arg11[%broadcast_in_dim3A_604] : memref<16xi32, #tpu.memory_space<vmem>>[vector<16xi32>], vector<16xi32>,
    %slice3A_606 = vector.extract_strided_slice %gather3A_605 {offsets = [0], sizes = [1], strides = [1]} : vector<16xi32> to vector<1xi32>
    %squeeze3A_607 = vector.extract %slice3A_606[0] : i32 from vector<1xi32>
    %add3A_608 = arith.constant 64 : i32
    %add3A_609 = arith.addi %squeeze3A_607, %add3A_608 : i32
    %sub3A_610 = arith.constant 1 : i32
    %sub3A_611 = arith.subi %add3A_609, %sub3A_610 : i32
    %shift_right_logical3A_612 = arith.constant 6 : i32
    %shift_right_logical3A_613 = arith.shrui %sub3A_611, %shift_right_logical3A_612 : i32
    %shift_left3A_614 = arith.constant 6 : i32
    %shift_left3A_615 = arith.shli %shift_right_logical3A_613, %shift_left3A_614 : i32
    %add3A_616 = arith.addi %add3A_597, %shift_left3A_615 : i32
    %eq3A_617 = arith.constant 13 : i32
    %eq3A_618 = vector.broadcast %eq3A_617 : i32 to vector<16xi32>
    %eq3A_619 = arith.cmpi eq, %iota3A, %eq3A_618 : vector<16xi32>
    %broadcast_in_dim3A_620 = vector.broadcast %add3A_616 : i32 to vector<16xi32>
    %select_n3A_621 = arith.select %eq3A_619, %broadcast_in_dim3A_620, %select_n3A_602 : vector<16xi1>, vector<16xi32>
    %broadcast_in_dim3A_622 = arith.constant 13 : i32
    %broadcast_in_dim3A_623 = vector.broadcast %broadcast_in_dim3A_622 : i32 to vector<16xi32>
    %gather3A_624 = tpu.vector_load_idx %arg11[%broadcast_in_dim3A_623] : memref<16xi32, #tpu.memory_space<vmem>>[vector<16xi32>], vector<16xi32>,
    %slice3A_625 = vector.extract_strided_slice %gather3A_624 {offsets = [0], sizes = [1], strides = [1]} : vector<16xi32> to vector<1xi32>
    %squeeze3A_626 = vector.extract %slice3A_625[0] : i32 from vector<1xi32>
    %add3A_627 = arith.constant 64 : i32
    %add3A_628 = arith.addi %squeeze3A_626, %add3A_627 : i32
    %sub3A_629 = arith.constant 1 : i32
    %sub3A_630 = arith.subi %add3A_628, %sub3A_629 : i32
    %shift_right_logical3A_631 = arith.constant 6 : i32
    %shift_right_logical3A_632 = arith.shrui %sub3A_630, %shift_right_logical3A_631 : i32
    %shift_left3A_633 = arith.constant 6 : i32
    %shift_left3A_634 = arith.shli %shift_right_logical3A_632, %shift_left3A_633 : i32
    %add3A_635 = arith.addi %add3A_616, %shift_left3A_634 : i32
    %eq3A_636 = arith.constant 14 : i32
    %eq3A_637 = vector.broadcast %eq3A_636 : i32 to vector<16xi32>
    %eq3A_638 = arith.cmpi eq, %iota3A, %eq3A_637 : vector<16xi32>
    %broadcast_in_dim3A_639 = vector.broadcast %add3A_635 : i32 to vector<16xi32>
    %select_n3A_640 = arith.select %eq3A_638, %broadcast_in_dim3A_639, %select_n3A_621 : vector<16xi1>, vector<16xi32>
    %broadcast_in_dim3A_641 = arith.constant 14 : i32
    %broadcast_in_dim3A_642 = vector.broadcast %broadcast_in_dim3A_641 : i32 to vector<16xi32>
    %gather3A_643 = tpu.vector_load_idx %arg11[%broadcast_in_dim3A_642] : memref<16xi32, #tpu.memory_space<vmem>>[vector<16xi32>], vector<16xi32>,
    %slice3A_644 = vector.extract_strided_slice %gather3A_643 {offsets = [0], sizes = [1], strides = [1]} : vector<16xi32> to vector<1xi32>
    %squeeze3A_645 = vector.extract %slice3A_644[0] : i32 from vector<1xi32>
    %add3A_646 = arith.constant 64 : i32
    %add3A_647 = arith.addi %squeeze3A_645, %add3A_646 : i32
    %sub3A_648 = arith.constant 1 : i32
    %sub3A_649 = arith.subi %add3A_647, %sub3A_648 : i32
    %shift_right_logical3A_650 = arith.constant 6 : i32
    %shift_right_logical3A_651 = arith.shrui %sub3A_649, %shift_right_logical3A_650 : i32
    %shift_left3A_652 = arith.constant 6 : i32
    %shift_left3A_653 = arith.shli %shift_right_logical3A_651, %shift_left3A_652 : i32
    %add3A_654 = arith.addi %add3A_635, %shift_left3A_653 : i32
    %eq3A_655 = arith.constant 15 : i32
    %eq3A_656 = vector.broadcast %eq3A_655 : i32 to vector<16xi32>
    %eq3A_657 = arith.cmpi eq, %iota3A, %eq3A_656 : vector<16xi32>
    %broadcast_in_dim3A_658 = vector.broadcast %add3A_654 : i32 to vector<16xi32>
    %select_n3A_659 = arith.select %eq3A_657, %broadcast_in_dim3A_658, %select_n3A_640 : vector<16xi1>, vector<16xi32>
    %broadcast_in_dim3A_660 = arith.constant 15 : i32
    %broadcast_in_dim3A_661 = vector.broadcast %broadcast_in_dim3A_660 : i32 to vector<16xi32>
    %gather3A_662 = tpu.vector_load_idx %arg11[%broadcast_in_dim3A_661] : memref<16xi32, #tpu.memory_space<vmem>>[vector<16xi32>], vector<16xi32>,
    %slice3A_663 = vector.extract_strided_slice %gather3A_662 {offsets = [0], sizes = [1], strides = [1]} : vector<16xi32> to vector<1xi32>
    %squeeze3A_664 = vector.extract %slice3A_663[0] : i32 from vector<1xi32>
    %add3A_665 = arith.constant 64 : i32
    %add3A_666 = arith.addi %squeeze3A_664, %add3A_665 : i32
    %sub3A_667 = arith.constant 1 : i32
    %sub3A_668 = arith.subi %add3A_666, %sub3A_667 : i32
    %shift_right_logical3A_669 = arith.constant 6 : i32
    %shift_right_logical3A_670 = arith.shrui %sub3A_668, %shift_right_logical3A_669 : i32
    %shift_left3A_671 = arith.constant 6 : i32
    %shift_left3A_672 = arith.shli %shift_right_logical3A_670, %shift_left3A_671 : i32
    %add3A_673 = arith.addi %add3A_654, %shift_left3A_672 : i32
    %swap3A_674 = arith.constant 0 : index
    %swap3A_675 = tpu.vector_load %arg13[%swap3A_674] {strides = array<i32>} : memref<16xi32, #tpu.memory_space<vmem>>, vector<16xi32>,
    tpu.vector_store %arg13[%swap3A_674], %select_n3A_659 {strides = array<i32>} : memref<16xi32, #tpu.memory_space<vmem>>, vector<16xi32>,
    %swap3A_676 = arith.constant 0 : i32
    %swap3A_677 = arith.constant 0 : i32
    %swap3A_678 = arith.index_cast %swap3A_677 : i32 to index
    %swap3A_679 = memref.load %arg14[%swap3A_678] : memref<8xi32, #tpu.memory_space<smem>>
    memref.store %swap3A_676, %arg14[%swap3A_678] : memref<8xi32, #tpu.memory_space<smem>>
    %barrier3A = arith.constant 0 : index
    tpu.barrier barrier_id(%barrier3A)
    %lt3A = arith.constant 0 : i32
    %lt3A_680 = arith.cmpi slt, %arg1, %lt3A : i32
    %convert_element_type3A = arith.extui %lt3A_680 : i1 to i32
    %cond3A = arith.constant 0 : i32
    %cond3A_681 = arith.cmpi ne, %convert_element_type3A, %cond3A : i32
    scf.if %cond3A_681 {
      %sc_fetch_and_add3A = arith.constant 0 : i32
      %sc_fetch_and_add3A_808 = arith.constant 0 : i32
      %sc_fetch_and_add3A_809 = tpu.fetch_and_add_sync %arg14[%sc_fetch_and_add3A], %add3A_673, %sc_fetch_and_add3A_808 : memref<8xi32, #tpu.memory_space<smem>>, i32 -> i32
    } else {
    }
    %lt3A_682 = arith.constant 1 : i32
    %lt3A_683 = arith.cmpi slt, %arg1, %lt3A_682 : i32
    %convert_element_type3A_684 = arith.extui %lt3A_683 : i1 to i32
    %cond3A_685 = arith.constant 0 : i32
    %cond3A_686 = arith.cmpi ne, %convert_element_type3A_684, %cond3A_685 : i32
    scf.if %cond3A_686 {
      %sc_fetch_and_add3A = arith.constant 0 : i32
      %sc_fetch_and_add3A_808 = arith.constant 1 : i32
      %sc_fetch_and_add3A_809 = tpu.fetch_and_add_sync %arg14[%sc_fetch_and_add3A], %add3A_673, %sc_fetch_and_add3A_808 : memref<8xi32, #tpu.memory_space<smem>>, i32 -> i32
    } else {
    }
    %lt3A_687 = arith.constant 2 : i32
    %lt3A_688 = arith.cmpi slt, %arg1, %lt3A_687 : i32
    %convert_element_type3A_689 = arith.extui %lt3A_688 : i1 to i32
    %cond3A_690 = arith.constant 0 : i32
    %cond3A_691 = arith.cmpi ne, %convert_element_type3A_689, %cond3A_690 : i32
    scf.if %cond3A_691 {
      %sc_fetch_and_add3A = arith.constant 0 : i32
      %sc_fetch_and_add3A_808 = arith.constant 2 : i32
      %sc_fetch_and_add3A_809 = tpu.fetch_and_add_sync %arg14[%sc_fetch_and_add3A], %add3A_673, %sc_fetch_and_add3A_808 : memref<8xi32, #tpu.memory_space<smem>>, i32 -> i32
    } else {
    }
    %lt3A_692 = arith.constant 3 : i32
    %lt3A_693 = arith.cmpi slt, %arg1, %lt3A_692 : i32
    %convert_element_type3A_694 = arith.extui %lt3A_693 : i1 to i32
    %cond3A_695 = arith.constant 0 : i32
    %cond3A_696 = arith.cmpi ne, %convert_element_type3A_694, %cond3A_695 : i32
    scf.if %cond3A_696 {
      %sc_fetch_and_add3A = arith.constant 0 : i32
      %sc_fetch_and_add3A_808 = arith.constant 3 : i32
      %sc_fetch_and_add3A_809 = tpu.fetch_and_add_sync %arg14[%sc_fetch_and_add3A], %add3A_673, %sc_fetch_and_add3A_808 : memref<8xi32, #tpu.memory_space<smem>>, i32 -> i32
    } else {
    }
    %lt3A_697 = arith.constant 4 : i32
    %lt3A_698 = arith.cmpi slt, %arg1, %lt3A_697 : i32
    %convert_element_type3A_699 = arith.extui %lt3A_698 : i1 to i32
    %cond3A_700 = arith.constant 0 : i32
    %cond3A_701 = arith.cmpi ne, %convert_element_type3A_699, %cond3A_700 : i32
    scf.if %cond3A_701 {
      %sc_fetch_and_add3A = arith.constant 0 : i32
      %sc_fetch_and_add3A_808 = arith.constant 4 : i32
      %sc_fetch_and_add3A_809 = tpu.fetch_and_add_sync %arg14[%sc_fetch_and_add3A], %add3A_673, %sc_fetch_and_add3A_808 : memref<8xi32, #tpu.memory_space<smem>>, i32 -> i32
    } else {
    }
    %lt3A_702 = arith.constant 5 : i32
    %lt3A_703 = arith.cmpi slt, %arg1, %lt3A_702 : i32
    %convert_element_type3A_704 = arith.extui %lt3A_703 : i1 to i32
    %cond3A_705 = arith.constant 0 : i32
    %cond3A_706 = arith.cmpi ne, %convert_element_type3A_704, %cond3A_705 : i32
    scf.if %cond3A_706 {
      %sc_fetch_and_add3A = arith.constant 0 : i32
      %sc_fetch_and_add3A_808 = arith.constant 5 : i32
      %sc_fetch_and_add3A_809 = tpu.fetch_and_add_sync %arg14[%sc_fetch_and_add3A], %add3A_673, %sc_fetch_and_add3A_808 : memref<8xi32, #tpu.memory_space<smem>>, i32 -> i32
    } else {
    }
    %lt3A_707 = arith.constant 6 : i32
    %lt3A_708 = arith.cmpi slt, %arg1, %lt3A_707 : i32
    %convert_element_type3A_709 = arith.extui %lt3A_708 : i1 to i32
    %cond3A_710 = arith.constant 0 : i32
    %cond3A_711 = arith.cmpi ne, %convert_element_type3A_709, %cond3A_710 : i32
    scf.if %cond3A_711 {
      %sc_fetch_and_add3A = arith.constant 0 : i32
      %sc_fetch_and_add3A_808 = arith.constant 6 : i32
      %sc_fetch_and_add3A_809 = tpu.fetch_and_add_sync %arg14[%sc_fetch_and_add3A], %add3A_673, %sc_fetch_and_add3A_808 : memref<8xi32, #tpu.memory_space<smem>>, i32 -> i32
    } else {
    }
    %lt3A_712 = arith.constant 7 : i32
    %lt3A_713 = arith.cmpi slt, %arg1, %lt3A_712 : i32
    %convert_element_type3A_714 = arith.extui %lt3A_713 : i1 to i32
    %cond3A_715 = arith.constant 0 : i32
    %cond3A_716 = arith.cmpi ne, %convert_element_type3A_714, %cond3A_715 : i32
    scf.if %cond3A_716 {
      %sc_fetch_and_add3A = arith.constant 0 : i32
      %sc_fetch_and_add3A_808 = arith.constant 7 : i32
      %sc_fetch_and_add3A_809 = tpu.fetch_and_add_sync %arg14[%sc_fetch_and_add3A], %add3A_673, %sc_fetch_and_add3A_808 : memref<8xi32, #tpu.memory_space<smem>>, i32 -> i32
    } else {
    }
    %lt3A_717 = arith.constant 8 : i32
    %lt3A_718 = arith.cmpi slt, %arg1, %lt3A_717 : i32
    %convert_element_type3A_719 = arith.extui %lt3A_718 : i1 to i32
    %cond3A_720 = arith.constant 0 : i32
    %cond3A_721 = arith.cmpi ne, %convert_element_type3A_719, %cond3A_720 : i32
    scf.if %cond3A_721 {
      %sc_fetch_and_add3A = arith.constant 0 : i32
      %sc_fetch_and_add3A_808 = arith.constant 8 : i32
      %sc_fetch_and_add3A_809 = tpu.fetch_and_add_sync %arg14[%sc_fetch_and_add3A], %add3A_673, %sc_fetch_and_add3A_808 : memref<8xi32, #tpu.memory_space<smem>>, i32 -> i32
    } else {
    }
    %lt3A_722 = arith.constant 9 : i32
    %lt3A_723 = arith.cmpi slt, %arg1, %lt3A_722 : i32
    %convert_element_type3A_724 = arith.extui %lt3A_723 : i1 to i32
    %cond3A_725 = arith.constant 0 : i32
    %cond3A_726 = arith.cmpi ne, %convert_element_type3A_724, %cond3A_725 : i32
    scf.if %cond3A_726 {
      %sc_fetch_and_add3A = arith.constant 0 : i32
      %sc_fetch_and_add3A_808 = arith.constant 9 : i32
      %sc_fetch_and_add3A_809 = tpu.fetch_and_add_sync %arg14[%sc_fetch_and_add3A], %add3A_673, %sc_fetch_and_add3A_808 : memref<8xi32, #tpu.memory_space<smem>>, i32 -> i32
    } else {
    }
    %lt3A_727 = arith.constant 10 : i32
    %lt3A_728 = arith.cmpi slt, %arg1, %lt3A_727 : i32
    %convert_element_type3A_729 = arith.extui %lt3A_728 : i1 to i32
    %cond3A_730 = arith.constant 0 : i32
    %cond3A_731 = arith.cmpi ne, %convert_element_type3A_729, %cond3A_730 : i32
    scf.if %cond3A_731 {
      %sc_fetch_and_add3A = arith.constant 0 : i32
      %sc_fetch_and_add3A_808 = arith.constant 10 : i32
      %sc_fetch_and_add3A_809 = tpu.fetch_and_add_sync %arg14[%sc_fetch_and_add3A], %add3A_673, %sc_fetch_and_add3A_808 : memref<8xi32, #tpu.memory_space<smem>>, i32 -> i32
    } else {
    }
    %lt3A_732 = arith.constant 11 : i32
    %lt3A_733 = arith.cmpi slt, %arg1, %lt3A_732 : i32
    %convert_element_type3A_734 = arith.extui %lt3A_733 : i1 to i32
    %cond3A_735 = arith.constant 0 : i32
    %cond3A_736 = arith.cmpi ne, %convert_element_type3A_734, %cond3A_735 : i32
    scf.if %cond3A_736 {
      %sc_fetch_and_add3A = arith.constant 0 : i32
      %sc_fetch_and_add3A_808 = arith.constant 11 : i32
      %sc_fetch_and_add3A_809 = tpu.fetch_and_add_sync %arg14[%sc_fetch_and_add3A], %add3A_673, %sc_fetch_and_add3A_808 : memref<8xi32, #tpu.memory_space<smem>>, i32 -> i32
    } else {
    }
    %lt3A_737 = arith.constant 12 : i32
    %lt3A_738 = arith.cmpi slt, %arg1, %lt3A_737 : i32
    %convert_element_type3A_739 = arith.extui %lt3A_738 : i1 to i32
    %cond3A_740 = arith.constant 0 : i32
    %cond3A_741 = arith.cmpi ne, %convert_element_type3A_739, %cond3A_740 : i32
    scf.if %cond3A_741 {
      %sc_fetch_and_add3A = arith.constant 0 : i32
      %sc_fetch_and_add3A_808 = arith.constant 12 : i32
      %sc_fetch_and_add3A_809 = tpu.fetch_and_add_sync %arg14[%sc_fetch_and_add3A], %add3A_673, %sc_fetch_and_add3A_808 : memref<8xi32, #tpu.memory_space<smem>>, i32 -> i32
    } else {
    }
    %lt3A_742 = arith.constant 13 : i32
    %lt3A_743 = arith.cmpi slt, %arg1, %lt3A_742 : i32
    %convert_element_type3A_744 = arith.extui %lt3A_743 : i1 to i32
    %cond3A_745 = arith.constant 0 : i32
    %cond3A_746 = arith.cmpi ne, %convert_element_type3A_744, %cond3A_745 : i32
    scf.if %cond3A_746 {
      %sc_fetch_and_add3A = arith.constant 0 : i32
      %sc_fetch_and_add3A_808 = arith.constant 13 : i32
      %sc_fetch_and_add3A_809 = tpu.fetch_and_add_sync %arg14[%sc_fetch_and_add3A], %add3A_673, %sc_fetch_and_add3A_808 : memref<8xi32, #tpu.memory_space<smem>>, i32 -> i32
    } else {
    }
    %lt3A_747 = arith.constant 14 : i32
    %lt3A_748 = arith.cmpi slt, %arg1, %lt3A_747 : i32
    %convert_element_type3A_749 = arith.extui %lt3A_748 : i1 to i32
    %cond3A_750 = arith.constant 0 : i32
    %cond3A_751 = arith.cmpi ne, %convert_element_type3A_749, %cond3A_750 : i32
    scf.if %cond3A_751 {
      %sc_fetch_and_add3A = arith.constant 0 : i32
      %sc_fetch_and_add3A_808 = arith.constant 14 : i32
      %sc_fetch_and_add3A_809 = tpu.fetch_and_add_sync %arg14[%sc_fetch_and_add3A], %add3A_673, %sc_fetch_and_add3A_808 : memref<8xi32, #tpu.memory_space<smem>>, i32 -> i32
    } else {
    }
    %lt3A_752 = arith.constant 15 : i32
    %lt3A_753 = arith.cmpi slt, %arg1, %lt3A_752 : i32
    %convert_element_type3A_754 = arith.extui %lt3A_753 : i1 to i32
    %cond3A_755 = arith.constant 0 : i32
    %cond3A_756 = arith.cmpi ne, %convert_element_type3A_754, %cond3A_755 : i32
    scf.if %cond3A_756 {
      %sc_fetch_and_add3A = arith.constant 0 : i32
      %sc_fetch_and_add3A_808 = arith.constant 15 : i32
      %sc_fetch_and_add3A_809 = tpu.fetch_and_add_sync %arg14[%sc_fetch_and_add3A], %add3A_673, %sc_fetch_and_add3A_808 : memref<8xi32, #tpu.memory_space<smem>>, i32 -> i32
    } else {
    }
    %barrier3A_757 = arith.constant 0 : index
    tpu.barrier barrier_id(%barrier3A_757)
    %get3A = arith.constant 0 : i32
    %get3A_758 = arith.index_cast %get3A : i32 to index
    %get3A_759 = memref.load %arg14[%get3A_758] : memref<8xi32, #tpu.memory_space<smem>>
    %broadcast_in_dim3A_760 = arith.constant 0 : i32
    %broadcast_in_dim3A_761 = vector.broadcast %broadcast_in_dim3A_760 : i32 to vector<16xi32>
    %gather3A_762 = tpu.vector_load_idx %arg11[%broadcast_in_dim3A_761] : memref<16xi32, #tpu.memory_space<vmem>>[vector<16xi32>], vector<16xi32>,
    %slice3A_763 = vector.extract_strided_slice %gather3A_762 {offsets = [0], sizes = [1], strides = [1]} : vector<16xi32> to vector<1xi32>
    %squeeze3A_764 = vector.extract %slice3A_763[0] : i32 from vector<1xi32>
    %mul3A = arith.constant 16 : i32
    %mul3A_765 = arith.muli %arg1, %mul3A : i32
    %add3A_766 = arith.constant 0 : i32
    %add3A_767 = arith.addi %mul3A_765, %add3A_766 : i32
    %mul3A_768 = arith.constant 4096 : i32
    %mul3A_769 = arith.muli %add3A_767, %mul3A_768 : i32
    %multiple_of3A = tpu.assume_multiple %mul3A_769, 128 : i32
    %mul3A_770 = arith.constant 4 : i32
    %mul3A_771 = arith.muli %arg0, %mul3A_770 : i32
    %shift_right_logical3A_772 = arith.constant 0 : i32
    %shift_right_logical3A_773 = arith.constant 4 : i32
    %shift_right_logical3A_774 = arith.shrui %shift_right_logical3A_772, %shift_right_logical3A_773 : i32
    %add3A_775 = arith.addi %mul3A_771, %shift_right_logical3A_774 : i32
    %eq3A_776 = arith.constant 15 : i32
    %eq3A_777 = arith.cmpi eq, %arg1, %eq3A_776 : i32
    %and3A = arith.constant false
    %and3A_778 = arith.andi %eq3A_777, %and3A : i1
    %gt3A = arith.constant 0 : i32
    %gt3A_779 = arith.cmpi sgt, %squeeze3A_764, %gt3A : i32
    %lt3A_780 = arith.constant 999424 : i32
    %lt3A_781 = arith.cmpi slt, %multiple_of3A, %lt3A_780 : i32
    %and3A_782 = arith.andi %gt3A_779, %lt3A_781 : i1
    %not3A = arith.constant true
    %not3A_783 = arith.xori %and3A_778, %not3A : i1
    %and3A_784 = arith.andi %and3A_782, %not3A_783 : i1
    %convert_element_type3A_785 = arith.extui %and3A_784 : i1 to i32
    %cond3A_786 = arith.constant 0 : i32
    %cond3A_787 = arith.cmpi ne, %convert_element_type3A_785, %cond3A_786 : i32
    scf.if %cond3A_787 {
      %dma_start3A = arith.constant 0 : i32
      %dma_start3A_808 = arith.constant 0 : i32
      %dma_start3A_809 = arith.constant 0 : i32
      %dma_start3A_810 = tpu.memref_slice %arg12[%dma_start3A, %dma_start3A_808, %dma_start3A_809] : memref<2x8x4096xf32, #tpu.memory_space<vmem>> -> memref<1x8x4096xf32, #tpu.memory_space<vmem>>
      %dma_start3A_811 = tpu.memref_squeeze %dma_start3A_810 : memref<1x8x4096xf32, #tpu.memory_space<vmem>> -> memref<8x4096xf32, #tpu.memory_space<vmem>>
      %dma_start3A_812 = arith.constant 0 : i32
      %dma_start3A_813 = tpu.memref_slice %arg3[%add3A_775, %dma_start3A_812, %multiple_of3A] : memref<8x8x1000000xf32, #tpu.memory_space<hbm>> -> memref<1x8x4096xf32, #tpu.memory_space<hbm>>
      %dma_start3A_814 = tpu.memref_squeeze %dma_start3A_813 : memref<1x8x4096xf32, #tpu.memory_space<hbm>> -> memref<8x4096xf32, #tpu.memory_space<hbm>>
      %dma_start3A_815 = arith.constant 0 : i32
      %dma_start3A_816 = arith.constant 0 : i32
      %dma_start3A_817 = tpu.memref_slice %arg12[%dma_start3A, %dma_start3A_815, %dma_start3A_816] : memref<2x8x4096xf32, #tpu.memory_space<vmem>> -> memref<1x8x4096xf32, #tpu.memory_space<vmem>>
      %dma_start3A_818 = tpu.memref_squeeze %dma_start3A_817 : memref<1x8x4096xf32, #tpu.memory_space<vmem>> -> memref<8x4096xf32, #tpu.memory_space<vmem>>
      %dma_start3A_819 = arith.constant 0 : i32
      %dma_start3A_820 = tpu.memref_slice %arg3[%add3A_775, %dma_start3A_819, %multiple_of3A] : memref<8x8x1000000xf32, #tpu.memory_space<hbm>> -> memref<1x8x4096xf32, #tpu.memory_space<hbm>>
      %dma_start3A_821 = tpu.memref_squeeze %dma_start3A_820 : memref<1x8x4096xf32, #tpu.memory_space<hbm>> -> memref<8x4096xf32, #tpu.memory_space<hbm>>
      tpu.enqueue_dma source(%dma_start3A_821 : memref<8x4096xf32, #tpu.memory_space<hbm>>) target(%dma_start3A_818 : memref<8x4096xf32, #tpu.memory_space<vmem>>) target_semaphore(%arg34 : memref<!tpu.dma_semaphore, #tpu.memory_space<semaphore_mem>>)
    } else {
    }
    %gt3A_788 = arith.constant 0 : i32
    %gt3A_789 = arith.cmpi sgt, %squeeze3A_764, %gt3A_788 : i32
    %eq3A_790 = arith.constant 999424 : i32
    %eq3A_791 = arith.cmpi eq, %multiple_of3A, %eq3A_790 : i32
    %and3A_792 = arith.andi %gt3A_789, %eq3A_791 : i1
    %convert_element_type3A_793 = arith.extui %and3A_792 : i1 to i32
    %cond3A_794 = arith.constant 0 : i32
    %cond3A_795 = arith.cmpi ne, %convert_element_type3A_793, %cond3A_794 : i32
    scf.if %cond3A_795 {
      %dma_start3A = arith.constant 0 : i32
      %dma_start3A_808 = arith.constant 0 : i32
      %dma_start3A_809 = arith.constant 0 : i32
      %dma_start3A_810 = tpu.memref_slice %arg12[%dma_start3A, %dma_start3A_808, %dma_start3A_809] : memref<2x8x4096xf32, #tpu.memory_space<vmem>> -> memref<1x8x512xf32, #tpu.memory_space<vmem>>
      %dma_start3A_811 = tpu.memref_squeeze %dma_start3A_810 : memref<1x8x512xf32, #tpu.memory_space<vmem>> -> memref<8x512xf32, #tpu.memory_space<vmem>>
      %dma_start3A_812 = arith.constant 0 : i32
      %dma_start3A_813 = arith.constant 999424 : i32
      %dma_start3A_814 = tpu.memref_slice %arg3[%add3A_775, %dma_start3A_812, %dma_start3A_813] : memref<8x8x1000000xf32, #tpu.memory_space<hbm>> -> memref<1x8x512xf32, #tpu.memory_space<hbm>>
      %dma_start3A_815 = tpu.memref_squeeze %dma_start3A_814 : memref<1x8x512xf32, #tpu.memory_space<hbm>> -> memref<8x512xf32, #tpu.memory_space<hbm>>
      %dma_start3A_816 = arith.constant 0 : i32
      %dma_start3A_817 = arith.constant 0 : i32
      %dma_start3A_818 = tpu.memref_slice %arg12[%dma_start3A, %dma_start3A_816, %dma_start3A_817] : memref<2x8x4096xf32, #tpu.memory_space<vmem>> -> memref<1x8x512xf32, #tpu.memory_space<vmem>>
      %dma_start3A_819 = tpu.memref_squeeze %dma_start3A_818 : memref<1x8x512xf32, #tpu.memory_space<vmem>> -> memref<8x512xf32, #tpu.memory_space<vmem>>
      %dma_start3A_820 = arith.constant 0 : i32
      %dma_start3A_821 = arith.constant 999424 : i32
      %dma_start3A_822 = tpu.memref_slice %arg3[%add3A_775, %dma_start3A_820, %dma_start3A_821] : memref<8x8x1000000xf32, #tpu.memory_space<hbm>> -> memref<1x8x512xf32, #tpu.memory_space<hbm>>
      %dma_start3A_823 = tpu.memref_squeeze %dma_start3A_822 : memref<1x8x512xf32, #tpu.memory_space<hbm>> -> memref<8x512xf32, #tpu.memory_space<hbm>>
      tpu.enqueue_dma source(%dma_start3A_823 : memref<8x512xf32, #tpu.memory_space<hbm>>) target(%dma_start3A_819 : memref<8x512xf32, #tpu.memory_space<vmem>>) target_semaphore(%arg34 : memref<!tpu.dma_semaphore, #tpu.memory_space<semaphore_mem>>)
    } else {
    }
    %gt3A_796 = arith.constant 0 : i32
    %gt3A_797 = arith.cmpi sgt, %squeeze3A_764, %gt3A_796 : i32
    %and3A_798 = arith.andi %gt3A_797, %and3A_778 : i1
    %convert_element_type3A_799 = arith.extui %and3A_798 : i1 to i32
    %cond3A_800 = arith.constant 0 : i32
    %cond3A_801 = arith.cmpi ne, %convert_element_type3A_799, %cond3A_800 : i32
    scf.if %cond3A_801 {
      %dma_start3A = arith.constant 0 : i32
      %dma_start3A_808 = arith.constant 0 : i32
      %dma_start3A_809 = arith.constant 0 : i32
      %dma_start3A_810 = tpu.memref_slice %arg12[%dma_start3A, %dma_start3A_808, %dma_start3A_809] : memref<2x8x4096xf32, #tpu.memory_space<vmem>> -> memref<1x8x128xf32, #tpu.memory_space<vmem>>
      %dma_start3A_811 = tpu.memref_squeeze %dma_start3A_810 : memref<1x8x128xf32, #tpu.memory_space<vmem>> -> memref<8x128xf32, #tpu.memory_space<vmem>>
      %dma_start3A_812 = arith.constant 0 : i32
      %dma_start3A_813 = arith.constant 0 : i32
      %dma_start3A_814 = tpu.memref_slice %arg4[%add3A_775, %dma_start3A_812, %dma_start3A_813] : memref<8x8x128xf32, #tpu.memory_space<hbm>> -> memref<1x8x128xf32, #tpu.memory_space<hbm>>
      %dma_start3A_815 = tpu.memref_squeeze %dma_start3A_814 : memref<1x8x128xf32, #tpu.memory_space<hbm>> -> memref<8x128xf32, #tpu.memory_space<hbm>>
      %dma_start3A_816 = arith.constant 0 : i32
      %dma_start3A_817 = arith.constant 0 : i32
      %dma_start3A_818 = tpu.memref_slice %arg12[%dma_start3A, %dma_start3A_816, %dma_start3A_817] : memref<2x8x4096xf32, #tpu.memory_space<vmem>> -> memref<1x8x128xf32, #tpu.memory_space<vmem>>
      %dma_start3A_819 = tpu.memref_squeeze %dma_start3A_818 : memref<1x8x128xf32, #tpu.memory_space<vmem>> -> memref<8x128xf32, #tpu.memory_space<vmem>>
      %dma_start3A_820 = arith.constant 0 : i32
      %dma_start3A_821 = arith.constant 0 : i32
      %dma_start3A_822 = tpu.memref_slice %arg4[%add3A_775, %dma_start3A_820, %dma_start3A_821] : memref<8x8x128xf32, #tpu.memory_space<hbm>> -> memref<1x8x128xf32, #tpu.memory_space<hbm>>
      %dma_start3A_823 = tpu.memref_squeeze %dma_start3A_822 : memref<1x8x128xf32, #tpu.memory_space<hbm>> -> memref<8x128xf32, #tpu.memory_space<hbm>>
      tpu.enqueue_dma source(%dma_start3A_823 : memref<8x128xf32, #tpu.memory_space<hbm>>) target(%dma_start3A_819 : memref<8x128xf32, #tpu.memory_space<vmem>>) target_semaphore(%arg34 : memref<!tpu.dma_semaphore, #tpu.memory_space<semaphore_mem>>)
    } else {
    }
    %scan3A_802 = arith.constant 0 : i32
    %scan3A_803 = arith.constant 0 : i32
    %scan3A_804 = arith.constant 64 : i32
    %scan3A_805 = arith.addi %scan3A_803, %scan3A_804 : i32
    %scan3A_806 = arith.constant 1 : i32
    scf.for %scan3A_808 = %scan3A_803 to %scan3A_805 step %scan3A_806  : i32 {
      %and3A_809 = arith.constant 1 : i32
      %and3A_810 = arith.andi %scan3A_808, %and3A_809 : i32
      %and3A_811 = arith.constant 15 : i32
      %and3A_812 = arith.andi %scan3A_808, %and3A_811 : i32
      %broadcast_in_dim3A_813 = vector.broadcast %and3A_812 : i32 to vector<16xi32>
      %gather3A_814 = tpu.vector_load_idx %arg11[%broadcast_in_dim3A_813] : memref<16xi32, #tpu.memory_space<vmem>>[vector<16xi32>], vector<16xi32>,
      %slice3A_815 = vector.extract_strided_slice %gather3A_814 {offsets = [0], sizes = [1], strides = [1]} : vector<16xi32> to vector<1xi32>
      %squeeze3A_816 = vector.extract %slice3A_815[0] : i32 from vector<1xi32>
      %mul3A_817 = arith.constant 16 : i32
      %mul3A_818 = arith.muli %arg1, %mul3A_817 : i32
      %add3A_819 = arith.addi %mul3A_818, %and3A_812 : i32
      %mul3A_820 = arith.constant 4096 : i32
      %mul3A_821 = arith.muli %add3A_819, %mul3A_820 : i32
      %multiple_of3A_822 = tpu.assume_multiple %mul3A_821, 128 : i32
      %mul3A_823 = arith.constant 4 : i32
      %mul3A_824 = arith.muli %arg0, %mul3A_823 : i32
      %shift_right_logical3A_825 = arith.constant 4 : i32
      %shift_right_logical3A_826 = arith.shrui %scan3A_808, %shift_right_logical3A_825 : i32
      %add3A_827 = arith.addi %mul3A_824, %shift_right_logical3A_826 : i32
      %and3A_828 = arith.constant 15 : i32
      %and3A_829 = arith.andi %scan3A_808, %and3A_828 : i32
      %eq3A_830 = arith.constant 15 : i32
      %eq3A_831 = arith.cmpi eq, %arg1, %eq3A_830 : i32
      %eq3A_832 = arith.constant 15 : i32
      %eq3A_833 = arith.cmpi eq, %and3A_829, %eq3A_832 : i32
      %and3A_834 = arith.andi %eq3A_831, %eq3A_833 : i1
      %gt3A_835 = arith.constant 0 : i32
      %gt3A_836 = arith.cmpi sgt, %squeeze3A_816, %gt3A_835 : i32
      %lt3A_837 = arith.constant 999424 : i32
      %lt3A_838 = arith.cmpi slt, %multiple_of3A_822, %lt3A_837 : i32
      %and3A_839 = arith.andi %gt3A_836, %lt3A_838 : i1
      %not3A_840 = arith.constant true
      %not3A_841 = arith.xori %and3A_834, %not3A_840 : i1
      %and3A_842 = arith.andi %and3A_839, %not3A_841 : i1
      %convert_element_type3A_843 = arith.extui %and3A_842 : i1 to i32
      %cond3A_844 = arith.constant 0 : i32
      %cond3A_845 = arith.cmpi ne, %convert_element_type3A_843, %cond3A_844 : i32
      scf.if %cond3A_845 {
        %dma_wait3A = arith.constant 0 : i32
        %dma_wait3A_919 = arith.constant 0 : i32
        %dma_wait3A_920 = tpu.memref_slice %arg12[%and3A_810, %dma_wait3A, %dma_wait3A_919] : memref<2x8x4096xf32, #tpu.memory_space<vmem>> -> memref<1x8x4096xf32, #tpu.memory_space<vmem>>
        %dma_wait3A_921 = tpu.memref_squeeze %dma_wait3A_920 : memref<1x8x4096xf32, #tpu.memory_space<vmem>> -> memref<8x4096xf32, #tpu.memory_space<vmem>>
        %dma_wait3A_922 = arith.constant 0 : i32
        %dma_wait3A_923 = tpu.memref_slice %arg3[%add3A_827, %dma_wait3A_922, %multiple_of3A_822] : memref<8x8x1000000xf32, #tpu.memory_space<hbm>> -> memref<1x8x4096xf32, #tpu.memory_space<hbm>>
        %dma_wait3A_924 = tpu.memref_squeeze %dma_wait3A_923 : memref<1x8x4096xf32, #tpu.memory_space<hbm>> -> memref<8x4096xf32, #tpu.memory_space<hbm>>
        %dma_wait3A_925 = arith.constant 0 : i32
        %dma_wait3A_926 = arith.constant 0 : i32
        %dma_wait3A_927 = tpu.memref_slice %arg12[%and3A_810, %dma_wait3A_925, %dma_wait3A_926] : memref<2x8x4096xf32, #tpu.memory_space<vmem>> -> memref<1x8x4096xf32, #tpu.memory_space<vmem>>
        %dma_wait3A_928 = tpu.memref_squeeze %dma_wait3A_927 : memref<1x8x4096xf32, #tpu.memory_space<vmem>> -> memref<8x4096xf32, #tpu.memory_space<vmem>>
        %dma_wait3A_929 = arith.constant 0 : i32
        %dma_wait3A_930 = tpu.memref_slice %arg3[%add3A_827, %dma_wait3A_929, %multiple_of3A_822] : memref<8x8x1000000xf32, #tpu.memory_space<hbm>> -> memref<1x8x4096xf32, #tpu.memory_space<hbm>>
        %dma_wait3A_931 = tpu.memref_squeeze %dma_wait3A_930 : memref<1x8x4096xf32, #tpu.memory_space<hbm>> -> memref<8x4096xf32, #tpu.memory_space<hbm>>
        tpu.wait_dma2 semaphore(%arg34 : memref<!tpu.dma_semaphore, #tpu.memory_space<semaphore_mem>>) src(%dma_wait3A_931 : memref<8x4096xf32, #tpu.memory_space<hbm>>) dst(%dma_wait3A_928 : memref<8x4096xf32, #tpu.memory_space<vmem>>)
      } else {
      }
      %gt3A_846 = arith.constant 0 : i32
      %gt3A_847 = arith.cmpi sgt, %squeeze3A_816, %gt3A_846 : i32
      %eq3A_848 = arith.constant 999424 : i32
      %eq3A_849 = arith.cmpi eq, %multiple_of3A_822, %eq3A_848 : i32
      %and3A_850 = arith.andi %gt3A_847, %eq3A_849 : i1
      %convert_element_type3A_851 = arith.extui %and3A_850 : i1 to i32
      %cond3A_852 = arith.constant 0 : i32
      %cond3A_853 = arith.cmpi ne, %convert_element_type3A_851, %cond3A_852 : i32
      scf.if %cond3A_853 {
        %dma_wait3A = arith.constant 0 : i32
        %dma_wait3A_919 = arith.constant 0 : i32
        %dma_wait3A_920 = tpu.memref_slice %arg12[%and3A_810, %dma_wait3A, %dma_wait3A_919] : memref<2x8x4096xf32, #tpu.memory_space<vmem>> -> memref<1x8x512xf32, #tpu.memory_space<vmem>>
        %dma_wait3A_921 = tpu.memref_squeeze %dma_wait3A_920 : memref<1x8x512xf32, #tpu.memory_space<vmem>> -> memref<8x512xf32, #tpu.memory_space<vmem>>
        %dma_wait3A_922 = arith.constant 0 : i32
        %dma_wait3A_923 = arith.constant 999424 : i32
        %dma_wait3A_924 = tpu.memref_slice %arg3[%add3A_827, %dma_wait3A_922, %dma_wait3A_923] : memref<8x8x1000000xf32, #tpu.memory_space<hbm>> -> memref<1x8x512xf32, #tpu.memory_space<hbm>>
        %dma_wait3A_925 = tpu.memref_squeeze %dma_wait3A_924 : memref<1x8x512xf32, #tpu.memory_space<hbm>> -> memref<8x512xf32, #tpu.memory_space<hbm>>
        %dma_wait3A_926 = arith.constant 0 : i32
        %dma_wait3A_927 = arith.constant 0 : i32
        %dma_wait3A_928 = tpu.memref_slice %arg12[%and3A_810, %dma_wait3A_926, %dma_wait3A_927] : memref<2x8x4096xf32, #tpu.memory_space<vmem>> -> memref<1x8x512xf32, #tpu.memory_space<vmem>>
        %dma_wait3A_929 = tpu.memref_squeeze %dma_wait3A_928 : memref<1x8x512xf32, #tpu.memory_space<vmem>> -> memref<8x512xf32, #tpu.memory_space<vmem>>
        %dma_wait3A_930 = arith.constant 0 : i32
        %dma_wait3A_931 = arith.constant 999424 : i32
        %dma_wait3A_932 = tpu.memref_slice %arg3[%add3A_827, %dma_wait3A_930, %dma_wait3A_931] : memref<8x8x1000000xf32, #tpu.memory_space<hbm>> -> memref<1x8x512xf32, #tpu.memory_space<hbm>>
        %dma_wait3A_933 = tpu.memref_squeeze %dma_wait3A_932 : memref<1x8x512xf32, #tpu.memory_space<hbm>> -> memref<8x512xf32, #tpu.memory_space<hbm>>
        tpu.wait_dma2 semaphore(%arg34 : memref<!tpu.dma_semaphore, #tpu.memory_space<semaphore_mem>>) src(%dma_wait3A_933 : memref<8x512xf32, #tpu.memory_space<hbm>>) dst(%dma_wait3A_929 : memref<8x512xf32, #tpu.memory_space<vmem>>)
      } else {
      }
      %gt3A_854 = arith.constant 0 : i32
      %gt3A_855 = arith.cmpi sgt, %squeeze3A_816, %gt3A_854 : i32
      %and3A_856 = arith.andi %gt3A_855, %and3A_834 : i1
      %convert_element_type3A_857 = arith.extui %and3A_856 : i1 to i32
      %cond3A_858 = arith.constant 0 : i32
      %cond3A_859 = arith.cmpi ne, %convert_element_type3A_857, %cond3A_858 : i32
      scf.if %cond3A_859 {
        %dma_wait3A = arith.constant 0 : i32
        %dma_wait3A_919 = arith.constant 0 : i32
        %dma_wait3A_920 = tpu.memref_slice %arg12[%and3A_810, %dma_wait3A, %dma_wait3A_919] : memref<2x8x4096xf32, #tpu.memory_space<vmem>> -> memref<1x8x128xf32, #tpu.memory_space<vmem>>
        %dma_wait3A_921 = tpu.memref_squeeze %dma_wait3A_920 : memref<1x8x128xf32, #tpu.memory_space<vmem>> -> memref<8x128xf32, #tpu.memory_space<vmem>>
        %dma_wait3A_922 = arith.constant 0 : i32
        %dma_wait3A_923 = arith.constant 0 : i32
        %dma_wait3A_924 = tpu.memref_slice %arg4[%add3A_827, %dma_wait3A_922, %dma_wait3A_923] : memref<8x8x128xf32, #tpu.memory_space<hbm>> -> memref<1x8x128xf32, #tpu.memory_space<hbm>>
        %dma_wait3A_925 = tpu.memref_squeeze %dma_wait3A_924 : memref<1x8x128xf32, #tpu.memory_space<hbm>> -> memref<8x128xf32, #tpu.memory_space<hbm>>
        %dma_wait3A_926 = arith.constant 0 : i32
        %dma_wait3A_927 = arith.constant 0 : i32
        %dma_wait3A_928 = tpu.memref_slice %arg12[%and3A_810, %dma_wait3A_926, %dma_wait3A_927] : memref<2x8x4096xf32, #tpu.memory_space<vmem>> -> memref<1x8x128xf32, #tpu.memory_space<vmem>>
        %dma_wait3A_929 = tpu.memref_squeeze %dma_wait3A_928 : memref<1x8x128xf32, #tpu.memory_space<vmem>> -> memref<8x128xf32, #tpu.memory_space<vmem>>
        %dma_wait3A_930 = arith.constant 0 : i32
        %dma_wait3A_931 = arith.constant 0 : i32
        %dma_wait3A_932 = tpu.memref_slice %arg4[%add3A_827, %dma_wait3A_930, %dma_wait3A_931] : memref<8x8x128xf32, #tpu.memory_space<hbm>> -> memref<1x8x128xf32, #tpu.memory_space<hbm>>
        %dma_wait3A_933 = tpu.memref_squeeze %dma_wait3A_932 : memref<1x8x128xf32, #tpu.memory_space<hbm>> -> memref<8x128xf32, #tpu.memory_space<hbm>>
        tpu.wait_dma2 semaphore(%arg34 : memref<!tpu.dma_semaphore, #tpu.memory_space<semaphore_mem>>) src(%dma_wait3A_933 : memref<8x128xf32, #tpu.memory_space<hbm>>) dst(%dma_wait3A_929 : memref<8x128xf32, #tpu.memory_space<vmem>>)
      } else {
      }
      %add3A_860 = arith.constant 1 : i32
      %add3A_861 = arith.addi %scan3A_808, %add3A_860 : i32
      %lt3A_862 = arith.constant 64 : i32
      %lt3A_863 = arith.cmpi slt, %add3A_861, %lt3A_862 : i32
      %convert_element_type3A_864 = arith.extui %lt3A_863 : i1 to i32
      %cond3A_865 = arith.constant 0 : i32
      %cond3A_866 = arith.cmpi ne, %convert_element_type3A_864, %cond3A_865 : i32
      scf.if %cond3A_866 {
        %add3A_919 = arith.constant 1 : i32
        %add3A_920 = arith.addi %scan3A_808, %add3A_919 : i32
        %sub3A_921 = arith.constant 1 : i32
        %sub3A_922 = arith.subi %sub3A_921, %and3A_810 : i32
        %and3A_923 = arith.constant 15 : i32
        %and3A_924 = arith.andi %add3A_920, %and3A_923 : i32
        %broadcast_in_dim3A_925 = vector.broadcast %and3A_924 : i32 to vector<16xi32>
        %gather3A_926 = tpu.vector_load_idx %arg11[%broadcast_in_dim3A_925] : memref<16xi32, #tpu.memory_space<vmem>>[vector<16xi32>], vector<16xi32>,
        %slice3A_927 = vector.extract_strided_slice %gather3A_926 {offsets = [0], sizes = [1], strides = [1]} : vector<16xi32> to vector<1xi32>
        %squeeze3A_928 = vector.extract %slice3A_927[0] : i32 from vector<1xi32>
        %mul3A_929 = arith.constant 16 : i32
        %mul3A_930 = arith.muli %arg1, %mul3A_929 : i32
        %add3A_931 = arith.addi %mul3A_930, %and3A_924 : i32
        %mul3A_932 = arith.constant 4096 : i32
        %mul3A_933 = arith.muli %add3A_931, %mul3A_932 : i32
        %multiple_of3A_934 = tpu.assume_multiple %mul3A_933, 128 : i32
        %mul3A_935 = arith.constant 4 : i32
        %mul3A_936 = arith.muli %arg0, %mul3A_935 : i32
        %shift_right_logical3A_937 = arith.constant 4 : i32
        %shift_right_logical3A_938 = arith.shrui %add3A_920, %shift_right_logical3A_937 : i32
        %add3A_939 = arith.addi %mul3A_936, %shift_right_logical3A_938 : i32
        %and3A_940 = arith.constant 15 : i32
        %and3A_941 = arith.andi %add3A_920, %and3A_940 : i32
        %eq3A_942 = arith.constant 15 : i32
        %eq3A_943 = arith.cmpi eq, %arg1, %eq3A_942 : i32
        %eq3A_944 = arith.constant 15 : i32
        %eq3A_945 = arith.cmpi eq, %and3A_941, %eq3A_944 : i32
        %and3A_946 = arith.andi %eq3A_943, %eq3A_945 : i1
        %gt3A_947 = arith.constant 0 : i32
        %gt3A_948 = arith.cmpi sgt, %squeeze3A_928, %gt3A_947 : i32
        %lt3A_949 = arith.constant 999424 : i32
        %lt3A_950 = arith.cmpi slt, %multiple_of3A_934, %lt3A_949 : i32
        %and3A_951 = arith.andi %gt3A_948, %lt3A_950 : i1
        %not3A_952 = arith.constant true
        %not3A_953 = arith.xori %and3A_946, %not3A_952 : i1
        %and3A_954 = arith.andi %and3A_951, %not3A_953 : i1
        %convert_element_type3A_955 = arith.extui %and3A_954 : i1 to i32
        %cond3A_956 = arith.constant 0 : i32
        %cond3A_957 = arith.cmpi ne, %convert_element_type3A_955, %cond3A_956 : i32
        scf.if %cond3A_957 {
          %dma_start3A = arith.constant 0 : i32
          %dma_start3A_972 = arith.constant 0 : i32
          %dma_start3A_973 = tpu.memref_slice %arg12[%sub3A_922, %dma_start3A, %dma_start3A_972] : memref<2x8x4096xf32, #tpu.memory_space<vmem>> -> memref<1x8x4096xf32, #tpu.memory_space<vmem>>
          %dma_start3A_974 = tpu.memref_squeeze %dma_start3A_973 : memref<1x8x4096xf32, #tpu.memory_space<vmem>> -> memref<8x4096xf32, #tpu.memory_space<vmem>>
          %dma_start3A_975 = arith.constant 0 : i32
          %dma_start3A_976 = tpu.memref_slice %arg3[%add3A_939, %dma_start3A_975, %multiple_of3A_934] : memref<8x8x1000000xf32, #tpu.memory_space<hbm>> -> memref<1x8x4096xf32, #tpu.memory_space<hbm>>
          %dma_start3A_977 = tpu.memref_squeeze %dma_start3A_976 : memref<1x8x4096xf32, #tpu.memory_space<hbm>> -> memref<8x4096xf32, #tpu.memory_space<hbm>>
          %dma_start3A_978 = arith.constant 0 : i32
          %dma_start3A_979 = arith.constant 0 : i32
          %dma_start3A_980 = tpu.memref_slice %arg12[%sub3A_922, %dma_start3A_978, %dma_start3A_979] : memref<2x8x4096xf32, #tpu.memory_space<vmem>> -> memref<1x8x4096xf32, #tpu.memory_space<vmem>>
          %dma_start3A_981 = tpu.memref_squeeze %dma_start3A_980 : memref<1x8x4096xf32, #tpu.memory_space<vmem>> -> memref<8x4096xf32, #tpu.memory_space<vmem>>
          %dma_start3A_982 = arith.constant 0 : i32
          %dma_start3A_983 = tpu.memref_slice %arg3[%add3A_939, %dma_start3A_982, %multiple_of3A_934] : memref<8x8x1000000xf32, #tpu.memory_space<hbm>> -> memref<1x8x4096xf32, #tpu.memory_space<hbm>>
          %dma_start3A_984 = tpu.memref_squeeze %dma_start3A_983 : memref<1x8x4096xf32, #tpu.memory_space<hbm>> -> memref<8x4096xf32, #tpu.memory_space<hbm>>
          tpu.enqueue_dma source(%dma_start3A_984 : memref<8x4096xf32, #tpu.memory_space<hbm>>) target(%dma_start3A_981 : memref<8x4096xf32, #tpu.memory_space<vmem>>) target_semaphore(%arg34 : memref<!tpu.dma_semaphore, #tpu.memory_space<semaphore_mem>>)
        } else {
        }
        %gt3A_958 = arith.constant 0 : i32
        %gt3A_959 = arith.cmpi sgt, %squeeze3A_928, %gt3A_958 : i32
        %eq3A_960 = arith.constant 999424 : i32
        %eq3A_961 = arith.cmpi eq, %multiple_of3A_934, %eq3A_960 : i32
        %and3A_962 = arith.andi %gt3A_959, %eq3A_961 : i1
        %convert_element_type3A_963 = arith.extui %and3A_962 : i1 to i32
        %cond3A_964 = arith.constant 0 : i32
        %cond3A_965 = arith.cmpi ne, %convert_element_type3A_963, %cond3A_964 : i32
        scf.if %cond3A_965 {
          %dma_start3A = arith.constant 0 : i32
          %dma_start3A_972 = arith.constant 0 : i32
          %dma_start3A_973 = tpu.memref_slice %arg12[%sub3A_922, %dma_start3A, %dma_start3A_972] : memref<2x8x4096xf32, #tpu.memory_space<vmem>> -> memref<1x8x512xf32, #tpu.memory_space<vmem>>
          %dma_start3A_974 = tpu.memref_squeeze %dma_start3A_973 : memref<1x8x512xf32, #tpu.memory_space<vmem>> -> memref<8x512xf32, #tpu.memory_space<vmem>>
          %dma_start3A_975 = arith.constant 0 : i32
          %dma_start3A_976 = arith.constant 999424 : i32
          %dma_start3A_977 = tpu.memref_slice %arg3[%add3A_939, %dma_start3A_975, %dma_start3A_976] : memref<8x8x1000000xf32, #tpu.memory_space<hbm>> -> memref<1x8x512xf32, #tpu.memory_space<hbm>>
          %dma_start3A_978 = tpu.memref_squeeze %dma_start3A_977 : memref<1x8x512xf32, #tpu.memory_space<hbm>> -> memref<8x512xf32, #tpu.memory_space<hbm>>
          %dma_start3A_979 = arith.constant 0 : i32
          %dma_start3A_980 = arith.constant 0 : i32
          %dma_start3A_981 = tpu.memref_slice %arg12[%sub3A_922, %dma_start3A_979, %dma_start3A_980] : memref<2x8x4096xf32, #tpu.memory_space<vmem>> -> memref<1x8x512xf32, #tpu.memory_space<vmem>>
          %dma_start3A_982 = tpu.memref_squeeze %dma_start3A_981 : memref<1x8x512xf32, #tpu.memory_space<vmem>> -> memref<8x512xf32, #tpu.memory_space<vmem>>
          %dma_start3A_983 = arith.constant 0 : i32
          %dma_start3A_984 = arith.constant 999424 : i32
          %dma_start3A_985 = tpu.memref_slice %arg3[%add3A_939, %dma_start3A_983, %dma_start3A_984] : memref<8x8x1000000xf32, #tpu.memory_space<hbm>> -> memref<1x8x512xf32, #tpu.memory_space<hbm>>
          %dma_start3A_986 = tpu.memref_squeeze %dma_start3A_985 : memref<1x8x512xf32, #tpu.memory_space<hbm>> -> memref<8x512xf32, #tpu.memory_space<hbm>>
          tpu.enqueue_dma source(%dma_start3A_986 : memref<8x512xf32, #tpu.memory_space<hbm>>) target(%dma_start3A_982 : memref<8x512xf32, #tpu.memory_space<vmem>>) target_semaphore(%arg34 : memref<!tpu.dma_semaphore, #tpu.memory_space<semaphore_mem>>)
        } else {
        }
        %gt3A_966 = arith.constant 0 : i32
        %gt3A_967 = arith.cmpi sgt, %squeeze3A_928, %gt3A_966 : i32
        %and3A_968 = arith.andi %gt3A_967, %and3A_946 : i1
        %convert_element_type3A_969 = arith.extui %and3A_968 : i1 to i32
        %cond3A_970 = arith.constant 0 : i32
        %cond3A_971 = arith.cmpi ne, %convert_element_type3A_969, %cond3A_970 : i32
        scf.if %cond3A_971 {
          %dma_start3A = arith.constant 0 : i32
          %dma_start3A_972 = arith.constant 0 : i32
          %dma_start3A_973 = tpu.memref_slice %arg12[%sub3A_922, %dma_start3A, %dma_start3A_972] : memref<2x8x4096xf32, #tpu.memory_space<vmem>> -> memref<1x8x128xf32, #tpu.memory_space<vmem>>
          %dma_start3A_974 = tpu.memref_squeeze %dma_start3A_973 : memref<1x8x128xf32, #tpu.memory_space<vmem>> -> memref<8x128xf32, #tpu.memory_space<vmem>>
          %dma_start3A_975 = arith.constant 0 : i32
          %dma_start3A_976 = arith.constant 0 : i32
          %dma_start3A_977 = tpu.memref_slice %arg4[%add3A_939, %dma_start3A_975, %dma_start3A_976] : memref<8x8x128xf32, #tpu.memory_space<hbm>> -> memref<1x8x128xf32, #tpu.memory_space<hbm>>
          %dma_start3A_978 = tpu.memref_squeeze %dma_start3A_977 : memref<1x8x128xf32, #tpu.memory_space<hbm>> -> memref<8x128xf32, #tpu.memory_space<hbm>>
          %dma_start3A_979 = arith.constant 0 : i32
          %dma_start3A_980 = arith.constant 0 : i32
          %dma_start3A_981 = tpu.memref_slice %arg12[%sub3A_922, %dma_start3A_979, %dma_start3A_980] : memref<2x8x4096xf32, #tpu.memory_space<vmem>> -> memref<1x8x128xf32, #tpu.memory_space<vmem>>
          %dma_start3A_982 = tpu.memref_squeeze %dma_start3A_981 : memref<1x8x128xf32, #tpu.memory_space<vmem>> -> memref<8x128xf32, #tpu.memory_space<vmem>>
          %dma_start3A_983 = arith.constant 0 : i32
          %dma_start3A_984 = arith.constant 0 : i32
          %dma_start3A_985 = tpu.memref_slice %arg4[%add3A_939, %dma_start3A_983, %dma_start3A_984] : memref<8x8x128xf32, #tpu.memory_space<hbm>> -> memref<1x8x128xf32, #tpu.memory_space<hbm>>
          %dma_start3A_986 = tpu.memref_squeeze %dma_start3A_985 : memref<1x8x128xf32, #tpu.memory_space<hbm>> -> memref<8x128xf32, #tpu.memory_space<hbm>>
          tpu.enqueue_dma source(%dma_start3A_986 : memref<8x128xf32, #tpu.memory_space<hbm>>) target(%dma_start3A_982 : memref<8x128xf32, #tpu.memory_space<vmem>>) target_semaphore(%arg34 : memref<!tpu.dma_semaphore, #tpu.memory_space<semaphore_mem>>)
        } else {
        }
      } else {
      }
      %mul3A_867 = arith.constant 4 : i32
      %mul3A_868 = arith.muli %arg0, %mul3A_867 : i32
      %shift_right_logical3A_869 = arith.constant 4 : i32
      %shift_right_logical3A_870 = arith.shrui %scan3A_808, %shift_right_logical3A_869 : i32
      %add3A_871 = arith.addi %mul3A_868, %shift_right_logical3A_870 : i32
      %and3A_872 = arith.constant 15 : i32
      %and3A_873 = arith.andi %scan3A_808, %and3A_872 : i32
      %broadcast_in_dim3A_874 = vector.broadcast %and3A_873 : i32 to vector<16xi32>
      %gather3A_875 = tpu.vector_load_idx %arg11[%broadcast_in_dim3A_874] : memref<16xi32, #tpu.memory_space<vmem>>[vector<16xi32>], vector<16xi32>,
      %slice3A_876 = vector.extract_strided_slice %gather3A_875 {offsets = [0], sizes = [1], strides = [1]} : vector<16xi32> to vector<1xi32>
      %squeeze3A_877 = vector.extract %slice3A_876[0] : i32 from vector<1xi32>
      %gather3A_878 = tpu.vector_load_idx %arg10[%broadcast_in_dim3A_874] : memref<16xi32, #tpu.memory_space<vmem>>[vector<16xi32>], vector<16xi32>,
      %slice3A_879 = vector.extract_strided_slice %gather3A_878 {offsets = [0], sizes = [1], strides = [1]} : vector<16xi32> to vector<1xi32>
      %squeeze3A_880 = vector.extract %slice3A_879[0] : i32 from vector<1xi32>
      %gather3A_881 = tpu.vector_load_idx %arg13[%broadcast_in_dim3A_874] : memref<16xi32, #tpu.memory_space<vmem>>[vector<16xi32>], vector<16xi32>,
      %slice3A_882 = vector.extract_strided_slice %gather3A_881 {offsets = [0], sizes = [1], strides = [1]} : vector<16xi32> to vector<1xi32>
      %squeeze3A_883 = vector.extract %slice3A_882[0] : i32 from vector<1xi32>
      %add3A_884 = arith.addi %get3A_759, %squeeze3A_883 : i32
      %multiple_of3A_885 = tpu.assume_multiple %add3A_884, 64 : i32
      %add3A_886 = arith.constant 64 : i32
      %add3A_887 = arith.addi %squeeze3A_877, %add3A_886 : i32
      %sub3A_888 = arith.constant 1 : i32
      %sub3A_889 = arith.subi %add3A_887, %sub3A_888 : i32
      %shift_right_logical3A_890 = arith.constant 6 : i32
      %shift_right_logical3A_891 = arith.shrui %sub3A_889, %shift_right_logical3A_890 : i32
      %mul3A_892 = arith.constant 8 : i32
      %mul3A_893 = arith.muli %add3A_871, %mul3A_892 : i32
      %lt3A_894 = arith.constant 16 : i32
      %lt3A_895 = arith.cmpi slt, %scan3A_808, %lt3A_894 : i32
      %broadcast_in_dim3A_896 = vector.broadcast %and3A_810 : i32 to vector<16xi32>
      %while3A_897 = arith.constant 0 : i32
      %while3A_898 = arith.constant 0 : i32
      %while3A_899 = arith.subi %shift_right_logical3A_891, %while3A_898 : i32
      %while3A_900 = arith.addi %while3A_898, %while3A_899 : i32
      %while3A_901 = arith.constant 1 : i32
      %while3A_902 = arith.divsi %while3A_899, %while3A_901 : i32
      %while3A_903 = arith.muli %while3A_902, %while3A_901 : i32
      %while3A_904 = arith.addi %while3A_898, %while3A_903 : i32
      %while3A_905 = arith.constant 1 : i32
      scf.for %while3A_919 = %while3A_898 to %while3A_904 step %while3A_905  : i32 {
        %mul3A_920 = arith.constant 64 : i32
        %mul3A_921 = arith.muli %while3A_919, %mul3A_920 : i32
        %add3A_922 = arith.addi %multiple_of3A_885, %mul3A_921 : i32
        %multiple_of3A_923 = tpu.assume_multiple %add3A_922, 64 : i32
        %and3A_924 = arith.constant 1 : i32
        %and3A_925 = arith.andi %while3A_919, %and3A_924 : i32
        %eq3A_926 = arith.constant 0 : i32
        %eq3A_927 = arith.cmpi eq, %and3A_925, %eq3A_926 : i32
        %convert_element_type3A_928 = arith.extui %eq3A_927 : i1 to i32
        %cond3A_929 = arith.constant 0 : i32
        %cond3A_930 = arith.cmpi ne, %convert_element_type3A_928, %cond3A_929 : i32
        scf.if %cond3A_930 {
          %ge3A = arith.constant 2 : i32
          %ge3A_938 = arith.cmpi sge, %while3A_919, %ge3A : i32
          %convert_element_type3A_939 = arith.extui %ge3A_938 : i1 to i32
          %cond3A_940 = arith.constant 0 : i32
          %cond3A_941 = arith.cmpi ne, %convert_element_type3A_939, %cond3A_940 : i32
          scf.if %cond3A_941 {
            %dma_wait3A = tpu.memref_slice %arg5[%multiple_of3A_923] : memref<2097152xf32, #tpu.memory_space<hbm>> -> memref<64xf32, #tpu.memory_space<hbm>>
            %dma_wait3A_1256 = tpu.memref_slice %arg5[%multiple_of3A_923] : memref<2097152xf32, #tpu.memory_space<hbm>> -> memref<64xf32, #tpu.memory_space<hbm>>
            tpu.wait_dma2 semaphore(%arg33 : memref<!tpu.dma_semaphore, #tpu.memory_space<semaphore_mem>>) src(%arg15 : memref<64xf32, #tpu.memory_space<vmem>>) dst(%dma_wait3A_1256 : memref<64xf32, #tpu.memory_space<hbm>>)
            %dma_wait3A_1257 = tpu.memref_slice %arg5[%multiple_of3A_923] : memref<2097152xf32, #tpu.memory_space<hbm>> -> memref<64xf32, #tpu.memory_space<hbm>>
            %dma_wait3A_1258 = tpu.memref_slice %arg5[%multiple_of3A_923] : memref<2097152xf32, #tpu.memory_space<hbm>> -> memref<64xf32, #tpu.memory_space<hbm>>
            tpu.wait_dma2 semaphore(%arg33 : memref<!tpu.dma_semaphore, #tpu.memory_space<semaphore_mem>>) src(%arg16 : memref<64xf32, #tpu.memory_space<vmem>>) dst(%dma_wait3A_1258 : memref<64xf32, #tpu.memory_space<hbm>>)
            %dma_wait3A_1259 = tpu.memref_slice %arg5[%multiple_of3A_923] : memref<2097152xf32, #tpu.memory_space<hbm>> -> memref<64xf32, #tpu.memory_space<hbm>>
            %dma_wait3A_1260 = tpu.memref_slice %arg5[%multiple_of3A_923] : memref<2097152xf32, #tpu.memory_space<hbm>> -> memref<64xf32, #tpu.memory_space<hbm>>
            tpu.wait_dma2 semaphore(%arg33 : memref<!tpu.dma_semaphore, #tpu.memory_space<semaphore_mem>>) src(%arg17 : memref<64xf32, #tpu.memory_space<vmem>>) dst(%dma_wait3A_1260 : memref<64xf32, #tpu.memory_space<hbm>>)
            %dma_wait3A_1261 = tpu.memref_slice %arg5[%multiple_of3A_923] : memref<2097152xf32, #tpu.memory_space<hbm>> -> memref<64xf32, #tpu.memory_space<hbm>>
            %dma_wait3A_1262 = tpu.memref_slice %arg5[%multiple_of3A_923] : memref<2097152xf32, #tpu.memory_space<hbm>> -> memref<64xf32, #tpu.memory_space<hbm>>
            tpu.wait_dma2 semaphore(%arg33 : memref<!tpu.dma_semaphore, #tpu.memory_space<semaphore_mem>>) src(%arg18 : memref<64xf32, #tpu.memory_space<vmem>>) dst(%dma_wait3A_1262 : memref<64xf32, #tpu.memory_space<hbm>>)
            %dma_wait3A_1263 = tpu.memref_slice %arg5[%multiple_of3A_923] : memref<2097152xf32, #tpu.memory_space<hbm>> -> memref<64xf32, #tpu.memory_space<hbm>>
            %dma_wait3A_1264 = tpu.memref_slice %arg5[%multiple_of3A_923] : memref<2097152xf32, #tpu.memory_space<hbm>> -> memref<64xf32, #tpu.memory_space<hbm>>
            tpu.wait_dma2 semaphore(%arg33 : memref<!tpu.dma_semaphore, #tpu.memory_space<semaphore_mem>>) src(%arg19 : memref<64xf32, #tpu.memory_space<vmem>>) dst(%dma_wait3A_1264 : memref<64xf32, #tpu.memory_space<hbm>>)
            %dma_wait3A_1265 = tpu.memref_slice %arg5[%multiple_of3A_923] : memref<2097152xf32, #tpu.memory_space<hbm>> -> memref<64xf32, #tpu.memory_space<hbm>>
            %dma_wait3A_1266 = tpu.memref_slice %arg5[%multiple_of3A_923] : memref<2097152xf32, #tpu.memory_space<hbm>> -> memref<64xf32, #tpu.memory_space<hbm>>
            tpu.wait_dma2 semaphore(%arg33 : memref<!tpu.dma_semaphore, #tpu.memory_space<semaphore_mem>>) src(%arg20 : memref<64xf32, #tpu.memory_space<vmem>>) dst(%dma_wait3A_1266 : memref<64xf32, #tpu.memory_space<hbm>>)
            %dma_wait3A_1267 = tpu.memref_slice %arg5[%multiple_of3A_923] : memref<2097152xf32, #tpu.memory_space<hbm>> -> memref<64xf32, #tpu.memory_space<hbm>>
            %dma_wait3A_1268 = tpu.memref_slice %arg5[%multiple_of3A_923] : memref<2097152xf32, #tpu.memory_space<hbm>> -> memref<64xf32, #tpu.memory_space<hbm>>
            tpu.wait_dma2 semaphore(%arg33 : memref<!tpu.dma_semaphore, #tpu.memory_space<semaphore_mem>>) src(%arg21 : memref<64xf32, #tpu.memory_space<vmem>>) dst(%dma_wait3A_1268 : memref<64xf32, #tpu.memory_space<hbm>>)
            %dma_wait3A_1269 = tpu.memref_slice %arg5[%multiple_of3A_923] : memref<2097152xf32, #tpu.memory_space<hbm>> -> memref<64xf32, #tpu.memory_space<hbm>>
            %dma_wait3A_1270 = tpu.memref_slice %arg5[%multiple_of3A_923] : memref<2097152xf32, #tpu.memory_space<hbm>> -> memref<64xf32, #tpu.memory_space<hbm>>
            tpu.wait_dma2 semaphore(%arg33 : memref<!tpu.dma_semaphore, #tpu.memory_space<semaphore_mem>>) src(%arg22 : memref<64xf32, #tpu.memory_space<vmem>>) dst(%dma_wait3A_1270 : memref<64xf32, #tpu.memory_space<hbm>>)
            %convert_element_type3A_1271 = arith.extui %lt3A_895 : i1 to i32
            %cond3A_1272 = arith.constant 0 : i32
            %cond3A_1273 = arith.cmpi ne, %convert_element_type3A_1271, %cond3A_1272 : i32
            scf.if %cond3A_1273 {
              %dma_wait3A_1274 = tpu.memref_slice %arg6[%multiple_of3A_923] : memref<32768xi32, #tpu.memory_space<hbm>> -> memref<64xi32, #tpu.memory_space<hbm>>
              %dma_wait3A_1275 = tpu.memref_slice %arg6[%multiple_of3A_923] : memref<32768xi32, #tpu.memory_space<hbm>> -> memref<64xi32, #tpu.memory_space<hbm>>
              tpu.wait_dma2 semaphore(%arg33 : memref<!tpu.dma_semaphore, #tpu.memory_space<semaphore_mem>>) src(%arg31 : memref<64xi32, #tpu.memory_space<vmem>>) dst(%dma_wait3A_1275 : memref<64xi32, #tpu.memory_space<hbm>>)
            } else {
            }
          } else {
          }
          %mul3A_942 = arith.constant 64 : i32
          %mul3A_943 = arith.muli %while3A_919, %mul3A_942 : i32
          %add3A_944 = arith.constant 0 : i32
          %add3A_945 = arith.addi %mul3A_943, %add3A_944 : i32
          %add3A_946 = arith.addi %squeeze3A_880, %add3A_945 : i32
          %get3A_947 = arith.index_cast %add3A_946 : i32 to index
          %get3A_948 = tpu.vector_load %arg9[%get3A_947] {strides = array<i32>} : memref<16640xi32, #tpu.memory_space<vmem>>, vector<16xi32>,
          %shift_right_logical3A_949 = arith.constant 16 : i32
          %shift_right_logical3A_950 = vector.broadcast %shift_right_logical3A_949 : i32 to vector<16xi32>
          %shift_right_logical3A_951 = arith.shrui %get3A_948, %shift_right_logical3A_950 : vector<16xi32>
          %and3A_952 = arith.constant 4095 : i32
          %and3A_953 = vector.broadcast %and3A_952 : i32 to vector<16xi32>
          %and3A_954 = arith.andi %get3A_948, %and3A_953 : vector<16xi32>
          %add3A_955 = vector.broadcast %add3A_945 : i32 to vector<16xi32>
          %add3A_956 = arith.addi %iota3A, %add3A_955 : vector<16xi32>
          %lt3A_957 = vector.broadcast %squeeze3A_877 : i32 to vector<16xi32>
          %lt3A_958 = arith.cmpi slt, %add3A_956, %lt3A_957 : vector<16xi32>
          %lt3A_959 = arith.constant 16384 : i32
          %lt3A_960 = vector.broadcast %lt3A_959 : i32 to vector<16xi32>
          %lt3A_961 = arith.cmpi slt, %shift_right_logical3A_951, %lt3A_960 : vector<16xi32>
          %and3A_962 = arith.andi %lt3A_958, %lt3A_961 : vector<16xi1>
          %broadcast_in_dim3A_963 = arith.constant 0 : i32
          %broadcast_in_dim3A_964 = vector.broadcast %broadcast_in_dim3A_963 : i32 to vector<16xi32>
          %gather3A_965 = tpu.vector_load_idx %arg12[%broadcast_in_dim3A_896, %broadcast_in_dim3A_964, %and3A_954] : memref<2x8x4096xf32, #tpu.memory_space<vmem>>[vector<16xi32>, vector<16xi32>, vector<16xi32>], vector<16xf32>,
          %swap3A_966 = arith.constant 0 : index
          %swap3A_967 = tpu.vector_load %arg15[%swap3A_966] {strides = array<i32>} : memref<64xf32, #tpu.memory_space<vmem>>, vector<16xf32>,
          tpu.vector_store %arg15[%swap3A_966], %gather3A_965 {strides = array<i32>} : memref<64xf32, #tpu.memory_space<vmem>>, vector<16xf32>,
          %broadcast_in_dim3A_968 = arith.constant 1 : i32
          %broadcast_in_dim3A_969 = vector.broadcast %broadcast_in_dim3A_968 : i32 to vector<16xi32>
          %gather3A_970 = tpu.vector_load_idx %arg12[%broadcast_in_dim3A_896, %broadcast_in_dim3A_969, %and3A_954] : memref<2x8x4096xf32, #tpu.memory_space<vmem>>[vector<16xi32>, vector<16xi32>, vector<16xi32>], vector<16xf32>,
          %swap3A_971 = arith.constant 0 : index
          %swap3A_972 = tpu.vector_load %arg16[%swap3A_971] {strides = array<i32>} : memref<64xf32, #tpu.memory_space<vmem>>, vector<16xf32>,
          tpu.vector_store %arg16[%swap3A_971], %gather3A_970 {strides = array<i32>} : memref<64xf32, #tpu.memory_space<vmem>>, vector<16xf32>,
          %broadcast_in_dim3A_973 = arith.constant 2 : i32
          %broadcast_in_dim3A_974 = vector.broadcast %broadcast_in_dim3A_973 : i32 to vector<16xi32>
          %gather3A_975 = tpu.vector_load_idx %arg12[%broadcast_in_dim3A_896, %broadcast_in_dim3A_974, %and3A_954] : memref<2x8x4096xf32, #tpu.memory_space<vmem>>[vector<16xi32>, vector<16xi32>, vector<16xi32>], vector<16xf32>,
          %swap3A_976 = arith.constant 0 : index
          %swap3A_977 = tpu.vector_load %arg17[%swap3A_976] {strides = array<i32>} : memref<64xf32, #tpu.memory_space<vmem>>, vector<16xf32>,
          tpu.vector_store %arg17[%swap3A_976], %gather3A_975 {strides = array<i32>} : memref<64xf32, #tpu.memory_space<vmem>>, vector<16xf32>,
          %broadcast_in_dim3A_978 = arith.constant 3 : i32
          %broadcast_in_dim3A_979 = vector.broadcast %broadcast_in_dim3A_978 : i32 to vector<16xi32>
          %gather3A_980 = tpu.vector_load_idx %arg12[%broadcast_in_dim3A_896, %broadcast_in_dim3A_979, %and3A_954] : memref<2x8x4096xf32, #tpu.memory_space<vmem>>[vector<16xi32>, vector<16xi32>, vector<16xi32>], vector<16xf32>,
          %swap3A_981 = arith.constant 0 : index
          %swap3A_982 = tpu.vector_load %arg18[%swap3A_981] {strides = array<i32>} : memref<64xf32, #tpu.memory_space<vmem>>, vector<16xf32>,
          tpu.vector_store %arg18[%swap3A_981], %gather3A_980 {strides = array<i32>} : memref<64xf32, #tpu.memory_space<vmem>>, vector<16xf32>,
          %broadcast_in_dim3A_983 = arith.constant 4 : i32
          %broadcast_in_dim3A_984 = vector.broadcast %broadcast_in_dim3A_983 : i32 to vector<16xi32>
          %gather3A_985 = tpu.vector_load_idx %arg12[%broadcast_in_dim3A_896, %broadcast_in_dim3A_984, %and3A_954] : memref<2x8x4096xf32, #tpu.memory_space<vmem>>[vector<16xi32>, vector<16xi32>, vector<16xi32>], vector<16xf32>,
          %swap3A_986 = arith.constant 0 : index
          %swap3A_987 = tpu.vector_load %arg19[%swap3A_986] {strides = array<i32>} : memref<64xf32, #tpu.memory_space<vmem>>, vector<16xf32>,
          tpu.vector_store %arg19[%swap3A_986], %gather3A_985 {strides = array<i32>} : memref<64xf32, #tpu.memory_space<vmem>>, vector<16xf32>,
          %broadcast_in_dim3A_988 = arith.constant 5 : i32
          %broadcast_in_dim3A_989 = vector.broadcast %broadcast_in_dim3A_988 : i32 to vector<16xi32>
          %gather3A_990 = tpu.vector_load_idx %arg12[%broadcast_in_dim3A_896, %broadcast_in_dim3A_989, %and3A_954] : memref<2x8x4096xf32, #tpu.memory_space<vmem>>[vector<16xi32>, vector<16xi32>, vector<16xi32>], vector<16xf32>,
          %swap3A_991 = arith.constant 0 : index
          %swap3A_992 = tpu.vector_load %arg20[%swap3A_991] {strides = array<i32>} : memref<64xf32, #tpu.memory_space<vmem>>, vector<16xf32>,
          tpu.vector_store %arg20[%swap3A_991], %gather3A_990 {strides = array<i32>} : memref<64xf32, #tpu.memory_space<vmem>>, vector<16xf32>,
          %broadcast_in_dim3A_993 = arith.constant 6 : i32
          %broadcast_in_dim3A_994 = vector.broadcast %broadcast_in_dim3A_993 : i32 to vector<16xi32>
          %gather3A_995 = tpu.vector_load_idx %arg12[%broadcast_in_dim3A_896, %broadcast_in_dim3A_994, %and3A_954] : memref<2x8x4096xf32, #tpu.memory_space<vmem>>[vector<16xi32>, vector<16xi32>, vector<16xi32>], vector<16xf32>,
          %swap3A_996 = arith.constant 0 : index
          %swap3A_997 = tpu.vector_load %arg21[%swap3A_996] {strides = array<i32>} : memref<64xf32, #tpu.memory_space<vmem>>, vector<16xf32>,
          tpu.vector_store %arg21[%swap3A_996], %gather3A_995 {strides = array<i32>} : memref<64xf32, #tpu.memory_space<vmem>>, vector<16xf32>,
          %broadcast_in_dim3A_998 = arith.constant 7 : i32
          %broadcast_in_dim3A_999 = vector.broadcast %broadcast_in_dim3A_998 : i32 to vector<16xi32>
          %gather3A_1000 = tpu.vector_load_idx %arg12[%broadcast_in_dim3A_896, %broadcast_in_dim3A_999, %and3A_954] : memref<2x8x4096xf32, #tpu.memory_space<vmem>>[vector<16xi32>, vector<16xi32>, vector<16xi32>], vector<16xf32>,
          %swap3A_1001 = arith.constant 0 : index
          %swap3A_1002 = tpu.vector_load %arg22[%swap3A_1001] {strides = array<i32>} : memref<64xf32, #tpu.memory_space<vmem>>, vector<16xf32>,
          tpu.vector_store %arg22[%swap3A_1001], %gather3A_1000 {strides = array<i32>} : memref<64xf32, #tpu.memory_space<vmem>>, vector<16xf32>,
          %convert_element_type3A_1003 = arith.extui %lt3A_895 : i1 to i32
          %cond3A_1004 = arith.constant 0 : i32
          %cond3A_1005 = arith.cmpi ne, %convert_element_type3A_1003, %cond3A_1004 : i32
          scf.if %cond3A_1005 {
            %jit3A_1256 = arith.constant 16384 : i32
            %broadcast_in_dim3A_1257 = vector.broadcast %jit3A_1256 : i32 to vector<16xi32>
            %select_n3A_1258 = arith.select %and3A_962, %shift_right_logical3A_951, %broadcast_in_dim3A_1257 : vector<16xi1>, vector<16xi32>
            %swap3A_1259 = arith.constant 0 : index
            %swap3A_1260 = tpu.vector_load %arg31[%swap3A_1259] {strides = array<i32>} : memref<64xi32, #tpu.memory_space<vmem>>, vector<16xi32>,
            tpu.vector_store %arg31[%swap3A_1259], %select_n3A_1258 {strides = array<i32>} : memref<64xi32, #tpu.memory_space<vmem>>, vector<16xi32>,
          } else {
          }
          %mul3A_1006 = arith.constant 64 : i32
          %mul3A_1007 = arith.muli %while3A_919, %mul3A_1006 : i32
          %add3A_1008 = arith.constant 16 : i32
          %add3A_1009 = arith.addi %mul3A_1007, %add3A_1008 : i32
          %add3A_1010 = arith.addi %squeeze3A_880, %add3A_1009 : i32
          %get3A_1011 = arith.index_cast %add3A_1010 : i32 to index
          %get3A_1012 = tpu.vector_load %arg9[%get3A_1011] {strides = array<i32>} : memref<16640xi32, #tpu.memory_space<vmem>>, vector<16xi32>,
          %shift_right_logical3A_1013 = arith.constant 16 : i32
          %shift_right_logical3A_1014 = vector.broadcast %shift_right_logical3A_1013 : i32 to vector<16xi32>
          %shift_right_logical3A_1015 = arith.shrui %get3A_1012, %shift_right_logical3A_1014 : vector<16xi32>
          %and3A_1016 = arith.constant 4095 : i32
          %and3A_1017 = vector.broadcast %and3A_1016 : i32 to vector<16xi32>
          %and3A_1018 = arith.andi %get3A_1012, %and3A_1017 : vector<16xi32>
          %add3A_1019 = vector.broadcast %add3A_1009 : i32 to vector<16xi32>
          %add3A_1020 = arith.addi %iota3A, %add3A_1019 : vector<16xi32>
          %lt3A_1021 = vector.broadcast %squeeze3A_877 : i32 to vector<16xi32>
          %lt3A_1022 = arith.cmpi slt, %add3A_1020, %lt3A_1021 : vector<16xi32>
          %lt3A_1023 = arith.constant 16384 : i32
          %lt3A_1024 = vector.broadcast %lt3A_1023 : i32 to vector<16xi32>
          %lt3A_1025 = arith.cmpi slt, %shift_right_logical3A_1015, %lt3A_1024 : vector<16xi32>
          %and3A_1026 = arith.andi %lt3A_1022, %lt3A_1025 : vector<16xi1>
          %broadcast_in_dim3A_1027 = arith.constant 0 : i32
          %broadcast_in_dim3A_1028 = vector.broadcast %broadcast_in_dim3A_1027 : i32 to vector<16xi32>
          %gather3A_1029 = tpu.vector_load_idx %arg12[%broadcast_in_dim3A_896, %broadcast_in_dim3A_1028, %and3A_1018] : memref<2x8x4096xf32, #tpu.memory_space<vmem>>[vector<16xi32>, vector<16xi32>, vector<16xi32>], vector<16xf32>,
          %swap3A_1030 = arith.constant 16 : index
          %swap3A_1031 = tpu.vector_load %arg15[%swap3A_1030] {strides = array<i32>} : memref<64xf32, #tpu.memory_space<vmem>>, vector<16xf32>,
          tpu.vector_store %arg15[%swap3A_1030], %gather3A_1029 {strides = array<i32>} : memref<64xf32, #tpu.memory_space<vmem>>, vector<16xf32>,
          %broadcast_in_dim3A_1032 = arith.constant 1 : i32
          %broadcast_in_dim3A_1033 = vector.broadcast %broadcast_in_dim3A_1032 : i32 to vector<16xi32>
          %gather3A_1034 = tpu.vector_load_idx %arg12[%broadcast_in_dim3A_896, %broadcast_in_dim3A_1033, %and3A_1018] : memref<2x8x4096xf32, #tpu.memory_space<vmem>>[vector<16xi32>, vector<16xi32>, vector<16xi32>], vector<16xf32>,
          %swap3A_1035 = arith.constant 16 : index
          %swap3A_1036 = tpu.vector_load %arg16[%swap3A_1035] {strides = array<i32>} : memref<64xf32, #tpu.memory_space<vmem>>, vector<16xf32>,
          tpu.vector_store %arg16[%swap3A_1035], %gather3A_1034 {strides = array<i32>} : memref<64xf32, #tpu.memory_space<vmem>>, vector<16xf32>,
          %broadcast_in_dim3A_1037 = arith.constant 2 : i32
          %broadcast_in_dim3A_1038 = vector.broadcast %broadcast_in_dim3A_1037 : i32 to vector<16xi32>
          %gather3A_1039 = tpu.vector_load_idx %arg12[%broadcast_in_dim3A_896, %broadcast_in_dim3A_1038, %and3A_1018] : memref<2x8x4096xf32, #tpu.memory_space<vmem>>[vector<16xi32>, vector<16xi32>, vector<16xi32>], vector<16xf32>,
          %swap3A_1040 = arith.constant 16 : index
          %swap3A_1041 = tpu.vector_load %arg17[%swap3A_1040] {strides = array<i32>} : memref<64xf32, #tpu.memory_space<vmem>>, vector<16xf32>,
          tpu.vector_store %arg17[%swap3A_1040], %gather3A_1039 {strides = array<i32>} : memref<64xf32, #tpu.memory_space<vmem>>, vector<16xf32>,
          %broadcast_in_dim3A_1042 = arith.constant 3 : i32
          %broadcast_in_dim3A_1043 = vector.broadcast %broadcast_in_dim3A_1042 : i32 to vector<16xi32>
          %gather3A_1044 = tpu.vector_load_idx %arg12[%broadcast_in_dim3A_896, %broadcast_in_dim3A_1043, %and3A_1018] : memref<2x8x4096xf32, #tpu.memory_space<vmem>>[vector<16xi32>, vector<16xi32>, vector<16xi32>], vector<16xf32>,
          %swap3A_1045 = arith.constant 16 : index
          %swap3A_1046 = tpu.vector_load %arg18[%swap3A_1045] {strides = array<i32>} : memref<64xf32, #tpu.memory_space<vmem>>, vector<16xf32>,
          tpu.vector_store %arg18[%swap3A_1045], %gather3A_1044 {strides = array<i32>} : memref<64xf32, #tpu.memory_space<vmem>>, vector<16xf32>,
          %broadcast_in_dim3A_1047 = arith.constant 4 : i32
          %broadcast_in_dim3A_1048 = vector.broadcast %broadcast_in_dim3A_1047 : i32 to vector<16xi32>
          %gather3A_1049 = tpu.vector_load_idx %arg12[%broadcast_in_dim3A_896, %broadcast_in_dim3A_1048, %and3A_1018] : memref<2x8x4096xf32, #tpu.memory_space<vmem>>[vector<16xi32>, vector<16xi32>, vector<16xi32>], vector<16xf32>,
          %swap3A_1050 = arith.constant 16 : index
          %swap3A_1051 = tpu.vector_load %arg19[%swap3A_1050] {strides = array<i32>} : memref<64xf32, #tpu.memory_space<vmem>>, vector<16xf32>,
          tpu.vector_store %arg19[%swap3A_1050], %gather3A_1049 {strides = array<i32>} : memref<64xf32, #tpu.memory_space<vmem>>, vector<16xf32>,
          %broadcast_in_dim3A_1052 = arith.constant 5 : i32
          %broadcast_in_dim3A_1053 = vector.broadcast %broadcast_in_dim3A_1052 : i32 to vector<16xi32>
          %gather3A_1054 = tpu.vector_load_idx %arg12[%broadcast_in_dim3A_896, %broadcast_in_dim3A_1053, %and3A_1018] : memref<2x8x4096xf32, #tpu.memory_space<vmem>>[vector<16xi32>, vector<16xi32>, vector<16xi32>], vector<16xf32>,
          %swap3A_1055 = arith.constant 16 : index
          %swap3A_1056 = tpu.vector_load %arg20[%swap3A_1055] {strides = array<i32>} : memref<64xf32, #tpu.memory_space<vmem>>, vector<16xf32>,
          tpu.vector_store %arg20[%swap3A_1055], %gather3A_1054 {strides = array<i32>} : memref<64xf32, #tpu.memory_space<vmem>>, vector<16xf32>,
          %broadcast_in_dim3A_1057 = arith.constant 6 : i32
          %broadcast_in_dim3A_1058 = vector.broadcast %broadcast_in_dim3A_1057 : i32 to vector<16xi32>
          %gather3A_1059 = tpu.vector_load_idx %arg12[%broadcast_in_dim3A_896, %broadcast_in_dim3A_1058, %and3A_1018] : memref<2x8x4096xf32, #tpu.memory_space<vmem>>[vector<16xi32>, vector<16xi32>, vector<16xi32>], vector<16xf32>,
          %swap3A_1060 = arith.constant 16 : index
          %swap3A_1061 = tpu.vector_load %arg21[%swap3A_1060] {strides = array<i32>} : memref<64xf32, #tpu.memory_space<vmem>>, vector<16xf32>,
          tpu.vector_store %arg21[%swap3A_1060], %gather3A_1059 {strides = array<i32>} : memref<64xf32, #tpu.memory_space<vmem>>, vector<16xf32>,
          %broadcast_in_dim3A_1062 = arith.constant 7 : i32
          %broadcast_in_dim3A_1063 = vector.broadcast %broadcast_in_dim3A_1062 : i32 to vector<16xi32>
          %gather3A_1064 = tpu.vector_load_idx %arg12[%broadcast_in_dim3A_896, %broadcast_in_dim3A_1063, %and3A_1018] : memref<2x8x4096xf32, #tpu.memory_space<vmem>>[vector<16xi32>, vector<16xi32>, vector<16xi32>], vector<16xf32>,
          %swap3A_1065 = arith.constant 16 : index
          %swap3A_1066 = tpu.vector_load %arg22[%swap3A_1065] {strides = array<i32>} : memref<64xf32, #tpu.memory_space<vmem>>, vector<16xf32>,
          tpu.vector_store %arg22[%swap3A_1065], %gather3A_1064 {strides = array<i32>} : memref<64xf32, #tpu.memory_space<vmem>>, vector<16xf32>,
          %convert_element_type3A_1067 = arith.extui %lt3A_895 : i1 to i32
          %cond3A_1068 = arith.constant 0 : i32
          %cond3A_1069 = arith.cmpi ne, %convert_element_type3A_1067, %cond3A_1068 : i32
          scf.if %cond3A_1069 {
            %jit3A_1256 = arith.constant 16384 : i32
            %broadcast_in_dim3A_1257 = vector.broadcast %jit3A_1256 : i32 to vector<16xi32>
            %select_n3A_1258 = arith.select %and3A_1026, %shift_right_logical3A_1015, %broadcast_in_dim3A_1257 : vector<16xi1>, vector<16xi32>
            %swap3A_1259 = arith.constant 16 : index
            %swap3A_1260 = tpu.vector_load %arg31[%swap3A_1259] {strides = array<i32>} : memref<64xi32, #tpu.memory_space<vmem>>, vector<16xi32>,
            tpu.vector_store %arg31[%swap3A_1259], %select_n3A_1258 {strides = array<i32>} : memref<64xi32, #tpu.memory_space<vmem>>, vector<16xi32>,
          } else {
          }
          %mul3A_1070 = arith.constant 64 : i32
          %mul3A_1071 = arith.muli %while3A_919, %mul3A_1070 : i32
          %add3A_1072 = arith.constant 32 : i32
          %add3A_1073 = arith.addi %mul3A_1071, %add3A_1072 : i32
          %add3A_1074 = arith.addi %squeeze3A_880, %add3A_1073 : i32
          %get3A_1075 = arith.index_cast %add3A_1074 : i32 to index
          %get3A_1076 = tpu.vector_load %arg9[%get3A_1075] {strides = array<i32>} : memref<16640xi32, #tpu.memory_space<vmem>>, vector<16xi32>,
          %shift_right_logical3A_1077 = arith.constant 16 : i32
          %shift_right_logical3A_1078 = vector.broadcast %shift_right_logical3A_1077 : i32 to vector<16xi32>
          %shift_right_logical3A_1079 = arith.shrui %get3A_1076, %shift_right_logical3A_1078 : vector<16xi32>
          %and3A_1080 = arith.constant 4095 : i32
          %and3A_1081 = vector.broadcast %and3A_1080 : i32 to vector<16xi32>
          %and3A_1082 = arith.andi %get3A_1076, %and3A_1081 : vector<16xi32>
          %add3A_1083 = vector.broadcast %add3A_1073 : i32 to vector<16xi32>
          %add3A_1084 = arith.addi %iota3A, %add3A_1083 : vector<16xi32>
          %lt3A_1085 = vector.broadcast %squeeze3A_877 : i32 to vector<16xi32>
          %lt3A_1086 = arith.cmpi slt, %add3A_1084, %lt3A_1085 : vector<16xi32>
          %lt3A_1087 = arith.constant 16384 : i32
          %lt3A_1088 = vector.broadcast %lt3A_1087 : i32 to vector<16xi32>
          %lt3A_1089 = arith.cmpi slt, %shift_right_logical3A_1079, %lt3A_1088 : vector<16xi32>
          %and3A_1090 = arith.andi %lt3A_1086, %lt3A_1089 : vector<16xi1>
          %broadcast_in_dim3A_1091 = arith.constant 0 : i32
          %broadcast_in_dim3A_1092 = vector.broadcast %broadcast_in_dim3A_1091 : i32 to vector<16xi32>
          %gather3A_1093 = tpu.vector_load_idx %arg12[%broadcast_in_dim3A_896, %broadcast_in_dim3A_1092, %and3A_1082] : memref<2x8x4096xf32, #tpu.memory_space<vmem>>[vector<16xi32>, vector<16xi32>, vector<16xi32>], vector<16xf32>,
          %swap3A_1094 = arith.constant 32 : index
          %swap3A_1095 = tpu.vector_load %arg15[%swap3A_1094] {strides = array<i32>} : memref<64xf32, #tpu.memory_space<vmem>>, vector<16xf32>,
          tpu.vector_store %arg15[%swap3A_1094], %gather3A_1093 {strides = array<i32>} : memref<64xf32, #tpu.memory_space<vmem>>, vector<16xf32>,
          %broadcast_in_dim3A_1096 = arith.constant 1 : i32
          %broadcast_in_dim3A_1097 = vector.broadcast %broadcast_in_dim3A_1096 : i32 to vector<16xi32>
          %gather3A_1098 = tpu.vector_load_idx %arg12[%broadcast_in_dim3A_896, %broadcast_in_dim3A_1097, %and3A_1082] : memref<2x8x4096xf32, #tpu.memory_space<vmem>>[vector<16xi32>, vector<16xi32>, vector<16xi32>], vector<16xf32>,
          %swap3A_1099 = arith.constant 32 : index
          %swap3A_1100 = tpu.vector_load %arg16[%swap3A_1099] {strides = array<i32>} : memref<64xf32, #tpu.memory_space<vmem>>, vector<16xf32>,
          tpu.vector_store %arg16[%swap3A_1099], %gather3A_1098 {strides = array<i32>} : memref<64xf32, #tpu.memory_space<vmem>>, vector<16xf32>,
          %broadcast_in_dim3A_1101 = arith.constant 2 : i32
          %broadcast_in_dim3A_1102 = vector.broadcast %broadcast_in_dim3A_1101 : i32 to vector<16xi32>
          %gather3A_1103 = tpu.vector_load_idx %arg12[%broadcast_in_dim3A_896, %broadcast_in_dim3A_1102, %and3A_1082] : memref<2x8x4096xf32, #tpu.memory_space<vmem>>[vector<16xi32>, vector<16xi32>, vector<16xi32>], vector<16xf32>,
          %swap3A_1104 = arith.constant 32 : index
          %swap3A_1105 = tpu.vector_load %arg17[%swap3A_1104] {strides = array<i32>} : memref<64xf32, #tpu.memory_space<vmem>>, vector<16xf32>,
          tpu.vector_store %arg17[%swap3A_1104], %gather3A_1103 {strides = array<i32>} : memref<64xf32, #tpu.memory_space<vmem>>, vector<16xf32>,
          %broadcast_in_dim3A_1106 = arith.constant 3 : i32
          %broadcast_in_dim3A_1107 = vector.broadcast %broadcast_in_dim3A_1106 : i32 to vector<16xi32>
          %gather3A_1108 = tpu.vector_load_idx %arg12[%broadcast_in_dim3A_896, %broadcast_in_dim3A_1107, %and3A_1082] : memref<2x8x4096xf32, #tpu.memory_space<vmem>>[vector<16xi32>, vector<16xi32>, vector<16xi32>], vector<16xf32>,
          %swap3A_1109 = arith.constant 32 : index
          %swap3A_1110 = tpu.vector_load %arg18[%swap3A_1109] {strides = array<i32>} : memref<64xf32, #tpu.memory_space<vmem>>, vector<16xf32>,
          tpu.vector_store %arg18[%swap3A_1109], %gather3A_1108 {strides = array<i32>} : memref<64xf32, #tpu.memory_space<vmem>>, vector<16xf32>,
          %broadcast_in_dim3A_1111 = arith.constant 4 : i32
          %broadcast_in_dim3A_1112 = vector.broadcast %broadcast_in_dim3A_1111 : i32 to vector<16xi32>
          %gather3A_1113 = tpu.vector_load_idx %arg12[%broadcast_in_dim3A_896, %broadcast_in_dim3A_1112, %and3A_1082] : memref<2x8x4096xf32, #tpu.memory_space<vmem>>[vector<16xi32>, vector<16xi32>, vector<16xi32>], vector<16xf32>,
          %swap3A_1114 = arith.constant 32 : index
          %swap3A_1115 = tpu.vector_load %arg19[%swap3A_1114] {strides = array<i32>} : memref<64xf32, #tpu.memory_space<vmem>>, vector<16xf32>,
          tpu.vector_store %arg19[%swap3A_1114], %gather3A_1113 {strides = array<i32>} : memref<64xf32, #tpu.memory_space<vmem>>, vector<16xf32>,
          %broadcast_in_dim3A_1116 = arith.constant 5 : i32
          %broadcast_in_dim3A_1117 = vector.broadcast %broadcast_in_dim3A_1116 : i32 to vector<16xi32>
          %gather3A_1118 = tpu.vector_load_idx %arg12[%broadcast_in_dim3A_896, %broadcast_in_dim3A_1117, %and3A_1082] : memref<2x8x4096xf32, #tpu.memory_space<vmem>>[vector<16xi32>, vector<16xi32>, vector<16xi32>], vector<16xf32>,
          %swap3A_1119 = arith.constant 32 : index
          %swap3A_1120 = tpu.vector_load %arg20[%swap3A_1119] {strides = array<i32>} : memref<64xf32, #tpu.memory_space<vmem>>, vector<16xf32>,
          tpu.vector_store %arg20[%swap3A_1119], %gather3A_1118 {strides = array<i32>} : memref<64xf32, #tpu.memory_space<vmem>>, vector<16xf32>,
          %broadcast_in_dim3A_1121 = arith.constant 6 : i32
          %broadcast_in_dim3A_1122 = vector.broadcast %broadcast_in_dim3A_1121 : i32 to vector<16xi32>
          %gather3A_1123 = tpu.vector_load_idx %arg12[%broadcast_in_dim3A_896, %broadcast_in_dim3A_1122, %and3A_1082] : memref<2x8x4096xf32, #tpu.memory_space<vmem>>[vector<16xi32>, vector<16xi32>, vector<16xi32>], vector<16xf32>,
          %swap3A_1124 = arith.constant 32 : index
          %swap3A_1125 = tpu.vector_load %arg21[%swap3A_1124] {strides = array<i32>} : memref<64xf32, #tpu.memory_space<vmem>>, vector<16xf32>,
          tpu.vector_store %arg21[%swap3A_1124], %gather3A_1123 {strides = array<i32>} : memref<64xf32, #tpu.memory_space<vmem>>, vector<16xf32>,
          %broadcast_in_dim3A_1126 = arith.constant 7 : i32
          %broadcast_in_dim3A_1127 = vector.broadcast %broadcast_in_dim3A_1126 : i32 to vector<16xi32>
          %gather3A_1128 = tpu.vector_load_idx %arg12[%broadcast_in_dim3A_896, %broadcast_in_dim3A_1127, %and3A_1082] : memref<2x8x4096xf32, #tpu.memory_space<vmem>>[vector<16xi32>, vector<16xi32>, vector<16xi32>], vector<16xf32>,
          %swap3A_1129 = arith.constant 32 : index
          %swap3A_1130 = tpu.vector_load %arg22[%swap3A_1129] {strides = array<i32>} : memref<64xf32, #tpu.memory_space<vmem>>, vector<16xf32>,
          tpu.vector_store %arg22[%swap3A_1129], %gather3A_1128 {strides = array<i32>} : memref<64xf32, #tpu.memory_space<vmem>>, vector<16xf32>,
          %convert_element_type3A_1131 = arith.extui %lt3A_895 : i1 to i32
          %cond3A_1132 = arith.constant 0 : i32
          %cond3A_1133 = arith.cmpi ne, %convert_element_type3A_1131, %cond3A_1132 : i32
          scf.if %cond3A_1133 {
            %jit3A_1256 = arith.constant 16384 : i32
            %broadcast_in_dim3A_1257 = vector.broadcast %jit3A_1256 : i32 to vector<16xi32>
            %select_n3A_1258 = arith.select %and3A_1090, %shift_right_logical3A_1079, %broadcast_in_dim3A_1257 : vector<16xi1>, vector<16xi32>
            %swap3A_1259 = arith.constant 32 : index
            %swap3A_1260 = tpu.vector_load %arg31[%swap3A_1259] {strides = array<i32>} : memref<64xi32, #tpu.memory_space<vmem>>, vector<16xi32>,
            tpu.vector_store %arg31[%swap3A_1259], %select_n3A_1258 {strides = array<i32>} : memref<64xi32, #tpu.memory_space<vmem>>, vector<16xi32>,
          } else {
          }
          %mul3A_1134 = arith.constant 64 : i32
          %mul3A_1135 = arith.muli %while3A_919, %mul3A_1134 : i32
          %add3A_1136 = arith.constant 48 : i32
          %add3A_1137 = arith.addi %mul3A_1135, %add3A_1136 : i32
          %add3A_1138 = arith.addi %squeeze3A_880, %add3A_1137 : i32
          %get3A_1139 = arith.index_cast %add3A_1138 : i32 to index
          %get3A_1140 = tpu.vector_load %arg9[%get3A_1139] {strides = array<i32>} : memref<16640xi32, #tpu.memory_space<vmem>>, vector<16xi32>,
          %shift_right_logical3A_1141 = arith.constant 16 : i32
          %shift_right_logical3A_1142 = vector.broadcast %shift_right_logical3A_1141 : i32 to vector<16xi32>
          %shift_right_logical3A_1143 = arith.shrui %get3A_1140, %shift_right_logical3A_1142 : vector<16xi32>
          %and3A_1144 = arith.constant 4095 : i32
          %and3A_1145 = vector.broadcast %and3A_1144 : i32 to vector<16xi32>
          %and3A_1146 = arith.andi %get3A_1140, %and3A_1145 : vector<16xi32>
          %add3A_1147 = vector.broadcast %add3A_1137 : i32 to vector<16xi32>
          %add3A_1148 = arith.addi %iota3A, %add3A_1147 : vector<16xi32>
          %lt3A_1149 = vector.broadcast %squeeze3A_877 : i32 to vector<16xi32>
          %lt3A_1150 = arith.cmpi slt, %add3A_1148, %lt3A_1149 : vector<16xi32>
          %lt3A_1151 = arith.constant 16384 : i32
          %lt3A_1152 = vector.broadcast %lt3A_1151 : i32 to vector<16xi32>
          %lt3A_1153 = arith.cmpi slt, %shift_right_logical3A_1143, %lt3A_1152 : vector<16xi32>
          %and3A_1154 = arith.andi %lt3A_1150, %lt3A_1153 : vector<16xi1>
          %broadcast_in_dim3A_1155 = arith.constant 0 : i32
          %broadcast_in_dim3A_1156 = vector.broadcast %broadcast_in_dim3A_1155 : i32 to vector<16xi32>
          %gather3A_1157 = tpu.vector_load_idx %arg12[%broadcast_in_dim3A_896, %broadcast_in_dim3A_1156, %and3A_1146] : memref<2x8x4096xf32, #tpu.memory_space<vmem>>[vector<16xi32>, vector<16xi32>, vector<16xi32>], vector<16xf32>,
          %swap3A_1158 = arith.constant 48 : index
          %swap3A_1159 = tpu.vector_load %arg15[%swap3A_1158] {strides = array<i32>} : memref<64xf32, #tpu.memory_space<vmem>>, vector<16xf32>,
          tpu.vector_store %arg15[%swap3A_1158], %gather3A_1157 {strides = array<i32>} : memref<64xf32, #tpu.memory_space<vmem>>, vector<16xf32>,
          %broadcast_in_dim3A_1160 = arith.constant 1 : i32
          %broadcast_in_dim3A_1161 = vector.broadcast %broadcast_in_dim3A_1160 : i32 to vector<16xi32>
          %gather3A_1162 = tpu.vector_load_idx %arg12[%broadcast_in_dim3A_896, %broadcast_in_dim3A_1161, %and3A_1146] : memref<2x8x4096xf32, #tpu.memory_space<vmem>>[vector<16xi32>, vector<16xi32>, vector<16xi32>], vector<16xf32>,
          %swap3A_1163 = arith.constant 48 : index
          %swap3A_1164 = tpu.vector_load %arg16[%swap3A_1163] {strides = array<i32>} : memref<64xf32, #tpu.memory_space<vmem>>, vector<16xf32>,
          tpu.vector_store %arg16[%swap3A_1163], %gather3A_1162 {strides = array<i32>} : memref<64xf32, #tpu.memory_space<vmem>>, vector<16xf32>,
          %broadcast_in_dim3A_1165 = arith.constant 2 : i32
          %broadcast_in_dim3A_1166 = vector.broadcast %broadcast_in_dim3A_1165 : i32 to vector<16xi32>
          %gather3A_1167 = tpu.vector_load_idx %arg12[%broadcast_in_dim3A_896, %broadcast_in_dim3A_1166, %and3A_1146] : memref<2x8x4096xf32, #tpu.memory_space<vmem>>[vector<16xi32>, vector<16xi32>, vector<16xi32>], vector<16xf32>,
          %swap3A_1168 = arith.constant 48 : index
          %swap3A_1169 = tpu.vector_load %arg17[%swap3A_1168] {strides = array<i32>} : memref<64xf32, #tpu.memory_space<vmem>>, vector<16xf32>,
          tpu.vector_store %arg17[%swap3A_1168], %gather3A_1167 {strides = array<i32>} : memref<64xf32, #tpu.memory_space<vmem>>, vector<16xf32>,
          %broadcast_in_dim3A_1170 = arith.constant 3 : i32
          %broadcast_in_dim3A_1171 = vector.broadcast %broadcast_in_dim3A_1170 : i32 to vector<16xi32>
          %gather3A_1172 = tpu.vector_load_idx %arg12[%broadcast_in_dim3A_896, %broadcast_in_dim3A_1171, %and3A_1146] : memref<2x8x4096xf32, #tpu.memory_space<vmem>>[vector<16xi32>, vector<16xi32>, vector<16xi32>], vector<16xf32>,
          %swap3A_1173 = arith.constant 48 : index
          %swap3A_1174 = tpu.vector_load %arg18[%swap3A_1173] {strides = array<i32>} : memref<64xf32, #tpu.memory_space<vmem>>, vector<16xf32>,
          tpu.vector_store %arg18[%swap3A_1173], %gather3A_1172 {strides = array<i32>} : memref<64xf32, #tpu.memory_space<vmem>>, vector<16xf32>,
          %broadcast_in_dim3A_1175 = arith.constant 4 : i32
          %broadcast_in_dim3A_1176 = vector.broadcast %broadcast_in_dim3A_1175 : i32 to vector<16xi32>
          %gather3A_1177 = tpu.vector_load_idx %arg12[%broadcast_in_dim3A_896, %broadcast_in_dim3A_1176, %and3A_1146] : memref<2x8x4096xf32, #tpu.memory_space<vmem>>[vector<16xi32>, vector<16xi32>, vector<16xi32>], vector<16xf32>,
          %swap3A_1178 = arith.constant 48 : index
          %swap3A_1179 = tpu.vector_load %arg19[%swap3A_1178] {strides = array<i32>} : memref<64xf32, #tpu.memory_space<vmem>>, vector<16xf32>,
          tpu.vector_store %arg19[%swap3A_1178], %gather3A_1177 {strides = array<i32>} : memref<64xf32, #tpu.memory_space<vmem>>, vector<16xf32>,
          %broadcast_in_dim3A_1180 = arith.constant 5 : i32
          %broadcast_in_dim3A_1181 = vector.broadcast %broadcast_in_dim3A_1180 : i32 to vector<16xi32>
          %gather3A_1182 = tpu.vector_load_idx %arg12[%broadcast_in_dim3A_896, %broadcast_in_dim3A_1181, %and3A_1146] : memref<2x8x4096xf32, #tpu.memory_space<vmem>>[vector<16xi32>, vector<16xi32>, vector<16xi32>], vector<16xf32>,
          %swap3A_1183 = arith.constant 48 : index
          %swap3A_1184 = tpu.vector_load %arg20[%swap3A_1183] {strides = array<i32>} : memref<64xf32, #tpu.memory_space<vmem>>, vector<16xf32>,
          tpu.vector_store %arg20[%swap3A_1183], %gather3A_1182 {strides = array<i32>} : memref<64xf32, #tpu.memory_space<vmem>>, vector<16xf32>,
          %broadcast_in_dim3A_1185 = arith.constant 6 : i32
          %broadcast_in_dim3A_1186 = vector.broadcast %broadcast_in_dim3A_1185 : i32 to vector<16xi32>
          %gather3A_1187 = tpu.vector_load_idx %arg12[%broadcast_in_dim3A_896, %broadcast_in_dim3A_1186, %and3A_1146] : memref<2x8x4096xf32, #tpu.memory_space<vmem>>[vector<16xi32>, vector<16xi32>, vector<16xi32>], vector<16xf32>,
          %swap3A_1188 = arith.constant 48 : index
          %swap3A_1189 = tpu.vector_load %arg21[%swap3A_1188] {strides = array<i32>} : memref<64xf32, #tpu.memory_space<vmem>>, vector<16xf32>,
          tpu.vector_store %arg21[%swap3A_1188], %gather3A_1187 {strides = array<i32>} : memref<64xf32, #tpu.memory_space<vmem>>, vector<16xf32>,
          %broadcast_in_dim3A_1190 = arith.constant 7 : i32
          %broadcast_in_dim3A_1191 = vector.broadcast %broadcast_in_dim3A_1190 : i32 to vector<16xi32>
          %gather3A_1192 = tpu.vector_load_idx %arg12[%broadcast_in_dim3A_896, %broadcast_in_dim3A_1191, %and3A_1146] : memref<2x8x4096xf32, #tpu.memory_space<vmem>>[vector<16xi32>, vector<16xi32>, vector<16xi32>], vector<16xf32>,
          %swap3A_1193 = arith.constant 48 : index
          %swap3A_1194 = tpu.vector_load %arg22[%swap3A_1193] {strides = array<i32>} : memref<64xf32, #tpu.memory_space<vmem>>, vector<16xf32>,
          tpu.vector_store %arg22[%swap3A_1193], %gather3A_1192 {strides = array<i32>} : memref<64xf32, #tpu.memory_space<vmem>>, vector<16xf32>,
          %convert_element_type3A_1195 = arith.extui %lt3A_895 : i1 to i32
          %cond3A_1196 = arith.constant 0 : i32
          %cond3A_1197 = arith.cmpi ne, %convert_element_type3A_1195, %cond3A_1196 : i32
          scf.if %cond3A_1197 {
            %jit3A_1256 = arith.constant 16384 : i32
            %broadcast_in_dim3A_1257 = vector.broadcast %jit3A_1256 : i32 to vector<16xi32>
            %select_n3A_1258 = arith.select %and3A_1154, %shift_right_logical3A_1143, %broadcast_in_dim3A_1257 : vector<16xi1>, vector<16xi32>
            %swap3A_1259 = arith.constant 48 : index
            %swap3A_1260 = tpu.vector_load %arg31[%swap3A_1259] {strides = array<i32>} : memref<64xi32, #tpu.memory_space<vmem>>, vector<16xi32>,
            tpu.vector_store %arg31[%swap3A_1259], %select_n3A_1258 {strides = array<i32>} : memref<64xi32, #tpu.memory_space<vmem>>, vector<16xi32>,
          } else {
          }
          %add3A_1198 = arith.constant 0 : i32
          %add3A_1199 = arith.addi %mul3A_893, %add3A_1198 : i32
          %mul3A_1200 = arith.constant 32768 : i32
          %mul3A_1201 = arith.muli %add3A_1199, %mul3A_1200 : i32
          %add3A_1202 = arith.addi %mul3A_1201, %multiple_of3A_923 : i32
          %dma_start3A = tpu.memref_slice %arg5[%add3A_1202] : memref<2097152xf32, #tpu.memory_space<hbm>> -> memref<64xf32, #tpu.memory_space<hbm>>
          %dma_start3A_1203 = tpu.memref_slice %arg5[%add3A_1202] : memref<2097152xf32, #tpu.memory_space<hbm>> -> memref<64xf32, #tpu.memory_space<hbm>>
          tpu.enqueue_dma source(%arg15 : memref<64xf32, #tpu.memory_space<vmem>>) target(%dma_start3A_1203 : memref<64xf32, #tpu.memory_space<hbm>>) target_semaphore(%arg33 : memref<!tpu.dma_semaphore, #tpu.memory_space<semaphore_mem>>)
          %add3A_1204 = arith.constant 1 : i32
          %add3A_1205 = arith.addi %mul3A_893, %add3A_1204 : i32
          %mul3A_1206 = arith.constant 32768 : i32
          %mul3A_1207 = arith.muli %add3A_1205, %mul3A_1206 : i32
          %add3A_1208 = arith.addi %mul3A_1207, %multiple_of3A_923 : i32
          %dma_start3A_1209 = tpu.memref_slice %arg5[%add3A_1208] : memref<2097152xf32, #tpu.memory_space<hbm>> -> memref<64xf32, #tpu.memory_space<hbm>>
          %dma_start3A_1210 = tpu.memref_slice %arg5[%add3A_1208] : memref<2097152xf32, #tpu.memory_space<hbm>> -> memref<64xf32, #tpu.memory_space<hbm>>
          tpu.enqueue_dma source(%arg16 : memref<64xf32, #tpu.memory_space<vmem>>) target(%dma_start3A_1210 : memref<64xf32, #tpu.memory_space<hbm>>) target_semaphore(%arg33 : memref<!tpu.dma_semaphore, #tpu.memory_space<semaphore_mem>>)
          %add3A_1211 = arith.constant 2 : i32
          %add3A_1212 = arith.addi %mul3A_893, %add3A_1211 : i32
          %mul3A_1213 = arith.constant 32768 : i32
          %mul3A_1214 = arith.muli %add3A_1212, %mul3A_1213 : i32
          %add3A_1215 = arith.addi %mul3A_1214, %multiple_of3A_923 : i32
          %dma_start3A_1216 = tpu.memref_slice %arg5[%add3A_1215] : memref<2097152xf32, #tpu.memory_space<hbm>> -> memref<64xf32, #tpu.memory_space<hbm>>
          %dma_start3A_1217 = tpu.memref_slice %arg5[%add3A_1215] : memref<2097152xf32, #tpu.memory_space<hbm>> -> memref<64xf32, #tpu.memory_space<hbm>>
          tpu.enqueue_dma source(%arg17 : memref<64xf32, #tpu.memory_space<vmem>>) target(%dma_start3A_1217 : memref<64xf32, #tpu.memory_space<hbm>>) target_semaphore(%arg33 : memref<!tpu.dma_semaphore, #tpu.memory_space<semaphore_mem>>)
          %add3A_1218 = arith.constant 3 : i32
          %add3A_1219 = arith.addi %mul3A_893, %add3A_1218 : i32
          %mul3A_1220 = arith.constant 32768 : i32
          %mul3A_1221 = arith.muli %add3A_1219, %mul3A_1220 : i32
          %add3A_1222 = arith.addi %mul3A_1221, %multiple_of3A_923 : i32
          %dma_start3A_1223 = tpu.memref_slice %arg5[%add3A_1222] : memref<2097152xf32, #tpu.memory_space<hbm>> -> memref<64xf32, #tpu.memory_space<hbm>>
          %dma_start3A_1224 = tpu.memref_slice %arg5[%add3A_1222] : memref<2097152xf32, #tpu.memory_space<hbm>> -> memref<64xf32, #tpu.memory_space<hbm>>
          tpu.enqueue_dma source(%arg18 : memref<64xf32, #tpu.memory_space<vmem>>) target(%dma_start3A_1224 : memref<64xf32, #tpu.memory_space<hbm>>) target_semaphore(%arg33 : memref<!tpu.dma_semaphore, #tpu.memory_space<semaphore_mem>>)
          %add3A_1225 = arith.constant 4 : i32
          %add3A_1226 = arith.addi %mul3A_893, %add3A_1225 : i32
          %mul3A_1227 = arith.constant 32768 : i32
          %mul3A_1228 = arith.muli %add3A_1226, %mul3A_1227 : i32
          %add3A_1229 = arith.addi %mul3A_1228, %multiple_of3A_923 : i32
          %dma_start3A_1230 = tpu.memref_slice %arg5[%add3A_1229] : memref<2097152xf32, #tpu.memory_space<hbm>> -> memref<64xf32, #tpu.memory_space<hbm>>
          %dma_start3A_1231 = tpu.memref_slice %arg5[%add3A_1229] : memref<2097152xf32, #tpu.memory_space<hbm>> -> memref<64xf32, #tpu.memory_space<hbm>>
          tpu.enqueue_dma source(%arg19 : memref<64xf32, #tpu.memory_space<vmem>>) target(%dma_start3A_1231 : memref<64xf32, #tpu.memory_space<hbm>>) target_semaphore(%arg33 : memref<!tpu.dma_semaphore, #tpu.memory_space<semaphore_mem>>)
          %add3A_1232 = arith.constant 5 : i32
          %add3A_1233 = arith.addi %mul3A_893, %add3A_1232 : i32
          %mul3A_1234 = arith.constant 32768 : i32
          %mul3A_1235 = arith.muli %add3A_1233, %mul3A_1234 : i32
          %add3A_1236 = arith.addi %mul3A_1235, %multiple_of3A_923 : i32
          %dma_start3A_1237 = tpu.memref_slice %arg5[%add3A_1236] : memref<2097152xf32, #tpu.memory_space<hbm>> -> memref<64xf32, #tpu.memory_space<hbm>>
          %dma_start3A_1238 = tpu.memref_slice %arg5[%add3A_1236] : memref<2097152xf32, #tpu.memory_space<hbm>> -> memref<64xf32, #tpu.memory_space<hbm>>
          tpu.enqueue_dma source(%arg20 : memref<64xf32, #tpu.memory_space<vmem>>) target(%dma_start3A_1238 : memref<64xf32, #tpu.memory_space<hbm>>) target_semaphore(%arg33 : memref<!tpu.dma_semaphore, #tpu.memory_space<semaphore_mem>>)
          %add3A_1239 = arith.constant 6 : i32
          %add3A_1240 = arith.addi %mul3A_893, %add3A_1239 : i32
          %mul3A_1241 = arith.constant 32768 : i32
          %mul3A_1242 = arith.muli %add3A_1240, %mul3A_1241 : i32
          %add3A_1243 = arith.addi %mul3A_1242, %multiple_of3A_923 : i32
          %dma_start3A_1244 = tpu.memref_slice %arg5[%add3A_1243] : memref<2097152xf32, #tpu.memory_space<hbm>> -> memref<64xf32, #tpu.memory_space<hbm>>
          %dma_start3A_1245 = tpu.memref_slice %arg5[%add3A_1243] : memref<2097152xf32, #tpu.memory_space<hbm>> -> memref<64xf32, #tpu.memory_space<hbm>>
          tpu.enqueue_dma source(%arg21 : memref<64xf32, #tpu.memory_space<vmem>>) target(%dma_start3A_1245 : memref<64xf32, #tpu.memory_space<hbm>>) target_semaphore(%arg33 : memref<!tpu.dma_semaphore, #tpu.memory_space<semaphore_mem>>)
          %add3A_1246 = arith.constant 7 : i32
          %add3A_1247 = arith.addi %mul3A_893, %add3A_1246 : i32
          %mul3A_1248 = arith.constant 32768 : i32
          %mul3A_1249 = arith.muli %add3A_1247, %mul3A_1248 : i32
          %add3A_1250 = arith.addi %mul3A_1249, %multiple_of3A_923 : i32
          %dma_start3A_1251 = tpu.memref_slice %arg5[%add3A_1250] : memref<2097152xf32, #tpu.memory_space<hbm>> -> memref<64xf32, #tpu.memory_space<hbm>>
          %dma_start3A_1252 = tpu.memref_slice %arg5[%add3A_1250] : memref<2097152xf32, #tpu.memory_space<hbm>> -> memref<64xf32, #tpu.memory_space<hbm>>
          tpu.enqueue_dma source(%arg22 : memref<64xf32, #tpu.memory_space<vmem>>) target(%dma_start3A_1252 : memref<64xf32, #tpu.memory_space<hbm>>) target_semaphore(%arg33 : memref<!tpu.dma_semaphore, #tpu.memory_space<semaphore_mem>>)
          %convert_element_type3A_1253 = arith.extui %lt3A_895 : i1 to i32
          %cond3A_1254 = arith.constant 0 : i32
          %cond3A_1255 = arith.cmpi ne, %convert_element_type3A_1253, %cond3A_1254 : i32
          scf.if %cond3A_1255 {
            %dma_start3A_1256 = tpu.memref_slice %arg6[%multiple_of3A_923] : memref<32768xi32, #tpu.memory_space<hbm>> -> memref<64xi32, #tpu.memory_space<hbm>>
            %dma_start3A_1257 = tpu.memref_slice %arg6[%multiple_of3A_923] : memref<32768xi32, #tpu.memory_space<hbm>> -> memref<64xi32, #tpu.memory_space<hbm>>
            tpu.enqueue_dma source(%arg31 : memref<64xi32, #tpu.memory_space<vmem>>) target(%dma_start3A_1257 : memref<64xi32, #tpu.memory_space<hbm>>) target_semaphore(%arg33 : memref<!tpu.dma_semaphore, #tpu.memory_space<semaphore_mem>>)
          } else {
          }
        } else {
        }
        %and3A_931 = arith.constant 1 : i32
        %and3A_932 = arith.andi %while3A_919, %and3A_931 : i32
        %eq3A_933 = arith.constant 1 : i32
        %eq3A_934 = arith.cmpi eq, %and3A_932, %eq3A_933 : i32
        %convert_element_type3A_935 = arith.extui %eq3A_934 : i1 to i32
        %cond3A_936 = arith.constant 0 : i32
        %cond3A_937 = arith.cmpi ne, %convert_element_type3A_935, %cond3A_936 : i32
        scf.if %cond3A_937 {
          %ge3A = arith.constant 2 : i32
          %ge3A_938 = arith.cmpi sge, %while3A_919, %ge3A : i32
          %convert_element_type3A_939 = arith.extui %ge3A_938 : i1 to i32
          %cond3A_940 = arith.constant 0 : i32
          %cond3A_941 = arith.cmpi ne, %convert_element_type3A_939, %cond3A_940 : i32
          scf.if %cond3A_941 {
            %dma_wait3A = tpu.memref_slice %arg5[%multiple_of3A_923] : memref<2097152xf32, #tpu.memory_space<hbm>> -> memref<64xf32, #tpu.memory_space<hbm>>
            %dma_wait3A_1256 = tpu.memref_slice %arg5[%multiple_of3A_923] : memref<2097152xf32, #tpu.memory_space<hbm>> -> memref<64xf32, #tpu.memory_space<hbm>>
            tpu.wait_dma2 semaphore(%arg33 : memref<!tpu.dma_semaphore, #tpu.memory_space<semaphore_mem>>) src(%arg23 : memref<64xf32, #tpu.memory_space<vmem>>) dst(%dma_wait3A_1256 : memref<64xf32, #tpu.memory_space<hbm>>)
            %dma_wait3A_1257 = tpu.memref_slice %arg5[%multiple_of3A_923] : memref<2097152xf32, #tpu.memory_space<hbm>> -> memref<64xf32, #tpu.memory_space<hbm>>
            %dma_wait3A_1258 = tpu.memref_slice %arg5[%multiple_of3A_923] : memref<2097152xf32, #tpu.memory_space<hbm>> -> memref<64xf32, #tpu.memory_space<hbm>>
            tpu.wait_dma2 semaphore(%arg33 : memref<!tpu.dma_semaphore, #tpu.memory_space<semaphore_mem>>) src(%arg24 : memref<64xf32, #tpu.memory_space<vmem>>) dst(%dma_wait3A_1258 : memref<64xf32, #tpu.memory_space<hbm>>)
            %dma_wait3A_1259 = tpu.memref_slice %arg5[%multiple_of3A_923] : memref<2097152xf32, #tpu.memory_space<hbm>> -> memref<64xf32, #tpu.memory_space<hbm>>
            %dma_wait3A_1260 = tpu.memref_slice %arg5[%multiple_of3A_923] : memref<2097152xf32, #tpu.memory_space<hbm>> -> memref<64xf32, #tpu.memory_space<hbm>>
            tpu.wait_dma2 semaphore(%arg33 : memref<!tpu.dma_semaphore, #tpu.memory_space<semaphore_mem>>) src(%arg25 : memref<64xf32, #tpu.memory_space<vmem>>) dst(%dma_wait3A_1260 : memref<64xf32, #tpu.memory_space<hbm>>)
            %dma_wait3A_1261 = tpu.memref_slice %arg5[%multiple_of3A_923] : memref<2097152xf32, #tpu.memory_space<hbm>> -> memref<64xf32, #tpu.memory_space<hbm>>
            %dma_wait3A_1262 = tpu.memref_slice %arg5[%multiple_of3A_923] : memref<2097152xf32, #tpu.memory_space<hbm>> -> memref<64xf32, #tpu.memory_space<hbm>>
            tpu.wait_dma2 semaphore(%arg33 : memref<!tpu.dma_semaphore, #tpu.memory_space<semaphore_mem>>) src(%arg26 : memref<64xf32, #tpu.memory_space<vmem>>) dst(%dma_wait3A_1262 : memref<64xf32, #tpu.memory_space<hbm>>)
            %dma_wait3A_1263 = tpu.memref_slice %arg5[%multiple_of3A_923] : memref<2097152xf32, #tpu.memory_space<hbm>> -> memref<64xf32, #tpu.memory_space<hbm>>
            %dma_wait3A_1264 = tpu.memref_slice %arg5[%multiple_of3A_923] : memref<2097152xf32, #tpu.memory_space<hbm>> -> memref<64xf32, #tpu.memory_space<hbm>>
            tpu.wait_dma2 semaphore(%arg33 : memref<!tpu.dma_semaphore, #tpu.memory_space<semaphore_mem>>) src(%arg27 : memref<64xf32, #tpu.memory_space<vmem>>) dst(%dma_wait3A_1264 : memref<64xf32, #tpu.memory_space<hbm>>)
            %dma_wait3A_1265 = tpu.memref_slice %arg5[%multiple_of3A_923] : memref<2097152xf32, #tpu.memory_space<hbm>> -> memref<64xf32, #tpu.memory_space<hbm>>
            %dma_wait3A_1266 = tpu.memref_slice %arg5[%multiple_of3A_923] : memref<2097152xf32, #tpu.memory_space<hbm>> -> memref<64xf32, #tpu.memory_space<hbm>>
            tpu.wait_dma2 semaphore(%arg33 : memref<!tpu.dma_semaphore, #tpu.memory_space<semaphore_mem>>) src(%arg28 : memref<64xf32, #tpu.memory_space<vmem>>) dst(%dma_wait3A_1266 : memref<64xf32, #tpu.memory_space<hbm>>)
            %dma_wait3A_1267 = tpu.memref_slice %arg5[%multiple_of3A_923] : memref<2097152xf32, #tpu.memory_space<hbm>> -> memref<64xf32, #tpu.memory_space<hbm>>
            %dma_wait3A_1268 = tpu.memref_slice %arg5[%multiple_of3A_923] : memref<2097152xf32, #tpu.memory_space<hbm>> -> memref<64xf32, #tpu.memory_space<hbm>>
            tpu.wait_dma2 semaphore(%arg33 : memref<!tpu.dma_semaphore, #tpu.memory_space<semaphore_mem>>) src(%arg29 : memref<64xf32, #tpu.memory_space<vmem>>) dst(%dma_wait3A_1268 : memref<64xf32, #tpu.memory_space<hbm>>)
            %dma_wait3A_1269 = tpu.memref_slice %arg5[%multiple_of3A_923] : memref<2097152xf32, #tpu.memory_space<hbm>> -> memref<64xf32, #tpu.memory_space<hbm>>
            %dma_wait3A_1270 = tpu.memref_slice %arg5[%multiple_of3A_923] : memref<2097152xf32, #tpu.memory_space<hbm>> -> memref<64xf32, #tpu.memory_space<hbm>>
            tpu.wait_dma2 semaphore(%arg33 : memref<!tpu.dma_semaphore, #tpu.memory_space<semaphore_mem>>) src(%arg30 : memref<64xf32, #tpu.memory_space<vmem>>) dst(%dma_wait3A_1270 : memref<64xf32, #tpu.memory_space<hbm>>)
            %convert_element_type3A_1271 = arith.extui %lt3A_895 : i1 to i32
            %cond3A_1272 = arith.constant 0 : i32
            %cond3A_1273 = arith.cmpi ne, %convert_element_type3A_1271, %cond3A_1272 : i32
            scf.if %cond3A_1273 {
              %dma_wait3A_1274 = tpu.memref_slice %arg6[%multiple_of3A_923] : memref<32768xi32, #tpu.memory_space<hbm>> -> memref<64xi32, #tpu.memory_space<hbm>>
              %dma_wait3A_1275 = tpu.memref_slice %arg6[%multiple_of3A_923] : memref<32768xi32, #tpu.memory_space<hbm>> -> memref<64xi32, #tpu.memory_space<hbm>>
              tpu.wait_dma2 semaphore(%arg33 : memref<!tpu.dma_semaphore, #tpu.memory_space<semaphore_mem>>) src(%arg32 : memref<64xi32, #tpu.memory_space<vmem>>) dst(%dma_wait3A_1275 : memref<64xi32, #tpu.memory_space<hbm>>)
            } else {
            }
          } else {
          }
          %mul3A_942 = arith.constant 64 : i32
          %mul3A_943 = arith.muli %while3A_919, %mul3A_942 : i32
          %add3A_944 = arith.constant 0 : i32
          %add3A_945 = arith.addi %mul3A_943, %add3A_944 : i32
          %add3A_946 = arith.addi %squeeze3A_880, %add3A_945 : i32
          %get3A_947 = arith.index_cast %add3A_946 : i32 to index
          %get3A_948 = tpu.vector_load %arg9[%get3A_947] {strides = array<i32>} : memref<16640xi32, #tpu.memory_space<vmem>>, vector<16xi32>,
          %shift_right_logical3A_949 = arith.constant 16 : i32
          %shift_right_logical3A_950 = vector.broadcast %shift_right_logical3A_949 : i32 to vector<16xi32>
          %shift_right_logical3A_951 = arith.shrui %get3A_948, %shift_right_logical3A_950 : vector<16xi32>
          %and3A_952 = arith.constant 4095 : i32
          %and3A_953 = vector.broadcast %and3A_952 : i32 to vector<16xi32>
          %and3A_954 = arith.andi %get3A_948, %and3A_953 : vector<16xi32>
          %add3A_955 = vector.broadcast %add3A_945 : i32 to vector<16xi32>
          %add3A_956 = arith.addi %iota3A, %add3A_955 : vector<16xi32>
          %lt3A_957 = vector.broadcast %squeeze3A_877 : i32 to vector<16xi32>
          %lt3A_958 = arith.cmpi slt, %add3A_956, %lt3A_957 : vector<16xi32>
          %lt3A_959 = arith.constant 16384 : i32
          %lt3A_960 = vector.broadcast %lt3A_959 : i32 to vector<16xi32>
          %lt3A_961 = arith.cmpi slt, %shift_right_logical3A_951, %lt3A_960 : vector<16xi32>
          %and3A_962 = arith.andi %lt3A_958, %lt3A_961 : vector<16xi1>
          %broadcast_in_dim3A_963 = arith.constant 0 : i32
          %broadcast_in_dim3A_964 = vector.broadcast %broadcast_in_dim3A_963 : i32 to vector<16xi32>
          %gather3A_965 = tpu.vector_load_idx %arg12[%broadcast_in_dim3A_896, %broadcast_in_dim3A_964, %and3A_954] : memref<2x8x4096xf32, #tpu.memory_space<vmem>>[vector<16xi32>, vector<16xi32>, vector<16xi32>], vector<16xf32>,
          %swap3A_966 = arith.constant 0 : index
          %swap3A_967 = tpu.vector_load %arg23[%swap3A_966] {strides = array<i32>} : memref<64xf32, #tpu.memory_space<vmem>>, vector<16xf32>,
          tpu.vector_store %arg23[%swap3A_966], %gather3A_965 {strides = array<i32>} : memref<64xf32, #tpu.memory_space<vmem>>, vector<16xf32>,
          %broadcast_in_dim3A_968 = arith.constant 1 : i32
          %broadcast_in_dim3A_969 = vector.broadcast %broadcast_in_dim3A_968 : i32 to vector<16xi32>
          %gather3A_970 = tpu.vector_load_idx %arg12[%broadcast_in_dim3A_896, %broadcast_in_dim3A_969, %and3A_954] : memref<2x8x4096xf32, #tpu.memory_space<vmem>>[vector<16xi32>, vector<16xi32>, vector<16xi32>], vector<16xf32>,
          %swap3A_971 = arith.constant 0 : index
          %swap3A_972 = tpu.vector_load %arg24[%swap3A_971] {strides = array<i32>} : memref<64xf32, #tpu.memory_space<vmem>>, vector<16xf32>,
          tpu.vector_store %arg24[%swap3A_971], %gather3A_970 {strides = array<i32>} : memref<64xf32, #tpu.memory_space<vmem>>, vector<16xf32>,
          %broadcast_in_dim3A_973 = arith.constant 2 : i32
          %broadcast_in_dim3A_974 = vector.broadcast %broadcast_in_dim3A_973 : i32 to vector<16xi32>
          %gather3A_975 = tpu.vector_load_idx %arg12[%broadcast_in_dim3A_896, %broadcast_in_dim3A_974, %and3A_954] : memref<2x8x4096xf32, #tpu.memory_space<vmem>>[vector<16xi32>, vector<16xi32>, vector<16xi32>], vector<16xf32>,
          %swap3A_976 = arith.constant 0 : index
          %swap3A_977 = tpu.vector_load %arg25[%swap3A_976] {strides = array<i32>} : memref<64xf32, #tpu.memory_space<vmem>>, vector<16xf32>,
          tpu.vector_store %arg25[%swap3A_976], %gather3A_975 {strides = array<i32>} : memref<64xf32, #tpu.memory_space<vmem>>, vector<16xf32>,
          %broadcast_in_dim3A_978 = arith.constant 3 : i32
          %broadcast_in_dim3A_979 = vector.broadcast %broadcast_in_dim3A_978 : i32 to vector<16xi32>
          %gather3A_980 = tpu.vector_load_idx %arg12[%broadcast_in_dim3A_896, %broadcast_in_dim3A_979, %and3A_954] : memref<2x8x4096xf32, #tpu.memory_space<vmem>>[vector<16xi32>, vector<16xi32>, vector<16xi32>], vector<16xf32>,
          %swap3A_981 = arith.constant 0 : index
          %swap3A_982 = tpu.vector_load %arg26[%swap3A_981] {strides = array<i32>} : memref<64xf32, #tpu.memory_space<vmem>>, vector<16xf32>,
          tpu.vector_store %arg26[%swap3A_981], %gather3A_980 {strides = array<i32>} : memref<64xf32, #tpu.memory_space<vmem>>, vector<16xf32>,
          %broadcast_in_dim3A_983 = arith.constant 4 : i32
          %broadcast_in_dim3A_984 = vector.broadcast %broadcast_in_dim3A_983 : i32 to vector<16xi32>
          %gather3A_985 = tpu.vector_load_idx %arg12[%broadcast_in_dim3A_896, %broadcast_in_dim3A_984, %and3A_954] : memref<2x8x4096xf32, #tpu.memory_space<vmem>>[vector<16xi32>, vector<16xi32>, vector<16xi32>], vector<16xf32>,
          %swap3A_986 = arith.constant 0 : index
          %swap3A_987 = tpu.vector_load %arg27[%swap3A_986] {strides = array<i32>} : memref<64xf32, #tpu.memory_space<vmem>>, vector<16xf32>,
          tpu.vector_store %arg27[%swap3A_986], %gather3A_985 {strides = array<i32>} : memref<64xf32, #tpu.memory_space<vmem>>, vector<16xf32>,
          %broadcast_in_dim3A_988 = arith.constant 5 : i32
          %broadcast_in_dim3A_989 = vector.broadcast %broadcast_in_dim3A_988 : i32 to vector<16xi32>
          %gather3A_990 = tpu.vector_load_idx %arg12[%broadcast_in_dim3A_896, %broadcast_in_dim3A_989, %and3A_954] : memref<2x8x4096xf32, #tpu.memory_space<vmem>>[vector<16xi32>, vector<16xi32>, vector<16xi32>], vector<16xf32>,
          %swap3A_991 = arith.constant 0 : index
          %swap3A_992 = tpu.vector_load %arg28[%swap3A_991] {strides = array<i32>} : memref<64xf32, #tpu.memory_space<vmem>>, vector<16xf32>,
          tpu.vector_store %arg28[%swap3A_991], %gather3A_990 {strides = array<i32>} : memref<64xf32, #tpu.memory_space<vmem>>, vector<16xf32>,
          %broadcast_in_dim3A_993 = arith.constant 6 : i32
          %broadcast_in_dim3A_994 = vector.broadcast %broadcast_in_dim3A_993 : i32 to vector<16xi32>
          %gather3A_995 = tpu.vector_load_idx %arg12[%broadcast_in_dim3A_896, %broadcast_in_dim3A_994, %and3A_954] : memref<2x8x4096xf32, #tpu.memory_space<vmem>>[vector<16xi32>, vector<16xi32>, vector<16xi32>], vector<16xf32>,
          %swap3A_996 = arith.constant 0 : index
          %swap3A_997 = tpu.vector_load %arg29[%swap3A_996] {strides = array<i32>} : memref<64xf32, #tpu.memory_space<vmem>>, vector<16xf32>,
          tpu.vector_store %arg29[%swap3A_996], %gather3A_995 {strides = array<i32>} : memref<64xf32, #tpu.memory_space<vmem>>, vector<16xf32>,
          %broadcast_in_dim3A_998 = arith.constant 7 : i32
          %broadcast_in_dim3A_999 = vector.broadcast %broadcast_in_dim3A_998 : i32 to vector<16xi32>
          %gather3A_1000 = tpu.vector_load_idx %arg12[%broadcast_in_dim3A_896, %broadcast_in_dim3A_999, %and3A_954] : memref<2x8x4096xf32, #tpu.memory_space<vmem>>[vector<16xi32>, vector<16xi32>, vector<16xi32>], vector<16xf32>,
          %swap3A_1001 = arith.constant 0 : index
          %swap3A_1002 = tpu.vector_load %arg30[%swap3A_1001] {strides = array<i32>} : memref<64xf32, #tpu.memory_space<vmem>>, vector<16xf32>,
          tpu.vector_store %arg30[%swap3A_1001], %gather3A_1000 {strides = array<i32>} : memref<64xf32, #tpu.memory_space<vmem>>, vector<16xf32>,
          %convert_element_type3A_1003 = arith.extui %lt3A_895 : i1 to i32
          %cond3A_1004 = arith.constant 0 : i32
          %cond3A_1005 = arith.cmpi ne, %convert_element_type3A_1003, %cond3A_1004 : i32
          scf.if %cond3A_1005 {
            %jit3A_1256 = arith.constant 16384 : i32
            %broadcast_in_dim3A_1257 = vector.broadcast %jit3A_1256 : i32 to vector<16xi32>
            %select_n3A_1258 = arith.select %and3A_962, %shift_right_logical3A_951, %broadcast_in_dim3A_1257 : vector<16xi1>, vector<16xi32>
            %swap3A_1259 = arith.constant 0 : index
            %swap3A_1260 = tpu.vector_load %arg32[%swap3A_1259] {strides = array<i32>} : memref<64xi32, #tpu.memory_space<vmem>>, vector<16xi32>,
            tpu.vector_store %arg32[%swap3A_1259], %select_n3A_1258 {strides = array<i32>} : memref<64xi32, #tpu.memory_space<vmem>>, vector<16xi32>,
          } else {
          }
          %mul3A_1006 = arith.constant 64 : i32
          %mul3A_1007 = arith.muli %while3A_919, %mul3A_1006 : i32
          %add3A_1008 = arith.constant 16 : i32
          %add3A_1009 = arith.addi %mul3A_1007, %add3A_1008 : i32
          %add3A_1010 = arith.addi %squeeze3A_880, %add3A_1009 : i32
          %get3A_1011 = arith.index_cast %add3A_1010 : i32 to index
          %get3A_1012 = tpu.vector_load %arg9[%get3A_1011] {strides = array<i32>} : memref<16640xi32, #tpu.memory_space<vmem>>, vector<16xi32>,
          %shift_right_logical3A_1013 = arith.constant 16 : i32
          %shift_right_logical3A_1014 = vector.broadcast %shift_right_logical3A_1013 : i32 to vector<16xi32>
          %shift_right_logical3A_1015 = arith.shrui %get3A_1012, %shift_right_logical3A_1014 : vector<16xi32>
          %and3A_1016 = arith.constant 4095 : i32
          %and3A_1017 = vector.broadcast %and3A_1016 : i32 to vector<16xi32>
          %and3A_1018 = arith.andi %get3A_1012, %and3A_1017 : vector<16xi32>
          %add3A_1019 = vector.broadcast %add3A_1009 : i32 to vector<16xi32>
          %add3A_1020 = arith.addi %iota3A, %add3A_1019 : vector<16xi32>
          %lt3A_1021 = vector.broadcast %squeeze3A_877 : i32 to vector<16xi32>
          %lt3A_1022 = arith.cmpi slt, %add3A_1020, %lt3A_1021 : vector<16xi32>
          %lt3A_1023 = arith.constant 16384 : i32
          %lt3A_1024 = vector.broadcast %lt3A_1023 : i32 to vector<16xi32>
          %lt3A_1025 = arith.cmpi slt, %shift_right_logical3A_1015, %lt3A_1024 : vector<16xi32>
          %and3A_1026 = arith.andi %lt3A_1022, %lt3A_1025 : vector<16xi1>
          %broadcast_in_dim3A_1027 = arith.constant 0 : i32
          %broadcast_in_dim3A_1028 = vector.broadcast %broadcast_in_dim3A_1027 : i32 to vector<16xi32>
          %gather3A_1029 = tpu.vector_load_idx %arg12[%broadcast_in_dim3A_896, %broadcast_in_dim3A_1028, %and3A_1018] : memref<2x8x4096xf32, #tpu.memory_space<vmem>>[vector<16xi32>, vector<16xi32>, vector<16xi32>], vector<16xf32>,
          %swap3A_1030 = arith.constant 16 : index
          %swap3A_1031 = tpu.vector_load %arg23[%swap3A_1030] {strides = array<i32>} : memref<64xf32, #tpu.memory_space<vmem>>, vector<16xf32>,
          tpu.vector_store %arg23[%swap3A_1030], %gather3A_1029 {strides = array<i32>} : memref<64xf32, #tpu.memory_space<vmem>>, vector<16xf32>,
          %broadcast_in_dim3A_1032 = arith.constant 1 : i32
          %broadcast_in_dim3A_1033 = vector.broadcast %broadcast_in_dim3A_1032 : i32 to vector<16xi32>
          %gather3A_1034 = tpu.vector_load_idx %arg12[%broadcast_in_dim3A_896, %broadcast_in_dim3A_1033, %and3A_1018] : memref<2x8x4096xf32, #tpu.memory_space<vmem>>[vector<16xi32>, vector<16xi32>, vector<16xi32>], vector<16xf32>,
          %swap3A_1035 = arith.constant 16 : index
          %swap3A_1036 = tpu.vector_load %arg24[%swap3A_1035] {strides = array<i32>} : memref<64xf32, #tpu.memory_space<vmem>>, vector<16xf32>,
          tpu.vector_store %arg24[%swap3A_1035], %gather3A_1034 {strides = array<i32>} : memref<64xf32, #tpu.memory_space<vmem>>, vector<16xf32>,
          %broadcast_in_dim3A_1037 = arith.constant 2 : i32
          %broadcast_in_dim3A_1038 = vector.broadcast %broadcast_in_dim3A_1037 : i32 to vector<16xi32>
          %gather3A_1039 = tpu.vector_load_idx %arg12[%broadcast_in_dim3A_896, %broadcast_in_dim3A_1038, %and3A_1018] : memref<2x8x4096xf32, #tpu.memory_space<vmem>>[vector<16xi32>, vector<16xi32>, vector<16xi32>], vector<16xf32>,
          %swap3A_1040 = arith.constant 16 : index
          %swap3A_1041 = tpu.vector_load %arg25[%swap3A_1040] {strides = array<i32>} : memref<64xf32, #tpu.memory_space<vmem>>, vector<16xf32>,
          tpu.vector_store %arg25[%swap3A_1040], %gather3A_1039 {strides = array<i32>} : memref<64xf32, #tpu.memory_space<vmem>>, vector<16xf32>,
          %broadcast_in_dim3A_1042 = arith.constant 3 : i32
          %broadcast_in_dim3A_1043 = vector.broadcast %broadcast_in_dim3A_1042 : i32 to vector<16xi32>
          %gather3A_1044 = tpu.vector_load_idx %arg12[%broadcast_in_dim3A_896, %broadcast_in_dim3A_1043, %and3A_1018] : memref<2x8x4096xf32, #tpu.memory_space<vmem>>[vector<16xi32>, vector<16xi32>, vector<16xi32>], vector<16xf32>,
          %swap3A_1045 = arith.constant 16 : index
          %swap3A_1046 = tpu.vector_load %arg26[%swap3A_1045] {strides = array<i32>} : memref<64xf32, #tpu.memory_space<vmem>>, vector<16xf32>,
          tpu.vector_store %arg26[%swap3A_1045], %gather3A_1044 {strides = array<i32>} : memref<64xf32, #tpu.memory_space<vmem>>, vector<16xf32>,
          %broadcast_in_dim3A_1047 = arith.constant 4 : i32
          %broadcast_in_dim3A_1048 = vector.broadcast %broadcast_in_dim3A_1047 : i32 to vector<16xi32>
          %gather3A_1049 = tpu.vector_load_idx %arg12[%broadcast_in_dim3A_896, %broadcast_in_dim3A_1048, %and3A_1018] : memref<2x8x4096xf32, #tpu.memory_space<vmem>>[vector<16xi32>, vector<16xi32>, vector<16xi32>], vector<16xf32>,
          %swap3A_1050 = arith.constant 16 : index
          %swap3A_1051 = tpu.vector_load %arg27[%swap3A_1050] {strides = array<i32>} : memref<64xf32, #tpu.memory_space<vmem>>, vector<16xf32>,
          tpu.vector_store %arg27[%swap3A_1050], %gather3A_1049 {strides = array<i32>} : memref<64xf32, #tpu.memory_space<vmem>>, vector<16xf32>,
          %broadcast_in_dim3A_1052 = arith.constant 5 : i32
          %broadcast_in_dim3A_1053 = vector.broadcast %broadcast_in_dim3A_1052 : i32 to vector<16xi32>
          %gather3A_1054 = tpu.vector_load_idx %arg12[%broadcast_in_dim3A_896, %broadcast_in_dim3A_1053, %and3A_1018] : memref<2x8x4096xf32, #tpu.memory_space<vmem>>[vector<16xi32>, vector<16xi32>, vector<16xi32>], vector<16xf32>,
          %swap3A_1055 = arith.constant 16 : index
          %swap3A_1056 = tpu.vector_load %arg28[%swap3A_1055] {strides = array<i32>} : memref<64xf32, #tpu.memory_space<vmem>>, vector<16xf32>,
          tpu.vector_store %arg28[%swap3A_1055], %gather3A_1054 {strides = array<i32>} : memref<64xf32, #tpu.memory_space<vmem>>, vector<16xf32>,
          %broadcast_in_dim3A_1057 = arith.constant 6 : i32
          %broadcast_in_dim3A_1058 = vector.broadcast %broadcast_in_dim3A_1057 : i32 to vector<16xi32>
          %gather3A_1059 = tpu.vector_load_idx %arg12[%broadcast_in_dim3A_896, %broadcast_in_dim3A_1058, %and3A_1018] : memref<2x8x4096xf32, #tpu.memory_space<vmem>>[vector<16xi32>, vector<16xi32>, vector<16xi32>], vector<16xf32>,
          %swap3A_1060 = arith.constant 16 : index
          %swap3A_1061 = tpu.vector_load %arg29[%swap3A_1060] {strides = array<i32>} : memref<64xf32, #tpu.memory_space<vmem>>, vector<16xf32>,
          tpu.vector_store %arg29[%swap3A_1060], %gather3A_1059 {strides = array<i32>} : memref<64xf32, #tpu.memory_space<vmem>>, vector<16xf32>,
          %broadcast_in_dim3A_1062 = arith.constant 7 : i32
          %broadcast_in_dim3A_1063 = vector.broadcast %broadcast_in_dim3A_1062 : i32 to vector<16xi32>
          %gather3A_1064 = tpu.vector_load_idx %arg12[%broadcast_in_dim3A_896, %broadcast_in_dim3A_1063, %and3A_1018] : memref<2x8x4096xf32, #tpu.memory_space<vmem>>[vector<16xi32>, vector<16xi32>, vector<16xi32>], vector<16xf32>,
          %swap3A_1065 = arith.constant 16 : index
          %swap3A_1066 = tpu.vector_load %arg30[%swap3A_1065] {strides = array<i32>} : memref<64xf32, #tpu.memory_space<vmem>>, vector<16xf32>,
          tpu.vector_store %arg30[%swap3A_1065], %gather3A_1064 {strides = array<i32>} : memref<64xf32, #tpu.memory_space<vmem>>, vector<16xf32>,
          %convert_element_type3A_1067 = arith.extui %lt3A_895 : i1 to i32
          %cond3A_1068 = arith.constant 0 : i32
          %cond3A_1069 = arith.cmpi ne, %convert_element_type3A_1067, %cond3A_1068 : i32
          scf.if %cond3A_1069 {
            %jit3A_1256 = arith.constant 16384 : i32
            %broadcast_in_dim3A_1257 = vector.broadcast %jit3A_1256 : i32 to vector<16xi32>
            %select_n3A_1258 = arith.select %and3A_1026, %shift_right_logical3A_1015, %broadcast_in_dim3A_1257 : vector<16xi1>, vector<16xi32>
            %swap3A_1259 = arith.constant 16 : index
            %swap3A_1260 = tpu.vector_load %arg32[%swap3A_1259] {strides = array<i32>} : memref<64xi32, #tpu.memory_space<vmem>>, vector<16xi32>,
            tpu.vector_store %arg32[%swap3A_1259], %select_n3A_1258 {strides = array<i32>} : memref<64xi32, #tpu.memory_space<vmem>>, vector<16xi32>,
          } else {
          }
          %mul3A_1070 = arith.constant 64 : i32
          %mul3A_1071 = arith.muli %while3A_919, %mul3A_1070 : i32
          %add3A_1072 = arith.constant 32 : i32
          %add3A_1073 = arith.addi %mul3A_1071, %add3A_1072 : i32
          %add3A_1074 = arith.addi %squeeze3A_880, %add3A_1073 : i32
          %get3A_1075 = arith.index_cast %add3A_1074 : i32 to index
          %get3A_1076 = tpu.vector_load %arg9[%get3A_1075] {strides = array<i32>} : memref<16640xi32, #tpu.memory_space<vmem>>, vector<16xi32>,
          %shift_right_logical3A_1077 = arith.constant 16 : i32
          %shift_right_logical3A_1078 = vector.broadcast %shift_right_logical3A_1077 : i32 to vector<16xi32>
          %shift_right_logical3A_1079 = arith.shrui %get3A_1076, %shift_right_logical3A_1078 : vector<16xi32>
          %and3A_1080 = arith.constant 4095 : i32
          %and3A_1081 = vector.broadcast %and3A_1080 : i32 to vector<16xi32>
          %and3A_1082 = arith.andi %get3A_1076, %and3A_1081 : vector<16xi32>
          %add3A_1083 = vector.broadcast %add3A_1073 : i32 to vector<16xi32>
          %add3A_1084 = arith.addi %iota3A, %add3A_1083 : vector<16xi32>
          %lt3A_1085 = vector.broadcast %squeeze3A_877 : i32 to vector<16xi32>
          %lt3A_1086 = arith.cmpi slt, %add3A_1084, %lt3A_1085 : vector<16xi32>
          %lt3A_1087 = arith.constant 16384 : i32
          %lt3A_1088 = vector.broadcast %lt3A_1087 : i32 to vector<16xi32>
          %lt3A_1089 = arith.cmpi slt, %shift_right_logical3A_1079, %lt3A_1088 : vector<16xi32>
          %and3A_1090 = arith.andi %lt3A_1086, %lt3A_1089 : vector<16xi1>
          %broadcast_in_dim3A_1091 = arith.constant 0 : i32
          %broadcast_in_dim3A_1092 = vector.broadcast %broadcast_in_dim3A_1091 : i32 to vector<16xi32>
          %gather3A_1093 = tpu.vector_load_idx %arg12[%broadcast_in_dim3A_896, %broadcast_in_dim3A_1092, %and3A_1082] : memref<2x8x4096xf32, #tpu.memory_space<vmem>>[vector<16xi32>, vector<16xi32>, vector<16xi32>], vector<16xf32>,
          %swap3A_1094 = arith.constant 32 : index
          %swap3A_1095 = tpu.vector_load %arg23[%swap3A_1094] {strides = array<i32>} : memref<64xf32, #tpu.memory_space<vmem>>, vector<16xf32>,
          tpu.vector_store %arg23[%swap3A_1094], %gather3A_1093 {strides = array<i32>} : memref<64xf32, #tpu.memory_space<vmem>>, vector<16xf32>,
          %broadcast_in_dim3A_1096 = arith.constant 1 : i32
          %broadcast_in_dim3A_1097 = vector.broadcast %broadcast_in_dim3A_1096 : i32 to vector<16xi32>
          %gather3A_1098 = tpu.vector_load_idx %arg12[%broadcast_in_dim3A_896, %broadcast_in_dim3A_1097, %and3A_1082] : memref<2x8x4096xf32, #tpu.memory_space<vmem>>[vector<16xi32>, vector<16xi32>, vector<16xi32>], vector<16xf32>,
          %swap3A_1099 = arith.constant 32 : index
          %swap3A_1100 = tpu.vector_load %arg24[%swap3A_1099] {strides = array<i32>} : memref<64xf32, #tpu.memory_space<vmem>>, vector<16xf32>,
          tpu.vector_store %arg24[%swap3A_1099], %gather3A_1098 {strides = array<i32>} : memref<64xf32, #tpu.memory_space<vmem>>, vector<16xf32>,
          %broadcast_in_dim3A_1101 = arith.constant 2 : i32
          %broadcast_in_dim3A_1102 = vector.broadcast %broadcast_in_dim3A_1101 : i32 to vector<16xi32>
          %gather3A_1103 = tpu.vector_load_idx %arg12[%broadcast_in_dim3A_896, %broadcast_in_dim3A_1102, %and3A_1082] : memref<2x8x4096xf32, #tpu.memory_space<vmem>>[vector<16xi32>, vector<16xi32>, vector<16xi32>], vector<16xf32>,
          %swap3A_1104 = arith.constant 32 : index
          %swap3A_1105 = tpu.vector_load %arg25[%swap3A_1104] {strides = array<i32>} : memref<64xf32, #tpu.memory_space<vmem>>, vector<16xf32>,
          tpu.vector_store %arg25[%swap3A_1104], %gather3A_1103 {strides = array<i32>} : memref<64xf32, #tpu.memory_space<vmem>>, vector<16xf32>,
          %broadcast_in_dim3A_1106 = arith.constant 3 : i32
          %broadcast_in_dim3A_1107 = vector.broadcast %broadcast_in_dim3A_1106 : i32 to vector<16xi32>
          %gather3A_1108 = tpu.vector_load_idx %arg12[%broadcast_in_dim3A_896, %broadcast_in_dim3A_1107, %and3A_1082] : memref<2x8x4096xf32, #tpu.memory_space<vmem>>[vector<16xi32>, vector<16xi32>, vector<16xi32>], vector<16xf32>,
          %swap3A_1109 = arith.constant 32 : index
          %swap3A_1110 = tpu.vector_load %arg26[%swap3A_1109] {strides = array<i32>} : memref<64xf32, #tpu.memory_space<vmem>>, vector<16xf32>,
          tpu.vector_store %arg26[%swap3A_1109], %gather3A_1108 {strides = array<i32>} : memref<64xf32, #tpu.memory_space<vmem>>, vector<16xf32>,
          %broadcast_in_dim3A_1111 = arith.constant 4 : i32
          %broadcast_in_dim3A_1112 = vector.broadcast %broadcast_in_dim3A_1111 : i32 to vector<16xi32>
          %gather3A_1113 = tpu.vector_load_idx %arg12[%broadcast_in_dim3A_896, %broadcast_in_dim3A_1112, %and3A_1082] : memref<2x8x4096xf32, #tpu.memory_space<vmem>>[vector<16xi32>, vector<16xi32>, vector<16xi32>], vector<16xf32>,
          %swap3A_1114 = arith.constant 32 : index
          %swap3A_1115 = tpu.vector_load %arg27[%swap3A_1114] {strides = array<i32>} : memref<64xf32, #tpu.memory_space<vmem>>, vector<16xf32>,
          tpu.vector_store %arg27[%swap3A_1114], %gather3A_1113 {strides = array<i32>} : memref<64xf32, #tpu.memory_space<vmem>>, vector<16xf32>,
          %broadcast_in_dim3A_1116 = arith.constant 5 : i32
          %broadcast_in_dim3A_1117 = vector.broadcast %broadcast_in_dim3A_1116 : i32 to vector<16xi32>
          %gather3A_1118 = tpu.vector_load_idx %arg12[%broadcast_in_dim3A_896, %broadcast_in_dim3A_1117, %and3A_1082] : memref<2x8x4096xf32, #tpu.memory_space<vmem>>[vector<16xi32>, vector<16xi32>, vector<16xi32>], vector<16xf32>,
          %swap3A_1119 = arith.constant 32 : index
          %swap3A_1120 = tpu.vector_load %arg28[%swap3A_1119] {strides = array<i32>} : memref<64xf32, #tpu.memory_space<vmem>>, vector<16xf32>,
          tpu.vector_store %arg28[%swap3A_1119], %gather3A_1118 {strides = array<i32>} : memref<64xf32, #tpu.memory_space<vmem>>, vector<16xf32>,
          %broadcast_in_dim3A_1121 = arith.constant 6 : i32
          %broadcast_in_dim3A_1122 = vector.broadcast %broadcast_in_dim3A_1121 : i32 to vector<16xi32>
          %gather3A_1123 = tpu.vector_load_idx %arg12[%broadcast_in_dim3A_896, %broadcast_in_dim3A_1122, %and3A_1082] : memref<2x8x4096xf32, #tpu.memory_space<vmem>>[vector<16xi32>, vector<16xi32>, vector<16xi32>], vector<16xf32>,
          %swap3A_1124 = arith.constant 32 : index
          %swap3A_1125 = tpu.vector_load %arg29[%swap3A_1124] {strides = array<i32>} : memref<64xf32, #tpu.memory_space<vmem>>, vector<16xf32>,
          tpu.vector_store %arg29[%swap3A_1124], %gather3A_1123 {strides = array<i32>} : memref<64xf32, #tpu.memory_space<vmem>>, vector<16xf32>,
          %broadcast_in_dim3A_1126 = arith.constant 7 : i32
          %broadcast_in_dim3A_1127 = vector.broadcast %broadcast_in_dim3A_1126 : i32 to vector<16xi32>
          %gather3A_1128 = tpu.vector_load_idx %arg12[%broadcast_in_dim3A_896, %broadcast_in_dim3A_1127, %and3A_1082] : memref<2x8x4096xf32, #tpu.memory_space<vmem>>[vector<16xi32>, vector<16xi32>, vector<16xi32>], vector<16xf32>,
          %swap3A_1129 = arith.constant 32 : index
          %swap3A_1130 = tpu.vector_load %arg30[%swap3A_1129] {strides = array<i32>} : memref<64xf32, #tpu.memory_space<vmem>>, vector<16xf32>,
          tpu.vector_store %arg30[%swap3A_1129], %gather3A_1128 {strides = array<i32>} : memref<64xf32, #tpu.memory_space<vmem>>, vector<16xf32>,
          %convert_element_type3A_1131 = arith.extui %lt3A_895 : i1 to i32
          %cond3A_1132 = arith.constant 0 : i32
          %cond3A_1133 = arith.cmpi ne, %convert_element_type3A_1131, %cond3A_1132 : i32
          scf.if %cond3A_1133 {
            %jit3A_1256 = arith.constant 16384 : i32
            %broadcast_in_dim3A_1257 = vector.broadcast %jit3A_1256 : i32 to vector<16xi32>
            %select_n3A_1258 = arith.select %and3A_1090, %shift_right_logical3A_1079, %broadcast_in_dim3A_1257 : vector<16xi1>, vector<16xi32>
            %swap3A_1259 = arith.constant 32 : index
            %swap3A_1260 = tpu.vector_load %arg32[%swap3A_1259] {strides = array<i32>} : memref<64xi32, #tpu.memory_space<vmem>>, vector<16xi32>,
            tpu.vector_store %arg32[%swap3A_1259], %select_n3A_1258 {strides = array<i32>} : memref<64xi32, #tpu.memory_space<vmem>>, vector<16xi32>,
          } else {
          }
          %mul3A_1134 = arith.constant 64 : i32
          %mul3A_1135 = arith.muli %while3A_919, %mul3A_1134 : i32
          %add3A_1136 = arith.constant 48 : i32
          %add3A_1137 = arith.addi %mul3A_1135, %add3A_1136 : i32
          %add3A_1138 = arith.addi %squeeze3A_880, %add3A_1137 : i32
          %get3A_1139 = arith.index_cast %add3A_1138 : i32 to index
          %get3A_1140 = tpu.vector_load %arg9[%get3A_1139] {strides = array<i32>} : memref<16640xi32, #tpu.memory_space<vmem>>, vector<16xi32>,
          %shift_right_logical3A_1141 = arith.constant 16 : i32
          %shift_right_logical3A_1142 = vector.broadcast %shift_right_logical3A_1141 : i32 to vector<16xi32>
          %shift_right_logical3A_1143 = arith.shrui %get3A_1140, %shift_right_logical3A_1142 : vector<16xi32>
          %and3A_1144 = arith.constant 4095 : i32
          %and3A_1145 = vector.broadcast %and3A_1144 : i32 to vector<16xi32>
          %and3A_1146 = arith.andi %get3A_1140, %and3A_1145 : vector<16xi32>
          %add3A_1147 = vector.broadcast %add3A_1137 : i32 to vector<16xi32>
          %add3A_1148 = arith.addi %iota3A, %add3A_1147 : vector<16xi32>
          %lt3A_1149 = vector.broadcast %squeeze3A_877 : i32 to vector<16xi32>
          %lt3A_1150 = arith.cmpi slt, %add3A_1148, %lt3A_1149 : vector<16xi32>
          %lt3A_1151 = arith.constant 16384 : i32
          %lt3A_1152 = vector.broadcast %lt3A_1151 : i32 to vector<16xi32>
          %lt3A_1153 = arith.cmpi slt, %shift_right_logical3A_1143, %lt3A_1152 : vector<16xi32>
          %and3A_1154 = arith.andi %lt3A_1150, %lt3A_1153 : vector<16xi1>
          %broadcast_in_dim3A_1155 = arith.constant 0 : i32
          %broadcast_in_dim3A_1156 = vector.broadcast %broadcast_in_dim3A_1155 : i32 to vector<16xi32>
          %gather3A_1157 = tpu.vector_load_idx %arg12[%broadcast_in_dim3A_896, %broadcast_in_dim3A_1156, %and3A_1146] : memref<2x8x4096xf32, #tpu.memory_space<vmem>>[vector<16xi32>, vector<16xi32>, vector<16xi32>], vector<16xf32>,
          %swap3A_1158 = arith.constant 48 : index
          %swap3A_1159 = tpu.vector_load %arg23[%swap3A_1158] {strides = array<i32>} : memref<64xf32, #tpu.memory_space<vmem>>, vector<16xf32>,
          tpu.vector_store %arg23[%swap3A_1158], %gather3A_1157 {strides = array<i32>} : memref<64xf32, #tpu.memory_space<vmem>>, vector<16xf32>,
          %broadcast_in_dim3A_1160 = arith.constant 1 : i32
          %broadcast_in_dim3A_1161 = vector.broadcast %broadcast_in_dim3A_1160 : i32 to vector<16xi32>
          %gather3A_1162 = tpu.vector_load_idx %arg12[%broadcast_in_dim3A_896, %broadcast_in_dim3A_1161, %and3A_1146] : memref<2x8x4096xf32, #tpu.memory_space<vmem>>[vector<16xi32>, vector<16xi32>, vector<16xi32>], vector<16xf32>,
          %swap3A_1163 = arith.constant 48 : index
          %swap3A_1164 = tpu.vector_load %arg24[%swap3A_1163] {strides = array<i32>} : memref<64xf32, #tpu.memory_space<vmem>>, vector<16xf32>,
          tpu.vector_store %arg24[%swap3A_1163], %gather3A_1162 {strides = array<i32>} : memref<64xf32, #tpu.memory_space<vmem>>, vector<16xf32>,
          %broadcast_in_dim3A_1165 = arith.constant 2 : i32
          %broadcast_in_dim3A_1166 = vector.broadcast %broadcast_in_dim3A_1165 : i32 to vector<16xi32>
          %gather3A_1167 = tpu.vector_load_idx %arg12[%broadcast_in_dim3A_896, %broadcast_in_dim3A_1166, %and3A_1146] : memref<2x8x4096xf32, #tpu.memory_space<vmem>>[vector<16xi32>, vector<16xi32>, vector<16xi32>], vector<16xf32>,
          %swap3A_1168 = arith.constant 48 : index
          %swap3A_1169 = tpu.vector_load %arg25[%swap3A_1168] {strides = array<i32>} : memref<64xf32, #tpu.memory_space<vmem>>, vector<16xf32>,
          tpu.vector_store %arg25[%swap3A_1168], %gather3A_1167 {strides = array<i32>} : memref<64xf32, #tpu.memory_space<vmem>>, vector<16xf32>,
          %broadcast_in_dim3A_1170 = arith.constant 3 : i32
          %broadcast_in_dim3A_1171 = vector.broadcast %broadcast_in_dim3A_1170 : i32 to vector<16xi32>
          %gather3A_1172 = tpu.vector_load_idx %arg12[%broadcast_in_dim3A_896, %broadcast_in_dim3A_1171, %and3A_1146] : memref<2x8x4096xf32, #tpu.memory_space<vmem>>[vector<16xi32>, vector<16xi32>, vector<16xi32>], vector<16xf32>,
          %swap3A_1173 = arith.constant 48 : index
          %swap3A_1174 = tpu.vector_load %arg26[%swap3A_1173] {strides = array<i32>} : memref<64xf32, #tpu.memory_space<vmem>>, vector<16xf32>,
          tpu.vector_store %arg26[%swap3A_1173], %gather3A_1172 {strides = array<i32>} : memref<64xf32, #tpu.memory_space<vmem>>, vector<16xf32>,
          %broadcast_in_dim3A_1175 = arith.constant 4 : i32
          %broadcast_in_dim3A_1176 = vector.broadcast %broadcast_in_dim3A_1175 : i32 to vector<16xi32>
          %gather3A_1177 = tpu.vector_load_idx %arg12[%broadcast_in_dim3A_896, %broadcast_in_dim3A_1176, %and3A_1146] : memref<2x8x4096xf32, #tpu.memory_space<vmem>>[vector<16xi32>, vector<16xi32>, vector<16xi32>], vector<16xf32>,
          %swap3A_1178 = arith.constant 48 : index
          %swap3A_1179 = tpu.vector_load %arg27[%swap3A_1178] {strides = array<i32>} : memref<64xf32, #tpu.memory_space<vmem>>, vector<16xf32>,
          tpu.vector_store %arg27[%swap3A_1178], %gather3A_1177 {strides = array<i32>} : memref<64xf32, #tpu.memory_space<vmem>>, vector<16xf32>,
          %broadcast_in_dim3A_1180 = arith.constant 5 : i32
          %broadcast_in_dim3A_1181 = vector.broadcast %broadcast_in_dim3A_1180 : i32 to vector<16xi32>
          %gather3A_1182 = tpu.vector_load_idx %arg12[%broadcast_in_dim3A_896, %broadcast_in_dim3A_1181, %and3A_1146] : memref<2x8x4096xf32, #tpu.memory_space<vmem>>[vector<16xi32>, vector<16xi32>, vector<16xi32>], vector<16xf32>,
          %swap3A_1183 = arith.constant 48 : index
          %swap3A_1184 = tpu.vector_load %arg28[%swap3A_1183] {strides = array<i32>} : memref<64xf32, #tpu.memory_space<vmem>>, vector<16xf32>,
          tpu.vector_store %arg28[%swap3A_1183], %gather3A_1182 {strides = array<i32>} : memref<64xf32, #tpu.memory_space<vmem>>, vector<16xf32>,
          %broadcast_in_dim3A_1185 = arith.constant 6 : i32
          %broadcast_in_dim3A_1186 = vector.broadcast %broadcast_in_dim3A_1185 : i32 to vector<16xi32>
          %gather3A_1187 = tpu.vector_load_idx %arg12[%broadcast_in_dim3A_896, %broadcast_in_dim3A_1186, %and3A_1146] : memref<2x8x4096xf32, #tpu.memory_space<vmem>>[vector<16xi32>, vector<16xi32>, vector<16xi32>], vector<16xf32>,
          %swap3A_1188 = arith.constant 48 : index
          %swap3A_1189 = tpu.vector_load %arg29[%swap3A_1188] {strides = array<i32>} : memref<64xf32, #tpu.memory_space<vmem>>, vector<16xf32>,
          tpu.vector_store %arg29[%swap3A_1188], %gather3A_1187 {strides = array<i32>} : memref<64xf32, #tpu.memory_space<vmem>>, vector<16xf32>,
          %broadcast_in_dim3A_1190 = arith.constant 7 : i32
          %broadcast_in_dim3A_1191 = vector.broadcast %broadcast_in_dim3A_1190 : i32 to vector<16xi32>
          %gather3A_1192 = tpu.vector_load_idx %arg12[%broadcast_in_dim3A_896, %broadcast_in_dim3A_1191, %and3A_1146] : memref<2x8x4096xf32, #tpu.memory_space<vmem>>[vector<16xi32>, vector<16xi32>, vector<16xi32>], vector<16xf32>,
          %swap3A_1193 = arith.constant 48 : index
          %swap3A_1194 = tpu.vector_load %arg30[%swap3A_1193] {strides = array<i32>} : memref<64xf32, #tpu.memory_space<vmem>>, vector<16xf32>,
          tpu.vector_store %arg30[%swap3A_1193], %gather3A_1192 {strides = array<i32>} : memref<64xf32, #tpu.memory_space<vmem>>, vector<16xf32>,
          %convert_element_type3A_1195 = arith.extui %lt3A_895 : i1 to i32
          %cond3A_1196 = arith.constant 0 : i32
          %cond3A_1197 = arith.cmpi ne, %convert_element_type3A_1195, %cond3A_1196 : i32
          scf.if %cond3A_1197 {
            %jit3A_1256 = arith.constant 16384 : i32
            %broadcast_in_dim3A_1257 = vector.broadcast %jit3A_1256 : i32 to vector<16xi32>
            %select_n3A_1258 = arith.select %and3A_1154, %shift_right_logical3A_1143, %broadcast_in_dim3A_1257 : vector<16xi1>, vector<16xi32>
            %swap3A_1259 = arith.constant 48 : index
            %swap3A_1260 = tpu.vector_load %arg32[%swap3A_1259] {strides = array<i32>} : memref<64xi32, #tpu.memory_space<vmem>>, vector<16xi32>,
            tpu.vector_store %arg32[%swap3A_1259], %select_n3A_1258 {strides = array<i32>} : memref<64xi32, #tpu.memory_space<vmem>>, vector<16xi32>,
          } else {
          }
          %add3A_1198 = arith.constant 0 : i32
          %add3A_1199 = arith.addi %mul3A_893, %add3A_1198 : i32
          %mul3A_1200 = arith.constant 32768 : i32
          %mul3A_1201 = arith.muli %add3A_1199, %mul3A_1200 : i32
          %add3A_1202 = arith.addi %mul3A_1201, %multiple_of3A_923 : i32
          %dma_start3A = tpu.memref_slice %arg5[%add3A_1202] : memref<2097152xf32, #tpu.memory_space<hbm>> -> memref<64xf32, #tpu.memory_space<hbm>>
          %dma_start3A_1203 = tpu.memref_slice %arg5[%add3A_1202] : memref<2097152xf32, #tpu.memory_space<hbm>> -> memref<64xf32, #tpu.memory_space<hbm>>
          tpu.enqueue_dma source(%arg23 : memref<64xf32, #tpu.memory_space<vmem>>) target(%dma_start3A_1203 : memref<64xf32, #tpu.memory_space<hbm>>) target_semaphore(%arg33 : memref<!tpu.dma_semaphore, #tpu.memory_space<semaphore_mem>>)
          %add3A_1204 = arith.constant 1 : i32
          %add3A_1205 = arith.addi %mul3A_893, %add3A_1204 : i32
          %mul3A_1206 = arith.constant 32768 : i32
          %mul3A_1207 = arith.muli %add3A_1205, %mul3A_1206 : i32
          %add3A_1208 = arith.addi %mul3A_1207, %multiple_of3A_923 : i32
          %dma_start3A_1209 = tpu.memref_slice %arg5[%add3A_1208] : memref<2097152xf32, #tpu.memory_space<hbm>> -> memref<64xf32, #tpu.memory_space<hbm>>
          %dma_start3A_1210 = tpu.memref_slice %arg5[%add3A_1208] : memref<2097152xf32, #tpu.memory_space<hbm>> -> memref<64xf32, #tpu.memory_space<hbm>>
          tpu.enqueue_dma source(%arg24 : memref<64xf32, #tpu.memory_space<vmem>>) target(%dma_start3A_1210 : memref<64xf32, #tpu.memory_space<hbm>>) target_semaphore(%arg33 : memref<!tpu.dma_semaphore, #tpu.memory_space<semaphore_mem>>)
          %add3A_1211 = arith.constant 2 : i32
          %add3A_1212 = arith.addi %mul3A_893, %add3A_1211 : i32
          %mul3A_1213 = arith.constant 32768 : i32
          %mul3A_1214 = arith.muli %add3A_1212, %mul3A_1213 : i32
          %add3A_1215 = arith.addi %mul3A_1214, %multiple_of3A_923 : i32
          %dma_start3A_1216 = tpu.memref_slice %arg5[%add3A_1215] : memref<2097152xf32, #tpu.memory_space<hbm>> -> memref<64xf32, #tpu.memory_space<hbm>>
          %dma_start3A_1217 = tpu.memref_slice %arg5[%add3A_1215] : memref<2097152xf32, #tpu.memory_space<hbm>> -> memref<64xf32, #tpu.memory_space<hbm>>
          tpu.enqueue_dma source(%arg25 : memref<64xf32, #tpu.memory_space<vmem>>) target(%dma_start3A_1217 : memref<64xf32, #tpu.memory_space<hbm>>) target_semaphore(%arg33 : memref<!tpu.dma_semaphore, #tpu.memory_space<semaphore_mem>>)
          %add3A_1218 = arith.constant 3 : i32
          %add3A_1219 = arith.addi %mul3A_893, %add3A_1218 : i32
          %mul3A_1220 = arith.constant 32768 : i32
          %mul3A_1221 = arith.muli %add3A_1219, %mul3A_1220 : i32
          %add3A_1222 = arith.addi %mul3A_1221, %multiple_of3A_923 : i32
          %dma_start3A_1223 = tpu.memref_slice %arg5[%add3A_1222] : memref<2097152xf32, #tpu.memory_space<hbm>> -> memref<64xf32, #tpu.memory_space<hbm>>
          %dma_start3A_1224 = tpu.memref_slice %arg5[%add3A_1222] : memref<2097152xf32, #tpu.memory_space<hbm>> -> memref<64xf32, #tpu.memory_space<hbm>>
          tpu.enqueue_dma source(%arg26 : memref<64xf32, #tpu.memory_space<vmem>>) target(%dma_start3A_1224 : memref<64xf32, #tpu.memory_space<hbm>>) target_semaphore(%arg33 : memref<!tpu.dma_semaphore, #tpu.memory_space<semaphore_mem>>)
          %add3A_1225 = arith.constant 4 : i32
          %add3A_1226 = arith.addi %mul3A_893, %add3A_1225 : i32
          %mul3A_1227 = arith.constant 32768 : i32
          %mul3A_1228 = arith.muli %add3A_1226, %mul3A_1227 : i32
          %add3A_1229 = arith.addi %mul3A_1228, %multiple_of3A_923 : i32
          %dma_start3A_1230 = tpu.memref_slice %arg5[%add3A_1229] : memref<2097152xf32, #tpu.memory_space<hbm>> -> memref<64xf32, #tpu.memory_space<hbm>>
          %dma_start3A_1231 = tpu.memref_slice %arg5[%add3A_1229] : memref<2097152xf32, #tpu.memory_space<hbm>> -> memref<64xf32, #tpu.memory_space<hbm>>
          tpu.enqueue_dma source(%arg27 : memref<64xf32, #tpu.memory_space<vmem>>) target(%dma_start3A_1231 : memref<64xf32, #tpu.memory_space<hbm>>) target_semaphore(%arg33 : memref<!tpu.dma_semaphore, #tpu.memory_space<semaphore_mem>>)
          %add3A_1232 = arith.constant 5 : i32
          %add3A_1233 = arith.addi %mul3A_893, %add3A_1232 : i32
          %mul3A_1234 = arith.constant 32768 : i32
          %mul3A_1235 = arith.muli %add3A_1233, %mul3A_1234 : i32
          %add3A_1236 = arith.addi %mul3A_1235, %multiple_of3A_923 : i32
          %dma_start3A_1237 = tpu.memref_slice %arg5[%add3A_1236] : memref<2097152xf32, #tpu.memory_space<hbm>> -> memref<64xf32, #tpu.memory_space<hbm>>
          %dma_start3A_1238 = tpu.memref_slice %arg5[%add3A_1236] : memref<2097152xf32, #tpu.memory_space<hbm>> -> memref<64xf32, #tpu.memory_space<hbm>>
          tpu.enqueue_dma source(%arg28 : memref<64xf32, #tpu.memory_space<vmem>>) target(%dma_start3A_1238 : memref<64xf32, #tpu.memory_space<hbm>>) target_semaphore(%arg33 : memref<!tpu.dma_semaphore, #tpu.memory_space<semaphore_mem>>)
          %add3A_1239 = arith.constant 6 : i32
          %add3A_1240 = arith.addi %mul3A_893, %add3A_1239 : i32
          %mul3A_1241 = arith.constant 32768 : i32
          %mul3A_1242 = arith.muli %add3A_1240, %mul3A_1241 : i32
          %add3A_1243 = arith.addi %mul3A_1242, %multiple_of3A_923 : i32
          %dma_start3A_1244 = tpu.memref_slice %arg5[%add3A_1243] : memref<2097152xf32, #tpu.memory_space<hbm>> -> memref<64xf32, #tpu.memory_space<hbm>>
          %dma_start3A_1245 = tpu.memref_slice %arg5[%add3A_1243] : memref<2097152xf32, #tpu.memory_space<hbm>> -> memref<64xf32, #tpu.memory_space<hbm>>
          tpu.enqueue_dma source(%arg29 : memref<64xf32, #tpu.memory_space<vmem>>) target(%dma_start3A_1245 : memref<64xf32, #tpu.memory_space<hbm>>) target_semaphore(%arg33 : memref<!tpu.dma_semaphore, #tpu.memory_space<semaphore_mem>>)
          %add3A_1246 = arith.constant 7 : i32
          %add3A_1247 = arith.addi %mul3A_893, %add3A_1246 : i32
          %mul3A_1248 = arith.constant 32768 : i32
          %mul3A_1249 = arith.muli %add3A_1247, %mul3A_1248 : i32
          %add3A_1250 = arith.addi %mul3A_1249, %multiple_of3A_923 : i32
          %dma_start3A_1251 = tpu.memref_slice %arg5[%add3A_1250] : memref<2097152xf32, #tpu.memory_space<hbm>> -> memref<64xf32, #tpu.memory_space<hbm>>
          %dma_start3A_1252 = tpu.memref_slice %arg5[%add3A_1250] : memref<2097152xf32, #tpu.memory_space<hbm>> -> memref<64xf32, #tpu.memory_space<hbm>>
          tpu.enqueue_dma source(%arg30 : memref<64xf32, #tpu.memory_space<vmem>>) target(%dma_start3A_1252 : memref<64xf32, #tpu.memory_space<hbm>>) target_semaphore(%arg33 : memref<!tpu.dma_semaphore, #tpu.memory_space<semaphore_mem>>)
          %convert_element_type3A_1253 = arith.extui %lt3A_895 : i1 to i32
          %cond3A_1254 = arith.constant 0 : i32
          %cond3A_1255 = arith.cmpi ne, %convert_element_type3A_1253, %cond3A_1254 : i32
          scf.if %cond3A_1255 {
            %dma_start3A_1256 = tpu.memref_slice %arg6[%multiple_of3A_923] : memref<32768xi32, #tpu.memory_space<hbm>> -> memref<64xi32, #tpu.memory_space<hbm>>
            %dma_start3A_1257 = tpu.memref_slice %arg6[%multiple_of3A_923] : memref<32768xi32, #tpu.memory_space<hbm>> -> memref<64xi32, #tpu.memory_space<hbm>>
            tpu.enqueue_dma source(%arg32 : memref<64xi32, #tpu.memory_space<vmem>>) target(%dma_start3A_1257 : memref<64xi32, #tpu.memory_space<hbm>>) target_semaphore(%arg33 : memref<!tpu.dma_semaphore, #tpu.memory_space<semaphore_mem>>)
          } else {
          }
        } else {
        }
      }
      %while3A_906 = arith.constant 1 : i32
      scf.for %while3A_919 = %while3A_904 to %while3A_900 step %while3A_906  : i32 {
        %mul3A_920 = arith.constant 64 : i32
        %mul3A_921 = arith.muli %while3A_919, %mul3A_920 : i32
        %add3A_922 = arith.addi %multiple_of3A_885, %mul3A_921 : i32
        %multiple_of3A_923 = tpu.assume_multiple %add3A_922, 64 : i32
        %and3A_924 = arith.constant 1 : i32
        %and3A_925 = arith.andi %while3A_919, %and3A_924 : i32
        %eq3A_926 = arith.constant 0 : i32
        %eq3A_927 = arith.cmpi eq, %and3A_925, %eq3A_926 : i32
        %convert_element_type3A_928 = arith.extui %eq3A_927 : i1 to i32
        %cond3A_929 = arith.constant 0 : i32
        %cond3A_930 = arith.cmpi ne, %convert_element_type3A_928, %cond3A_929 : i32
        scf.if %cond3A_930 {
          %ge3A = arith.constant 2 : i32
          %ge3A_938 = arith.cmpi sge, %while3A_919, %ge3A : i32
          %convert_element_type3A_939 = arith.extui %ge3A_938 : i1 to i32
          %cond3A_940 = arith.constant 0 : i32
          %cond3A_941 = arith.cmpi ne, %convert_element_type3A_939, %cond3A_940 : i32
          scf.if %cond3A_941 {
            %dma_wait3A = tpu.memref_slice %arg5[%multiple_of3A_923] : memref<2097152xf32, #tpu.memory_space<hbm>> -> memref<64xf32, #tpu.memory_space<hbm>>
            %dma_wait3A_1256 = tpu.memref_slice %arg5[%multiple_of3A_923] : memref<2097152xf32, #tpu.memory_space<hbm>> -> memref<64xf32, #tpu.memory_space<hbm>>
            tpu.wait_dma2 semaphore(%arg33 : memref<!tpu.dma_semaphore, #tpu.memory_space<semaphore_mem>>) src(%arg15 : memref<64xf32, #tpu.memory_space<vmem>>) dst(%dma_wait3A_1256 : memref<64xf32, #tpu.memory_space<hbm>>)
            %dma_wait3A_1257 = tpu.memref_slice %arg5[%multiple_of3A_923] : memref<2097152xf32, #tpu.memory_space<hbm>> -> memref<64xf32, #tpu.memory_space<hbm>>
            %dma_wait3A_1258 = tpu.memref_slice %arg5[%multiple_of3A_923] : memref<2097152xf32, #tpu.memory_space<hbm>> -> memref<64xf32, #tpu.memory_space<hbm>>
            tpu.wait_dma2 semaphore(%arg33 : memref<!tpu.dma_semaphore, #tpu.memory_space<semaphore_mem>>) src(%arg16 : memref<64xf32, #tpu.memory_space<vmem>>) dst(%dma_wait3A_1258 : memref<64xf32, #tpu.memory_space<hbm>>)
            %dma_wait3A_1259 = tpu.memref_slice %arg5[%multiple_of3A_923] : memref<2097152xf32, #tpu.memory_space<hbm>> -> memref<64xf32, #tpu.memory_space<hbm>>
            %dma_wait3A_1260 = tpu.memref_slice %arg5[%multiple_of3A_923] : memref<2097152xf32, #tpu.memory_space<hbm>> -> memref<64xf32, #tpu.memory_space<hbm>>
            tpu.wait_dma2 semaphore(%arg33 : memref<!tpu.dma_semaphore, #tpu.memory_space<semaphore_mem>>) src(%arg17 : memref<64xf32, #tpu.memory_space<vmem>>) dst(%dma_wait3A_1260 : memref<64xf32, #tpu.memory_space<hbm>>)
            %dma_wait3A_1261 = tpu.memref_slice %arg5[%multiple_of3A_923] : memref<2097152xf32, #tpu.memory_space<hbm>> -> memref<64xf32, #tpu.memory_space<hbm>>
            %dma_wait3A_1262 = tpu.memref_slice %arg5[%multiple_of3A_923] : memref<2097152xf32, #tpu.memory_space<hbm>> -> memref<64xf32, #tpu.memory_space<hbm>>
            tpu.wait_dma2 semaphore(%arg33 : memref<!tpu.dma_semaphore, #tpu.memory_space<semaphore_mem>>) src(%arg18 : memref<64xf32, #tpu.memory_space<vmem>>) dst(%dma_wait3A_1262 : memref<64xf32, #tpu.memory_space<hbm>>)
            %dma_wait3A_1263 = tpu.memref_slice %arg5[%multiple_of3A_923] : memref<2097152xf32, #tpu.memory_space<hbm>> -> memref<64xf32, #tpu.memory_space<hbm>>
            %dma_wait3A_1264 = tpu.memref_slice %arg5[%multiple_of3A_923] : memref<2097152xf32, #tpu.memory_space<hbm>> -> memref<64xf32, #tpu.memory_space<hbm>>
            tpu.wait_dma2 semaphore(%arg33 : memref<!tpu.dma_semaphore, #tpu.memory_space<semaphore_mem>>) src(%arg19 : memref<64xf32, #tpu.memory_space<vmem>>) dst(%dma_wait3A_1264 : memref<64xf32, #tpu.memory_space<hbm>>)
            %dma_wait3A_1265 = tpu.memref_slice %arg5[%multiple_of3A_923] : memref<2097152xf32, #tpu.memory_space<hbm>> -> memref<64xf32, #tpu.memory_space<hbm>>
            %dma_wait3A_1266 = tpu.memref_slice %arg5[%multiple_of3A_923] : memref<2097152xf32, #tpu.memory_space<hbm>> -> memref<64xf32, #tpu.memory_space<hbm>>
            tpu.wait_dma2 semaphore(%arg33 : memref<!tpu.dma_semaphore, #tpu.memory_space<semaphore_mem>>) src(%arg20 : memref<64xf32, #tpu.memory_space<vmem>>) dst(%dma_wait3A_1266 : memref<64xf32, #tpu.memory_space<hbm>>)
            %dma_wait3A_1267 = tpu.memref_slice %arg5[%multiple_of3A_923] : memref<2097152xf32, #tpu.memory_space<hbm>> -> memref<64xf32, #tpu.memory_space<hbm>>
            %dma_wait3A_1268 = tpu.memref_slice %arg5[%multiple_of3A_923] : memref<2097152xf32, #tpu.memory_space<hbm>> -> memref<64xf32, #tpu.memory_space<hbm>>
            tpu.wait_dma2 semaphore(%arg33 : memref<!tpu.dma_semaphore, #tpu.memory_space<semaphore_mem>>) src(%arg21 : memref<64xf32, #tpu.memory_space<vmem>>) dst(%dma_wait3A_1268 : memref<64xf32, #tpu.memory_space<hbm>>)
            %dma_wait3A_1269 = tpu.memref_slice %arg5[%multiple_of3A_923] : memref<2097152xf32, #tpu.memory_space<hbm>> -> memref<64xf32, #tpu.memory_space<hbm>>
            %dma_wait3A_1270 = tpu.memref_slice %arg5[%multiple_of3A_923] : memref<2097152xf32, #tpu.memory_space<hbm>> -> memref<64xf32, #tpu.memory_space<hbm>>
            tpu.wait_dma2 semaphore(%arg33 : memref<!tpu.dma_semaphore, #tpu.memory_space<semaphore_mem>>) src(%arg22 : memref<64xf32, #tpu.memory_space<vmem>>) dst(%dma_wait3A_1270 : memref<64xf32, #tpu.memory_space<hbm>>)
            %convert_element_type3A_1271 = arith.extui %lt3A_895 : i1 to i32
            %cond3A_1272 = arith.constant 0 : i32
            %cond3A_1273 = arith.cmpi ne, %convert_element_type3A_1271, %cond3A_1272 : i32
            scf.if %cond3A_1273 {
              %dma_wait3A_1274 = tpu.memref_slice %arg6[%multiple_of3A_923] : memref<32768xi32, #tpu.memory_space<hbm>> -> memref<64xi32, #tpu.memory_space<hbm>>
              %dma_wait3A_1275 = tpu.memref_slice %arg6[%multiple_of3A_923] : memref<32768xi32, #tpu.memory_space<hbm>> -> memref<64xi32, #tpu.memory_space<hbm>>
              tpu.wait_dma2 semaphore(%arg33 : memref<!tpu.dma_semaphore, #tpu.memory_space<semaphore_mem>>) src(%arg31 : memref<64xi32, #tpu.memory_space<vmem>>) dst(%dma_wait3A_1275 : memref<64xi32, #tpu.memory_space<hbm>>)
            } else {
            }
          } else {
          }
          %mul3A_942 = arith.constant 64 : i32
          %mul3A_943 = arith.muli %while3A_919, %mul3A_942 : i32
          %add3A_944 = arith.constant 0 : i32
          %add3A_945 = arith.addi %mul3A_943, %add3A_944 : i32
          %add3A_946 = arith.addi %squeeze3A_880, %add3A_945 : i32
          %get3A_947 = arith.index_cast %add3A_946 : i32 to index
          %get3A_948 = tpu.vector_load %arg9[%get3A_947] {strides = array<i32>} : memref<16640xi32, #tpu.memory_space<vmem>>, vector<16xi32>,
          %shift_right_logical3A_949 = arith.constant 16 : i32
          %shift_right_logical3A_950 = vector.broadcast %shift_right_logical3A_949 : i32 to vector<16xi32>
          %shift_right_logical3A_951 = arith.shrui %get3A_948, %shift_right_logical3A_950 : vector<16xi32>
          %and3A_952 = arith.constant 4095 : i32
          %and3A_953 = vector.broadcast %and3A_952 : i32 to vector<16xi32>
          %and3A_954 = arith.andi %get3A_948, %and3A_953 : vector<16xi32>
          %add3A_955 = vector.broadcast %add3A_945 : i32 to vector<16xi32>
          %add3A_956 = arith.addi %iota3A, %add3A_955 : vector<16xi32>
          %lt3A_957 = vector.broadcast %squeeze3A_877 : i32 to vector<16xi32>
          %lt3A_958 = arith.cmpi slt, %add3A_956, %lt3A_957 : vector<16xi32>
          %lt3A_959 = arith.constant 16384 : i32
          %lt3A_960 = vector.broadcast %lt3A_959 : i32 to vector<16xi32>
          %lt3A_961 = arith.cmpi slt, %shift_right_logical3A_951, %lt3A_960 : vector<16xi32>
          %and3A_962 = arith.andi %lt3A_958, %lt3A_961 : vector<16xi1>
          %broadcast_in_dim3A_963 = arith.constant 0 : i32
          %broadcast_in_dim3A_964 = vector.broadcast %broadcast_in_dim3A_963 : i32 to vector<16xi32>
          %gather3A_965 = tpu.vector_load_idx %arg12[%broadcast_in_dim3A_896, %broadcast_in_dim3A_964, %and3A_954] : memref<2x8x4096xf32, #tpu.memory_space<vmem>>[vector<16xi32>, vector<16xi32>, vector<16xi32>], vector<16xf32>,
          %swap3A_966 = arith.constant 0 : index
          %swap3A_967 = tpu.vector_load %arg15[%swap3A_966] {strides = array<i32>} : memref<64xf32, #tpu.memory_space<vmem>>, vector<16xf32>,
          tpu.vector_store %arg15[%swap3A_966], %gather3A_965 {strides = array<i32>} : memref<64xf32, #tpu.memory_space<vmem>>, vector<16xf32>,
          %broadcast_in_dim3A_968 = arith.constant 1 : i32
          %broadcast_in_dim3A_969 = vector.broadcast %broadcast_in_dim3A_968 : i32 to vector<16xi32>
          %gather3A_970 = tpu.vector_load_idx %arg12[%broadcast_in_dim3A_896, %broadcast_in_dim3A_969, %and3A_954] : memref<2x8x4096xf32, #tpu.memory_space<vmem>>[vector<16xi32>, vector<16xi32>, vector<16xi32>], vector<16xf32>,
          %swap3A_971 = arith.constant 0 : index
          %swap3A_972 = tpu.vector_load %arg16[%swap3A_971] {strides = array<i32>} : memref<64xf32, #tpu.memory_space<vmem>>, vector<16xf32>,
          tpu.vector_store %arg16[%swap3A_971], %gather3A_970 {strides = array<i32>} : memref<64xf32, #tpu.memory_space<vmem>>, vector<16xf32>,
          %broadcast_in_dim3A_973 = arith.constant 2 : i32
          %broadcast_in_dim3A_974 = vector.broadcast %broadcast_in_dim3A_973 : i32 to vector<16xi32>
          %gather3A_975 = tpu.vector_load_idx %arg12[%broadcast_in_dim3A_896, %broadcast_in_dim3A_974, %and3A_954] : memref<2x8x4096xf32, #tpu.memory_space<vmem>>[vector<16xi32>, vector<16xi32>, vector<16xi32>], vector<16xf32>,
          %swap3A_976 = arith.constant 0 : index
          %swap3A_977 = tpu.vector_load %arg17[%swap3A_976] {strides = array<i32>} : memref<64xf32, #tpu.memory_space<vmem>>, vector<16xf32>,
          tpu.vector_store %arg17[%swap3A_976], %gather3A_975 {strides = array<i32>} : memref<64xf32, #tpu.memory_space<vmem>>, vector<16xf32>,
          %broadcast_in_dim3A_978 = arith.constant 3 : i32
          %broadcast_in_dim3A_979 = vector.broadcast %broadcast_in_dim3A_978 : i32 to vector<16xi32>
          %gather3A_980 = tpu.vector_load_idx %arg12[%broadcast_in_dim3A_896, %broadcast_in_dim3A_979, %and3A_954] : memref<2x8x4096xf32, #tpu.memory_space<vmem>>[vector<16xi32>, vector<16xi32>, vector<16xi32>], vector<16xf32>,
          %swap3A_981 = arith.constant 0 : index
          %swap3A_982 = tpu.vector_load %arg18[%swap3A_981] {strides = array<i32>} : memref<64xf32, #tpu.memory_space<vmem>>, vector<16xf32>,
          tpu.vector_store %arg18[%swap3A_981], %gather3A_980 {strides = array<i32>} : memref<64xf32, #tpu.memory_space<vmem>>, vector<16xf32>,
          %broadcast_in_dim3A_983 = arith.constant 4 : i32
          %broadcast_in_dim3A_984 = vector.broadcast %broadcast_in_dim3A_983 : i32 to vector<16xi32>
          %gather3A_985 = tpu.vector_load_idx %arg12[%broadcast_in_dim3A_896, %broadcast_in_dim3A_984, %and3A_954] : memref<2x8x4096xf32, #tpu.memory_space<vmem>>[vector<16xi32>, vector<16xi32>, vector<16xi32>], vector<16xf32>,
          %swap3A_986 = arith.constant 0 : index
          %swap3A_987 = tpu.vector_load %arg19[%swap3A_986] {strides = array<i32>} : memref<64xf32, #tpu.memory_space<vmem>>, vector<16xf32>,
          tpu.vector_store %arg19[%swap3A_986], %gather3A_985 {strides = array<i32>} : memref<64xf32, #tpu.memory_space<vmem>>, vector<16xf32>,
          %broadcast_in_dim3A_988 = arith.constant 5 : i32
          %broadcast_in_dim3A_989 = vector.broadcast %broadcast_in_dim3A_988 : i32 to vector<16xi32>
          %gather3A_990 = tpu.vector_load_idx %arg12[%broadcast_in_dim3A_896, %broadcast_in_dim3A_989, %and3A_954] : memref<2x8x4096xf32, #tpu.memory_space<vmem>>[vector<16xi32>, vector<16xi32>, vector<16xi32>], vector<16xf32>,
          %swap3A_991 = arith.constant 0 : index
          %swap3A_992 = tpu.vector_load %arg20[%swap3A_991] {strides = array<i32>} : memref<64xf32, #tpu.memory_space<vmem>>, vector<16xf32>,
          tpu.vector_store %arg20[%swap3A_991], %gather3A_990 {strides = array<i32>} : memref<64xf32, #tpu.memory_space<vmem>>, vector<16xf32>,
          %broadcast_in_dim3A_993 = arith.constant 6 : i32
          %broadcast_in_dim3A_994 = vector.broadcast %broadcast_in_dim3A_993 : i32 to vector<16xi32>
          %gather3A_995 = tpu.vector_load_idx %arg12[%broadcast_in_dim3A_896, %broadcast_in_dim3A_994, %and3A_954] : memref<2x8x4096xf32, #tpu.memory_space<vmem>>[vector<16xi32>, vector<16xi32>, vector<16xi32>], vector<16xf32>,
          %swap3A_996 = arith.constant 0 : index
          %swap3A_997 = tpu.vector_load %arg21[%swap3A_996] {strides = array<i32>} : memref<64xf32, #tpu.memory_space<vmem>>, vector<16xf32>,
          tpu.vector_store %arg21[%swap3A_996], %gather3A_995 {strides = array<i32>} : memref<64xf32, #tpu.memory_space<vmem>>, vector<16xf32>,
          %broadcast_in_dim3A_998 = arith.constant 7 : i32
          %broadcast_in_dim3A_999 = vector.broadcast %broadcast_in_dim3A_998 : i32 to vector<16xi32>
          %gather3A_1000 = tpu.vector_load_idx %arg12[%broadcast_in_dim3A_896, %broadcast_in_dim3A_999, %and3A_954] : memref<2x8x4096xf32, #tpu.memory_space<vmem>>[vector<16xi32>, vector<16xi32>, vector<16xi32>], vector<16xf32>,
          %swap3A_1001 = arith.constant 0 : index
          %swap3A_1002 = tpu.vector_load %arg22[%swap3A_1001] {strides = array<i32>} : memref<64xf32, #tpu.memory_space<vmem>>, vector<16xf32>,
          tpu.vector_store %arg22[%swap3A_1001], %gather3A_1000 {strides = array<i32>} : memref<64xf32, #tpu.memory_space<vmem>>, vector<16xf32>,
          %convert_element_type3A_1003 = arith.extui %lt3A_895 : i1 to i32
          %cond3A_1004 = arith.constant 0 : i32
          %cond3A_1005 = arith.cmpi ne, %convert_element_type3A_1003, %cond3A_1004 : i32
          scf.if %cond3A_1005 {
            %jit3A_1256 = arith.constant 16384 : i32
            %broadcast_in_dim3A_1257 = vector.broadcast %jit3A_1256 : i32 to vector<16xi32>
            %select_n3A_1258 = arith.select %and3A_962, %shift_right_logical3A_951, %broadcast_in_dim3A_1257 : vector<16xi1>, vector<16xi32>
            %swap3A_1259 = arith.constant 0 : index
            %swap3A_1260 = tpu.vector_load %arg31[%swap3A_1259] {strides = array<i32>} : memref<64xi32, #tpu.memory_space<vmem>>, vector<16xi32>,
            tpu.vector_store %arg31[%swap3A_1259], %select_n3A_1258 {strides = array<i32>} : memref<64xi32, #tpu.memory_space<vmem>>, vector<16xi32>,
          } else {
          }
          %mul3A_1006 = arith.constant 64 : i32
          %mul3A_1007 = arith.muli %while3A_919, %mul3A_1006 : i32
          %add3A_1008 = arith.constant 16 : i32
          %add3A_1009 = arith.addi %mul3A_1007, %add3A_1008 : i32
          %add3A_1010 = arith.addi %squeeze3A_880, %add3A_1009 : i32
          %get3A_1011 = arith.index_cast %add3A_1010 : i32 to index
          %get3A_1012 = tpu.vector_load %arg9[%get3A_1011] {strides = array<i32>} : memref<16640xi32, #tpu.memory_space<vmem>>, vector<16xi32>,
          %shift_right_logical3A_1013 = arith.constant 16 : i32
          %shift_right_logical3A_1014 = vector.broadcast %shift_right_logical3A_1013 : i32 to vector<16xi32>
          %shift_right_logical3A_1015 = arith.shrui %get3A_1012, %shift_right_logical3A_1014 : vector<16xi32>
          %and3A_1016 = arith.constant 4095 : i32
          %and3A_1017 = vector.broadcast %and3A_1016 : i32 to vector<16xi32>
          %and3A_1018 = arith.andi %get3A_1012, %and3A_1017 : vector<16xi32>
          %add3A_1019 = vector.broadcast %add3A_1009 : i32 to vector<16xi32>
          %add3A_1020 = arith.addi %iota3A, %add3A_1019 : vector<16xi32>
          %lt3A_1021 = vector.broadcast %squeeze3A_877 : i32 to vector<16xi32>
          %lt3A_1022 = arith.cmpi slt, %add3A_1020, %lt3A_1021 : vector<16xi32>
          %lt3A_1023 = arith.constant 16384 : i32
          %lt3A_1024 = vector.broadcast %lt3A_1023 : i32 to vector<16xi32>
          %lt3A_1025 = arith.cmpi slt, %shift_right_logical3A_1015, %lt3A_1024 : vector<16xi32>
          %and3A_1026 = arith.andi %lt3A_1022, %lt3A_1025 : vector<16xi1>
          %broadcast_in_dim3A_1027 = arith.constant 0 : i32
          %broadcast_in_dim3A_1028 = vector.broadcast %broadcast_in_dim3A_1027 : i32 to vector<16xi32>
          %gather3A_1029 = tpu.vector_load_idx %arg12[%broadcast_in_dim3A_896, %broadcast_in_dim3A_1028, %and3A_1018] : memref<2x8x4096xf32, #tpu.memory_space<vmem>>[vector<16xi32>, vector<16xi32>, vector<16xi32>], vector<16xf32>,
          %swap3A_1030 = arith.constant 16 : index
          %swap3A_1031 = tpu.vector_load %arg15[%swap3A_1030] {strides = array<i32>} : memref<64xf32, #tpu.memory_space<vmem>>, vector<16xf32>,
          tpu.vector_store %arg15[%swap3A_1030], %gather3A_1029 {strides = array<i32>} : memref<64xf32, #tpu.memory_space<vmem>>, vector<16xf32>,
          %broadcast_in_dim3A_1032 = arith.constant 1 : i32
          %broadcast_in_dim3A_1033 = vector.broadcast %broadcast_in_dim3A_1032 : i32 to vector<16xi32>
          %gather3A_1034 = tpu.vector_load_idx %arg12[%broadcast_in_dim3A_896, %broadcast_in_dim3A_1033, %and3A_1018] : memref<2x8x4096xf32, #tpu.memory_space<vmem>>[vector<16xi32>, vector<16xi32>, vector<16xi32>], vector<16xf32>,
          %swap3A_1035 = arith.constant 16 : index
          %swap3A_1036 = tpu.vector_load %arg16[%swap3A_1035] {strides = array<i32>} : memref<64xf32, #tpu.memory_space<vmem>>, vector<16xf32>,
          tpu.vector_store %arg16[%swap3A_1035], %gather3A_1034 {strides = array<i32>} : memref<64xf32, #tpu.memory_space<vmem>>, vector<16xf32>,
          %broadcast_in_dim3A_1037 = arith.constant 2 : i32
          %broadcast_in_dim3A_1038 = vector.broadcast %broadcast_in_dim3A_1037 : i32 to vector<16xi32>
          %gather3A_1039 = tpu.vector_load_idx %arg12[%broadcast_in_dim3A_896, %broadcast_in_dim3A_1038, %and3A_1018] : memref<2x8x4096xf32, #tpu.memory_space<vmem>>[vector<16xi32>, vector<16xi32>, vector<16xi32>], vector<16xf32>,
          %swap3A_1040 = arith.constant 16 : index
          %swap3A_1041 = tpu.vector_load %arg17[%swap3A_1040] {strides = array<i32>} : memref<64xf32, #tpu.memory_space<vmem>>, vector<16xf32>,
          tpu.vector_store %arg17[%swap3A_1040], %gather3A_1039 {strides = array<i32>} : memref<64xf32, #tpu.memory_space<vmem>>, vector<16xf32>,
          %broadcast_in_dim3A_1042 = arith.constant 3 : i32
          %broadcast_in_dim3A_1043 = vector.broadcast %broadcast_in_dim3A_1042 : i32 to vector<16xi32>
          %gather3A_1044 = tpu.vector_load_idx %arg12[%broadcast_in_dim3A_896, %broadcast_in_dim3A_1043, %and3A_1018] : memref<2x8x4096xf32, #tpu.memory_space<vmem>>[vector<16xi32>, vector<16xi32>, vector<16xi32>], vector<16xf32>,
          %swap3A_1045 = arith.constant 16 : index
          %swap3A_1046 = tpu.vector_load %arg18[%swap3A_1045] {strides = array<i32>} : memref<64xf32, #tpu.memory_space<vmem>>, vector<16xf32>,
          tpu.vector_store %arg18[%swap3A_1045], %gather3A_1044 {strides = array<i32>} : memref<64xf32, #tpu.memory_space<vmem>>, vector<16xf32>,
          %broadcast_in_dim3A_1047 = arith.constant 4 : i32
          %broadcast_in_dim3A_1048 = vector.broadcast %broadcast_in_dim3A_1047 : i32 to vector<16xi32>
          %gather3A_1049 = tpu.vector_load_idx %arg12[%broadcast_in_dim3A_896, %broadcast_in_dim3A_1048, %and3A_1018] : memref<2x8x4096xf32, #tpu.memory_space<vmem>>[vector<16xi32>, vector<16xi32>, vector<16xi32>], vector<16xf32>,
          %swap3A_1050 = arith.constant 16 : index
          %swap3A_1051 = tpu.vector_load %arg19[%swap3A_1050] {strides = array<i32>} : memref<64xf32, #tpu.memory_space<vmem>>, vector<16xf32>,
          tpu.vector_store %arg19[%swap3A_1050], %gather3A_1049 {strides = array<i32>} : memref<64xf32, #tpu.memory_space<vmem>>, vector<16xf32>,
          %broadcast_in_dim3A_1052 = arith.constant 5 : i32
          %broadcast_in_dim3A_1053 = vector.broadcast %broadcast_in_dim3A_1052 : i32 to vector<16xi32>
          %gather3A_1054 = tpu.vector_load_idx %arg12[%broadcast_in_dim3A_896, %broadcast_in_dim3A_1053, %and3A_1018] : memref<2x8x4096xf32, #tpu.memory_space<vmem>>[vector<16xi32>, vector<16xi32>, vector<16xi32>], vector<16xf32>,
          %swap3A_1055 = arith.constant 16 : index
          %swap3A_1056 = tpu.vector_load %arg20[%swap3A_1055] {strides = array<i32>} : memref<64xf32, #tpu.memory_space<vmem>>, vector<16xf32>,
          tpu.vector_store %arg20[%swap3A_1055], %gather3A_1054 {strides = array<i32>} : memref<64xf32, #tpu.memory_space<vmem>>, vector<16xf32>,
          %broadcast_in_dim3A_1057 = arith.constant 6 : i32
          %broadcast_in_dim3A_1058 = vector.broadcast %broadcast_in_dim3A_1057 : i32 to vector<16xi32>
          %gather3A_1059 = tpu.vector_load_idx %arg12[%broadcast_in_dim3A_896, %broadcast_in_dim3A_1058, %and3A_1018] : memref<2x8x4096xf32, #tpu.memory_space<vmem>>[vector<16xi32>, vector<16xi32>, vector<16xi32>], vector<16xf32>,
          %swap3A_1060 = arith.constant 16 : index
          %swap3A_1061 = tpu.vector_load %arg21[%swap3A_1060] {strides = array<i32>} : memref<64xf32, #tpu.memory_space<vmem>>, vector<16xf32>,
          tpu.vector_store %arg21[%swap3A_1060], %gather3A_1059 {strides = array<i32>} : memref<64xf32, #tpu.memory_space<vmem>>, vector<16xf32>,
          %broadcast_in_dim3A_1062 = arith.constant 7 : i32
          %broadcast_in_dim3A_1063 = vector.broadcast %broadcast_in_dim3A_1062 : i32 to vector<16xi32>
          %gather3A_1064 = tpu.vector_load_idx %arg12[%broadcast_in_dim3A_896, %broadcast_in_dim3A_1063, %and3A_1018] : memref<2x8x4096xf32, #tpu.memory_space<vmem>>[vector<16xi32>, vector<16xi32>, vector<16xi32>], vector<16xf32>,
          %swap3A_1065 = arith.constant 16 : index
          %swap3A_1066 = tpu.vector_load %arg22[%swap3A_1065] {strides = array<i32>} : memref<64xf32, #tpu.memory_space<vmem>>, vector<16xf32>,
          tpu.vector_store %arg22[%swap3A_1065], %gather3A_1064 {strides = array<i32>} : memref<64xf32, #tpu.memory_space<vmem>>, vector<16xf32>,
          %convert_element_type3A_1067 = arith.extui %lt3A_895 : i1 to i32
          %cond3A_1068 = arith.constant 0 : i32
          %cond3A_1069 = arith.cmpi ne, %convert_element_type3A_1067, %cond3A_1068 : i32
          scf.if %cond3A_1069 {
            %jit3A_1256 = arith.constant 16384 : i32
            %broadcast_in_dim3A_1257 = vector.broadcast %jit3A_1256 : i32 to vector<16xi32>
            %select_n3A_1258 = arith.select %and3A_1026, %shift_right_logical3A_1015, %broadcast_in_dim3A_1257 : vector<16xi1>, vector<16xi32>
            %swap3A_1259 = arith.constant 16 : index
            %swap3A_1260 = tpu.vector_load %arg31[%swap3A_1259] {strides = array<i32>} : memref<64xi32, #tpu.memory_space<vmem>>, vector<16xi32>,
            tpu.vector_store %arg31[%swap3A_1259], %select_n3A_1258 {strides = array<i32>} : memref<64xi32, #tpu.memory_space<vmem>>, vector<16xi32>,
          } else {
          }
          %mul3A_1070 = arith.constant 64 : i32
          %mul3A_1071 = arith.muli %while3A_919, %mul3A_1070 : i32
          %add3A_1072 = arith.constant 32 : i32
          %add3A_1073 = arith.addi %mul3A_1071, %add3A_1072 : i32
          %add3A_1074 = arith.addi %squeeze3A_880, %add3A_1073 : i32
          %get3A_1075 = arith.index_cast %add3A_1074 : i32 to index
          %get3A_1076 = tpu.vector_load %arg9[%get3A_1075] {strides = array<i32>} : memref<16640xi32, #tpu.memory_space<vmem>>, vector<16xi32>,
          %shift_right_logical3A_1077 = arith.constant 16 : i32
          %shift_right_logical3A_1078 = vector.broadcast %shift_right_logical3A_1077 : i32 to vector<16xi32>
          %shift_right_logical3A_1079 = arith.shrui %get3A_1076, %shift_right_logical3A_1078 : vector<16xi32>
          %and3A_1080 = arith.constant 4095 : i32
          %and3A_1081 = vector.broadcast %and3A_1080 : i32 to vector<16xi32>
          %and3A_1082 = arith.andi %get3A_1076, %and3A_1081 : vector<16xi32>
          %add3A_1083 = vector.broadcast %add3A_1073 : i32 to vector<16xi32>
          %add3A_1084 = arith.addi %iota3A, %add3A_1083 : vector<16xi32>
          %lt3A_1085 = vector.broadcast %squeeze3A_877 : i32 to vector<16xi32>
          %lt3A_1086 = arith.cmpi slt, %add3A_1084, %lt3A_1085 : vector<16xi32>
          %lt3A_1087 = arith.constant 16384 : i32
          %lt3A_1088 = vector.broadcast %lt3A_1087 : i32 to vector<16xi32>
          %lt3A_1089 = arith.cmpi slt, %shift_right_logical3A_1079, %lt3A_1088 : vector<16xi32>
          %and3A_1090 = arith.andi %lt3A_1086, %lt3A_1089 : vector<16xi1>
          %broadcast_in_dim3A_1091 = arith.constant 0 : i32
          %broadcast_in_dim3A_1092 = vector.broadcast %broadcast_in_dim3A_1091 : i32 to vector<16xi32>
          %gather3A_1093 = tpu.vector_load_idx %arg12[%broadcast_in_dim3A_896, %broadcast_in_dim3A_1092, %and3A_1082] : memref<2x8x4096xf32, #tpu.memory_space<vmem>>[vector<16xi32>, vector<16xi32>, vector<16xi32>], vector<16xf32>,
          %swap3A_1094 = arith.constant 32 : index
          %swap3A_1095 = tpu.vector_load %arg15[%swap3A_1094] {strides = array<i32>} : memref<64xf32, #tpu.memory_space<vmem>>, vector<16xf32>,
          tpu.vector_store %arg15[%swap3A_1094], %gather3A_1093 {strides = array<i32>} : memref<64xf32, #tpu.memory_space<vmem>>, vector<16xf32>,
          %broadcast_in_dim3A_1096 = arith.constant 1 : i32
          %broadcast_in_dim3A_1097 = vector.broadcast %broadcast_in_dim3A_1096 : i32 to vector<16xi32>
          %gather3A_1098 = tpu.vector_load_idx %arg12[%broadcast_in_dim3A_896, %broadcast_in_dim3A_1097, %and3A_1082] : memref<2x8x4096xf32, #tpu.memory_space<vmem>>[vector<16xi32>, vector<16xi32>, vector<16xi32>], vector<16xf32>,
          %swap3A_1099 = arith.constant 32 : index
          %swap3A_1100 = tpu.vector_load %arg16[%swap3A_1099] {strides = array<i32>} : memref<64xf32, #tpu.memory_space<vmem>>, vector<16xf32>,
          tpu.vector_store %arg16[%swap3A_1099], %gather3A_1098 {strides = array<i32>} : memref<64xf32, #tpu.memory_space<vmem>>, vector<16xf32>,
          %broadcast_in_dim3A_1101 = arith.constant 2 : i32
          %broadcast_in_dim3A_1102 = vector.broadcast %broadcast_in_dim3A_1101 : i32 to vector<16xi32>
          %gather3A_1103 = tpu.vector_load_idx %arg12[%broadcast_in_dim3A_896, %broadcast_in_dim3A_1102, %and3A_1082] : memref<2x8x4096xf32, #tpu.memory_space<vmem>>[vector<16xi32>, vector<16xi32>, vector<16xi32>], vector<16xf32>,
          %swap3A_1104 = arith.constant 32 : index
          %swap3A_1105 = tpu.vector_load %arg17[%swap3A_1104] {strides = array<i32>} : memref<64xf32, #tpu.memory_space<vmem>>, vector<16xf32>,
          tpu.vector_store %arg17[%swap3A_1104], %gather3A_1103 {strides = array<i32>} : memref<64xf32, #tpu.memory_space<vmem>>, vector<16xf32>,
          %broadcast_in_dim3A_1106 = arith.constant 3 : i32
          %broadcast_in_dim3A_1107 = vector.broadcast %broadcast_in_dim3A_1106 : i32 to vector<16xi32>
          %gather3A_1108 = tpu.vector_load_idx %arg12[%broadcast_in_dim3A_896, %broadcast_in_dim3A_1107, %and3A_1082] : memref<2x8x4096xf32, #tpu.memory_space<vmem>>[vector<16xi32>, vector<16xi32>, vector<16xi32>], vector<16xf32>,
          %swap3A_1109 = arith.constant 32 : index
          %swap3A_1110 = tpu.vector_load %arg18[%swap3A_1109] {strides = array<i32>} : memref<64xf32, #tpu.memory_space<vmem>>, vector<16xf32>,
          tpu.vector_store %arg18[%swap3A_1109], %gather3A_1108 {strides = array<i32>} : memref<64xf32, #tpu.memory_space<vmem>>, vector<16xf32>,
          %broadcast_in_dim3A_1111 = arith.constant 4 : i32
          %broadcast_in_dim3A_1112 = vector.broadcast %broadcast_in_dim3A_1111 : i32 to vector<16xi32>
          %gather3A_1113 = tpu.vector_load_idx %arg12[%broadcast_in_dim3A_896, %broadcast_in_dim3A_1112, %and3A_1082] : memref<2x8x4096xf32, #tpu.memory_space<vmem>>[vector<16xi32>, vector<16xi32>, vector<16xi32>], vector<16xf32>,
          %swap3A_1114 = arith.constant 32 : index
          %swap3A_1115 = tpu.vector_load %arg19[%swap3A_1114] {strides = array<i32>} : memref<64xf32, #tpu.memory_space<vmem>>, vector<16xf32>,
          tpu.vector_store %arg19[%swap3A_1114], %gather3A_1113 {strides = array<i32>} : memref<64xf32, #tpu.memory_space<vmem>>, vector<16xf32>,
          %broadcast_in_dim3A_1116 = arith.constant 5 : i32
          %broadcast_in_dim3A_1117 = vector.broadcast %broadcast_in_dim3A_1116 : i32 to vector<16xi32>
          %gather3A_1118 = tpu.vector_load_idx %arg12[%broadcast_in_dim3A_896, %broadcast_in_dim3A_1117, %and3A_1082] : memref<2x8x4096xf32, #tpu.memory_space<vmem>>[vector<16xi32>, vector<16xi32>, vector<16xi32>], vector<16xf32>,
          %swap3A_1119 = arith.constant 32 : index
          %swap3A_1120 = tpu.vector_load %arg20[%swap3A_1119] {strides = array<i32>} : memref<64xf32, #tpu.memory_space<vmem>>, vector<16xf32>,
          tpu.vector_store %arg20[%swap3A_1119], %gather3A_1118 {strides = array<i32>} : memref<64xf32, #tpu.memory_space<vmem>>, vector<16xf32>,
          %broadcast_in_dim3A_1121 = arith.constant 6 : i32
          %broadcast_in_dim3A_1122 = vector.broadcast %broadcast_in_dim3A_1121 : i32 to vector<16xi32>
          %gather3A_1123 = tpu.vector_load_idx %arg12[%broadcast_in_dim3A_896, %broadcast_in_dim3A_1122, %and3A_1082] : memref<2x8x4096xf32, #tpu.memory_space<vmem>>[vector<16xi32>, vector<16xi32>, vector<16xi32>], vector<16xf32>,
          %swap3A_1124 = arith.constant 32 : index
          %swap3A_1125 = tpu.vector_load %arg21[%swap3A_1124] {strides = array<i32>} : memref<64xf32, #tpu.memory_space<vmem>>, vector<16xf32>,
          tpu.vector_store %arg21[%swap3A_1124], %gather3A_1123 {strides = array<i32>} : memref<64xf32, #tpu.memory_space<vmem>>, vector<16xf32>,
          %broadcast_in_dim3A_1126 = arith.constant 7 : i32
          %broadcast_in_dim3A_1127 = vector.broadcast %broadcast_in_dim3A_1126 : i32 to vector<16xi32>
          %gather3A_1128 = tpu.vector_load_idx %arg12[%broadcast_in_dim3A_896, %broadcast_in_dim3A_1127, %and3A_1082] : memref<2x8x4096xf32, #tpu.memory_space<vmem>>[vector<16xi32>, vector<16xi32>, vector<16xi32>], vector<16xf32>,
          %swap3A_1129 = arith.constant 32 : index
          %swap3A_1130 = tpu.vector_load %arg22[%swap3A_1129] {strides = array<i32>} : memref<64xf32, #tpu.memory_space<vmem>>, vector<16xf32>,
          tpu.vector_store %arg22[%swap3A_1129], %gather3A_1128 {strides = array<i32>} : memref<64xf32, #tpu.memory_space<vmem>>, vector<16xf32>,
          %convert_element_type3A_1131 = arith.extui %lt3A_895 : i1 to i32
          %cond3A_1132 = arith.constant 0 : i32
          %cond3A_1133 = arith.cmpi ne, %convert_element_type3A_1131, %cond3A_1132 : i32
          scf.if %cond3A_1133 {
            %jit3A_1256 = arith.constant 16384 : i32
            %broadcast_in_dim3A_1257 = vector.broadcast %jit3A_1256 : i32 to vector<16xi32>
            %select_n3A_1258 = arith.select %and3A_1090, %shift_right_logical3A_1079, %broadcast_in_dim3A_1257 : vector<16xi1>, vector<16xi32>
            %swap3A_1259 = arith.constant 32 : index
            %swap3A_1260 = tpu.vector_load %arg31[%swap3A_1259] {strides = array<i32>} : memref<64xi32, #tpu.memory_space<vmem>>, vector<16xi32>,
            tpu.vector_store %arg31[%swap3A_1259], %select_n3A_1258 {strides = array<i32>} : memref<64xi32, #tpu.memory_space<vmem>>, vector<16xi32>,
          } else {
          }
          %mul3A_1134 = arith.constant 64 : i32
          %mul3A_1135 = arith.muli %while3A_919, %mul3A_1134 : i32
          %add3A_1136 = arith.constant 48 : i32
          %add3A_1137 = arith.addi %mul3A_1135, %add3A_1136 : i32
          %add3A_1138 = arith.addi %squeeze3A_880, %add3A_1137 : i32
          %get3A_1139 = arith.index_cast %add3A_1138 : i32 to index
          %get3A_1140 = tpu.vector_load %arg9[%get3A_1139] {strides = array<i32>} : memref<16640xi32, #tpu.memory_space<vmem>>, vector<16xi32>,
          %shift_right_logical3A_1141 = arith.constant 16 : i32
          %shift_right_logical3A_1142 = vector.broadcast %shift_right_logical3A_1141 : i32 to vector<16xi32>
          %shift_right_logical3A_1143 = arith.shrui %get3A_1140, %shift_right_logical3A_1142 : vector<16xi32>
          %and3A_1144 = arith.constant 4095 : i32
          %and3A_1145 = vector.broadcast %and3A_1144 : i32 to vector<16xi32>
          %and3A_1146 = arith.andi %get3A_1140, %and3A_1145 : vector<16xi32>
          %add3A_1147 = vector.broadcast %add3A_1137 : i32 to vector<16xi32>
          %add3A_1148 = arith.addi %iota3A, %add3A_1147 : vector<16xi32>
          %lt3A_1149 = vector.broadcast %squeeze3A_877 : i32 to vector<16xi32>
          %lt3A_1150 = arith.cmpi slt, %add3A_1148, %lt3A_1149 : vector<16xi32>
          %lt3A_1151 = arith.constant 16384 : i32
          %lt3A_1152 = vector.broadcast %lt3A_1151 : i32 to vector<16xi32>
          %lt3A_1153 = arith.cmpi slt, %shift_right_logical3A_1143, %lt3A_1152 : vector<16xi32>
          %and3A_1154 = arith.andi %lt3A_1150, %lt3A_1153 : vector<16xi1>
          %broadcast_in_dim3A_1155 = arith.constant 0 : i32
          %broadcast_in_dim3A_1156 = vector.broadcast %broadcast_in_dim3A_1155 : i32 to vector<16xi32>
          %gather3A_1157 = tpu.vector_load_idx %arg12[%broadcast_in_dim3A_896, %broadcast_in_dim3A_1156, %and3A_1146] : memref<2x8x4096xf32, #tpu.memory_space<vmem>>[vector<16xi32>, vector<16xi32>, vector<16xi32>], vector<16xf32>,
          %swap3A_1158 = arith.constant 48 : index
          %swap3A_1159 = tpu.vector_load %arg15[%swap3A_1158] {strides = array<i32>} : memref<64xf32, #tpu.memory_space<vmem>>, vector<16xf32>,
          tpu.vector_store %arg15[%swap3A_1158], %gather3A_1157 {strides = array<i32>} : memref<64xf32, #tpu.memory_space<vmem>>, vector<16xf32>,
          %broadcast_in_dim3A_1160 = arith.constant 1 : i32
          %broadcast_in_dim3A_1161 = vector.broadcast %broadcast_in_dim3A_1160 : i32 to vector<16xi32>
          %gather3A_1162 = tpu.vector_load_idx %arg12[%broadcast_in_dim3A_896, %broadcast_in_dim3A_1161, %and3A_1146] : memref<2x8x4096xf32, #tpu.memory_space<vmem>>[vector<16xi32>, vector<16xi32>, vector<16xi32>], vector<16xf32>,
          %swap3A_1163 = arith.constant 48 : index
          %swap3A_1164 = tpu.vector_load %arg16[%swap3A_1163] {strides = array<i32>} : memref<64xf32, #tpu.memory_space<vmem>>, vector<16xf32>,
          tpu.vector_store %arg16[%swap3A_1163], %gather3A_1162 {strides = array<i32>} : memref<64xf32, #tpu.memory_space<vmem>>, vector<16xf32>,
          %broadcast_in_dim3A_1165 = arith.constant 2 : i32
          %broadcast_in_dim3A_1166 = vector.broadcast %broadcast_in_dim3A_1165 : i32 to vector<16xi32>
          %gather3A_1167 = tpu.vector_load_idx %arg12[%broadcast_in_dim3A_896, %broadcast_in_dim3A_1166, %and3A_1146] : memref<2x8x4096xf32, #tpu.memory_space<vmem>>[vector<16xi32>, vector<16xi32>, vector<16xi32>], vector<16xf32>,
          %swap3A_1168 = arith.constant 48 : index
          %swap3A_1169 = tpu.vector_load %arg17[%swap3A_1168] {strides = array<i32>} : memref<64xf32, #tpu.memory_space<vmem>>, vector<16xf32>,
          tpu.vector_store %arg17[%swap3A_1168], %gather3A_1167 {strides = array<i32>} : memref<64xf32, #tpu.memory_space<vmem>>, vector<16xf32>,
          %broadcast_in_dim3A_1170 = arith.constant 3 : i32
          %broadcast_in_dim3A_1171 = vector.broadcast %broadcast_in_dim3A_1170 : i32 to vector<16xi32>
          %gather3A_1172 = tpu.vector_load_idx %arg12[%broadcast_in_dim3A_896, %broadcast_in_dim3A_1171, %and3A_1146] : memref<2x8x4096xf32, #tpu.memory_space<vmem>>[vector<16xi32>, vector<16xi32>, vector<16xi32>], vector<16xf32>,
          %swap3A_1173 = arith.constant 48 : index
          %swap3A_1174 = tpu.vector_load %arg18[%swap3A_1173] {strides = array<i32>} : memref<64xf32, #tpu.memory_space<vmem>>, vector<16xf32>,
          tpu.vector_store %arg18[%swap3A_1173], %gather3A_1172 {strides = array<i32>} : memref<64xf32, #tpu.memory_space<vmem>>, vector<16xf32>,
          %broadcast_in_dim3A_1175 = arith.constant 4 : i32
          %broadcast_in_dim3A_1176 = vector.broadcast %broadcast_in_dim3A_1175 : i32 to vector<16xi32>
          %gather3A_1177 = tpu.vector_load_idx %arg12[%broadcast_in_dim3A_896, %broadcast_in_dim3A_1176, %and3A_1146] : memref<2x8x4096xf32, #tpu.memory_space<vmem>>[vector<16xi32>, vector<16xi32>, vector<16xi32>], vector<16xf32>,
          %swap3A_1178 = arith.constant 48 : index
          %swap3A_1179 = tpu.vector_load %arg19[%swap3A_1178] {strides = array<i32>} : memref<64xf32, #tpu.memory_space<vmem>>, vector<16xf32>,
          tpu.vector_store %arg19[%swap3A_1178], %gather3A_1177 {strides = array<i32>} : memref<64xf32, #tpu.memory_space<vmem>>, vector<16xf32>,
          %broadcast_in_dim3A_1180 = arith.constant 5 : i32
          %broadcast_in_dim3A_1181 = vector.broadcast %broadcast_in_dim3A_1180 : i32 to vector<16xi32>
          %gather3A_1182 = tpu.vector_load_idx %arg12[%broadcast_in_dim3A_896, %broadcast_in_dim3A_1181, %and3A_1146] : memref<2x8x4096xf32, #tpu.memory_space<vmem>>[vector<16xi32>, vector<16xi32>, vector<16xi32>], vector<16xf32>,
          %swap3A_1183 = arith.constant 48 : index
          %swap3A_1184 = tpu.vector_load %arg20[%swap3A_1183] {strides = array<i32>} : memref<64xf32, #tpu.memory_space<vmem>>, vector<16xf32>,
          tpu.vector_store %arg20[%swap3A_1183], %gather3A_1182 {strides = array<i32>} : memref<64xf32, #tpu.memory_space<vmem>>, vector<16xf32>,
          %broadcast_in_dim3A_1185 = arith.constant 6 : i32
          %broadcast_in_dim3A_1186 = vector.broadcast %broadcast_in_dim3A_1185 : i32 to vector<16xi32>
          %gather3A_1187 = tpu.vector_load_idx %arg12[%broadcast_in_dim3A_896, %broadcast_in_dim3A_1186, %and3A_1146] : memref<2x8x4096xf32, #tpu.memory_space<vmem>>[vector<16xi32>, vector<16xi32>, vector<16xi32>], vector<16xf32>,
          %swap3A_1188 = arith.constant 48 : index
          %swap3A_1189 = tpu.vector_load %arg21[%swap3A_1188] {strides = array<i32>} : memref<64xf32, #tpu.memory_space<vmem>>, vector<16xf32>,
          tpu.vector_store %arg21[%swap3A_1188], %gather3A_1187 {strides = array<i32>} : memref<64xf32, #tpu.memory_space<vmem>>, vector<16xf32>,
          %broadcast_in_dim3A_1190 = arith.constant 7 : i32
          %broadcast_in_dim3A_1191 = vector.broadcast %broadcast_in_dim3A_1190 : i32 to vector<16xi32>
          %gather3A_1192 = tpu.vector_load_idx %arg12[%broadcast_in_dim3A_896, %broadcast_in_dim3A_1191, %and3A_1146] : memref<2x8x4096xf32, #tpu.memory_space<vmem>>[vector<16xi32>, vector<16xi32>, vector<16xi32>], vector<16xf32>,
          %swap3A_1193 = arith.constant 48 : index
          %swap3A_1194 = tpu.vector_load %arg22[%swap3A_1193] {strides = array<i32>} : memref<64xf32, #tpu.memory_space<vmem>>, vector<16xf32>,
          tpu.vector_store %arg22[%swap3A_1193], %gather3A_1192 {strides = array<i32>} : memref<64xf32, #tpu.memory_space<vmem>>, vector<16xf32>,
          %convert_element_type3A_1195 = arith.extui %lt3A_895 : i1 to i32
          %cond3A_1196 = arith.constant 0 : i32
          %cond3A_1197 = arith.cmpi ne, %convert_element_type3A_1195, %cond3A_1196 : i32
          scf.if %cond3A_1197 {
            %jit3A_1256 = arith.constant 16384 : i32
            %broadcast_in_dim3A_1257 = vector.broadcast %jit3A_1256 : i32 to vector<16xi32>
            %select_n3A_1258 = arith.select %and3A_1154, %shift_right_logical3A_1143, %broadcast_in_dim3A_1257 : vector<16xi1>, vector<16xi32>
            %swap3A_1259 = arith.constant 48 : index
            %swap3A_1260 = tpu.vector_load %arg31[%swap3A_1259] {strides = array<i32>} : memref<64xi32, #tpu.memory_space<vmem>>, vector<16xi32>,
            tpu.vector_store %arg31[%swap3A_1259], %select_n3A_1258 {strides = array<i32>} : memref<64xi32, #tpu.memory_space<vmem>>, vector<16xi32>,
          } else {
          }
          %add3A_1198 = arith.constant 0 : i32
          %add3A_1199 = arith.addi %mul3A_893, %add3A_1198 : i32
          %mul3A_1200 = arith.constant 32768 : i32
          %mul3A_1201 = arith.muli %add3A_1199, %mul3A_1200 : i32
          %add3A_1202 = arith.addi %mul3A_1201, %multiple_of3A_923 : i32
          %dma_start3A = tpu.memref_slice %arg5[%add3A_1202] : memref<2097152xf32, #tpu.memory_space<hbm>> -> memref<64xf32, #tpu.memory_space<hbm>>
          %dma_start3A_1203 = tpu.memref_slice %arg5[%add3A_1202] : memref<2097152xf32, #tpu.memory_space<hbm>> -> memref<64xf32, #tpu.memory_space<hbm>>
          tpu.enqueue_dma source(%arg15 : memref<64xf32, #tpu.memory_space<vmem>>) target(%dma_start3A_1203 : memref<64xf32, #tpu.memory_space<hbm>>) target_semaphore(%arg33 : memref<!tpu.dma_semaphore, #tpu.memory_space<semaphore_mem>>)
          %add3A_1204 = arith.constant 1 : i32
          %add3A_1205 = arith.addi %mul3A_893, %add3A_1204 : i32
          %mul3A_1206 = arith.constant 32768 : i32
          %mul3A_1207 = arith.muli %add3A_1205, %mul3A_1206 : i32
          %add3A_1208 = arith.addi %mul3A_1207, %multiple_of3A_923 : i32
          %dma_start3A_1209 = tpu.memref_slice %arg5[%add3A_1208] : memref<2097152xf32, #tpu.memory_space<hbm>> -> memref<64xf32, #tpu.memory_space<hbm>>
          %dma_start3A_1210 = tpu.memref_slice %arg5[%add3A_1208] : memref<2097152xf32, #tpu.memory_space<hbm>> -> memref<64xf32, #tpu.memory_space<hbm>>
          tpu.enqueue_dma source(%arg16 : memref<64xf32, #tpu.memory_space<vmem>>) target(%dma_start3A_1210 : memref<64xf32, #tpu.memory_space<hbm>>) target_semaphore(%arg33 : memref<!tpu.dma_semaphore, #tpu.memory_space<semaphore_mem>>)
          %add3A_1211 = arith.constant 2 : i32
          %add3A_1212 = arith.addi %mul3A_893, %add3A_1211 : i32
          %mul3A_1213 = arith.constant 32768 : i32
          %mul3A_1214 = arith.muli %add3A_1212, %mul3A_1213 : i32
          %add3A_1215 = arith.addi %mul3A_1214, %multiple_of3A_923 : i32
          %dma_start3A_1216 = tpu.memref_slice %arg5[%add3A_1215] : memref<2097152xf32, #tpu.memory_space<hbm>> -> memref<64xf32, #tpu.memory_space<hbm>>
          %dma_start3A_1217 = tpu.memref_slice %arg5[%add3A_1215] : memref<2097152xf32, #tpu.memory_space<hbm>> -> memref<64xf32, #tpu.memory_space<hbm>>
          tpu.enqueue_dma source(%arg17 : memref<64xf32, #tpu.memory_space<vmem>>) target(%dma_start3A_1217 : memref<64xf32, #tpu.memory_space<hbm>>) target_semaphore(%arg33 : memref<!tpu.dma_semaphore, #tpu.memory_space<semaphore_mem>>)
          %add3A_1218 = arith.constant 3 : i32
          %add3A_1219 = arith.addi %mul3A_893, %add3A_1218 : i32
          %mul3A_1220 = arith.constant 32768 : i32
          %mul3A_1221 = arith.muli %add3A_1219, %mul3A_1220 : i32
          %add3A_1222 = arith.addi %mul3A_1221, %multiple_of3A_923 : i32
          %dma_start3A_1223 = tpu.memref_slice %arg5[%add3A_1222] : memref<2097152xf32, #tpu.memory_space<hbm>> -> memref<64xf32, #tpu.memory_space<hbm>>
          %dma_start3A_1224 = tpu.memref_slice %arg5[%add3A_1222] : memref<2097152xf32, #tpu.memory_space<hbm>> -> memref<64xf32, #tpu.memory_space<hbm>>
          tpu.enqueue_dma source(%arg18 : memref<64xf32, #tpu.memory_space<vmem>>) target(%dma_start3A_1224 : memref<64xf32, #tpu.memory_space<hbm>>) target_semaphore(%arg33 : memref<!tpu.dma_semaphore, #tpu.memory_space<semaphore_mem>>)
          %add3A_1225 = arith.constant 4 : i32
          %add3A_1226 = arith.addi %mul3A_893, %add3A_1225 : i32
          %mul3A_1227 = arith.constant 32768 : i32
          %mul3A_1228 = arith.muli %add3A_1226, %mul3A_1227 : i32
          %add3A_1229 = arith.addi %mul3A_1228, %multiple_of3A_923 : i32
          %dma_start3A_1230 = tpu.memref_slice %arg5[%add3A_1229] : memref<2097152xf32, #tpu.memory_space<hbm>> -> memref<64xf32, #tpu.memory_space<hbm>>
          %dma_start3A_1231 = tpu.memref_slice %arg5[%add3A_1229] : memref<2097152xf32, #tpu.memory_space<hbm>> -> memref<64xf32, #tpu.memory_space<hbm>>
          tpu.enqueue_dma source(%arg19 : memref<64xf32, #tpu.memory_space<vmem>>) target(%dma_start3A_1231 : memref<64xf32, #tpu.memory_space<hbm>>) target_semaphore(%arg33 : memref<!tpu.dma_semaphore, #tpu.memory_space<semaphore_mem>>)
          %add3A_1232 = arith.constant 5 : i32
          %add3A_1233 = arith.addi %mul3A_893, %add3A_1232 : i32
          %mul3A_1234 = arith.constant 32768 : i32
          %mul3A_1235 = arith.muli %add3A_1233, %mul3A_1234 : i32
          %add3A_1236 = arith.addi %mul3A_1235, %multiple_of3A_923 : i32
          %dma_start3A_1237 = tpu.memref_slice %arg5[%add3A_1236] : memref<2097152xf32, #tpu.memory_space<hbm>> -> memref<64xf32, #tpu.memory_space<hbm>>
          %dma_start3A_1238 = tpu.memref_slice %arg5[%add3A_1236] : memref<2097152xf32, #tpu.memory_space<hbm>> -> memref<64xf32, #tpu.memory_space<hbm>>
          tpu.enqueue_dma source(%arg20 : memref<64xf32, #tpu.memory_space<vmem>>) target(%dma_start3A_1238 : memref<64xf32, #tpu.memory_space<hbm>>) target_semaphore(%arg33 : memref<!tpu.dma_semaphore, #tpu.memory_space<semaphore_mem>>)
          %add3A_1239 = arith.constant 6 : i32
          %add3A_1240 = arith.addi %mul3A_893, %add3A_1239 : i32
          %mul3A_1241 = arith.constant 32768 : i32
          %mul3A_1242 = arith.muli %add3A_1240, %mul3A_1241 : i32
          %add3A_1243 = arith.addi %mul3A_1242, %multiple_of3A_923 : i32
          %dma_start3A_1244 = tpu.memref_slice %arg5[%add3A_1243] : memref<2097152xf32, #tpu.memory_space<hbm>> -> memref<64xf32, #tpu.memory_space<hbm>>
          %dma_start3A_1245 = tpu.memref_slice %arg5[%add3A_1243] : memref<2097152xf32, #tpu.memory_space<hbm>> -> memref<64xf32, #tpu.memory_space<hbm>>
          tpu.enqueue_dma source(%arg21 : memref<64xf32, #tpu.memory_space<vmem>>) target(%dma_start3A_1245 : memref<64xf32, #tpu.memory_space<hbm>>) target_semaphore(%arg33 : memref<!tpu.dma_semaphore, #tpu.memory_space<semaphore_mem>>)
          %add3A_1246 = arith.constant 7 : i32
          %add3A_1247 = arith.addi %mul3A_893, %add3A_1246 : i32
          %mul3A_1248 = arith.constant 32768 : i32
          %mul3A_1249 = arith.muli %add3A_1247, %mul3A_1248 : i32
          %add3A_1250 = arith.addi %mul3A_1249, %multiple_of3A_923 : i32
          %dma_start3A_1251 = tpu.memref_slice %arg5[%add3A_1250] : memref<2097152xf32, #tpu.memory_space<hbm>> -> memref<64xf32, #tpu.memory_space<hbm>>
          %dma_start3A_1252 = tpu.memref_slice %arg5[%add3A_1250] : memref<2097152xf32, #tpu.memory_space<hbm>> -> memref<64xf32, #tpu.memory_space<hbm>>
          tpu.enqueue_dma source(%arg22 : memref<64xf32, #tpu.memory_space<vmem>>) target(%dma_start3A_1252 : memref<64xf32, #tpu.memory_space<hbm>>) target_semaphore(%arg33 : memref<!tpu.dma_semaphore, #tpu.memory_space<semaphore_mem>>)
          %convert_element_type3A_1253 = arith.extui %lt3A_895 : i1 to i32
          %cond3A_1254 = arith.constant 0 : i32
          %cond3A_1255 = arith.cmpi ne, %convert_element_type3A_1253, %cond3A_1254 : i32
          scf.if %cond3A_1255 {
            %dma_start3A_1256 = tpu.memref_slice %arg6[%multiple_of3A_923] : memref<32768xi32, #tpu.memory_space<hbm>> -> memref<64xi32, #tpu.memory_space<hbm>>
            %dma_start3A_1257 = tpu.memref_slice %arg6[%multiple_of3A_923] : memref<32768xi32, #tpu.memory_space<hbm>> -> memref<64xi32, #tpu.memory_space<hbm>>
            tpu.enqueue_dma source(%arg31 : memref<64xi32, #tpu.memory_space<vmem>>) target(%dma_start3A_1257 : memref<64xi32, #tpu.memory_space<hbm>>) target_semaphore(%arg33 : memref<!tpu.dma_semaphore, #tpu.memory_space<semaphore_mem>>)
          } else {
          }
        } else {
        }
        %and3A_931 = arith.constant 1 : i32
        %and3A_932 = arith.andi %while3A_919, %and3A_931 : i32
        %eq3A_933 = arith.constant 1 : i32
        %eq3A_934 = arith.cmpi eq, %and3A_932, %eq3A_933 : i32
        %convert_element_type3A_935 = arith.extui %eq3A_934 : i1 to i32
        %cond3A_936 = arith.constant 0 : i32
        %cond3A_937 = arith.cmpi ne, %convert_element_type3A_935, %cond3A_936 : i32
        scf.if %cond3A_937 {
          %ge3A = arith.constant 2 : i32
          %ge3A_938 = arith.cmpi sge, %while3A_919, %ge3A : i32
          %convert_element_type3A_939 = arith.extui %ge3A_938 : i1 to i32
          %cond3A_940 = arith.constant 0 : i32
          %cond3A_941 = arith.cmpi ne, %convert_element_type3A_939, %cond3A_940 : i32
          scf.if %cond3A_941 {
            %dma_wait3A = tpu.memref_slice %arg5[%multiple_of3A_923] : memref<2097152xf32, #tpu.memory_space<hbm>> -> memref<64xf32, #tpu.memory_space<hbm>>
            %dma_wait3A_1256 = tpu.memref_slice %arg5[%multiple_of3A_923] : memref<2097152xf32, #tpu.memory_space<hbm>> -> memref<64xf32, #tpu.memory_space<hbm>>
            tpu.wait_dma2 semaphore(%arg33 : memref<!tpu.dma_semaphore, #tpu.memory_space<semaphore_mem>>) src(%arg23 : memref<64xf32, #tpu.memory_space<vmem>>) dst(%dma_wait3A_1256 : memref<64xf32, #tpu.memory_space<hbm>>)
            %dma_wait3A_1257 = tpu.memref_slice %arg5[%multiple_of3A_923] : memref<2097152xf32, #tpu.memory_space<hbm>> -> memref<64xf32, #tpu.memory_space<hbm>>
            %dma_wait3A_1258 = tpu.memref_slice %arg5[%multiple_of3A_923] : memref<2097152xf32, #tpu.memory_space<hbm>> -> memref<64xf32, #tpu.memory_space<hbm>>
            tpu.wait_dma2 semaphore(%arg33 : memref<!tpu.dma_semaphore, #tpu.memory_space<semaphore_mem>>) src(%arg24 : memref<64xf32, #tpu.memory_space<vmem>>) dst(%dma_wait3A_1258 : memref<64xf32, #tpu.memory_space<hbm>>)
            %dma_wait3A_1259 = tpu.memref_slice %arg5[%multiple_of3A_923] : memref<2097152xf32, #tpu.memory_space<hbm>> -> memref<64xf32, #tpu.memory_space<hbm>>
            %dma_wait3A_1260 = tpu.memref_slice %arg5[%multiple_of3A_923] : memref<2097152xf32, #tpu.memory_space<hbm>> -> memref<64xf32, #tpu.memory_space<hbm>>
            tpu.wait_dma2 semaphore(%arg33 : memref<!tpu.dma_semaphore, #tpu.memory_space<semaphore_mem>>) src(%arg25 : memref<64xf32, #tpu.memory_space<vmem>>) dst(%dma_wait3A_1260 : memref<64xf32, #tpu.memory_space<hbm>>)
            %dma_wait3A_1261 = tpu.memref_slice %arg5[%multiple_of3A_923] : memref<2097152xf32, #tpu.memory_space<hbm>> -> memref<64xf32, #tpu.memory_space<hbm>>
            %dma_wait3A_1262 = tpu.memref_slice %arg5[%multiple_of3A_923] : memref<2097152xf32, #tpu.memory_space<hbm>> -> memref<64xf32, #tpu.memory_space<hbm>>
            tpu.wait_dma2 semaphore(%arg33 : memref<!tpu.dma_semaphore, #tpu.memory_space<semaphore_mem>>) src(%arg26 : memref<64xf32, #tpu.memory_space<vmem>>) dst(%dma_wait3A_1262 : memref<64xf32, #tpu.memory_space<hbm>>)
            %dma_wait3A_1263 = tpu.memref_slice %arg5[%multiple_of3A_923] : memref<2097152xf32, #tpu.memory_space<hbm>> -> memref<64xf32, #tpu.memory_space<hbm>>
            %dma_wait3A_1264 = tpu.memref_slice %arg5[%multiple_of3A_923] : memref<2097152xf32, #tpu.memory_space<hbm>> -> memref<64xf32, #tpu.memory_space<hbm>>
            tpu.wait_dma2 semaphore(%arg33 : memref<!tpu.dma_semaphore, #tpu.memory_space<semaphore_mem>>) src(%arg27 : memref<64xf32, #tpu.memory_space<vmem>>) dst(%dma_wait3A_1264 : memref<64xf32, #tpu.memory_space<hbm>>)
            %dma_wait3A_1265 = tpu.memref_slice %arg5[%multiple_of3A_923] : memref<2097152xf32, #tpu.memory_space<hbm>> -> memref<64xf32, #tpu.memory_space<hbm>>
            %dma_wait3A_1266 = tpu.memref_slice %arg5[%multiple_of3A_923] : memref<2097152xf32, #tpu.memory_space<hbm>> -> memref<64xf32, #tpu.memory_space<hbm>>
            tpu.wait_dma2 semaphore(%arg33 : memref<!tpu.dma_semaphore, #tpu.memory_space<semaphore_mem>>) src(%arg28 : memref<64xf32, #tpu.memory_space<vmem>>) dst(%dma_wait3A_1266 : memref<64xf32, #tpu.memory_space<hbm>>)
            %dma_wait3A_1267 = tpu.memref_slice %arg5[%multiple_of3A_923] : memref<2097152xf32, #tpu.memory_space<hbm>> -> memref<64xf32, #tpu.memory_space<hbm>>
            %dma_wait3A_1268 = tpu.memref_slice %arg5[%multiple_of3A_923] : memref<2097152xf32, #tpu.memory_space<hbm>> -> memref<64xf32, #tpu.memory_space<hbm>>
            tpu.wait_dma2 semaphore(%arg33 : memref<!tpu.dma_semaphore, #tpu.memory_space<semaphore_mem>>) src(%arg29 : memref<64xf32, #tpu.memory_space<vmem>>) dst(%dma_wait3A_1268 : memref<64xf32, #tpu.memory_space<hbm>>)
            %dma_wait3A_1269 = tpu.memref_slice %arg5[%multiple_of3A_923] : memref<2097152xf32, #tpu.memory_space<hbm>> -> memref<64xf32, #tpu.memory_space<hbm>>
            %dma_wait3A_1270 = tpu.memref_slice %arg5[%multiple_of3A_923] : memref<2097152xf32, #tpu.memory_space<hbm>> -> memref<64xf32, #tpu.memory_space<hbm>>
            tpu.wait_dma2 semaphore(%arg33 : memref<!tpu.dma_semaphore, #tpu.memory_space<semaphore_mem>>) src(%arg30 : memref<64xf32, #tpu.memory_space<vmem>>) dst(%dma_wait3A_1270 : memref<64xf32, #tpu.memory_space<hbm>>)
            %convert_element_type3A_1271 = arith.extui %lt3A_895 : i1 to i32
            %cond3A_1272 = arith.constant 0 : i32
            %cond3A_1273 = arith.cmpi ne, %convert_element_type3A_1271, %cond3A_1272 : i32
            scf.if %cond3A_1273 {
              %dma_wait3A_1274 = tpu.memref_slice %arg6[%multiple_of3A_923] : memref<32768xi32, #tpu.memory_space<hbm>> -> memref<64xi32, #tpu.memory_space<hbm>>
              %dma_wait3A_1275 = tpu.memref_slice %arg6[%multiple_of3A_923] : memref<32768xi32, #tpu.memory_space<hbm>> -> memref<64xi32, #tpu.memory_space<hbm>>
              tpu.wait_dma2 semaphore(%arg33 : memref<!tpu.dma_semaphore, #tpu.memory_space<semaphore_mem>>) src(%arg32 : memref<64xi32, #tpu.memory_space<vmem>>) dst(%dma_wait3A_1275 : memref<64xi32, #tpu.memory_space<hbm>>)
            } else {
            }
          } else {
          }
          %mul3A_942 = arith.constant 64 : i32
          %mul3A_943 = arith.muli %while3A_919, %mul3A_942 : i32
          %add3A_944 = arith.constant 0 : i32
          %add3A_945 = arith.addi %mul3A_943, %add3A_944 : i32
          %add3A_946 = arith.addi %squeeze3A_880, %add3A_945 : i32
          %get3A_947 = arith.index_cast %add3A_946 : i32 to index
          %get3A_948 = tpu.vector_load %arg9[%get3A_947] {strides = array<i32>} : memref<16640xi32, #tpu.memory_space<vmem>>, vector<16xi32>,
          %shift_right_logical3A_949 = arith.constant 16 : i32
          %shift_right_logical3A_950 = vector.broadcast %shift_right_logical3A_949 : i32 to vector<16xi32>
          %shift_right_logical3A_951 = arith.shrui %get3A_948, %shift_right_logical3A_950 : vector<16xi32>
          %and3A_952 = arith.constant 4095 : i32
          %and3A_953 = vector.broadcast %and3A_952 : i32 to vector<16xi32>
          %and3A_954 = arith.andi %get3A_948, %and3A_953 : vector<16xi32>
          %add3A_955 = vector.broadcast %add3A_945 : i32 to vector<16xi32>
          %add3A_956 = arith.addi %iota3A, %add3A_955 : vector<16xi32>
          %lt3A_957 = vector.broadcast %squeeze3A_877 : i32 to vector<16xi32>
          %lt3A_958 = arith.cmpi slt, %add3A_956, %lt3A_957 : vector<16xi32>
          %lt3A_959 = arith.constant 16384 : i32
          %lt3A_960 = vector.broadcast %lt3A_959 : i32 to vector<16xi32>
          %lt3A_961 = arith.cmpi slt, %shift_right_logical3A_951, %lt3A_960 : vector<16xi32>
          %and3A_962 = arith.andi %lt3A_958, %lt3A_961 : vector<16xi1>
          %broadcast_in_dim3A_963 = arith.constant 0 : i32
          %broadcast_in_dim3A_964 = vector.broadcast %broadcast_in_dim3A_963 : i32 to vector<16xi32>
          %gather3A_965 = tpu.vector_load_idx %arg12[%broadcast_in_dim3A_896, %broadcast_in_dim3A_964, %and3A_954] : memref<2x8x4096xf32, #tpu.memory_space<vmem>>[vector<16xi32>, vector<16xi32>, vector<16xi32>], vector<16xf32>,
          %swap3A_966 = arith.constant 0 : index
          %swap3A_967 = tpu.vector_load %arg23[%swap3A_966] {strides = array<i32>} : memref<64xf32, #tpu.memory_space<vmem>>, vector<16xf32>,
          tpu.vector_store %arg23[%swap3A_966], %gather3A_965 {strides = array<i32>} : memref<64xf32, #tpu.memory_space<vmem>>, vector<16xf32>,
          %broadcast_in_dim3A_968 = arith.constant 1 : i32
          %broadcast_in_dim3A_969 = vector.broadcast %broadcast_in_dim3A_968 : i32 to vector<16xi32>
          %gather3A_970 = tpu.vector_load_idx %arg12[%broadcast_in_dim3A_896, %broadcast_in_dim3A_969, %and3A_954] : memref<2x8x4096xf32, #tpu.memory_space<vmem>>[vector<16xi32>, vector<16xi32>, vector<16xi32>], vector<16xf32>,
          %swap3A_971 = arith.constant 0 : index
          %swap3A_972 = tpu.vector_load %arg24[%swap3A_971] {strides = array<i32>} : memref<64xf32, #tpu.memory_space<vmem>>, vector<16xf32>,
          tpu.vector_store %arg24[%swap3A_971], %gather3A_970 {strides = array<i32>} : memref<64xf32, #tpu.memory_space<vmem>>, vector<16xf32>,
          %broadcast_in_dim3A_973 = arith.constant 2 : i32
          %broadcast_in_dim3A_974 = vector.broadcast %broadcast_in_dim3A_973 : i32 to vector<16xi32>
          %gather3A_975 = tpu.vector_load_idx %arg12[%broadcast_in_dim3A_896, %broadcast_in_dim3A_974, %and3A_954] : memref<2x8x4096xf32, #tpu.memory_space<vmem>>[vector<16xi32>, vector<16xi32>, vector<16xi32>], vector<16xf32>,
          %swap3A_976 = arith.constant 0 : index
          %swap3A_977 = tpu.vector_load %arg25[%swap3A_976] {strides = array<i32>} : memref<64xf32, #tpu.memory_space<vmem>>, vector<16xf32>,
          tpu.vector_store %arg25[%swap3A_976], %gather3A_975 {strides = array<i32>} : memref<64xf32, #tpu.memory_space<vmem>>, vector<16xf32>,
          %broadcast_in_dim3A_978 = arith.constant 3 : i32
          %broadcast_in_dim3A_979 = vector.broadcast %broadcast_in_dim3A_978 : i32 to vector<16xi32>
          %gather3A_980 = tpu.vector_load_idx %arg12[%broadcast_in_dim3A_896, %broadcast_in_dim3A_979, %and3A_954] : memref<2x8x4096xf32, #tpu.memory_space<vmem>>[vector<16xi32>, vector<16xi32>, vector<16xi32>], vector<16xf32>,
          %swap3A_981 = arith.constant 0 : index
          %swap3A_982 = tpu.vector_load %arg26[%swap3A_981] {strides = array<i32>} : memref<64xf32, #tpu.memory_space<vmem>>, vector<16xf32>,
          tpu.vector_store %arg26[%swap3A_981], %gather3A_980 {strides = array<i32>} : memref<64xf32, #tpu.memory_space<vmem>>, vector<16xf32>,
          %broadcast_in_dim3A_983 = arith.constant 4 : i32
          %broadcast_in_dim3A_984 = vector.broadcast %broadcast_in_dim3A_983 : i32 to vector<16xi32>
          %gather3A_985 = tpu.vector_load_idx %arg12[%broadcast_in_dim3A_896, %broadcast_in_dim3A_984, %and3A_954] : memref<2x8x4096xf32, #tpu.memory_space<vmem>>[vector<16xi32>, vector<16xi32>, vector<16xi32>], vector<16xf32>,
          %swap3A_986 = arith.constant 0 : index
          %swap3A_987 = tpu.vector_load %arg27[%swap3A_986] {strides = array<i32>} : memref<64xf32, #tpu.memory_space<vmem>>, vector<16xf32>,
          tpu.vector_store %arg27[%swap3A_986], %gather3A_985 {strides = array<i32>} : memref<64xf32, #tpu.memory_space<vmem>>, vector<16xf32>,
          %broadcast_in_dim3A_988 = arith.constant 5 : i32
          %broadcast_in_dim3A_989 = vector.broadcast %broadcast_in_dim3A_988 : i32 to vector<16xi32>
          %gather3A_990 = tpu.vector_load_idx %arg12[%broadcast_in_dim3A_896, %broadcast_in_dim3A_989, %and3A_954] : memref<2x8x4096xf32, #tpu.memory_space<vmem>>[vector<16xi32>, vector<16xi32>, vector<16xi32>], vector<16xf32>,
          %swap3A_991 = arith.constant 0 : index
          %swap3A_992 = tpu.vector_load %arg28[%swap3A_991] {strides = array<i32>} : memref<64xf32, #tpu.memory_space<vmem>>, vector<16xf32>,
          tpu.vector_store %arg28[%swap3A_991], %gather3A_990 {strides = array<i32>} : memref<64xf32, #tpu.memory_space<vmem>>, vector<16xf32>,
          %broadcast_in_dim3A_993 = arith.constant 6 : i32
          %broadcast_in_dim3A_994 = vector.broadcast %broadcast_in_dim3A_993 : i32 to vector<16xi32>
          %gather3A_995 = tpu.vector_load_idx %arg12[%broadcast_in_dim3A_896, %broadcast_in_dim3A_994, %and3A_954] : memref<2x8x4096xf32, #tpu.memory_space<vmem>>[vector<16xi32>, vector<16xi32>, vector<16xi32>], vector<16xf32>,
          %swap3A_996 = arith.constant 0 : index
          %swap3A_997 = tpu.vector_load %arg29[%swap3A_996] {strides = array<i32>} : memref<64xf32, #tpu.memory_space<vmem>>, vector<16xf32>,
          tpu.vector_store %arg29[%swap3A_996], %gather3A_995 {strides = array<i32>} : memref<64xf32, #tpu.memory_space<vmem>>, vector<16xf32>,
          %broadcast_in_dim3A_998 = arith.constant 7 : i32
          %broadcast_in_dim3A_999 = vector.broadcast %broadcast_in_dim3A_998 : i32 to vector<16xi32>
          %gather3A_1000 = tpu.vector_load_idx %arg12[%broadcast_in_dim3A_896, %broadcast_in_dim3A_999, %and3A_954] : memref<2x8x4096xf32, #tpu.memory_space<vmem>>[vector<16xi32>, vector<16xi32>, vector<16xi32>], vector<16xf32>,
          %swap3A_1001 = arith.constant 0 : index
          %swap3A_1002 = tpu.vector_load %arg30[%swap3A_1001] {strides = array<i32>} : memref<64xf32, #tpu.memory_space<vmem>>, vector<16xf32>,
          tpu.vector_store %arg30[%swap3A_1001], %gather3A_1000 {strides = array<i32>} : memref<64xf32, #tpu.memory_space<vmem>>, vector<16xf32>,
          %convert_element_type3A_1003 = arith.extui %lt3A_895 : i1 to i32
          %cond3A_1004 = arith.constant 0 : i32
          %cond3A_1005 = arith.cmpi ne, %convert_element_type3A_1003, %cond3A_1004 : i32
          scf.if %cond3A_1005 {
            %jit3A_1256 = arith.constant 16384 : i32
            %broadcast_in_dim3A_1257 = vector.broadcast %jit3A_1256 : i32 to vector<16xi32>
            %select_n3A_1258 = arith.select %and3A_962, %shift_right_logical3A_951, %broadcast_in_dim3A_1257 : vector<16xi1>, vector<16xi32>
            %swap3A_1259 = arith.constant 0 : index
            %swap3A_1260 = tpu.vector_load %arg32[%swap3A_1259] {strides = array<i32>} : memref<64xi32, #tpu.memory_space<vmem>>, vector<16xi32>,
            tpu.vector_store %arg32[%swap3A_1259], %select_n3A_1258 {strides = array<i32>} : memref<64xi32, #tpu.memory_space<vmem>>, vector<16xi32>,
          } else {
          }
          %mul3A_1006 = arith.constant 64 : i32
          %mul3A_1007 = arith.muli %while3A_919, %mul3A_1006 : i32
          %add3A_1008 = arith.constant 16 : i32
          %add3A_1009 = arith.addi %mul3A_1007, %add3A_1008 : i32
          %add3A_1010 = arith.addi %squeeze3A_880, %add3A_1009 : i32
          %get3A_1011 = arith.index_cast %add3A_1010 : i32 to index
          %get3A_1012 = tpu.vector_load %arg9[%get3A_1011] {strides = array<i32>} : memref<16640xi32, #tpu.memory_space<vmem>>, vector<16xi32>,
          %shift_right_logical3A_1013 = arith.constant 16 : i32
          %shift_right_logical3A_1014 = vector.broadcast %shift_right_logical3A_1013 : i32 to vector<16xi32>
          %shift_right_logical3A_1015 = arith.shrui %get3A_1012, %shift_right_logical3A_1014 : vector<16xi32>
          %and3A_1016 = arith.constant 4095 : i32
          %and3A_1017 = vector.broadcast %and3A_1016 : i32 to vector<16xi32>
          %and3A_1018 = arith.andi %get3A_1012, %and3A_1017 : vector<16xi32>
          %add3A_1019 = vector.broadcast %add3A_1009 : i32 to vector<16xi32>
          %add3A_1020 = arith.addi %iota3A, %add3A_1019 : vector<16xi32>
          %lt3A_1021 = vector.broadcast %squeeze3A_877 : i32 to vector<16xi32>
          %lt3A_1022 = arith.cmpi slt, %add3A_1020, %lt3A_1021 : vector<16xi32>
          %lt3A_1023 = arith.constant 16384 : i32
          %lt3A_1024 = vector.broadcast %lt3A_1023 : i32 to vector<16xi32>
          %lt3A_1025 = arith.cmpi slt, %shift_right_logical3A_1015, %lt3A_1024 : vector<16xi32>
          %and3A_1026 = arith.andi %lt3A_1022, %lt3A_1025 : vector<16xi1>
          %broadcast_in_dim3A_1027 = arith.constant 0 : i32
          %broadcast_in_dim3A_1028 = vector.broadcast %broadcast_in_dim3A_1027 : i32 to vector<16xi32>
          %gather3A_1029 = tpu.vector_load_idx %arg12[%broadcast_in_dim3A_896, %broadcast_in_dim3A_1028, %and3A_1018] : memref<2x8x4096xf32, #tpu.memory_space<vmem>>[vector<16xi32>, vector<16xi32>, vector<16xi32>], vector<16xf32>,
          %swap3A_1030 = arith.constant 16 : index
          %swap3A_1031 = tpu.vector_load %arg23[%swap3A_1030] {strides = array<i32>} : memref<64xf32, #tpu.memory_space<vmem>>, vector<16xf32>,
          tpu.vector_store %arg23[%swap3A_1030], %gather3A_1029 {strides = array<i32>} : memref<64xf32, #tpu.memory_space<vmem>>, vector<16xf32>,
          %broadcast_in_dim3A_1032 = arith.constant 1 : i32
          %broadcast_in_dim3A_1033 = vector.broadcast %broadcast_in_dim3A_1032 : i32 to vector<16xi32>
          %gather3A_1034 = tpu.vector_load_idx %arg12[%broadcast_in_dim3A_896, %broadcast_in_dim3A_1033, %and3A_1018] : memref<2x8x4096xf32, #tpu.memory_space<vmem>>[vector<16xi32>, vector<16xi32>, vector<16xi32>], vector<16xf32>,
          %swap3A_1035 = arith.constant 16 : index
          %swap3A_1036 = tpu.vector_load %arg24[%swap3A_1035] {strides = array<i32>} : memref<64xf32, #tpu.memory_space<vmem>>, vector<16xf32>,
          tpu.vector_store %arg24[%swap3A_1035], %gather3A_1034 {strides = array<i32>} : memref<64xf32, #tpu.memory_space<vmem>>, vector<16xf32>,
          %broadcast_in_dim3A_1037 = arith.constant 2 : i32
          %broadcast_in_dim3A_1038 = vector.broadcast %broadcast_in_dim3A_1037 : i32 to vector<16xi32>
          %gather3A_1039 = tpu.vector_load_idx %arg12[%broadcast_in_dim3A_896, %broadcast_in_dim3A_1038, %and3A_1018] : memref<2x8x4096xf32, #tpu.memory_space<vmem>>[vector<16xi32>, vector<16xi32>, vector<16xi32>], vector<16xf32>,
          %swap3A_1040 = arith.constant 16 : index
          %swap3A_1041 = tpu.vector_load %arg25[%swap3A_1040] {strides = array<i32>} : memref<64xf32, #tpu.memory_space<vmem>>, vector<16xf32>,
          tpu.vector_store %arg25[%swap3A_1040], %gather3A_1039 {strides = array<i32>} : memref<64xf32, #tpu.memory_space<vmem>>, vector<16xf32>,
          %broadcast_in_dim3A_1042 = arith.constant 3 : i32
          %broadcast_in_dim3A_1043 = vector.broadcast %broadcast_in_dim3A_1042 : i32 to vector<16xi32>
          %gather3A_1044 = tpu.vector_load_idx %arg12[%broadcast_in_dim3A_896, %broadcast_in_dim3A_1043, %and3A_1018] : memref<2x8x4096xf32, #tpu.memory_space<vmem>>[vector<16xi32>, vector<16xi32>, vector<16xi32>], vector<16xf32>,
          %swap3A_1045 = arith.constant 16 : index
          %swap3A_1046 = tpu.vector_load %arg26[%swap3A_1045] {strides = array<i32>} : memref<64xf32, #tpu.memory_space<vmem>>, vector<16xf32>,
          tpu.vector_store %arg26[%swap3A_1045], %gather3A_1044 {strides = array<i32>} : memref<64xf32, #tpu.memory_space<vmem>>, vector<16xf32>,
          %broadcast_in_dim3A_1047 = arith.constant 4 : i32
          %broadcast_in_dim3A_1048 = vector.broadcast %broadcast_in_dim3A_1047 : i32 to vector<16xi32>
          %gather3A_1049 = tpu.vector_load_idx %arg12[%broadcast_in_dim3A_896, %broadcast_in_dim3A_1048, %and3A_1018] : memref<2x8x4096xf32, #tpu.memory_space<vmem>>[vector<16xi32>, vector<16xi32>, vector<16xi32>], vector<16xf32>,
          %swap3A_1050 = arith.constant 16 : index
          %swap3A_1051 = tpu.vector_load %arg27[%swap3A_1050] {strides = array<i32>} : memref<64xf32, #tpu.memory_space<vmem>>, vector<16xf32>,
          tpu.vector_store %arg27[%swap3A_1050], %gather3A_1049 {strides = array<i32>} : memref<64xf32, #tpu.memory_space<vmem>>, vector<16xf32>,
          %broadcast_in_dim3A_1052 = arith.constant 5 : i32
          %broadcast_in_dim3A_1053 = vector.broadcast %broadcast_in_dim3A_1052 : i32 to vector<16xi32>
          %gather3A_1054 = tpu.vector_load_idx %arg12[%broadcast_in_dim3A_896, %broadcast_in_dim3A_1053, %and3A_1018] : memref<2x8x4096xf32, #tpu.memory_space<vmem>>[vector<16xi32>, vector<16xi32>, vector<16xi32>], vector<16xf32>,
          %swap3A_1055 = arith.constant 16 : index
          %swap3A_1056 = tpu.vector_load %arg28[%swap3A_1055] {strides = array<i32>} : memref<64xf32, #tpu.memory_space<vmem>>, vector<16xf32>,
          tpu.vector_store %arg28[%swap3A_1055], %gather3A_1054 {strides = array<i32>} : memref<64xf32, #tpu.memory_space<vmem>>, vector<16xf32>,
          %broadcast_in_dim3A_1057 = arith.constant 6 : i32
          %broadcast_in_dim3A_1058 = vector.broadcast %broadcast_in_dim3A_1057 : i32 to vector<16xi32>
          %gather3A_1059 = tpu.vector_load_idx %arg12[%broadcast_in_dim3A_896, %broadcast_in_dim3A_1058, %and3A_1018] : memref<2x8x4096xf32, #tpu.memory_space<vmem>>[vector<16xi32>, vector<16xi32>, vector<16xi32>], vector<16xf32>,
          %swap3A_1060 = arith.constant 16 : index
          %swap3A_1061 = tpu.vector_load %arg29[%swap3A_1060] {strides = array<i32>} : memref<64xf32, #tpu.memory_space<vmem>>, vector<16xf32>,
          tpu.vector_store %arg29[%swap3A_1060], %gather3A_1059 {strides = array<i32>} : memref<64xf32, #tpu.memory_space<vmem>>, vector<16xf32>,
          %broadcast_in_dim3A_1062 = arith.constant 7 : i32
          %broadcast_in_dim3A_1063 = vector.broadcast %broadcast_in_dim3A_1062 : i32 to vector<16xi32>
          %gather3A_1064 = tpu.vector_load_idx %arg12[%broadcast_in_dim3A_896, %broadcast_in_dim3A_1063, %and3A_1018] : memref<2x8x4096xf32, #tpu.memory_space<vmem>>[vector<16xi32>, vector<16xi32>, vector<16xi32>], vector<16xf32>,
          %swap3A_1065 = arith.constant 16 : index
          %swap3A_1066 = tpu.vector_load %arg30[%swap3A_1065] {strides = array<i32>} : memref<64xf32, #tpu.memory_space<vmem>>, vector<16xf32>,
          tpu.vector_store %arg30[%swap3A_1065], %gather3A_1064 {strides = array<i32>} : memref<64xf32, #tpu.memory_space<vmem>>, vector<16xf32>,
          %convert_element_type3A_1067 = arith.extui %lt3A_895 : i1 to i32
          %cond3A_1068 = arith.constant 0 : i32
          %cond3A_1069 = arith.cmpi ne, %convert_element_type3A_1067, %cond3A_1068 : i32
          scf.if %cond3A_1069 {
            %jit3A_1256 = arith.constant 16384 : i32
            %broadcast_in_dim3A_1257 = vector.broadcast %jit3A_1256 : i32 to vector<16xi32>
            %select_n3A_1258 = arith.select %and3A_1026, %shift_right_logical3A_1015, %broadcast_in_dim3A_1257 : vector<16xi1>, vector<16xi32>
            %swap3A_1259 = arith.constant 16 : index
            %swap3A_1260 = tpu.vector_load %arg32[%swap3A_1259] {strides = array<i32>} : memref<64xi32, #tpu.memory_space<vmem>>, vector<16xi32>,
            tpu.vector_store %arg32[%swap3A_1259], %select_n3A_1258 {strides = array<i32>} : memref<64xi32, #tpu.memory_space<vmem>>, vector<16xi32>,
          } else {
          }
          %mul3A_1070 = arith.constant 64 : i32
          %mul3A_1071 = arith.muli %while3A_919, %mul3A_1070 : i32
          %add3A_1072 = arith.constant 32 : i32
          %add3A_1073 = arith.addi %mul3A_1071, %add3A_1072 : i32
          %add3A_1074 = arith.addi %squeeze3A_880, %add3A_1073 : i32
          %get3A_1075 = arith.index_cast %add3A_1074 : i32 to index
          %get3A_1076 = tpu.vector_load %arg9[%get3A_1075] {strides = array<i32>} : memref<16640xi32, #tpu.memory_space<vmem>>, vector<16xi32>,
          %shift_right_logical3A_1077 = arith.constant 16 : i32
          %shift_right_logical3A_1078 = vector.broadcast %shift_right_logical3A_1077 : i32 to vector<16xi32>
          %shift_right_logical3A_1079 = arith.shrui %get3A_1076, %shift_right_logical3A_1078 : vector<16xi32>
          %and3A_1080 = arith.constant 4095 : i32
          %and3A_1081 = vector.broadcast %and3A_1080 : i32 to vector<16xi32>
          %and3A_1082 = arith.andi %get3A_1076, %and3A_1081 : vector<16xi32>
          %add3A_1083 = vector.broadcast %add3A_1073 : i32 to vector<16xi32>
          %add3A_1084 = arith.addi %iota3A, %add3A_1083 : vector<16xi32>
          %lt3A_1085 = vector.broadcast %squeeze3A_877 : i32 to vector<16xi32>
          %lt3A_1086 = arith.cmpi slt, %add3A_1084, %lt3A_1085 : vector<16xi32>
          %lt3A_1087 = arith.constant 16384 : i32
          %lt3A_1088 = vector.broadcast %lt3A_1087 : i32 to vector<16xi32>
          %lt3A_1089 = arith.cmpi slt, %shift_right_logical3A_1079, %lt3A_1088 : vector<16xi32>
          %and3A_1090 = arith.andi %lt3A_1086, %lt3A_1089 : vector<16xi1>
          %broadcast_in_dim3A_1091 = arith.constant 0 : i32
          %broadcast_in_dim3A_1092 = vector.broadcast %broadcast_in_dim3A_1091 : i32 to vector<16xi32>
          %gather3A_1093 = tpu.vector_load_idx %arg12[%broadcast_in_dim3A_896, %broadcast_in_dim3A_1092, %and3A_1082] : memref<2x8x4096xf32, #tpu.memory_space<vmem>>[vector<16xi32>, vector<16xi32>, vector<16xi32>], vector<16xf32>,
          %swap3A_1094 = arith.constant 32 : index
          %swap3A_1095 = tpu.vector_load %arg23[%swap3A_1094] {strides = array<i32>} : memref<64xf32, #tpu.memory_space<vmem>>, vector<16xf32>,
          tpu.vector_store %arg23[%swap3A_1094], %gather3A_1093 {strides = array<i32>} : memref<64xf32, #tpu.memory_space<vmem>>, vector<16xf32>,
          %broadcast_in_dim3A_1096 = arith.constant 1 : i32
          %broadcast_in_dim3A_1097 = vector.broadcast %broadcast_in_dim3A_1096 : i32 to vector<16xi32>
          %gather3A_1098 = tpu.vector_load_idx %arg12[%broadcast_in_dim3A_896, %broadcast_in_dim3A_1097, %and3A_1082] : memref<2x8x4096xf32, #tpu.memory_space<vmem>>[vector<16xi32>, vector<16xi32>, vector<16xi32>], vector<16xf32>,
          %swap3A_1099 = arith.constant 32 : index
          %swap3A_1100 = tpu.vector_load %arg24[%swap3A_1099] {strides = array<i32>} : memref<64xf32, #tpu.memory_space<vmem>>, vector<16xf32>,
          tpu.vector_store %arg24[%swap3A_1099], %gather3A_1098 {strides = array<i32>} : memref<64xf32, #tpu.memory_space<vmem>>, vector<16xf32>,
          %broadcast_in_dim3A_1101 = arith.constant 2 : i32
          %broadcast_in_dim3A_1102 = vector.broadcast %broadcast_in_dim3A_1101 : i32 to vector<16xi32>
          %gather3A_1103 = tpu.vector_load_idx %arg12[%broadcast_in_dim3A_896, %broadcast_in_dim3A_1102, %and3A_1082] : memref<2x8x4096xf32, #tpu.memory_space<vmem>>[vector<16xi32>, vector<16xi32>, vector<16xi32>], vector<16xf32>,
          %swap3A_1104 = arith.constant 32 : index
          %swap3A_1105 = tpu.vector_load %arg25[%swap3A_1104] {strides = array<i32>} : memref<64xf32, #tpu.memory_space<vmem>>, vector<16xf32>,
          tpu.vector_store %arg25[%swap3A_1104], %gather3A_1103 {strides = array<i32>} : memref<64xf32, #tpu.memory_space<vmem>>, vector<16xf32>,
          %broadcast_in_dim3A_1106 = arith.constant 3 : i32
          %broadcast_in_dim3A_1107 = vector.broadcast %broadcast_in_dim3A_1106 : i32 to vector<16xi32>
          %gather3A_1108 = tpu.vector_load_idx %arg12[%broadcast_in_dim3A_896, %broadcast_in_dim3A_1107, %and3A_1082] : memref<2x8x4096xf32, #tpu.memory_space<vmem>>[vector<16xi32>, vector<16xi32>, vector<16xi32>], vector<16xf32>,
          %swap3A_1109 = arith.constant 32 : index
          %swap3A_1110 = tpu.vector_load %arg26[%swap3A_1109] {strides = array<i32>} : memref<64xf32, #tpu.memory_space<vmem>>, vector<16xf32>,
          tpu.vector_store %arg26[%swap3A_1109], %gather3A_1108 {strides = array<i32>} : memref<64xf32, #tpu.memory_space<vmem>>, vector<16xf32>,
          %broadcast_in_dim3A_1111 = arith.constant 4 : i32
          %broadcast_in_dim3A_1112 = vector.broadcast %broadcast_in_dim3A_1111 : i32 to vector<16xi32>
          %gather3A_1113 = tpu.vector_load_idx %arg12[%broadcast_in_dim3A_896, %broadcast_in_dim3A_1112, %and3A_1082] : memref<2x8x4096xf32, #tpu.memory_space<vmem>>[vector<16xi32>, vector<16xi32>, vector<16xi32>], vector<16xf32>,
          %swap3A_1114 = arith.constant 32 : index
          %swap3A_1115 = tpu.vector_load %arg27[%swap3A_1114] {strides = array<i32>} : memref<64xf32, #tpu.memory_space<vmem>>, vector<16xf32>,
          tpu.vector_store %arg27[%swap3A_1114], %gather3A_1113 {strides = array<i32>} : memref<64xf32, #tpu.memory_space<vmem>>, vector<16xf32>,
          %broadcast_in_dim3A_1116 = arith.constant 5 : i32
          %broadcast_in_dim3A_1117 = vector.broadcast %broadcast_in_dim3A_1116 : i32 to vector<16xi32>
          %gather3A_1118 = tpu.vector_load_idx %arg12[%broadcast_in_dim3A_896, %broadcast_in_dim3A_1117, %and3A_1082] : memref<2x8x4096xf32, #tpu.memory_space<vmem>>[vector<16xi32>, vector<16xi32>, vector<16xi32>], vector<16xf32>,
          %swap3A_1119 = arith.constant 32 : index
          %swap3A_1120 = tpu.vector_load %arg28[%swap3A_1119] {strides = array<i32>} : memref<64xf32, #tpu.memory_space<vmem>>, vector<16xf32>,
          tpu.vector_store %arg28[%swap3A_1119], %gather3A_1118 {strides = array<i32>} : memref<64xf32, #tpu.memory_space<vmem>>, vector<16xf32>,
          %broadcast_in_dim3A_1121 = arith.constant 6 : i32
          %broadcast_in_dim3A_1122 = vector.broadcast %broadcast_in_dim3A_1121 : i32 to vector<16xi32>
          %gather3A_1123 = tpu.vector_load_idx %arg12[%broadcast_in_dim3A_896, %broadcast_in_dim3A_1122, %and3A_1082] : memref<2x8x4096xf32, #tpu.memory_space<vmem>>[vector<16xi32>, vector<16xi32>, vector<16xi32>], vector<16xf32>,
          %swap3A_1124 = arith.constant 32 : index
          %swap3A_1125 = tpu.vector_load %arg29[%swap3A_1124] {strides = array<i32>} : memref<64xf32, #tpu.memory_space<vmem>>, vector<16xf32>,
          tpu.vector_store %arg29[%swap3A_1124], %gather3A_1123 {strides = array<i32>} : memref<64xf32, #tpu.memory_space<vmem>>, vector<16xf32>,
          %broadcast_in_dim3A_1126 = arith.constant 7 : i32
          %broadcast_in_dim3A_1127 = vector.broadcast %broadcast_in_dim3A_1126 : i32 to vector<16xi32>
          %gather3A_1128 = tpu.vector_load_idx %arg12[%broadcast_in_dim3A_896, %broadcast_in_dim3A_1127, %and3A_1082] : memref<2x8x4096xf32, #tpu.memory_space<vmem>>[vector<16xi32>, vector<16xi32>, vector<16xi32>], vector<16xf32>,
          %swap3A_1129 = arith.constant 32 : index
          %swap3A_1130 = tpu.vector_load %arg30[%swap3A_1129] {strides = array<i32>} : memref<64xf32, #tpu.memory_space<vmem>>, vector<16xf32>,
          tpu.vector_store %arg30[%swap3A_1129], %gather3A_1128 {strides = array<i32>} : memref<64xf32, #tpu.memory_space<vmem>>, vector<16xf32>,
          %convert_element_type3A_1131 = arith.extui %lt3A_895 : i1 to i32
          %cond3A_1132 = arith.constant 0 : i32
          %cond3A_1133 = arith.cmpi ne, %convert_element_type3A_1131, %cond3A_1132 : i32
          scf.if %cond3A_1133 {
            %jit3A_1256 = arith.constant 16384 : i32
            %broadcast_in_dim3A_1257 = vector.broadcast %jit3A_1256 : i32 to vector<16xi32>
            %select_n3A_1258 = arith.select %and3A_1090, %shift_right_logical3A_1079, %broadcast_in_dim3A_1257 : vector<16xi1>, vector<16xi32>
            %swap3A_1259 = arith.constant 32 : index
            %swap3A_1260 = tpu.vector_load %arg32[%swap3A_1259] {strides = array<i32>} : memref<64xi32, #tpu.memory_space<vmem>>, vector<16xi32>,
            tpu.vector_store %arg32[%swap3A_1259], %select_n3A_1258 {strides = array<i32>} : memref<64xi32, #tpu.memory_space<vmem>>, vector<16xi32>,
          } else {
          }
          %mul3A_1134 = arith.constant 64 : i32
          %mul3A_1135 = arith.muli %while3A_919, %mul3A_1134 : i32
          %add3A_1136 = arith.constant 48 : i32
          %add3A_1137 = arith.addi %mul3A_1135, %add3A_1136 : i32
          %add3A_1138 = arith.addi %squeeze3A_880, %add3A_1137 : i32
          %get3A_1139 = arith.index_cast %add3A_1138 : i32 to index
          %get3A_1140 = tpu.vector_load %arg9[%get3A_1139] {strides = array<i32>} : memref<16640xi32, #tpu.memory_space<vmem>>, vector<16xi32>,
          %shift_right_logical3A_1141 = arith.constant 16 : i32
          %shift_right_logical3A_1142 = vector.broadcast %shift_right_logical3A_1141 : i32 to vector<16xi32>
          %shift_right_logical3A_1143 = arith.shrui %get3A_1140, %shift_right_logical3A_1142 : vector<16xi32>
          %and3A_1144 = arith.constant 4095 : i32
          %and3A_1145 = vector.broadcast %and3A_1144 : i32 to vector<16xi32>
          %and3A_1146 = arith.andi %get3A_1140, %and3A_1145 : vector<16xi32>
          %add3A_1147 = vector.broadcast %add3A_1137 : i32 to vector<16xi32>
          %add3A_1148 = arith.addi %iota3A, %add3A_1147 : vector<16xi32>
          %lt3A_1149 = vector.broadcast %squeeze3A_877 : i32 to vector<16xi32>
          %lt3A_1150 = arith.cmpi slt, %add3A_1148, %lt3A_1149 : vector<16xi32>
          %lt3A_1151 = arith.constant 16384 : i32
          %lt3A_1152 = vector.broadcast %lt3A_1151 : i32 to vector<16xi32>
          %lt3A_1153 = arith.cmpi slt, %shift_right_logical3A_1143, %lt3A_1152 : vector<16xi32>
          %and3A_1154 = arith.andi %lt3A_1150, %lt3A_1153 : vector<16xi1>
          %broadcast_in_dim3A_1155 = arith.constant 0 : i32
          %broadcast_in_dim3A_1156 = vector.broadcast %broadcast_in_dim3A_1155 : i32 to vector<16xi32>
          %gather3A_1157 = tpu.vector_load_idx %arg12[%broadcast_in_dim3A_896, %broadcast_in_dim3A_1156, %and3A_1146] : memref<2x8x4096xf32, #tpu.memory_space<vmem>>[vector<16xi32>, vector<16xi32>, vector<16xi32>], vector<16xf32>,
          %swap3A_1158 = arith.constant 48 : index
          %swap3A_1159 = tpu.vector_load %arg23[%swap3A_1158] {strides = array<i32>} : memref<64xf32, #tpu.memory_space<vmem>>, vector<16xf32>,
          tpu.vector_store %arg23[%swap3A_1158], %gather3A_1157 {strides = array<i32>} : memref<64xf32, #tpu.memory_space<vmem>>, vector<16xf32>,
          %broadcast_in_dim3A_1160 = arith.constant 1 : i32
          %broadcast_in_dim3A_1161 = vector.broadcast %broadcast_in_dim3A_1160 : i32 to vector<16xi32>
          %gather3A_1162 = tpu.vector_load_idx %arg12[%broadcast_in_dim3A_896, %broadcast_in_dim3A_1161, %and3A_1146] : memref<2x8x4096xf32, #tpu.memory_space<vmem>>[vector<16xi32>, vector<16xi32>, vector<16xi32>], vector<16xf32>,
          %swap3A_1163 = arith.constant 48 : index
          %swap3A_1164 = tpu.vector_load %arg24[%swap3A_1163] {strides = array<i32>} : memref<64xf32, #tpu.memory_space<vmem>>, vector<16xf32>,
          tpu.vector_store %arg24[%swap3A_1163], %gather3A_1162 {strides = array<i32>} : memref<64xf32, #tpu.memory_space<vmem>>, vector<16xf32>,
          %broadcast_in_dim3A_1165 = arith.constant 2 : i32
          %broadcast_in_dim3A_1166 = vector.broadcast %broadcast_in_dim3A_1165 : i32 to vector<16xi32>
          %gather3A_1167 = tpu.vector_load_idx %arg12[%broadcast_in_dim3A_896, %broadcast_in_dim3A_1166, %and3A_1146] : memref<2x8x4096xf32, #tpu.memory_space<vmem>>[vector<16xi32>, vector<16xi32>, vector<16xi32>], vector<16xf32>,
          %swap3A_1168 = arith.constant 48 : index
          %swap3A_1169 = tpu.vector_load %arg25[%swap3A_1168] {strides = array<i32>} : memref<64xf32, #tpu.memory_space<vmem>>, vector<16xf32>,
          tpu.vector_store %arg25[%swap3A_1168], %gather3A_1167 {strides = array<i32>} : memref<64xf32, #tpu.memory_space<vmem>>, vector<16xf32>,
          %broadcast_in_dim3A_1170 = arith.constant 3 : i32
          %broadcast_in_dim3A_1171 = vector.broadcast %broadcast_in_dim3A_1170 : i32 to vector<16xi32>
          %gather3A_1172 = tpu.vector_load_idx %arg12[%broadcast_in_dim3A_896, %broadcast_in_dim3A_1171, %and3A_1146] : memref<2x8x4096xf32, #tpu.memory_space<vmem>>[vector<16xi32>, vector<16xi32>, vector<16xi32>], vector<16xf32>,
          %swap3A_1173 = arith.constant 48 : index
          %swap3A_1174 = tpu.vector_load %arg26[%swap3A_1173] {strides = array<i32>} : memref<64xf32, #tpu.memory_space<vmem>>, vector<16xf32>,
          tpu.vector_store %arg26[%swap3A_1173], %gather3A_1172 {strides = array<i32>} : memref<64xf32, #tpu.memory_space<vmem>>, vector<16xf32>,
          %broadcast_in_dim3A_1175 = arith.constant 4 : i32
          %broadcast_in_dim3A_1176 = vector.broadcast %broadcast_in_dim3A_1175 : i32 to vector<16xi32>
          %gather3A_1177 = tpu.vector_load_idx %arg12[%broadcast_in_dim3A_896, %broadcast_in_dim3A_1176, %and3A_1146] : memref<2x8x4096xf32, #tpu.memory_space<vmem>>[vector<16xi32>, vector<16xi32>, vector<16xi32>], vector<16xf32>,
          %swap3A_1178 = arith.constant 48 : index
          %swap3A_1179 = tpu.vector_load %arg27[%swap3A_1178] {strides = array<i32>} : memref<64xf32, #tpu.memory_space<vmem>>, vector<16xf32>,
          tpu.vector_store %arg27[%swap3A_1178], %gather3A_1177 {strides = array<i32>} : memref<64xf32, #tpu.memory_space<vmem>>, vector<16xf32>,
          %broadcast_in_dim3A_1180 = arith.constant 5 : i32
          %broadcast_in_dim3A_1181 = vector.broadcast %broadcast_in_dim3A_1180 : i32 to vector<16xi32>
          %gather3A_1182 = tpu.vector_load_idx %arg12[%broadcast_in_dim3A_896, %broadcast_in_dim3A_1181, %and3A_1146] : memref<2x8x4096xf32, #tpu.memory_space<vmem>>[vector<16xi32>, vector<16xi32>, vector<16xi32>], vector<16xf32>,
          %swap3A_1183 = arith.constant 48 : index
          %swap3A_1184 = tpu.vector_load %arg28[%swap3A_1183] {strides = array<i32>} : memref<64xf32, #tpu.memory_space<vmem>>, vector<16xf32>,
          tpu.vector_store %arg28[%swap3A_1183], %gather3A_1182 {strides = array<i32>} : memref<64xf32, #tpu.memory_space<vmem>>, vector<16xf32>,
          %broadcast_in_dim3A_1185 = arith.constant 6 : i32
          %broadcast_in_dim3A_1186 = vector.broadcast %broadcast_in_dim3A_1185 : i32 to vector<16xi32>
          %gather3A_1187 = tpu.vector_load_idx %arg12[%broadcast_in_dim3A_896, %broadcast_in_dim3A_1186, %and3A_1146] : memref<2x8x4096xf32, #tpu.memory_space<vmem>>[vector<16xi32>, vector<16xi32>, vector<16xi32>], vector<16xf32>,
          %swap3A_1188 = arith.constant 48 : index
          %swap3A_1189 = tpu.vector_load %arg29[%swap3A_1188] {strides = array<i32>} : memref<64xf32, #tpu.memory_space<vmem>>, vector<16xf32>,
          tpu.vector_store %arg29[%swap3A_1188], %gather3A_1187 {strides = array<i32>} : memref<64xf32, #tpu.memory_space<vmem>>, vector<16xf32>,
          %broadcast_in_dim3A_1190 = arith.constant 7 : i32
          %broadcast_in_dim3A_1191 = vector.broadcast %broadcast_in_dim3A_1190 : i32 to vector<16xi32>
          %gather3A_1192 = tpu.vector_load_idx %arg12[%broadcast_in_dim3A_896, %broadcast_in_dim3A_1191, %and3A_1146] : memref<2x8x4096xf32, #tpu.memory_space<vmem>>[vector<16xi32>, vector<16xi32>, vector<16xi32>], vector<16xf32>,
          %swap3A_1193 = arith.constant 48 : index
          %swap3A_1194 = tpu.vector_load %arg30[%swap3A_1193] {strides = array<i32>} : memref<64xf32, #tpu.memory_space<vmem>>, vector<16xf32>,
          tpu.vector_store %arg30[%swap3A_1193], %gather3A_1192 {strides = array<i32>} : memref<64xf32, #tpu.memory_space<vmem>>, vector<16xf32>,
          %convert_element_type3A_1195 = arith.extui %lt3A_895 : i1 to i32
          %cond3A_1196 = arith.constant 0 : i32
          %cond3A_1197 = arith.cmpi ne, %convert_element_type3A_1195, %cond3A_1196 : i32
          scf.if %cond3A_1197 {
            %jit3A_1256 = arith.constant 16384 : i32
            %broadcast_in_dim3A_1257 = vector.broadcast %jit3A_1256 : i32 to vector<16xi32>
            %select_n3A_1258 = arith.select %and3A_1154, %shift_right_logical3A_1143, %broadcast_in_dim3A_1257 : vector<16xi1>, vector<16xi32>
            %swap3A_1259 = arith.constant 48 : index
            %swap3A_1260 = tpu.vector_load %arg32[%swap3A_1259] {strides = array<i32>} : memref<64xi32, #tpu.memory_space<vmem>>, vector<16xi32>,
            tpu.vector_store %arg32[%swap3A_1259], %select_n3A_1258 {strides = array<i32>} : memref<64xi32, #tpu.memory_space<vmem>>, vector<16xi32>,
          } else {
          }
          %add3A_1198 = arith.constant 0 : i32
          %add3A_1199 = arith.addi %mul3A_893, %add3A_1198 : i32
          %mul3A_1200 = arith.constant 32768 : i32
          %mul3A_1201 = arith.muli %add3A_1199, %mul3A_1200 : i32
          %add3A_1202 = arith.addi %mul3A_1201, %multiple_of3A_923 : i32
          %dma_start3A = tpu.memref_slice %arg5[%add3A_1202] : memref<2097152xf32, #tpu.memory_space<hbm>> -> memref<64xf32, #tpu.memory_space<hbm>>
          %dma_start3A_1203 = tpu.memref_slice %arg5[%add3A_1202] : memref<2097152xf32, #tpu.memory_space<hbm>> -> memref<64xf32, #tpu.memory_space<hbm>>
          tpu.enqueue_dma source(%arg23 : memref<64xf32, #tpu.memory_space<vmem>>) target(%dma_start3A_1203 : memref<64xf32, #tpu.memory_space<hbm>>) target_semaphore(%arg33 : memref<!tpu.dma_semaphore, #tpu.memory_space<semaphore_mem>>)
          %add3A_1204 = arith.constant 1 : i32
          %add3A_1205 = arith.addi %mul3A_893, %add3A_1204 : i32
          %mul3A_1206 = arith.constant 32768 : i32
          %mul3A_1207 = arith.muli %add3A_1205, %mul3A_1206 : i32
          %add3A_1208 = arith.addi %mul3A_1207, %multiple_of3A_923 : i32
          %dma_start3A_1209 = tpu.memref_slice %arg5[%add3A_1208] : memref<2097152xf32, #tpu.memory_space<hbm>> -> memref<64xf32, #tpu.memory_space<hbm>>
          %dma_start3A_1210 = tpu.memref_slice %arg5[%add3A_1208] : memref<2097152xf32, #tpu.memory_space<hbm>> -> memref<64xf32, #tpu.memory_space<hbm>>
          tpu.enqueue_dma source(%arg24 : memref<64xf32, #tpu.memory_space<vmem>>) target(%dma_start3A_1210 : memref<64xf32, #tpu.memory_space<hbm>>) target_semaphore(%arg33 : memref<!tpu.dma_semaphore, #tpu.memory_space<semaphore_mem>>)
          %add3A_1211 = arith.constant 2 : i32
          %add3A_1212 = arith.addi %mul3A_893, %add3A_1211 : i32
          %mul3A_1213 = arith.constant 32768 : i32
          %mul3A_1214 = arith.muli %add3A_1212, %mul3A_1213 : i32
          %add3A_1215 = arith.addi %mul3A_1214, %multiple_of3A_923 : i32
          %dma_start3A_1216 = tpu.memref_slice %arg5[%add3A_1215] : memref<2097152xf32, #tpu.memory_space<hbm>> -> memref<64xf32, #tpu.memory_space<hbm>>
          %dma_start3A_1217 = tpu.memref_slice %arg5[%add3A_1215] : memref<2097152xf32, #tpu.memory_space<hbm>> -> memref<64xf32, #tpu.memory_space<hbm>>
          tpu.enqueue_dma source(%arg25 : memref<64xf32, #tpu.memory_space<vmem>>) target(%dma_start3A_1217 : memref<64xf32, #tpu.memory_space<hbm>>) target_semaphore(%arg33 : memref<!tpu.dma_semaphore, #tpu.memory_space<semaphore_mem>>)
          %add3A_1218 = arith.constant 3 : i32
          %add3A_1219 = arith.addi %mul3A_893, %add3A_1218 : i32
          %mul3A_1220 = arith.constant 32768 : i32
          %mul3A_1221 = arith.muli %add3A_1219, %mul3A_1220 : i32
          %add3A_1222 = arith.addi %mul3A_1221, %multiple_of3A_923 : i32
          %dma_start3A_1223 = tpu.memref_slice %arg5[%add3A_1222] : memref<2097152xf32, #tpu.memory_space<hbm>> -> memref<64xf32, #tpu.memory_space<hbm>>
          %dma_start3A_1224 = tpu.memref_slice %arg5[%add3A_1222] : memref<2097152xf32, #tpu.memory_space<hbm>> -> memref<64xf32, #tpu.memory_space<hbm>>
          tpu.enqueue_dma source(%arg26 : memref<64xf32, #tpu.memory_space<vmem>>) target(%dma_start3A_1224 : memref<64xf32, #tpu.memory_space<hbm>>) target_semaphore(%arg33 : memref<!tpu.dma_semaphore, #tpu.memory_space<semaphore_mem>>)
          %add3A_1225 = arith.constant 4 : i32
          %add3A_1226 = arith.addi %mul3A_893, %add3A_1225 : i32
          %mul3A_1227 = arith.constant 32768 : i32
          %mul3A_1228 = arith.muli %add3A_1226, %mul3A_1227 : i32
          %add3A_1229 = arith.addi %mul3A_1228, %multiple_of3A_923 : i32
          %dma_start3A_1230 = tpu.memref_slice %arg5[%add3A_1229] : memref<2097152xf32, #tpu.memory_space<hbm>> -> memref<64xf32, #tpu.memory_space<hbm>>
          %dma_start3A_1231 = tpu.memref_slice %arg5[%add3A_1229] : memref<2097152xf32, #tpu.memory_space<hbm>> -> memref<64xf32, #tpu.memory_space<hbm>>
          tpu.enqueue_dma source(%arg27 : memref<64xf32, #tpu.memory_space<vmem>>) target(%dma_start3A_1231 : memref<64xf32, #tpu.memory_space<hbm>>) target_semaphore(%arg33 : memref<!tpu.dma_semaphore, #tpu.memory_space<semaphore_mem>>)
          %add3A_1232 = arith.constant 5 : i32
          %add3A_1233 = arith.addi %mul3A_893, %add3A_1232 : i32
          %mul3A_1234 = arith.constant 32768 : i32
          %mul3A_1235 = arith.muli %add3A_1233, %mul3A_1234 : i32
          %add3A_1236 = arith.addi %mul3A_1235, %multiple_of3A_923 : i32
          %dma_start3A_1237 = tpu.memref_slice %arg5[%add3A_1236] : memref<2097152xf32, #tpu.memory_space<hbm>> -> memref<64xf32, #tpu.memory_space<hbm>>
          %dma_start3A_1238 = tpu.memref_slice %arg5[%add3A_1236] : memref<2097152xf32, #tpu.memory_space<hbm>> -> memref<64xf32, #tpu.memory_space<hbm>>
          tpu.enqueue_dma source(%arg28 : memref<64xf32, #tpu.memory_space<vmem>>) target(%dma_start3A_1238 : memref<64xf32, #tpu.memory_space<hbm>>) target_semaphore(%arg33 : memref<!tpu.dma_semaphore, #tpu.memory_space<semaphore_mem>>)
          %add3A_1239 = arith.constant 6 : i32
          %add3A_1240 = arith.addi %mul3A_893, %add3A_1239 : i32
          %mul3A_1241 = arith.constant 32768 : i32
          %mul3A_1242 = arith.muli %add3A_1240, %mul3A_1241 : i32
          %add3A_1243 = arith.addi %mul3A_1242, %multiple_of3A_923 : i32
          %dma_start3A_1244 = tpu.memref_slice %arg5[%add3A_1243] : memref<2097152xf32, #tpu.memory_space<hbm>> -> memref<64xf32, #tpu.memory_space<hbm>>
          %dma_start3A_1245 = tpu.memref_slice %arg5[%add3A_1243] : memref<2097152xf32, #tpu.memory_space<hbm>> -> memref<64xf32, #tpu.memory_space<hbm>>
          tpu.enqueue_dma source(%arg29 : memref<64xf32, #tpu.memory_space<vmem>>) target(%dma_start3A_1245 : memref<64xf32, #tpu.memory_space<hbm>>) target_semaphore(%arg33 : memref<!tpu.dma_semaphore, #tpu.memory_space<semaphore_mem>>)
          %add3A_1246 = arith.constant 7 : i32
          %add3A_1247 = arith.addi %mul3A_893, %add3A_1246 : i32
          %mul3A_1248 = arith.constant 32768 : i32
          %mul3A_1249 = arith.muli %add3A_1247, %mul3A_1248 : i32
          %add3A_1250 = arith.addi %mul3A_1249, %multiple_of3A_923 : i32
          %dma_start3A_1251 = tpu.memref_slice %arg5[%add3A_1250] : memref<2097152xf32, #tpu.memory_space<hbm>> -> memref<64xf32, #tpu.memory_space<hbm>>
          %dma_start3A_1252 = tpu.memref_slice %arg5[%add3A_1250] : memref<2097152xf32, #tpu.memory_space<hbm>> -> memref<64xf32, #tpu.memory_space<hbm>>
          tpu.enqueue_dma source(%arg30 : memref<64xf32, #tpu.memory_space<vmem>>) target(%dma_start3A_1252 : memref<64xf32, #tpu.memory_space<hbm>>) target_semaphore(%arg33 : memref<!tpu.dma_semaphore, #tpu.memory_space<semaphore_mem>>)
          %convert_element_type3A_1253 = arith.extui %lt3A_895 : i1 to i32
          %cond3A_1254 = arith.constant 0 : i32
          %cond3A_1255 = arith.cmpi ne, %convert_element_type3A_1253, %cond3A_1254 : i32
          scf.if %cond3A_1255 {
            %dma_start3A_1256 = tpu.memref_slice %arg6[%multiple_of3A_923] : memref<32768xi32, #tpu.memory_space<hbm>> -> memref<64xi32, #tpu.memory_space<hbm>>
            %dma_start3A_1257 = tpu.memref_slice %arg6[%multiple_of3A_923] : memref<32768xi32, #tpu.memory_space<hbm>> -> memref<64xi32, #tpu.memory_space<hbm>>
            tpu.enqueue_dma source(%arg32 : memref<64xi32, #tpu.memory_space<vmem>>) target(%dma_start3A_1257 : memref<64xi32, #tpu.memory_space<hbm>>) target_semaphore(%arg33 : memref<!tpu.dma_semaphore, #tpu.memory_space<semaphore_mem>>)
          } else {
          }
        } else {
        }
      }
      %sub3A_907 = arith.constant 2 : i32
      %sub3A_908 = arith.subi %shift_right_logical3A_891, %sub3A_907 : i32
      %max3A = arith.constant 0 : i32
      %max3A_909 = arith.maxsi %sub3A_908, %max3A : i32
      %while3A_910 = arith.constant 0 : i32
      %while3A_911 = arith.subi %shift_right_logical3A_891, %max3A_909 : i32
      %while3A_912 = arith.addi %max3A_909, %while3A_911 : i32
      %while3A_913 = arith.constant 1 : i32
      %while3A_914 = arith.divsi %while3A_911, %while3A_913 : i32
      %while3A_915 = arith.muli %while3A_914, %while3A_913 : i32
      %while3A_916 = arith.addi %max3A_909, %while3A_915 : i32
      %while3A_917 = arith.constant 1 : i32
      scf.for %while3A_919 = %max3A_909 to %while3A_916 step %while3A_917  : i32 {
        %mul3A_920 = arith.constant 64 : i32
        %mul3A_921 = arith.muli %while3A_919, %mul3A_920 : i32
        %add3A_922 = arith.addi %multiple_of3A_885, %mul3A_921 : i32
        %multiple_of3A_923 = tpu.assume_multiple %add3A_922, 64 : i32
        %and3A_924 = arith.constant 1 : i32
        %and3A_925 = arith.andi %while3A_919, %and3A_924 : i32
        %eq3A_926 = arith.constant 0 : i32
        %eq3A_927 = arith.cmpi eq, %and3A_925, %eq3A_926 : i32
        %convert_element_type3A_928 = arith.extui %eq3A_927 : i1 to i32
        %cond3A_929 = arith.constant 0 : i32
        %cond3A_930 = arith.cmpi ne, %convert_element_type3A_928, %cond3A_929 : i32
        scf.if %cond3A_930 {
          %dma_wait3A = tpu.memref_slice %arg5[%multiple_of3A_923] : memref<2097152xf32, #tpu.memory_space<hbm>> -> memref<64xf32, #tpu.memory_space<hbm>>
          %dma_wait3A_938 = tpu.memref_slice %arg5[%multiple_of3A_923] : memref<2097152xf32, #tpu.memory_space<hbm>> -> memref<64xf32, #tpu.memory_space<hbm>>
          tpu.wait_dma2 semaphore(%arg33 : memref<!tpu.dma_semaphore, #tpu.memory_space<semaphore_mem>>) src(%arg15 : memref<64xf32, #tpu.memory_space<vmem>>) dst(%dma_wait3A_938 : memref<64xf32, #tpu.memory_space<hbm>>)
          %dma_wait3A_939 = tpu.memref_slice %arg5[%multiple_of3A_923] : memref<2097152xf32, #tpu.memory_space<hbm>> -> memref<64xf32, #tpu.memory_space<hbm>>
          %dma_wait3A_940 = tpu.memref_slice %arg5[%multiple_of3A_923] : memref<2097152xf32, #tpu.memory_space<hbm>> -> memref<64xf32, #tpu.memory_space<hbm>>
          tpu.wait_dma2 semaphore(%arg33 : memref<!tpu.dma_semaphore, #tpu.memory_space<semaphore_mem>>) src(%arg16 : memref<64xf32, #tpu.memory_space<vmem>>) dst(%dma_wait3A_940 : memref<64xf32, #tpu.memory_space<hbm>>)
          %dma_wait3A_941 = tpu.memref_slice %arg5[%multiple_of3A_923] : memref<2097152xf32, #tpu.memory_space<hbm>> -> memref<64xf32, #tpu.memory_space<hbm>>
          %dma_wait3A_942 = tpu.memref_slice %arg5[%multiple_of3A_923] : memref<2097152xf32, #tpu.memory_space<hbm>> -> memref<64xf32, #tpu.memory_space<hbm>>
          tpu.wait_dma2 semaphore(%arg33 : memref<!tpu.dma_semaphore, #tpu.memory_space<semaphore_mem>>) src(%arg17 : memref<64xf32, #tpu.memory_space<vmem>>) dst(%dma_wait3A_942 : memref<64xf32, #tpu.memory_space<hbm>>)
          %dma_wait3A_943 = tpu.memref_slice %arg5[%multiple_of3A_923] : memref<2097152xf32, #tpu.memory_space<hbm>> -> memref<64xf32, #tpu.memory_space<hbm>>
          %dma_wait3A_944 = tpu.memref_slice %arg5[%multiple_of3A_923] : memref<2097152xf32, #tpu.memory_space<hbm>> -> memref<64xf32, #tpu.memory_space<hbm>>
          tpu.wait_dma2 semaphore(%arg33 : memref<!tpu.dma_semaphore, #tpu.memory_space<semaphore_mem>>) src(%arg18 : memref<64xf32, #tpu.memory_space<vmem>>) dst(%dma_wait3A_944 : memref<64xf32, #tpu.memory_space<hbm>>)
          %dma_wait3A_945 = tpu.memref_slice %arg5[%multiple_of3A_923] : memref<2097152xf32, #tpu.memory_space<hbm>> -> memref<64xf32, #tpu.memory_space<hbm>>
          %dma_wait3A_946 = tpu.memref_slice %arg5[%multiple_of3A_923] : memref<2097152xf32, #tpu.memory_space<hbm>> -> memref<64xf32, #tpu.memory_space<hbm>>
          tpu.wait_dma2 semaphore(%arg33 : memref<!tpu.dma_semaphore, #tpu.memory_space<semaphore_mem>>) src(%arg19 : memref<64xf32, #tpu.memory_space<vmem>>) dst(%dma_wait3A_946 : memref<64xf32, #tpu.memory_space<hbm>>)
          %dma_wait3A_947 = tpu.memref_slice %arg5[%multiple_of3A_923] : memref<2097152xf32, #tpu.memory_space<hbm>> -> memref<64xf32, #tpu.memory_space<hbm>>
          %dma_wait3A_948 = tpu.memref_slice %arg5[%multiple_of3A_923] : memref<2097152xf32, #tpu.memory_space<hbm>> -> memref<64xf32, #tpu.memory_space<hbm>>
          tpu.wait_dma2 semaphore(%arg33 : memref<!tpu.dma_semaphore, #tpu.memory_space<semaphore_mem>>) src(%arg20 : memref<64xf32, #tpu.memory_space<vmem>>) dst(%dma_wait3A_948 : memref<64xf32, #tpu.memory_space<hbm>>)
          %dma_wait3A_949 = tpu.memref_slice %arg5[%multiple_of3A_923] : memref<2097152xf32, #tpu.memory_space<hbm>> -> memref<64xf32, #tpu.memory_space<hbm>>
          %dma_wait3A_950 = tpu.memref_slice %arg5[%multiple_of3A_923] : memref<2097152xf32, #tpu.memory_space<hbm>> -> memref<64xf32, #tpu.memory_space<hbm>>
          tpu.wait_dma2 semaphore(%arg33 : memref<!tpu.dma_semaphore, #tpu.memory_space<semaphore_mem>>) src(%arg21 : memref<64xf32, #tpu.memory_space<vmem>>) dst(%dma_wait3A_950 : memref<64xf32, #tpu.memory_space<hbm>>)
          %dma_wait3A_951 = tpu.memref_slice %arg5[%multiple_of3A_923] : memref<2097152xf32, #tpu.memory_space<hbm>> -> memref<64xf32, #tpu.memory_space<hbm>>
          %dma_wait3A_952 = tpu.memref_slice %arg5[%multiple_of3A_923] : memref<2097152xf32, #tpu.memory_space<hbm>> -> memref<64xf32, #tpu.memory_space<hbm>>
          tpu.wait_dma2 semaphore(%arg33 : memref<!tpu.dma_semaphore, #tpu.memory_space<semaphore_mem>>) src(%arg22 : memref<64xf32, #tpu.memory_space<vmem>>) dst(%dma_wait3A_952 : memref<64xf32, #tpu.memory_space<hbm>>)
          %convert_element_type3A_953 = arith.extui %lt3A_895 : i1 to i32
          %cond3A_954 = arith.constant 0 : i32
          %cond3A_955 = arith.cmpi ne, %convert_element_type3A_953, %cond3A_954 : i32
          scf.if %cond3A_955 {
            %dma_wait3A_956 = tpu.memref_slice %arg6[%multiple_of3A_923] : memref<32768xi32, #tpu.memory_space<hbm>> -> memref<64xi32, #tpu.memory_space<hbm>>
            %dma_wait3A_957 = tpu.memref_slice %arg6[%multiple_of3A_923] : memref<32768xi32, #tpu.memory_space<hbm>> -> memref<64xi32, #tpu.memory_space<hbm>>
            tpu.wait_dma2 semaphore(%arg33 : memref<!tpu.dma_semaphore, #tpu.memory_space<semaphore_mem>>) src(%arg31 : memref<64xi32, #tpu.memory_space<vmem>>) dst(%dma_wait3A_957 : memref<64xi32, #tpu.memory_space<hbm>>)
          } else {
          }
        } else {
        }
        %and3A_931 = arith.constant 1 : i32
        %and3A_932 = arith.andi %while3A_919, %and3A_931 : i32
        %eq3A_933 = arith.constant 1 : i32
        %eq3A_934 = arith.cmpi eq, %and3A_932, %eq3A_933 : i32
        %convert_element_type3A_935 = arith.extui %eq3A_934 : i1 to i32
        %cond3A_936 = arith.constant 0 : i32
        %cond3A_937 = arith.cmpi ne, %convert_element_type3A_935, %cond3A_936 : i32
        scf.if %cond3A_937 {
          %dma_wait3A = tpu.memref_slice %arg5[%multiple_of3A_923] : memref<2097152xf32, #tpu.memory_space<hbm>> -> memref<64xf32, #tpu.memory_space<hbm>>
          %dma_wait3A_938 = tpu.memref_slice %arg5[%multiple_of3A_923] : memref<2097152xf32, #tpu.memory_space<hbm>> -> memref<64xf32, #tpu.memory_space<hbm>>
          tpu.wait_dma2 semaphore(%arg33 : memref<!tpu.dma_semaphore, #tpu.memory_space<semaphore_mem>>) src(%arg23 : memref<64xf32, #tpu.memory_space<vmem>>) dst(%dma_wait3A_938 : memref<64xf32, #tpu.memory_space<hbm>>)
          %dma_wait3A_939 = tpu.memref_slice %arg5[%multiple_of3A_923] : memref<2097152xf32, #tpu.memory_space<hbm>> -> memref<64xf32, #tpu.memory_space<hbm>>
          %dma_wait3A_940 = tpu.memref_slice %arg5[%multiple_of3A_923] : memref<2097152xf32, #tpu.memory_space<hbm>> -> memref<64xf32, #tpu.memory_space<hbm>>
          tpu.wait_dma2 semaphore(%arg33 : memref<!tpu.dma_semaphore, #tpu.memory_space<semaphore_mem>>) src(%arg24 : memref<64xf32, #tpu.memory_space<vmem>>) dst(%dma_wait3A_940 : memref<64xf32, #tpu.memory_space<hbm>>)
          %dma_wait3A_941 = tpu.memref_slice %arg5[%multiple_of3A_923] : memref<2097152xf32, #tpu.memory_space<hbm>> -> memref<64xf32, #tpu.memory_space<hbm>>
          %dma_wait3A_942 = tpu.memref_slice %arg5[%multiple_of3A_923] : memref<2097152xf32, #tpu.memory_space<hbm>> -> memref<64xf32, #tpu.memory_space<hbm>>
          tpu.wait_dma2 semaphore(%arg33 : memref<!tpu.dma_semaphore, #tpu.memory_space<semaphore_mem>>) src(%arg25 : memref<64xf32, #tpu.memory_space<vmem>>) dst(%dma_wait3A_942 : memref<64xf32, #tpu.memory_space<hbm>>)
          %dma_wait3A_943 = tpu.memref_slice %arg5[%multiple_of3A_923] : memref<2097152xf32, #tpu.memory_space<hbm>> -> memref<64xf32, #tpu.memory_space<hbm>>
          %dma_wait3A_944 = tpu.memref_slice %arg5[%multiple_of3A_923] : memref<2097152xf32, #tpu.memory_space<hbm>> -> memref<64xf32, #tpu.memory_space<hbm>>
          tpu.wait_dma2 semaphore(%arg33 : memref<!tpu.dma_semaphore, #tpu.memory_space<semaphore_mem>>) src(%arg26 : memref<64xf32, #tpu.memory_space<vmem>>) dst(%dma_wait3A_944 : memref<64xf32, #tpu.memory_space<hbm>>)
          %dma_wait3A_945 = tpu.memref_slice %arg5[%multiple_of3A_923] : memref<2097152xf32, #tpu.memory_space<hbm>> -> memref<64xf32, #tpu.memory_space<hbm>>
          %dma_wait3A_946 = tpu.memref_slice %arg5[%multiple_of3A_923] : memref<2097152xf32, #tpu.memory_space<hbm>> -> memref<64xf32, #tpu.memory_space<hbm>>
          tpu.wait_dma2 semaphore(%arg33 : memref<!tpu.dma_semaphore, #tpu.memory_space<semaphore_mem>>) src(%arg27 : memref<64xf32, #tpu.memory_space<vmem>>) dst(%dma_wait3A_946 : memref<64xf32, #tpu.memory_space<hbm>>)
          %dma_wait3A_947 = tpu.memref_slice %arg5[%multiple_of3A_923] : memref<2097152xf32, #tpu.memory_space<hbm>> -> memref<64xf32, #tpu.memory_space<hbm>>
          %dma_wait3A_948 = tpu.memref_slice %arg5[%multiple_of3A_923] : memref<2097152xf32, #tpu.memory_space<hbm>> -> memref<64xf32, #tpu.memory_space<hbm>>
          tpu.wait_dma2 semaphore(%arg33 : memref<!tpu.dma_semaphore, #tpu.memory_space<semaphore_mem>>) src(%arg28 : memref<64xf32, #tpu.memory_space<vmem>>) dst(%dma_wait3A_948 : memref<64xf32, #tpu.memory_space<hbm>>)
          %dma_wait3A_949 = tpu.memref_slice %arg5[%multiple_of3A_923] : memref<2097152xf32, #tpu.memory_space<hbm>> -> memref<64xf32, #tpu.memory_space<hbm>>
          %dma_wait3A_950 = tpu.memref_slice %arg5[%multiple_of3A_923] : memref<2097152xf32, #tpu.memory_space<hbm>> -> memref<64xf32, #tpu.memory_space<hbm>>
          tpu.wait_dma2 semaphore(%arg33 : memref<!tpu.dma_semaphore, #tpu.memory_space<semaphore_mem>>) src(%arg29 : memref<64xf32, #tpu.memory_space<vmem>>) dst(%dma_wait3A_950 : memref<64xf32, #tpu.memory_space<hbm>>)
          %dma_wait3A_951 = tpu.memref_slice %arg5[%multiple_of3A_923] : memref<2097152xf32, #tpu.memory_space<hbm>> -> memref<64xf32, #tpu.memory_space<hbm>>
          %dma_wait3A_952 = tpu.memref_slice %arg5[%multiple_of3A_923] : memref<2097152xf32, #tpu.memory_space<hbm>> -> memref<64xf32, #tpu.memory_space<hbm>>
          tpu.wait_dma2 semaphore(%arg33 : memref<!tpu.dma_semaphore, #tpu.memory_space<semaphore_mem>>) src(%arg30 : memref<64xf32, #tpu.memory_space<vmem>>) dst(%dma_wait3A_952 : memref<64xf32, #tpu.memory_space<hbm>>)
          %convert_element_type3A_953 = arith.extui %lt3A_895 : i1 to i32
          %cond3A_954 = arith.constant 0 : i32
          %cond3A_955 = arith.cmpi ne, %convert_element_type3A_953, %cond3A_954 : i32
          scf.if %cond3A_955 {
            %dma_wait3A_956 = tpu.memref_slice %arg6[%multiple_of3A_923] : memref<32768xi32, #tpu.memory_space<hbm>> -> memref<64xi32, #tpu.memory_space<hbm>>
            %dma_wait3A_957 = tpu.memref_slice %arg6[%multiple_of3A_923] : memref<32768xi32, #tpu.memory_space<hbm>> -> memref<64xi32, #tpu.memory_space<hbm>>
            tpu.wait_dma2 semaphore(%arg33 : memref<!tpu.dma_semaphore, #tpu.memory_space<semaphore_mem>>) src(%arg32 : memref<64xi32, #tpu.memory_space<vmem>>) dst(%dma_wait3A_957 : memref<64xi32, #tpu.memory_space<hbm>>)
          } else {
          }
        } else {
        }
      }
      %while3A_918 = arith.constant 1 : i32
      scf.for %while3A_919 = %while3A_916 to %while3A_912 step %while3A_918  : i32 {
        %mul3A_920 = arith.constant 64 : i32
        %mul3A_921 = arith.muli %while3A_919, %mul3A_920 : i32
        %add3A_922 = arith.addi %multiple_of3A_885, %mul3A_921 : i32
        %multiple_of3A_923 = tpu.assume_multiple %add3A_922, 64 : i32
        %and3A_924 = arith.constant 1 : i32
        %and3A_925 = arith.andi %while3A_919, %and3A_924 : i32
        %eq3A_926 = arith.constant 0 : i32
        %eq3A_927 = arith.cmpi eq, %and3A_925, %eq3A_926 : i32
        %convert_element_type3A_928 = arith.extui %eq3A_927 : i1 to i32
        %cond3A_929 = arith.constant 0 : i32
        %cond3A_930 = arith.cmpi ne, %convert_element_type3A_928, %cond3A_929 : i32
        scf.if %cond3A_930 {
          %dma_wait3A = tpu.memref_slice %arg5[%multiple_of3A_923] : memref<2097152xf32, #tpu.memory_space<hbm>> -> memref<64xf32, #tpu.memory_space<hbm>>
          %dma_wait3A_938 = tpu.memref_slice %arg5[%multiple_of3A_923] : memref<2097152xf32, #tpu.memory_space<hbm>> -> memref<64xf32, #tpu.memory_space<hbm>>
          tpu.wait_dma2 semaphore(%arg33 : memref<!tpu.dma_semaphore, #tpu.memory_space<semaphore_mem>>) src(%arg15 : memref<64xf32, #tpu.memory_space<vmem>>) dst(%dma_wait3A_938 : memref<64xf32, #tpu.memory_space<hbm>>)
          %dma_wait3A_939 = tpu.memref_slice %arg5[%multiple_of3A_923] : memref<2097152xf32, #tpu.memory_space<hbm>> -> memref<64xf32, #tpu.memory_space<hbm>>
          %dma_wait3A_940 = tpu.memref_slice %arg5[%multiple_of3A_923] : memref<2097152xf32, #tpu.memory_space<hbm>> -> memref<64xf32, #tpu.memory_space<hbm>>
          tpu.wait_dma2 semaphore(%arg33 : memref<!tpu.dma_semaphore, #tpu.memory_space<semaphore_mem>>) src(%arg16 : memref<64xf32, #tpu.memory_space<vmem>>) dst(%dma_wait3A_940 : memref<64xf32, #tpu.memory_space<hbm>>)
          %dma_wait3A_941 = tpu.memref_slice %arg5[%multiple_of3A_923] : memref<2097152xf32, #tpu.memory_space<hbm>> -> memref<64xf32, #tpu.memory_space<hbm>>
          %dma_wait3A_942 = tpu.memref_slice %arg5[%multiple_of3A_923] : memref<2097152xf32, #tpu.memory_space<hbm>> -> memref<64xf32, #tpu.memory_space<hbm>>
          tpu.wait_dma2 semaphore(%arg33 : memref<!tpu.dma_semaphore, #tpu.memory_space<semaphore_mem>>) src(%arg17 : memref<64xf32, #tpu.memory_space<vmem>>) dst(%dma_wait3A_942 : memref<64xf32, #tpu.memory_space<hbm>>)
          %dma_wait3A_943 = tpu.memref_slice %arg5[%multiple_of3A_923] : memref<2097152xf32, #tpu.memory_space<hbm>> -> memref<64xf32, #tpu.memory_space<hbm>>
          %dma_wait3A_944 = tpu.memref_slice %arg5[%multiple_of3A_923] : memref<2097152xf32, #tpu.memory_space<hbm>> -> memref<64xf32, #tpu.memory_space<hbm>>
          tpu.wait_dma2 semaphore(%arg33 : memref<!tpu.dma_semaphore, #tpu.memory_space<semaphore_mem>>) src(%arg18 : memref<64xf32, #tpu.memory_space<vmem>>) dst(%dma_wait3A_944 : memref<64xf32, #tpu.memory_space<hbm>>)
          %dma_wait3A_945 = tpu.memref_slice %arg5[%multiple_of3A_923] : memref<2097152xf32, #tpu.memory_space<hbm>> -> memref<64xf32, #tpu.memory_space<hbm>>
          %dma_wait3A_946 = tpu.memref_slice %arg5[%multiple_of3A_923] : memref<2097152xf32, #tpu.memory_space<hbm>> -> memref<64xf32, #tpu.memory_space<hbm>>
          tpu.wait_dma2 semaphore(%arg33 : memref<!tpu.dma_semaphore, #tpu.memory_space<semaphore_mem>>) src(%arg19 : memref<64xf32, #tpu.memory_space<vmem>>) dst(%dma_wait3A_946 : memref<64xf32, #tpu.memory_space<hbm>>)
          %dma_wait3A_947 = tpu.memref_slice %arg5[%multiple_of3A_923] : memref<2097152xf32, #tpu.memory_space<hbm>> -> memref<64xf32, #tpu.memory_space<hbm>>
          %dma_wait3A_948 = tpu.memref_slice %arg5[%multiple_of3A_923] : memref<2097152xf32, #tpu.memory_space<hbm>> -> memref<64xf32, #tpu.memory_space<hbm>>
          tpu.wait_dma2 semaphore(%arg33 : memref<!tpu.dma_semaphore, #tpu.memory_space<semaphore_mem>>) src(%arg20 : memref<64xf32, #tpu.memory_space<vmem>>) dst(%dma_wait3A_948 : memref<64xf32, #tpu.memory_space<hbm>>)
          %dma_wait3A_949 = tpu.memref_slice %arg5[%multiple_of3A_923] : memref<2097152xf32, #tpu.memory_space<hbm>> -> memref<64xf32, #tpu.memory_space<hbm>>
          %dma_wait3A_950 = tpu.memref_slice %arg5[%multiple_of3A_923] : memref<2097152xf32, #tpu.memory_space<hbm>> -> memref<64xf32, #tpu.memory_space<hbm>>
          tpu.wait_dma2 semaphore(%arg33 : memref<!tpu.dma_semaphore, #tpu.memory_space<semaphore_mem>>) src(%arg21 : memref<64xf32, #tpu.memory_space<vmem>>) dst(%dma_wait3A_950 : memref<64xf32, #tpu.memory_space<hbm>>)
          %dma_wait3A_951 = tpu.memref_slice %arg5[%multiple_of3A_923] : memref<2097152xf32, #tpu.memory_space<hbm>> -> memref<64xf32, #tpu.memory_space<hbm>>
          %dma_wait3A_952 = tpu.memref_slice %arg5[%multiple_of3A_923] : memref<2097152xf32, #tpu.memory_space<hbm>> -> memref<64xf32, #tpu.memory_space<hbm>>
          tpu.wait_dma2 semaphore(%arg33 : memref<!tpu.dma_semaphore, #tpu.memory_space<semaphore_mem>>) src(%arg22 : memref<64xf32, #tpu.memory_space<vmem>>) dst(%dma_wait3A_952 : memref<64xf32, #tpu.memory_space<hbm>>)
          %convert_element_type3A_953 = arith.extui %lt3A_895 : i1 to i32
          %cond3A_954 = arith.constant 0 : i32
          %cond3A_955 = arith.cmpi ne, %convert_element_type3A_953, %cond3A_954 : i32
          scf.if %cond3A_955 {
            %dma_wait3A_956 = tpu.memref_slice %arg6[%multiple_of3A_923] : memref<32768xi32, #tpu.memory_space<hbm>> -> memref<64xi32, #tpu.memory_space<hbm>>
            %dma_wait3A_957 = tpu.memref_slice %arg6[%multiple_of3A_923] : memref<32768xi32, #tpu.memory_space<hbm>> -> memref<64xi32, #tpu.memory_space<hbm>>
            tpu.wait_dma2 semaphore(%arg33 : memref<!tpu.dma_semaphore, #tpu.memory_space<semaphore_mem>>) src(%arg31 : memref<64xi32, #tpu.memory_space<vmem>>) dst(%dma_wait3A_957 : memref<64xi32, #tpu.memory_space<hbm>>)
          } else {
          }
        } else {
        }
        %and3A_931 = arith.constant 1 : i32
        %and3A_932 = arith.andi %while3A_919, %and3A_931 : i32
        %eq3A_933 = arith.constant 1 : i32
        %eq3A_934 = arith.cmpi eq, %and3A_932, %eq3A_933 : i32
        %convert_element_type3A_935 = arith.extui %eq3A_934 : i1 to i32
        %cond3A_936 = arith.constant 0 : i32
        %cond3A_937 = arith.cmpi ne, %convert_element_type3A_935, %cond3A_936 : i32
        scf.if %cond3A_937 {
          %dma_wait3A = tpu.memref_slice %arg5[%multiple_of3A_923] : memref<2097152xf32, #tpu.memory_space<hbm>> -> memref<64xf32, #tpu.memory_space<hbm>>
          %dma_wait3A_938 = tpu.memref_slice %arg5[%multiple_of3A_923] : memref<2097152xf32, #tpu.memory_space<hbm>> -> memref<64xf32, #tpu.memory_space<hbm>>
          tpu.wait_dma2 semaphore(%arg33 : memref<!tpu.dma_semaphore, #tpu.memory_space<semaphore_mem>>) src(%arg23 : memref<64xf32, #tpu.memory_space<vmem>>) dst(%dma_wait3A_938 : memref<64xf32, #tpu.memory_space<hbm>>)
          %dma_wait3A_939 = tpu.memref_slice %arg5[%multiple_of3A_923] : memref<2097152xf32, #tpu.memory_space<hbm>> -> memref<64xf32, #tpu.memory_space<hbm>>
          %dma_wait3A_940 = tpu.memref_slice %arg5[%multiple_of3A_923] : memref<2097152xf32, #tpu.memory_space<hbm>> -> memref<64xf32, #tpu.memory_space<hbm>>
          tpu.wait_dma2 semaphore(%arg33 : memref<!tpu.dma_semaphore, #tpu.memory_space<semaphore_mem>>) src(%arg24 : memref<64xf32, #tpu.memory_space<vmem>>) dst(%dma_wait3A_940 : memref<64xf32, #tpu.memory_space<hbm>>)
          %dma_wait3A_941 = tpu.memref_slice %arg5[%multiple_of3A_923] : memref<2097152xf32, #tpu.memory_space<hbm>> -> memref<64xf32, #tpu.memory_space<hbm>>
          %dma_wait3A_942 = tpu.memref_slice %arg5[%multiple_of3A_923] : memref<2097152xf32, #tpu.memory_space<hbm>> -> memref<64xf32, #tpu.memory_space<hbm>>
          tpu.wait_dma2 semaphore(%arg33 : memref<!tpu.dma_semaphore, #tpu.memory_space<semaphore_mem>>) src(%arg25 : memref<64xf32, #tpu.memory_space<vmem>>) dst(%dma_wait3A_942 : memref<64xf32, #tpu.memory_space<hbm>>)
          %dma_wait3A_943 = tpu.memref_slice %arg5[%multiple_of3A_923] : memref<2097152xf32, #tpu.memory_space<hbm>> -> memref<64xf32, #tpu.memory_space<hbm>>
          %dma_wait3A_944 = tpu.memref_slice %arg5[%multiple_of3A_923] : memref<2097152xf32, #tpu.memory_space<hbm>> -> memref<64xf32, #tpu.memory_space<hbm>>
          tpu.wait_dma2 semaphore(%arg33 : memref<!tpu.dma_semaphore, #tpu.memory_space<semaphore_mem>>) src(%arg26 : memref<64xf32, #tpu.memory_space<vmem>>) dst(%dma_wait3A_944 : memref<64xf32, #tpu.memory_space<hbm>>)
          %dma_wait3A_945 = tpu.memref_slice %arg5[%multiple_of3A_923] : memref<2097152xf32, #tpu.memory_space<hbm>> -> memref<64xf32, #tpu.memory_space<hbm>>
          %dma_wait3A_946 = tpu.memref_slice %arg5[%multiple_of3A_923] : memref<2097152xf32, #tpu.memory_space<hbm>> -> memref<64xf32, #tpu.memory_space<hbm>>
          tpu.wait_dma2 semaphore(%arg33 : memref<!tpu.dma_semaphore, #tpu.memory_space<semaphore_mem>>) src(%arg27 : memref<64xf32, #tpu.memory_space<vmem>>) dst(%dma_wait3A_946 : memref<64xf32, #tpu.memory_space<hbm>>)
          %dma_wait3A_947 = tpu.memref_slice %arg5[%multiple_of3A_923] : memref<2097152xf32, #tpu.memory_space<hbm>> -> memref<64xf32, #tpu.memory_space<hbm>>
          %dma_wait3A_948 = tpu.memref_slice %arg5[%multiple_of3A_923] : memref<2097152xf32, #tpu.memory_space<hbm>> -> memref<64xf32, #tpu.memory_space<hbm>>
          tpu.wait_dma2 semaphore(%arg33 : memref<!tpu.dma_semaphore, #tpu.memory_space<semaphore_mem>>) src(%arg28 : memref<64xf32, #tpu.memory_space<vmem>>) dst(%dma_wait3A_948 : memref<64xf32, #tpu.memory_space<hbm>>)
          %dma_wait3A_949 = tpu.memref_slice %arg5[%multiple_of3A_923] : memref<2097152xf32, #tpu.memory_space<hbm>> -> memref<64xf32, #tpu.memory_space<hbm>>
          %dma_wait3A_950 = tpu.memref_slice %arg5[%multiple_of3A_923] : memref<2097152xf32, #tpu.memory_space<hbm>> -> memref<64xf32, #tpu.memory_space<hbm>>
          tpu.wait_dma2 semaphore(%arg33 : memref<!tpu.dma_semaphore, #tpu.memory_space<semaphore_mem>>) src(%arg29 : memref<64xf32, #tpu.memory_space<vmem>>) dst(%dma_wait3A_950 : memref<64xf32, #tpu.memory_space<hbm>>)
          %dma_wait3A_951 = tpu.memref_slice %arg5[%multiple_of3A_923] : memref<2097152xf32, #tpu.memory_space<hbm>> -> memref<64xf32, #tpu.memory_space<hbm>>
          %dma_wait3A_952 = tpu.memref_slice %arg5[%multiple_of3A_923] : memref<2097152xf32, #tpu.memory_space<hbm>> -> memref<64xf32, #tpu.memory_space<hbm>>
          tpu.wait_dma2 semaphore(%arg33 : memref<!tpu.dma_semaphore, #tpu.memory_space<semaphore_mem>>) src(%arg30 : memref<64xf32, #tpu.memory_space<vmem>>) dst(%dma_wait3A_952 : memref<64xf32, #tpu.memory_space<hbm>>)
          %convert_element_type3A_953 = arith.extui %lt3A_895 : i1 to i32
          %cond3A_954 = arith.constant 0 : i32
          %cond3A_955 = arith.cmpi ne, %convert_element_type3A_953, %cond3A_954 : i32
          scf.if %cond3A_955 {
            %dma_wait3A_956 = tpu.memref_slice %arg6[%multiple_of3A_923] : memref<32768xi32, #tpu.memory_space<hbm>> -> memref<64xi32, #tpu.memory_space<hbm>>
            %dma_wait3A_957 = tpu.memref_slice %arg6[%multiple_of3A_923] : memref<32768xi32, #tpu.memory_space<hbm>> -> memref<64xi32, #tpu.memory_space<hbm>>
            tpu.wait_dma2 semaphore(%arg33 : memref<!tpu.dma_semaphore, #tpu.memory_space<semaphore_mem>>) src(%arg32 : memref<64xi32, #tpu.memory_space<vmem>>) dst(%dma_wait3A_957 : memref<64xi32, #tpu.memory_space<hbm>>)
          } else {
          }
        } else {
        }
      }
    }
    %scan3A_807 = arith.constant 64 : i32
    return
  }
}

</mosaic_0001>

<sc_bundles>
// kernel: gather_offload_async_start
scs
__scs_entry_jumppad:
0x0: {  	(pc) =	sbr.rel $0x88, $3  }
0x1: {  	(tag) =	ssettag $0x0;
	lr =	simm.s32 $0x1  }
0x2: {  	[smem:$0x3F9F] =	sst lr;
	_ =	strace $0xD0000000  }
0x3: {  	_ = 	snop  }
0x4: {  	_ = 	snop  }
0x5: {  	_ = 	snop  }
0x6: {  	_ = 	snop  }
0x7: {  	_ = 	snop  }
__scs_overlays_trampoline_lowered:
0x8: {  	[smem:$0x3FAE] =	sst s0  }
0x9: {  	[smem:$0x3FAF] =	sst s1  }
0xa: {  	[smem:$0x3FB0] =	sst s2  }
0xb: {  	[smem:$0x3FB1] =	sst s3  }
0xc: {  	[smem:$0x3FB2] =	sst s4  }
0xd: {  	[smem:$0x3FB3] =	sst s5  }
0xe: {  	[smem:$0x3FB4] =	sst s6  }
0xf: {  	[smem:$0x3FB5] =	sst s7  }
0x10: {  	[smem:$0x3FB6] =	sst s8  }
0x11: {  	[smem:$0x3FB7] =	sst s9;
	s0 =	simm.s32 @!p0 $0x0  }
0x12: {  	s1 =	sld [smem:$0x3F9D];
	s0 =	simm.s32 @p0 $0x1  }
0x13: {  	[smem:$0x3FB8] =	sst s0;
	s0 =	simm.s32 @!p1 $0x0  }
0x14: {  	s2 =	sld [smem:$0x3F9C];
	s0 =	simm.s32 @p1 $0x1  }
0x15: {  	[smem:$0x3FB9] =	sst s0;
	s0 =	simm.s32 @!p2 $0x0  }
0x16: {  	s3 =	sld [smem:$0x3FDB];
	s0 =	simm.s32 @p2 $0x1  }
0x17: {  	s4 =	simm.s32 $0x1BF5;
	[smem:$0x3FBB] =	sst s0  }
0x18: {  	s0 =	sld [smem:$0x3F9E];
	_ =	swait.ge [sflag:s4], $0x0  }
0x19: {  	s7 =	sld [smem:$0x3F9F]  }
0x1a: {  	s8 =	sadd.s32 $0xFFFFE003, lr  }
0x1b: {  	s9 =	sadd.s32 $0xFFFFFEF7, lr;
	s5 =	simm.s32 $0xFFFFFFFF;
	p2 =	slt.u32 s8, $0xFFFFF086  }
0x1c: {  	p1 =	slt.u32 s9, $0xF7A;
	s5 =	simm.s32 @!p2 $0x0  }
0x1d: {  	s5 =	simm.s32 @p1 $0x1;
	p0 =	seq.s32 s7, s2  }
0x1e: {  	s7 =	smul.u32 @!p0 $0xF7A, s2;
	p2 =	seq.s32 @!p0 s5, $0x0  }
0x1f: {  	s9 =	smul.u32 $0xF7A, s1;
	s8 =	simm.s32 @!p0 $0x1BF5;
	p2 =	por !p2, p0  }
0x20: {  	[sflag:s8] =	ssyncset.s32 @!p0 $0xFFFFF086;
	s6 =	sadd.s32 @!p0 s3, s7;
	s7 =	simm.s32 @!p0 $0x108  }
0x21: {  	s3 =	sadd.s32 s3, s9;
	s6 =	sadd.s32 @!p0 $0x88, s6;
	s7 =	simm.s32 @p2 $0x1082  }
0x22: {  	[simem:s7], [sflag:s8] =	dma.local @!p0 [hbm:s6], $0xF7A  }
0x23: {  	s9 =	sor.u32 $0xD0000000, s2;
	s6 =	simm.s32 $0x108;
	_ =	swait.ge @!p0 [sflag:s8], $0x0  }
0x24: {  	s3 =	sadd.s32 $0x88, s3;
	s6 =	simm.s32 @!p1 $0x1082;
	[sflag:s4] =	ssyncset.s32 $0xFFFFF086  }
0x25: {  	[simem:s6], [sflag:s4] =	dma.local [hbm:s3], $0xF7A  }
0x26: {  	[smem:$0x3F9F] =	sst s1;
	(tag) =	ssettag s2;
	_ =	strace s9  }
0x27: {  	s1 =	sld [smem:$0x3FAF]  }
0x28: {  	s2 =	sld [smem:$0x3FB0]  }
0x29: {  	s4 =	sld [smem:$0x3FB2]  }
0x2a: {  	p0 =	seq.s32 s5, $0x0;
	s5 =	sld [smem:$0x3FB3]  }
0x2b: {  	s6 =	sld [smem:$0x3FB4]  }
0x2c: {  	s7 =	sld [smem:$0x3FB5]  }
0x2d: {  	s3 =	simm.s32 $0x108;
	s8 =	sld [smem:$0x3FB6]  }
0x2e: {  	s3 =	simm.s32 @!p0 $0x1082;
	s9 =	sld [smem:$0x3FB7]  }
0x2f: {  	lr =	sadd.s32 s0, s3;
	s0 =	sld [smem:$0x3FAE]  }
0x30: {  	s3 =	sld [smem:$0x3FB1]  }
0x31: {  	[smem:$0x3FBA] =	sst s10  }
0x32: {  	s10 =	sld [smem:$0x3FB8];
	_ =	sdelay $0x3  }
0x33: {  	p0 =	seq.s32 s10, $0x1;
	s10 =	sld [smem:$0x3FBA];
	_ =	sdelay $0x3  }
0x34: {  	[smem:$0x3FBA] =	sst s10  }
0x35: {  	s10 =	sld [smem:$0x3FB9];
	_ =	sdelay $0x3  }
0x36: {  	p1 =	seq.s32 s10, $0x1;
	s10 =	sld [smem:$0x3FBA];
	_ =	sdelay $0x3  }
0x37: {  	[smem:$0x3FBA] =	sst s10  }
0x38: {  	s10 =	sld [smem:$0x3FBB]  }
0x39: {  	_ = 	snop;
	(pc) =	sbr.ind lr, $3  }
0x3a: {  	_ = 	snop  }
0x3b: {  	_ = 	snop  }
0x3c: {  	p2 =	seq.s32 s10, $0x1;
	s10 =	sld [smem:$0x3FBA]  }
0x3d: {  	_ =	shalt  }
0x3e: {  	_ =	shalt  }
0x3f: {  	_ =	shalt  }
0x40: {  	_ =	shalt  }
0x41: {  	_ =	shalt  }
0x42: {  	_ =	shalt  }
0x43: {  	_ =	shalt  }
0x44: {  	_ =	shalt  }
0x45: {  	_ =	shalt  }
0x46: {  	_ =	shalt  }
0x47: {  	_ =	shalt  }
0x48: {  	_ =	shalt  }
0x49: {  	_ =	shalt  }
0x4a: {  	_ =	shalt  }
0x4b: {  	_ =	shalt  }
0x4c: {  	_ =	shalt  }
0x4d: {  	_ =	shalt  }
0x4e: {  	_ =	shalt  }
0x4f: {  	_ =	shalt  }
0x50: {  	_ =	shalt  }
0x51: {  	_ =	shalt  }
0x52: {  	_ =	shalt  }
0x53: {  	_ =	shalt  }
0x54: {  	_ =	shalt  }
0x55: {  	_ =	shalt  }
0x56: {  	_ =	shalt  }
0x57: {  	_ =	shalt  }
0x58: {  	_ =	shalt  }
0x59: {  	_ =	shalt  }
0x5a: {  	_ =	shalt  }
0x5b: {  	_ =	shalt  }
0x5c: {  	_ =	shalt  }
0x5d: {  	_ =	shalt  }
0x5e: {  	_ =	shalt  }
0x5f: {  	_ =	shalt  }
0x60: {  	_ =	shalt  }
0x61: {  	_ =	shalt  }
0x62: {  	_ =	shalt  }
0x63: {  	_ =	shalt  }
0x64: {  	_ =	shalt  }
0x65: {  	_ =	shalt  }
0x66: {  	_ =	shalt  }
0x67: {  	_ =	shalt  }
0x68: {  	_ =	shalt  }
0x69: {  	_ =	shalt  }
0x6a: {  	_ =	shalt  }
0x6b: {  	_ =	shalt  }
0x6c: {  	_ =	shalt  }
0x6d: {  	_ =	shalt  }
0x6e: {  	_ =	shalt  }
0x6f: {  	_ =	shalt  }
0x70: {  	_ =	shalt  }
0x71: {  	_ =	shalt  }
0x72: {  	_ =	shalt  }
0x73: {  	_ =	shalt  }
0x74: {  	_ =	shalt  }
0x75: {  	_ =	shalt  }
0x76: {  	_ =	shalt  }
0x77: {  	_ =	shalt  }
0x78: {  	_ =	shalt  }
0x79: {  	_ =	shalt  }
0x7a: {  	_ =	shalt  }
0x7b: {  	_ =	shalt  }
0x7c: {  	_ =	shalt  }
0x7d: {  	_ =	shalt  }
0x7e: {  	_ =	shalt  }
0x7f: {  	_ =	shalt  }
0x80: {  	_ =	shalt  }
0x81: {  	_ =	shalt  }
0x82: {  	_ =	shalt  }
0x83: {  	_ =	shalt  }
0x84: {  	_ =	shalt  }
0x85: {  	_ =	shalt  }
0x86: {  	_ =	shalt  }
0x87: {  	_ =	shalt  }
.Lfunc_end0:
.L_simem_size_0:
called_computation.1_lowered:
.L_overlay_start_0:
0x88: {  	s2 =	sld [smem:$0x3FD9]  }
0x89: {  	s3 =	sld [smem:$0x3FFE];
	_ =	sdelay $0x1  }
0x8a: {  	s1 =	srdreg.scid  }
0x8b: {  	s0 =	sand.u32 $0x1, s1  }
0x8c: {  	s16 =	sshll.u32 s0, $0xA;
	s2 =	sadd.s32 s3, s2  }
0x8d: {  	s2 =	sadd.s32 s2, s16  }
0x8e: {  	[smem:$0x3FC6] =	sst s2  }
0x8f: {  	_ = 	snop  }
0x90: {  	(tm) =	ssettm $0x1  }
0x91: {  	s17 =	sld [smem:$0x3FFB];
	_ =	sdelay $0x3  }
0x92: {  	_ =	strace s17  }
0x93: {  	s2 =	sld [smem:$0x3FFC];
	_ =	sdelay $0x3  }
0x94: {  	_ =	strace s2  }
0x95: {  	s2 =	sld [smem:$0x3FFD];
	_ =	sdelay $0x3  }
0x96: {  	_ =	strace s2  }
0x97: {  	_ =	strace $0x8FFFFFFF  }
0x98: {  	s18 =	sld [smem:$0x3FDB];
	_ =	sdelay $0x1  }
0x99: {  	s19 =	simm.s32 $_scs_section_size  }
0x9a: {  	s4 =	simm.s32 $_size__tile_overlayer_lowered;
	s5 =	simm.s32 $_tile_overlayer_lowered  }
0x9b: {  	s22 =	simm.s32 $0x1BFF;
	s21 =	sshll.u32 s5, $0x1;
	s2 =	sadd.s32 s19, s18  }
0x9c: {  	s6 =	simm.s32 $0x0;
	s20 =	sshll.u32 s4, $0x1;
	s4 =	sadd.s32 s21, s2  }
0x9d: {  	[timem:s6], [sflag:s22] =	dma.local [hbm:s4], s20  }
0x9e: {  	_ =	swait.ge [sflag:s22], s20  }
0x9f: {  	s3 =	ssub.s32 $0x0, s20;
	[sflag:s22] =	ssyncset.done $0x0  }
0xa0: {  	[sflag:s22] =	ssyncadd.s32 s3;
	_ =	sdelay $0x1  }
0xa1: {  	s23 =	simm.s32 $0x1B8B  }
0xa2: {  	_ =	swait.ge [sflag:s23], $0x1  }
0xa3: {  	[sflag:s23] =	ssyncset.done $0x0  }
0xa4: {  	s25 =	simm.s32 $0x1B8E;
	s24 =	sld [smem:$0x3FFE];
	[sflag:s23] =	ssyncadd.s32 $0xFFFFFFFF  }
0xa5: {  	s26 =	simm.s32 $execute0_lowered;
	[smem:$0x3FD2] =	sst s25  }
0xa6: {  	s4 =	sshll.u32 s26, $0x1;
	_ =	strace $0x8000004C;
	[dreg:$0x1] =	wrdreg $0xFFFFFFFF  }
0xa7: {  	s28 =	simm.s32 $_size_execute0_lowered;
	s2 =	sadd.s32 s2, s4;
	[dreg:$0x0] =	wrdreg $0x0  }
0xa8: {  	s4 =	sshll.u32 s28, $0x1;
	[dreg:$0x2] =	wrdreg s2  }
0xa9: {  	[dreg:$0x3] =	wrdreg s4  }
0xaa: {  	[dreg:$0x4] =	wrdreg $0xC0  }
0xab: {  	_ =	task [dreg:s6], $0x5FFFF  }
0xac: {  	[dreg:$0x1] =	wrdreg $0xFFFFFFFF  }
0xad: {  	[dreg:$0x0] =	wrdreg $0x60  }
0xae: {  	[dreg:$0x2] =	wrdreg s24  }
0xaf: {  	[dreg:$0x3] =	wrdreg $0x9  }
0xb0: {  	_ =	task.clear_ibuf [dreg:s6], $0x4FFFF;
	_ =	strace $0x9000004C  }
0xb1: {  	s29 =	simm.s32 $0x9;
	_ =	strace $0x8000004E  }
0xb2: {  	_ =	swait.ge [sflag:s29], $0x1  }
0xb3: {  	[sflag:s29] =	ssyncadd.s32 $0xFFFFFFFF  }
0xb4: {  	_ =	strace $0x9000004E  }
0xb5: {  	_ =	sfence  }
0xb6: {  	s30 =	sld [smem:$0x0];
	_ =	sdelay $0x2  }
0xb7: {  	s31 =	sshll.u32 s1, $0xD;
	s1 =	sshrl.u32 s1, $0x2  }
0xb8: {  	s3 =	sand.u32 $0x4000, s31;
	s1 =	sadd.s32 s1, s30  }
0xb9: {  	s0 =	sor.u32 s3, s0;
	s1 =	sshll.u32 s1, $0x11  }
0xba: {  	s0 =	sor.u32 s1, s0  }
0xbb: {  	s0 =	sadd.s32 $0x8F2B, s0  }
0xbc: {  	[sflag:s0] =	ssyncadd.remote.s32 $0x1  }
0xbd: {  	_ =	sfence.sel $0xFFFF  }
0xbe: {  	[dreg:$0x0] =	wrdreg $0xFFFFFFFF;
	(pc) =	sbr.abs _section_cstart, $3  }
0xbf: {  	[dreg:$0x1] =	wrdreg $0xFFFFFFFF  }
0xc0: {  	_ =	task.clear_ibuf [dreg:s6], $0x2FFFF;
	_ =	strace $0x9FFFFFFF  }
0xc1: {  	(tm) =	ssettm $0x7FFFFFFF  }
tec
execute0_lowered:
.L_overlay_start_1:
0x0: {  	(tag) =	ssettag $0x1  }
0x1: {  	s7 =	rddreg [dreg:$0x0]  }
0x2: {  	s0 =	rddreg [dreg:$0x1];
	_ =	strace $0x8000004D  }
0x3: {  	s1 =	srdreg.scid;
	s4 =	simm.s32 $0x1;
	s9 =	simm.s32 $0x3  }
0x4: {  	s11 =	simm.s32 $0x0;
	p0 =	por $0x0, $0x0;
	s5 =	sshll.u32 s1, $0x4  }
.Ltmp0:
0x5: {  	s1 =	stileid.u32;
	s5 =	sand.u32 $0x10, s5;
	(pc) =	sbr.rel .LBB2_1-.Ltmp0, $4  }
0x6: {  	s2 =	sadd.s32 $0x1E00, s7;
	s3 =	sadd.s32 $0xE00, s7;
	s6 =	sor.u32 s1, s5  }
0x7: {  	[sflag:s4] =	ssyncpa.u1 $0x0;
	s5 =	simm.s32 $0x2;
	s6 =	sshll.u32 s6, $0x9  }
0x8: {  	s7 =	sadd.s32 $0x81E00, s7;
	[sflag:s5] =	ssyncpa.u1 $0x0;
	s8 =	sadd.s32 $0x200, s6  }
0x9: {  	vm0 =	vmmov $0xff;
	vm1 =	vcmask $0x3F20;
	[sflag:s9] =	ssyncpa.u1 $0x0;
	s10 =	smov.u32 s6;
	s9 =	simm.s32 $0x0  }
.LBB2_7:
0xa: {  	p1 =	slt.u32 s9, $0x2;
	s11 =	sadd.s32 $0x100, s10  }
0xb: {  	s13 =	smov.u32 s6;
	s9 =	sadd.s32 $0x1, s9;
	p2 =	slt.s32 s11, s8  }
0xc: {  	s13 =	smov.u32 @p2 s11;
	p2 =	sne.s32 s9, $0x4  }
.Ltmp1:
0xd: {  	_ = 	snop;
	(pc) =	sbr.rel @!p2 .LBB2_8-.Ltmp1, $4  }
0xe: {  	s12 =	simm.s32 @!p1 $0x3  }
0xf: {  	_ =	swait.ge @!p1 [sflag:s12], $0x8000  }
0x10: {  	p0 =	por !p0, !p0;
	[sflag:s12] =	ssyncset.done @!p1 $0x0  }
0x11: {  	s11 =	smov.u32 s10;
	s10 =	smov.u32 s13;
	[sflag:s12] =	ssyncadd.s32 @!p1 $0xFFFF8000  }
.LBB2_1:
0x12: {  	p1 =	sgt.u32 s9, $0x1  }
0x13: {  	s12 =	sshll.u32 @!p1 s9, $0x8;
	s13 =	sshrl.u32 @!p1 s10, $0x3  }
0x14: {  	s14 =	sand.u32 @!p1 $0x7, s10;
	s12 =	sxor.u32 @!p1 $0x100, s12;
	s13 =	sadd.s32 @!p1 s3, s13  }
0x15: {  	[tilespmem:s12], [sflag:$0x2] =	stream.linear.gather @!p1 [hbm4b:s13+s14], $0x100, $0x38;
	[tilespmem:$0x10200] =	vst v63  }
0x16: {  	p1 =	seq.s32 s9, $0x0  }
0x17: {  	p2 =	seq.s32 @!p1 s9, $0x3  }
0x18: {  	p1 =	por p1, p2  }
.Ltmp2:
0x19: {  	_ = 	snop;
	(pc) =	sbr.rel @p1 .LBB2_7-.Ltmp2, $1  }
0x1a: {  	_ =	sdelay $0x3  }
0x1b: {  	s12 =	simm.s32 $0x1  }
0x1c: {  	_ =	swait.ge [sflag:s5], $0x100;
	s12 =	simm.s32 @!p0 $0x0  }
0x1d: {  	[sflag:s5] =	ssyncset.done $0x0;
	s14 =	sshll.u32 s12, $0x8  }
0x1e: {  	[sflag:s5] =	ssyncadd.s32 $0xFFFFFF00;
	s13 =	sadd.s32 $0x0, s14  }
0x1f: {  	v0 =	vld.msk [tilespmem:s13+$0x0 ss:$0x1], $0xffff;
	_ =	sdelay $0x4  }
0x20: {  	vm2 =	vgt.s32 v0, $0x0  }
0x21: {  	v0 =	vnsel vm2, $0x0, v0  }
0x22: {  	v0 =	vmin.u32 v0, $0x7FFF  }
0x23: {  	v0 =	vshll.u32 v0, $0x4;
	_ =	sdelay $0x2  }
0x24: {  	s12 =	sshll.u32 s12, $0xF  }
0x25: {  	s12 =	sor.u32 $0x200, s12  }
0x26: {  	[tilespmem:s12], [sflag:$0x1] =	stream.indirect_vreg.gather [hbm:s2], $0x80, v0, vm0, $0x38;
	[tilespmem:$0x10200] =	vst v63  }
0x27: {  	s15 =	sadd.s32 $0x10, s14;
	s13 =	sadd.s32 $0x400, s12  }
0x28: {  	[tilespmem:s13], [sflag:$0x1] =	stream.indirect_vreg.gather [hbm:s2], $0x80, v0, vm1, $0x38;
	[tilespmem:$0x10200] =	vst v63  }
0x29: {  	s16 =	simm.s32 $0x80;
	v0 =	vld.msk [tilespmem:s15+$0x0 ss:$0x1], $0xffff;
	s15 =	smov.u32 s12  }
.LBB2_3:
0x2a: {  	p1 =	sne.s32 s16, $0x3C0;
	_ =	sdelay $0x4  }
0x2b: {  	vm2 =	vgt.s32 v0, $0x0  }
0x2c: {  	v0 =	vnsel vm2, $0x0, v0  }
0x2d: {  	v0 =	vmin.u32 v0, $0x7FFF  }
0x2e: {  	v0 =	vshll.u32 v0, $0x4;
	_ =	sdelay $0x3  }
.Ltmp3:
0x2f: {  	s17 =	sshra.s32 s16, $0x2;
	s15 =	sadd.s32 $0x800, s15;
	(pc) =	sbr.rel @p1 .LBB2_3-.Ltmp3, $4  }
0x30: {  	[tilespmem:s15], [sflag:$0x1] =	stream.indirect_vreg.gather [hbm:s2], $0x80, v0, vm0, $0x38;
	[tilespmem:$0x10200] =	vst v63  }
0x31: {  	s17 =	sadd.s32 s17, s14;
	s18 =	sadd.s32 $0x400, s15  }
0x32: {  	[tilespmem:s18], [sflag:$0x1] =	stream.indirect_vreg.gather [hbm:s2], $0x80, v0, vm1, $0x38;
	[tilespmem:$0x10200] =	vst v63  }
0x33: {  	s16 =	sadd.s32 $0x40, s16;
	v0 =	vld.msk [tilespmem:s17+$0x0 ss:$0x1], $0xffff  }
0x34: {  	_ =	sdelay $0x3  }
0x35: {  	vm2 =	vgt.s32 v0, $0x0  }
0x36: {  	v0 =	vnsel vm2, $0x0, v0  }
0x37: {  	v0 =	vmin.u32 v0, $0x7FFF  }
0x38: {  	v0 =	vshll.u32 v0, $0x4;
	_ =	sdelay $0x3  }
0x39: {  	s14 =	sadd.s32 $0x800, s15  }
0x3a: {  	[tilespmem:s14], [sflag:$0x1] =	stream.indirect_vreg.gather [hbm:s2], $0x80, v0, vm0, $0x38;
	[tilespmem:$0x10200] =	vst v63  }
0x3b: {  	s14 =	sadd.s32 $0x400, s14  }
0x3c: {  	[tilespmem:s14], [sflag:$0x1] =	stream.indirect_vreg.gather [hbm:s2], $0x80, v0, vm1, $0x38;
	[tilespmem:$0x10200] =	vst v63  }
0x3d: {  	s11 =	sshll.u32 s11, $0x4;
	_ =	swait.ge [sflag:s4], $0x8000  }
0x3e: {  	s11 =	sadd.s32 s11, s7;
	[sflag:s4] =	ssyncset.done $0x0  }
0x3f: {  	s15 =	sadd.s32 $0x0, s11;
	s14 =	simm.s32 $0x80;
	[sflag:s4] =	ssyncadd.s32 $0xFFFF8000  }
.LBB2_5:
0x40: {  	[hbm:s15] =	stream.linear.scatter [tilespmem:s12], [sflag:$0x3], $0x400, $0x38;
	[tilespmem:$0x10200] =	vst v63  }
0x41: {  	s15 =	smov.u32 s14;
	s12 =	smov.u32 s13;
	p1 =	sne.s32 s14, $0xF80  }
.Ltmp4:
0x42: {  	s14 =	sadd.s32 $0x80, s14;
	(pc) =	sbr.rel @p1 .LBB2_5-.Ltmp4, $2  }
0x43: {  	_ =	sdelay $0x2  }
0x44: {  	s13 =	sadd.s32 $0x400, s13;
	s15 =	sadd.s32 s15, s11  }
.Ltmp5:
0x45: {  	(pc) =	sbr.rel .LBB2_7-.Ltmp5, $2  }
0x46: {  	_ =	sdelay $0x2  }
0x47: {  	[hbm:s15] =	stream.linear.scatter [tilespmem:s12], [sflag:$0x3], $0x400, $0x38;
	[tilespmem:$0x10200] =	vst v63  }
.LBB2_8:
0x48: {  	_ =	sfence.sel $0x180000  }
0x49: {  	s2 =	simm.s32 $0x2;
	[bflag:$0x0] =	sbarrier.arrive $0xFFFF  }
0x4a: {  	s30 =	simm.s32 $0x3;
	[sflag:s2] =	ssyncpa.u1 $0x1  }
0x4b: {  	s31 =	simm.s32 $0x1;
	[sflag:s30] =	ssyncpa.u1 $0x1  }
0x4c: {  	[sflag:s31] =	ssyncpa.u1 $0x1  }
0x4d: {  	p0 =	sne.s32 s1, $0x0;
	_ =	strace $0x9000004D  }
0x4e: {  	s0 =	sadd.s32 @!p0 $0x100000, s0;
	[bflag:$0x2] =	sbarrier.arrive $0xFFFF  }
0x4f: {  	[sflag:s0] =	ssyncadd.tile.s32 @!p0 $0x1;
	_ =	shalt  }
.Lfunc_end2:
_tile_overlayer_lowered:
.L_overlay_start_2:
0x50: {  	(tag) =	ssettag $0x2  }
0x51: {  	s0 =	rddreg [dreg:$0x0];
	s2 =	stileid.u32  }
0x52: {  	s1 =	rddreg [dreg:$0x1];
	p0 =	sne.s32 s2, $0x0  }
0x53: {  	s3 =	rddreg [dreg:$0x2];
	[bflag:$0x3] =	sbarrier.arrive $0xFFFF;
	s2 =	simm.s32 @!p0 $0x1C01  }
0x54: {  	[timem:s3], [sflag:s2] =	dma.local @!p0 [hbm:s0], s1  }
0x55: {  	s0 =	simm.s32 @!p0 $0x1  }
0x56: {  	_ =	swait.ge @!p0 [sflag:s0], s1  }
0x57: {  	s1 =	ssub.s32 @!p0 $0x0, s1;
	[sflag:s0] =	ssyncset.done @!p0 $0x0  }
0x58: {  	[sflag:s0] =	ssyncadd.s32 @!p0 s1  }
0x59: {  	[bflag:$0x3] =	sbarrier.arrive $0xFFFF  }
0x5a: {  	_ =	shalt  }

// kernel: kernel.3.cloned.1.call-start
scs
__scs_entry_jumppad:
0x0: {  	(pc) =	sbr.rel $0x88, $3  }
0x1: {  	(tag) =	ssettag $0x0;
	lr =	simm.s32 $0x1  }
0x2: {  	[smem:$0x3F9F] =	sst lr;
	_ =	strace $0xD0000000  }
0x3: {  	_ = 	snop  }
0x4: {  	_ = 	snop  }
0x5: {  	_ = 	snop  }
0x6: {  	_ = 	snop  }
0x7: {  	_ = 	snop  }
__scs_overlays_trampoline_lowered:
0x8: {  	[smem:$0x3FAE] =	sst s0  }
0x9: {  	[smem:$0x3FAF] =	sst s1  }
0xa: {  	[smem:$0x3FB0] =	sst s2  }
0xb: {  	[smem:$0x3FB1] =	sst s3  }
0xc: {  	[smem:$0x3FB2] =	sst s4  }
0xd: {  	[smem:$0x3FB3] =	sst s5  }
0xe: {  	[smem:$0x3FB4] =	sst s6  }
0xf: {  	[smem:$0x3FB5] =	sst s7  }
0x10: {  	[smem:$0x3FB6] =	sst s8  }
0x11: {  	[smem:$0x3FB7] =	sst s9;
	s0 =	simm.s32 @!p0 $0x0  }
0x12: {  	s1 =	sld [smem:$0x3F9D];
	s0 =	simm.s32 @p0 $0x1  }
0x13: {  	[smem:$0x3FB8] =	sst s0;
	s0 =	simm.s32 @!p1 $0x0  }
0x14: {  	s2 =	sld [smem:$0x3F9C];
	s0 =	simm.s32 @p1 $0x1  }
0x15: {  	[smem:$0x3FB9] =	sst s0;
	s0 =	simm.s32 @!p2 $0x0  }
0x16: {  	s3 =	sld [smem:$0x3FDB];
	s0 =	simm.s32 @p2 $0x1  }
0x17: {  	s4 =	simm.s32 $0x1BF5;
	[smem:$0x3FBB] =	sst s0  }
0x18: {  	s0 =	sld [smem:$0x3F9E];
	_ =	swait.ge [sflag:s4], $0x0  }
0x19: {  	s7 =	sld [smem:$0x3F9F]  }
0x1a: {  	s8 =	sadd.s32 $0xFFFFE003, lr  }
0x1b: {  	s9 =	sadd.s32 $0xFFFFFEF7, lr;
	s5 =	simm.s32 $0xFFFFFFFF;
	p2 =	slt.u32 s8, $0xFFFFF086  }
0x1c: {  	p1 =	slt.u32 s9, $0xF7A;
	s5 =	simm.s32 @!p2 $0x0  }
0x1d: {  	s5 =	simm.s32 @p1 $0x1;
	p0 =	seq.s32 s7, s2  }
0x1e: {  	s7 =	smul.u32 @!p0 $0xF7A, s2;
	p2 =	seq.s32 @!p0 s5, $0x0  }
0x1f: {  	s9 =	smul.u32 $0xF7A, s1;
	s8 =	simm.s32 @!p0 $0x1BF5;
	p2 =	por !p2, p0  }
0x20: {  	[sflag:s8] =	ssyncset.s32 @!p0 $0xFFFFF086;
	s6 =	sadd.s32 @!p0 s3, s7;
	s7 =	simm.s32 @!p0 $0x108  }
0x21: {  	s3 =	sadd.s32 s3, s9;
	s6 =	sadd.s32 @!p0 $0x88, s6;
	s7 =	simm.s32 @p2 $0x1082  }
0x22: {  	[simem:s7], [sflag:s8] =	dma.local @!p0 [hbm:s6], $0xF7A  }
0x23: {  	s9 =	sor.u32 $0xD0000000, s2;
	s6 =	simm.s32 $0x108;
	_ =	swait.ge @!p0 [sflag:s8], $0x0  }
0x24: {  	s3 =	sadd.s32 $0x88, s3;
	s6 =	simm.s32 @!p1 $0x1082;
	[sflag:s4] =	ssyncset.s32 $0xFFFFF086  }
0x25: {  	[simem:s6], [sflag:s4] =	dma.local [hbm:s3], $0xF7A  }
0x26: {  	[smem:$0x3F9F] =	sst s1;
	(tag) =	ssettag s2;
	_ =	strace s9  }
0x27: {  	s1 =	sld [smem:$0x3FAF]  }
0x28: {  	s2 =	sld [smem:$0x3FB0]  }
0x29: {  	s4 =	sld [smem:$0x3FB2]  }
0x2a: {  	p0 =	seq.s32 s5, $0x0;
	s5 =	sld [smem:$0x3FB3]  }
0x2b: {  	s6 =	sld [smem:$0x3FB4]  }
0x2c: {  	s7 =	sld [smem:$0x3FB5]  }
0x2d: {  	s3 =	simm.s32 $0x108;
	s8 =	sld [smem:$0x3FB6]  }
0x2e: {  	s3 =	simm.s32 @!p0 $0x1082;
	s9 =	sld [smem:$0x3FB7]  }
0x2f: {  	lr =	sadd.s32 s0, s3;
	s0 =	sld [smem:$0x3FAE]  }
0x30: {  	s3 =	sld [smem:$0x3FB1]  }
0x31: {  	[smem:$0x3FBA] =	sst s10  }
0x32: {  	s10 =	sld [smem:$0x3FB8];
	_ =	sdelay $0x3  }
0x33: {  	p0 =	seq.s32 s10, $0x1;
	s10 =	sld [smem:$0x3FBA];
	_ =	sdelay $0x3  }
0x34: {  	[smem:$0x3FBA] =	sst s10  }
0x35: {  	s10 =	sld [smem:$0x3FB9];
	_ =	sdelay $0x3  }
0x36: {  	p1 =	seq.s32 s10, $0x1;
	s10 =	sld [smem:$0x3FBA];
	_ =	sdelay $0x3  }
0x37: {  	[smem:$0x3FBA] =	sst s10  }
0x38: {  	s10 =	sld [smem:$0x3FBB]  }
0x39: {  	_ = 	snop;
	(pc) =	sbr.ind lr, $3  }
0x3a: {  	_ = 	snop  }
0x3b: {  	_ = 	snop  }
0x3c: {  	p2 =	seq.s32 s10, $0x1;
	s10 =	sld [smem:$0x3FBA]  }
0x3d: {  	_ =	shalt  }
0x3e: {  	_ =	shalt  }
0x3f: {  	_ =	shalt  }
0x40: {  	_ =	shalt  }
0x41: {  	_ =	shalt  }
0x42: {  	_ =	shalt  }
0x43: {  	_ =	shalt  }
0x44: {  	_ =	shalt  }
0x45: {  	_ =	shalt  }
0x46: {  	_ =	shalt  }
0x47: {  	_ =	shalt  }
0x48: {  	_ =	shalt  }
0x49: {  	_ =	shalt  }
0x4a: {  	_ =	shalt  }
0x4b: {  	_ =	shalt  }
0x4c: {  	_ =	shalt  }
0x4d: {  	_ =	shalt  }
0x4e: {  	_ =	shalt  }
0x4f: {  	_ =	shalt  }
0x50: {  	_ =	shalt  }
0x51: {  	_ =	shalt  }
0x52: {  	_ =	shalt  }
0x53: {  	_ =	shalt  }
0x54: {  	_ =	shalt  }
0x55: {  	_ =	shalt  }
0x56: {  	_ =	shalt  }
0x57: {  	_ =	shalt  }
0x58: {  	_ =	shalt  }
0x59: {  	_ =	shalt  }
0x5a: {  	_ =	shalt  }
0x5b: {  	_ =	shalt  }
0x5c: {  	_ =	shalt  }
0x5d: {  	_ =	shalt  }
0x5e: {  	_ =	shalt  }
0x5f: {  	_ =	shalt  }
0x60: {  	_ =	shalt  }
0x61: {  	_ =	shalt  }
0x62: {  	_ =	shalt  }
0x63: {  	_ =	shalt  }
0x64: {  	_ =	shalt  }
0x65: {  	_ =	shalt  }
0x66: {  	_ =	shalt  }
0x67: {  	_ =	shalt  }
0x68: {  	_ =	shalt  }
0x69: {  	_ =	shalt  }
0x6a: {  	_ =	shalt  }
0x6b: {  	_ =	shalt  }
0x6c: {  	_ =	shalt  }
0x6d: {  	_ =	shalt  }
0x6e: {  	_ =	shalt  }
0x6f: {  	_ =	shalt  }
0x70: {  	_ =	shalt  }
0x71: {  	_ =	shalt  }
0x72: {  	_ =	shalt  }
0x73: {  	_ =	shalt  }
0x74: {  	_ =	shalt  }
0x75: {  	_ =	shalt  }
0x76: {  	_ =	shalt  }
0x77: {  	_ =	shalt  }
0x78: {  	_ =	shalt  }
0x79: {  	_ =	shalt  }
0x7a: {  	_ =	shalt  }
0x7b: {  	_ =	shalt  }
0x7c: {  	_ =	shalt  }
0x7d: {  	_ =	shalt  }
0x7e: {  	_ =	shalt  }
0x7f: {  	_ =	shalt  }
0x80: {  	_ =	shalt  }
0x81: {  	_ =	shalt  }
0x82: {  	_ =	shalt  }
0x83: {  	_ =	shalt  }
0x84: {  	_ =	shalt  }
0x85: {  	_ =	shalt  }
0x86: {  	_ =	shalt  }
0x87: {  	_ =	shalt  }
.Lfunc_end0:
.L_simem_size_0:
called_computation.2_lowered:
.L_overlay_start_0:
0x88: {  	s2 =	sld [smem:$0x3FD9]  }
0x89: {  	s3 =	sld [smem:$0x3FFE];
	_ =	sdelay $0x1  }
0x8a: {  	s1 =	srdreg.scid  }
0x8b: {  	s0 =	sand.u32 $0x1, s1  }
0x8c: {  	s17 =	sshll.u32 s0, $0xA;
	s2 =	sadd.s32 s3, s2  }
0x8d: {  	s2 =	sadd.s32 s2, s17  }
0x8e: {  	[smem:$0x3FC6] =	sst s2  }
0x8f: {  	_ = 	snop  }
0x90: {  	s2 =	sld [smem:$0x3FC9]  }
0x91: {  	s18 =	sld [smem:$0x3FC8]  }
0x92: {  	s4 =	sld [smem:$0x3FD0];
	(tm) =	ssettm $0x1  }
0x93: {  	s5 =	sld [smem:$0x3FFB];
	_ =	sdelay $0x3  }
0x94: {  	_ =	strace s5  }
0x95: {  	s5 =	sld [smem:$0x3FFC];
	_ =	sdelay $0x3  }
0x96: {  	_ =	strace s5  }
0x97: {  	s5 =	sld [smem:$0x3FFD];
	_ =	sdelay $0x3  }
0x98: {  	_ =	strace s5  }
0x99: {  	_ =	strace $0x8FFFFFFF  }
0x9a: {  	s19 =	sld [smem:$0x3FDB];
	_ =	sdelay $0x1  }
0x9b: {  	s6 =	simm.s32 $_scs_section_size  }
0x9c: {  	s7 =	simm.s32 $_size__tile_overlayer_lowered;
	s8 =	simm.s32 $_tile_overlayer_lowered  }
0x9d: {  	s22 =	simm.s32 $0x1BFF;
	s21 =	sshll.u32 s8, $0x1;
	s5 =	sadd.s32 s6, s19  }
0x9e: {  	s9 =	simm.s32 $0x0;
	s20 =	sshll.u32 s7, $0x1;
	s7 =	sadd.s32 s21, s5  }
0x9f: {  	[timem:s9], [sflag:s22] =	dma.local [hbm:s7], s20  }
0xa0: {  	_ =	swait.ge [sflag:s22], s20  }
0xa1: {  	s6 =	ssub.s32 $0x0, s20;
	[sflag:s22] =	ssyncset.done $0x0  }
0xa2: {  	[sflag:s22] =	ssyncadd.s32 s6;
	_ =	sdelay $0x1  }
0xa3: {  	s23 =	simm.s32 $0x1B8B  }
0xa4: {  	_ =	swait.ge [sflag:s23], $0x1  }
0xa5: {  	[sflag:s23] =	ssyncset.done $0x0  }
0xa6: {  	s25 =	simm.s32 $0x1B8E;
	s24 =	sld [smem:$0x3FFE];
	[sflag:s23] =	ssyncadd.s32 $0xFFFFFFFF  }
0xa7: {  	s26 =	simm.s32 $execute0_lowered;
	[smem:$0x3FD2] =	sst s25  }
0xa8: {  	s7 =	sshll.u32 s26, $0x1;
	_ =	strace $0x80000046;
	[dreg:$0x1] =	wrdreg $0xFFFFFFFF  }
0xa9: {  	s28 =	simm.s32 $_size_execute0_lowered;
	s5 =	sadd.s32 s5, s7;
	[dreg:$0x0] =	wrdreg $0x0  }
0xaa: {  	s7 =	sshll.u32 s28, $0x1;
	[dreg:$0x2] =	wrdreg s5  }
0xab: {  	[dreg:$0x3] =	wrdreg s7  }
0xac: {  	[dreg:$0x4] =	wrdreg $0xC0  }
0xad: {  	_ =	task [dreg:s9], $0x5FFFF  }
0xae: {  	[dreg:$0x1] =	wrdreg $0xFFFFFFFF  }
0xaf: {  	[dreg:$0x0] =	wrdreg $0x60  }
0xb0: {  	[dreg:$0x2] =	wrdreg s2  }
0xb1: {  	[dreg:$0x3] =	wrdreg s18  }
0xb2: {  	[dreg:$0x4] =	wrdreg s24  }
0xb3: {  	[dreg:$0x5] =	wrdreg s4  }
0xb4: {  	[dreg:$0x6] =	wrdreg $0x9  }
0xb5: {  	_ =	task.clear_ibuf [dreg:s9], $0x7FFFF;
	_ =	strace $0x90000046  }
0xb6: {  	s29 =	simm.s32 $0x9;
	_ =	strace $0x80000048  }
0xb7: {  	_ =	swait.ge [sflag:s29], $0x1  }
0xb8: {  	[sflag:s29] =	ssyncadd.s32 $0xFFFFFFFF  }
0xb9: {  	_ =	strace $0x90000048  }
0xba: {  	_ =	sfence  }
0xbb: {  	s30 =	sld [smem:$0x0];
	_ =	sdelay $0x2  }
0xbc: {  	s31 =	sshll.u32 s1, $0xD;
	s1 =	sshrl.u32 s1, $0x2  }
0xbd: {  	s3 =	sand.u32 $0x4000, s31;
	s1 =	sadd.s32 s1, s30  }
0xbe: {  	s0 =	sor.u32 s3, s0;
	s1 =	sshll.u32 s1, $0x11  }
0xbf: {  	s0 =	sor.u32 s1, s0  }
0xc0: {  	s0 =	sadd.s32 $0x8F2B, s0  }
0xc1: {  	[sflag:s0] =	ssyncadd.remote.s32 $0x1  }
0xc2: {  	_ =	sfence.sel $0xFFFF  }
0xc3: {  	[dreg:$0x0] =	wrdreg $0xFFFFFFFF;
	(pc) =	sbr.abs _section_cstart, $3  }
0xc4: {  	[dreg:$0x1] =	wrdreg $0xFFFFFFFF  }
0xc5: {  	_ =	task.clear_ibuf [dreg:s9], $0x2FFFF;
	_ =	strace $0x9FFFFFFF  }
0xc6: {  	(tm) =	ssettm $0x7FFFFFFF  }
0xc7: {  	_ =	shalt  }
tec
execute0_lowered:
.L_overlay_start_1:
0x0: {  	(tag) =	ssettag $0x1  }
0x1: {  	s9 =	rddreg [dreg:$0x1]  }
0x2: {  	s0 =	rddreg [dreg:$0x2]  }
0x3: {  	s3 =	rddreg [dreg:$0x3];
	s4 =	simm.s32 $0x0;
	s1 =	srdreg.scid  }
0x4: {  	s11 =	stileid.u32;
	s14 =	simm.s32 $0xC200;
	s29 =	simm.s32 $0x1  }
0x5: {  	s16 =	simm.s32 $0xC280;
	s12 =	simm.s32 $0x1C800;
	s15 =	simm.s32 $0x1C880  }
0x6: {  	s13 =	simm.s32 $0x1C900;
	s17 =	simm.s32 $0x1C980;
	s19 =	simm.s32 $0x1CA00  }
0x7: {  	s21 =	simm.s32 $0x1CA80;
	[smem:$0x7FF] =	sst s4;
	s1 =	sand.u32 $0x1, s1  }
0x8: {  	vm0 =	vmxor vm0, vm0;
	v1 =	vlaneseq.u32;
	s6 =	sshll.u32 s11, $0x13;
	s7 =	sadd.s32 $0xE00, s0;
	p0 =	seq.s32 s11, $0xF  }
0x9: {  	v2 =	vimm.s32 $0x40000000;
	v4 =	vimm.s32 $0x1;
	v5 =	vimm.s32 $0x2;
	s10 =	sshll.u32 s11, $0x4;
	p1 =	seq.s32 s11, $0x1;
	p2 =	sne.s32 s11, $0x0  }
0xa: {  	v6 =	vimm.s32 $0x3;
	v7 =	vimm.s32 $0x4;
	v8 =	vimm.s32 $0x5;
	s2 =	smul.u32 $0x1E85000, s1;
	_ =	strace $0x80000047;
	s5 =	ssub.s32 $0x2, s1  }
0xb: {  	v9 =	vimm.s32 $0x6;
	v10 =	vimm.s32 $0x7;
	v11 =	vimm.s32 $0x8;
	[dreg:$0x5] =	wrdreg s7;
	s7 =	sadd.s32 $0x1200, s0;
	s8 =	sshrl.u32 s5, $0x1  }
0xc: {  	v12 =	vimm.s32 $0x9;
	v13 =	vimm.s32 $0xA;
	v14 =	vimm.s32 $0xB;
	s30 =	sshll.u32 s1, $0x2;
	s31 =	sshll.u32 s1, $0x14;
	s28 =	ssub.s32 s5, s8  }
0xd: {  	v15 =	vimm.s32 $0xC;
	v16 =	vimm.s32 $0xD;
	v17 =	vimm.s32 $0xE;
	[dreg:$0x6] =	wrdreg s30;
	s2 =	sadd.s32 s6, s2;
	s0 =	smax.u32 s28, $0x1  }
.Ltmp0:
0xe: {  	vm2 =	vcmask $0x704;
	vm6 =	vcmask $0x1714;
	vm7 =	vcmask $0x1B18;
	[dreg:$0x8] =	wrdreg s0;
	s0 =	simm.s32 @!p2 $0x0;
	(pc) =	sbr.rel .LBB2_1-.Ltmp0, $4  }
0xf: {  	vm8 =	vcmask $0x1F1C;
	vm9 =	vcmask $0x2320;
	vm10 =	vcmask $0x2724;
	[dreg:$0x9] =	wrdreg s31;
	s2 =	sshrl.u32 s2, $0x3;
	s0 =	simm.s32 @p2 $0x1  }
0x10: {  	vm11 =	vcmask $0x2B28;
	vm12 =	vcmask $0x2F2C;
	vm13 =	vcmask $0x3330;
	s2 =	sadd.s32 s9, s2;
	[smem:$0x7FC] =	sst s0;
	s0 =	simm.s32 @!p0 $0x0  }
0x11: {  	vm14 =	vcmask $0x3734;
	vm15 =	vcmask $0x3B38;
	v0 =	vmov s11;
	s11 =	simm.s32 $0x1C780;
	[dreg:$0x7] =	wrdreg s2;
	s0 =	simm.s32 @p0 $0x1  }
0x12: {  	v18 =	vimm.s32 $0xF;
	v3 =	vmul.u32 $0x10000, v1;
	vm0 =	vmneg @p0 vm0;
	s1 =	simm.s32 $0x0;
	s9 =	simm.s32 $0x1C700;
	[smem:$0x7FD] =	sst s0  }
.LBB2_138:
0x13: {  	s1 =	rddreg [dreg:$0xa]  }
0x14: {  	s0 =	rddreg [dreg:$0x8];
	s1 =	sadd.s32 $0x1, s1  }
0x15: {  	p0 =	sne.s32 s1, s0  }
.Ltmp1:
0x16: {  	_ = 	snop;
	(pc) =	sbr.rel @!p0 .LBB2_139-.Ltmp1, $1  }
0x17: {  	_ =	sdelay $0x3  }
.LBB2_1:
0x18: {  	s0 =	rddreg [dreg:$0x0];
	s31 =	simm.s32 $0x13  }
0x19: {  	[tilespmem:s4], [sflag:$0x13] =	stream.linear.gather [hbm4b:s0+s4], $0x4000, $0x38;
	[tilespmem:$0x1CC00] =	vst v63  }
0x1a: {  	_ =	swait.ge [sflag:s31], $0x4000  }
0x1b: {  	[sflag:s31] =	ssyncset.done $0x0  }
0x1c: {  	s0 =	simm.s32 $0x0;
	[sflag:s31] =	ssyncadd.s32 $0xFFFFC000  }
.LBB2_2:
0x1d: {  	p0 =	sne.s32 s0, $0x10000  }
.Ltmp2:
0x1e: {  	_ = 	snop;
	(pc) =	sbr.rel @p0 .LBB2_2-.Ltmp2, $3  }
0x1f: {  	_ =	sdelay $0x1  }
0x20: {  	s2 =	sshra.s32 s0, $0x2  }
0x21: {  	s0 =	sadd.s32 $0x40, s0;
	[tilespmem:s2+$0x4000] =	vst v2  }
0x22: {  	s0 =	simm.s32 $0x0  }
0x23: {  	v19 =	vld [tilespmem:s0+$0x0];
	_ =	sdelay $0x4  }
0x24: {  	vm1 =	vgt.s32 v19, $0xF41FF;
	v20 =	vshrl.u32 v19, $0x10  }
0x25: {  	vm3 =	veq.s32 v20, v0;
	vm4 =	vmneg vm1  }
0x26: {  	vm5 =	vmand vm1, vm0;
	vm3 =	vmand vm4, vm3  }
0x27: {  	vm3 =	vmor vm5, vm3  }
0x28: {  	v21 =	vand.u32 $0xFFF, v19;
	v20 =	vmov s0;
	v23 =	vmpcnt.ones.xlane vm3  }
0x29: {  	v22 =	vadd.s32 $0xFFF0BE00, v19;
	v19 =	vand.u32 $0xF000, v19;
	v20 =	vshll.u32 v20, $0x10  }
0x2a: {  	v21 =	vsel vm1, v22, v21;
	v20 =	vor.u32 v3, v20;
	(v2sf) =	vpush v23, $0x0  }
0x2b: {  	v19 =	vsel vm1, $0xF000, v19;
	v20 =	vor.u32 v20, v21  }
0x2c: {  	v19 =	vor.u32 v19, v20  }
0x2d: {  	s2 =	simm.s32 $0x10;
	[tilespmem:s0+$0x4000] =	vst.msk vm3, v19  }
0x2e: {  	v19 =	vld [tilespmem:s2+$0x0];
	_ =	sdelay $0x4  }
0x2f: {  	v20 =	vmov s2;
	vm3 =	vgt.s32 v19, $0xF41FF;
	v60 =	vshrl.u32 v19, $0x10  }
0x30: {  	v20 =	vshll.u32 v20, $0x10;
	vm1 =	veq.s32 v60, v0;
	vm4 =	vmneg vm3  }
0x31: {  	v20 =	vor.u32 v3, v20;
	vm5 =	vmand vm3, vm0;
	vm1 =	vmand vm4, vm1  }
0x32: {  	v61 =	vand.u32 $0xFFF, v19;
	v62 =	vadd.s32 $0xFFF0BE00, v19;
	vm1 =	vmor vm5, vm1  }
0x33: {  	v19 =	vand.u32 $0xF000, v19;
	v21 =	vsel vm3, v62, v61;
	v63 =	vmpcnt.ones.xlane vm1  }
0x34: {  	v19 =	vsel vm3, $0xF000, v19;
	v20 =	vor.u32 v20, v21  }
0x35: {  	s6 =	simm.s32 $0x20;
	v19 =	vor.u32 v19, v20;
	(v2sf) =	vpush v63, $0x0;
	s8 =	spop (v2sf)  }
.LBB2_4:
0x36: {  	p3 =	sne.s32 s6, $0x3FF0  }
0x37: {  	s0 =	sadd.s32 s0, s8;
	s8 =	smov.u32 s6;
	s6 =	sadd.s32 $0x10, s6  }
0x38: {  	[tilespmem:s0+$0x4000] =	vst.msk vm1, v19  }
0x39: {  	s2 =	sadd.s32 $0x10, s2  }
0x3a: {  	v19 =	vld [tilespmem:s2+$0x0];
	_ =	sdelay $0x3  }
0x3b: {  	v20 =	vmov s8  }
0x3c: {  	v20 =	vshll.u32 v20, $0x10;
	vm3 =	vgt.s32 v19, $0xF41FF;
	v21 =	vshrl.u32 v19, $0x10  }
0x3d: {  	v20 =	vor.u32 v3, v20;
	vm1 =	veq.s32 v21, v0;
	vm4 =	vmneg vm3  }
.Ltmp3:
0x3e: {  	vm5 =	vmand vm3, vm0;
	v21 =	vand.u32 $0xFFF, v19;
	vm1 =	vmand vm4, vm1;
	(pc) =	sbr.rel @p3 .LBB2_4-.Ltmp3, $4  }
0x3f: {  	v22 =	vand.u32 $0xF000, v19;
	v19 =	vadd.s32 $0xFFF0BE00, v19;
	vm1 =	vmor vm5, vm1  }
0x40: {  	v22 =	vsel vm3, $0xF000, v22;
	v19 =	vsel vm3, v19, v21;
	v21 =	vmpcnt.ones.xlane vm1  }
0x41: {  	v19 =	vor.u32 v20, v19  }
0x42: {  	v19 =	vor.u32 v22, v19;
	(v2sf) =	vpush v21, $0x0;
	s8 =	spop (v2sf)  }
0x43: {  	_ =	sdelay $0xd  }
0x44: {  	s0 =	sadd.s32 s0, s8;
	s2 =	spop (v2sf)  }
0x45: {  	s2 =	sadd.s32 s0, s2  }
0x46: {  	s2 =	sadd.s32 $0xF, s2  }
0x47: {  	s2 =	sshrl.u32 s2, $0x4  }
0x48: {  	p0 =	seq.s32 s2, $0x0  }
.Ltmp4:
0x49: {  	_ = 	snop;
	(pc) =	sbr.rel @p0 .LBB2_6-.Ltmp4, $2  }
0x4a: {  	_ =	sdelay $0x2  }
0x4b: {  	s6 =	simm.s32 $0x4000;
	[dreg:$0xa] =	wrdreg s1;
	[tilespmem:s0+$0x4000] =	vst.msk vm1, v19;
	s0 =	simm.s32 $0x0  }
0x4c: {  	p0 =	sne.s32 s2, $0x1  }
.Ltmp5:
0x4d: {  	_ = 	snop;
	(pc) =	sbr.rel @!p0 .LBB2_8-.Ltmp5, $2  }
0x4e: {  	_ =	sdelay $0x2  }
0x4f: {  	v19 =	vld [tilespmem:s6+$0x0];
	s18 =	sadd.s32 $0xFFFFFFFF, s2;
	p4 =	por $0x0, $0x0  }
0x50: {  	_ =	sdelay $0x3  }
0x51: {  	v20 =	vand.u32 $0xF000, v19  }
0x52: {  	vm1 =	veq.s32 v20, $0x0  }
0x53: {  	v20 =	vmpcnt.ones.xlane vm1;
	_ =	sdelay $0x1  }
0x54: {  	(v2sf) =	vpush v20, $0x0;
	_ =	sdelay $0x1  }
0x55: {  	p0 =	sne.s32 s18, $0x1  }
.Ltmp6:
0x56: {  	_ = 	snop;
	(pc) =	sbr.rel @!p0 .LBB2_10-.Ltmp6, $3  }
0x57: {  	_ =	sdelay $0x1  }
0x58: {  	s8 =	sadd.s32 $0x10, s6;
	[tilespmem:s0+$0x8080] =	vst.msk vm1, v19  }
0x59: {  	s18 =	sadd.s32 $0xFFFFFFFF, s18;
	p3 =	por $0x1, $0x1;
	s6 =	simm.s32 $0x0;
	v19 =	vld [tilespmem:s8+$0x0]  }
.LBB2_11:
0x5a: {  	p5 =	sne.s32 s18, $0x1;
	_ =	sdelay $0x3  }
0x5b: {  	v20 =	vand.u32 $0xF000, v19  }
0x5c: {  	vm1 =	veq.s32 v20, $0x0  }
0x5d: {  	v20 =	vmpcnt.ones.xlane vm1  }
0x5e: {  	s20 =	spop (v2sf)  }
0x5f: {  	(v2sf) =	vpush v20, $0x0;
	s6 =	sadd.s32 s6, s20  }
0x60: {  	[tilespmem:s6+$0x8080] =	vst.msk vm1, v19;
	_ =	sdelay $0x1  }
.Ltmp7:
0x61: {  	(pc) =	sbr.rel @p5 .LBB2_11-.Ltmp7, $3  }
0x62: {  	_ =	sdelay $0x1  }
0x63: {  	s8 =	sadd.s32 $0x10, s8  }
0x64: {  	s18 =	sadd.s32 $0xFFFFFFFF, s18;
	v19 =	vld [tilespmem:s8+$0x0]  }
.LBB2_12:
0x65: {  	_ =	sdelay $0x3  }
0x66: {  	v20 =	vand.u32 $0xF000, v19  }
0x67: {  	vm1 =	veq.s32 v20, $0x0  }
0x68: {  	v20 =	vmpcnt.ones.xlane vm1;
	_ =	sdelay $0x1  }
0x69: {  	(v2sf) =	vpush v20, $0x0;
	_ =	sdelay $0x9  }
0x6a: {  	s8 =	spop @p3 (v2sf)  }
0x6b: {  	s6 =	sadd.s32 @p3 s6, s8  }
0x6c: {  	s0 =	smov.u32 @p3 s6;
	p3 =	sne.s32 s2, $0x1  }
.Ltmp8:
0x6d: {  	_ = 	snop;
	(pc) =	sbr.rel @!p3 .LBB2_13-.Ltmp8, $4  }
0x6e: {  	_ = 	snop  }
0x6f: {  	s31 =	spop (v2sf)  }
0x70: {  	s6 =	simm.s32 $0x4000;
	[tilespmem:s0+$0x8080] =	vst.msk vm1, v19;
	s8 =	sadd.s32 s0, s31  }
0x71: {  	s25 =	sadd.s32 $0xFFFFFFFF, s2;
	v19 =	vld [tilespmem:s6+$0x0];
	v20 =	vmov s8  }
0x72: {  	_ =	sdelay $0x3  }
0x73: {  	v21 =	vand.u32 $0xF000, v19  }
0x74: {  	vm1 =	veq.s32 v21, $0x1000  }
0x75: {  	v21 =	vmpcnt.ones.xlane vm1;
	_ =	sdelay $0x1  }
0x76: {  	(v2sf) =	vpush v21, $0x0;
	_ =	sdelay $0x1  }
0x77: {  	p0 =	sne.s32 s25, $0x1  }
.Ltmp9:
0x78: {  	_ = 	snop;
	(pc) =	sbr.rel @!p0 .LBB2_15-.Ltmp9, $3  }
0x79: {  	_ =	sdelay $0x1  }
0x7a: {  	s2 =	simm.s32 $0x4010;
	[tilespmem:s8+$0x8080] =	vst.msk vm1, v19  }
0x7b: {  	s18 =	sadd.s32 $0xFFFFFFFF, s25;
	p4 =	por $0x1, $0x1;
	s0 =	smov.u32 s8;
	v19 =	vld [tilespmem:s2+$0x0]  }
.LBB2_16:
0x7c: {  	p5 =	sne.s32 s18, $0x1;
	_ =	sdelay $0x3  }
0x7d: {  	v21 =	vand.u32 $0xF000, v19  }
0x7e: {  	vm1 =	veq.s32 v21, $0x1000  }
0x7f: {  	v21 =	vmpcnt.ones.xlane vm1  }
0x80: {  	s20 =	spop (v2sf)  }
0x81: {  	(v2sf) =	vpush v21, $0x0;
	s0 =	sadd.s32 s0, s20  }
0x82: {  	[tilespmem:s0+$0x8080] =	vst.msk vm1, v19;
	_ =	sdelay $0x1  }
.Ltmp10:
0x83: {  	(pc) =	sbr.rel @p5 .LBB2_16-.Ltmp10, $3  }
0x84: {  	_ =	sdelay $0x1  }
0x85: {  	s2 =	sadd.s32 $0x10, s2  }
0x86: {  	s18 =	sadd.s32 $0xFFFFFFFF, s18;
	v19 =	vld [tilespmem:s2+$0x0]  }
.LBB2_17:
0x87: {  	_ =	sdelay $0x3  }
0x88: {  	v21 =	vand.u32 $0xF000, v19  }
0x89: {  	vm1 =	veq.s32 v21, $0x1000  }
0x8a: {  	v21 =	vmpcnt.ones.xlane vm1;
	_ =	sdelay $0x1  }
0x8b: {  	(v2sf) =	vpush v21, $0x0;
	_ =	sdelay $0xc  }
0x8c: {  	s2 =	spop @p4 (v2sf)  }
.Ltmp11:
0x8d: {  	s0 =	sadd.s32 @p4 s0, s2;
	s2 =	smov.u32 s8;
	(pc) =	sbr.rel @!p3 .LBB2_18-.Ltmp11, $4  }
0x8e: {  	s2 =	smov.u32 @p4 s0;
	s30 =	spop (v2sf)  }
0x8f: {  	s0 =	sadd.s32 s2, s30  }
0x90: {  	[tilespmem:s2+$0x8080] =	vst.msk vm1, v19;
	vm1 =	veq.s32 v1, $0x1;
	s31 =	ssub.s32 s0, s8  }
0x91: {  	p4 =	por $0x0, $0x0;
	v19 =	vnsel vm2, $0x0, v20;
	v21 =	vld [tilespmem:s6+$0x0];
	v20 =	vsel vm1, s31, v20  }
0x92: {  	_ =	sdelay $0x3  }
0x93: {  	v22 =	vand.u32 $0xF000, v21  }
0x94: {  	vm1 =	veq.s32 v22, $0x2000  }
0x95: {  	v22 =	vmpcnt.ones.xlane vm1;
	_ =	sdelay $0x1  }
0x96: {  	(v2sf) =	vpush v22, $0x0;
	_ =	sdelay $0x1  }
0x97: {  	p0 =	sne.s32 s25, $0x1  }
.Ltmp12:
0x98: {  	_ = 	snop;
	(pc) =	sbr.rel @!p0 .LBB2_20-.Ltmp12, $3  }
0x99: {  	_ =	sdelay $0x1  }
0x9a: {  	s6 =	simm.s32 $0x4010;
	[tilespmem:s0+$0x8080] =	vst.msk vm1, v21  }
0x9b: {  	s8 =	sadd.s32 $0xFFFFFFFF, s25;
	p5 =	por $0x1, $0x1;
	s2 =	smov.u32 s0;
	v21 =	vld [tilespmem:s6+$0x0]  }
.LBB2_21:
0x9c: {  	p6 =	sne.s32 s8, $0x1;
	_ =	sdelay $0x3  }
0x9d: {  	v22 =	vand.u32 $0xF000, v21  }
0x9e: {  	vm1 =	veq.s32 v22, $0x2000  }
0x9f: {  	v22 =	vmpcnt.ones.xlane vm1  }
0xa0: {  	s18 =	spop (v2sf)  }
0xa1: {  	(v2sf) =	vpush v22, $0x0;
	s2 =	sadd.s32 s2, s18  }
0xa2: {  	[tilespmem:s2+$0x8080] =	vst.msk vm1, v21;
	_ =	sdelay $0x1  }
.Ltmp13:
0xa3: {  	(pc) =	sbr.rel @p6 .LBB2_21-.Ltmp13, $3  }
0xa4: {  	_ =	sdelay $0x1  }
0xa5: {  	s6 =	sadd.s32 $0x10, s6  }
0xa6: {  	s8 =	sadd.s32 $0xFFFFFFFF, s8;
	v21 =	vld [tilespmem:s6+$0x0]  }
.LBB2_22:
0xa7: {  	_ =	sdelay $0x3  }
0xa8: {  	v22 =	vand.u32 $0xF000, v21  }
0xa9: {  	vm1 =	veq.s32 v22, $0x2000  }
0xaa: {  	v22 =	vmpcnt.ones.xlane vm1;
	_ =	sdelay $0x1  }
0xab: {  	(v2sf) =	vpush v22, $0x0;
	_ =	sdelay $0xc  }
0xac: {  	s6 =	spop @p5 (v2sf)  }
.Ltmp14:
0xad: {  	s2 =	sadd.s32 @p5 s2, s6;
	s6 =	smov.u32 s0;
	(pc) =	sbr.rel @!p3 .LBB2_23-.Ltmp14, $4  }
0xae: {  	s6 =	smov.u32 @p5 s2;
	s31 =	spop (v2sf)  }
0xaf: {  	s2 =	sadd.s32 s6, s31  }
0xb0: {  	[tilespmem:s6+$0x8080] =	vst.msk vm1, v21;
	vm1 =	veq.s32 v1, $0x2;
	s6 =	simm.s32 $0x4000;
	s8 =	ssub.s32 s2, s0  }
0xb1: {  	v19 =	vsel vm1, s0, v19;
	v21 =	vld [tilespmem:s6+$0x0];
	v20 =	vsel vm1, s8, v20  }
0xb2: {  	_ =	sdelay $0x3  }
0xb3: {  	v22 =	vand.u32 $0xF000, v21  }
0xb4: {  	vm1 =	veq.s32 v22, $0x3000  }
0xb5: {  	v22 =	vmpcnt.ones.xlane vm1;
	_ =	sdelay $0x1  }
0xb6: {  	(v2sf) =	vpush v22, $0x0;
	_ =	sdelay $0x1  }
0xb7: {  	p0 =	sne.s32 s25, $0x1  }
.Ltmp15:
0xb8: {  	_ = 	snop;
	(pc) =	sbr.rel @!p0 .LBB2_25-.Ltmp15, $3  }
0xb9: {  	_ =	sdelay $0x1  }
0xba: {  	s8 =	simm.s32 $0x4010;
	[tilespmem:s2+$0x8080] =	vst.msk vm1, v21  }
0xbb: {  	s18 =	sadd.s32 $0xFFFFFFFF, s25;
	p4 =	por $0x1, $0x1;
	s0 =	smov.u32 s2;
	v21 =	vld [tilespmem:s8+$0x0]  }
.LBB2_26:
0xbc: {  	p5 =	sne.s32 s18, $0x1;
	_ =	sdelay $0x3  }
0xbd: {  	v22 =	vand.u32 $0xF000, v21  }
0xbe: {  	vm1 =	veq.s32 v22, $0x3000  }
0xbf: {  	v22 =	vmpcnt.ones.xlane vm1  }
0xc0: {  	s20 =	spop (v2sf)  }
0xc1: {  	(v2sf) =	vpush v22, $0x0;
	s0 =	sadd.s32 s0, s20  }
0xc2: {  	[tilespmem:s0+$0x8080] =	vst.msk vm1, v21;
	_ =	sdelay $0x1  }
.Ltmp16:
0xc3: {  	(pc) =	sbr.rel @p5 .LBB2_26-.Ltmp16, $3  }
0xc4: {  	_ =	sdelay $0x1  }
0xc5: {  	s8 =	sadd.s32 $0x10, s8  }
0xc6: {  	s18 =	sadd.s32 $0xFFFFFFFF, s18;
	v21 =	vld [tilespmem:s8+$0x0]  }
.LBB2_27:
0xc7: {  	_ =	sdelay $0x3  }
0xc8: {  	v22 =	vand.u32 $0xF000, v21  }
0xc9: {  	vm1 =	veq.s32 v22, $0x3000  }
0xca: {  	v22 =	vmpcnt.ones.xlane vm1;
	_ =	sdelay $0x1  }
0xcb: {  	(v2sf) =	vpush v22, $0x0;
	_ =	sdelay $0xc  }
0xcc: {  	s8 =	spop @p4 (v2sf)  }
.Ltmp17:
0xcd: {  	s0 =	sadd.s32 @p4 s0, s8;
	s8 =	smov.u32 s2;
	(pc) =	sbr.rel @!p3 .LBB2_28-.Ltmp17, $4  }
0xce: {  	s8 =	smov.u32 @p4 s0;
	s30 =	spop (v2sf)  }
0xcf: {  	s0 =	sadd.s32 s8, s30  }
0xd0: {  	[tilespmem:s8+$0x8080] =	vst.msk vm1, v21;
	vm1 =	veq.s32 v1, $0x3;
	s31 =	ssub.s32 s0, s2  }
0xd1: {  	p4 =	por $0x0, $0x0;
	v19 =	vsel vm1, s2, v19;
	v21 =	vld [tilespmem:s6+$0x0];
	v20 =	vsel vm1, s31, v20  }
0xd2: {  	_ =	sdelay $0x3  }
0xd3: {  	v22 =	vand.u32 $0xF000, v21  }
0xd4: {  	vm1 =	veq.s32 v22, $0x4000  }
0xd5: {  	v22 =	vmpcnt.ones.xlane vm1;
	_ =	sdelay $0x1  }
0xd6: {  	(v2sf) =	vpush v22, $0x0;
	_ =	sdelay $0x1  }
0xd7: {  	p0 =	sne.s32 s25, $0x1  }
.Ltmp18:
0xd8: {  	_ = 	snop;
	(pc) =	sbr.rel @!p0 .LBB2_30-.Ltmp18, $3  }
0xd9: {  	_ =	sdelay $0x1  }
0xda: {  	s6 =	simm.s32 $0x4010;
	[tilespmem:s0+$0x8080] =	vst.msk vm1, v21  }
0xdb: {  	s8 =	sadd.s32 $0xFFFFFFFF, s25;
	p5 =	por $0x1, $0x1;
	s2 =	smov.u32 s0;
	v21 =	vld [tilespmem:s6+$0x0]  }
.LBB2_31:
0xdc: {  	p6 =	sne.s32 s8, $0x1;
	_ =	sdelay $0x3  }
0xdd: {  	v22 =	vand.u32 $0xF000, v21  }
0xde: {  	vm1 =	veq.s32 v22, $0x4000  }
0xdf: {  	v22 =	vmpcnt.ones.xlane vm1  }
0xe0: {  	s18 =	spop (v2sf)  }
0xe1: {  	(v2sf) =	vpush v22, $0x0;
	s2 =	sadd.s32 s2, s18  }
0xe2: {  	[tilespmem:s2+$0x8080] =	vst.msk vm1, v21;
	_ =	sdelay $0x1  }
.Ltmp19:
0xe3: {  	(pc) =	sbr.rel @p6 .LBB2_31-.Ltmp19, $3  }
0xe4: {  	_ =	sdelay $0x1  }
0xe5: {  	s6 =	sadd.s32 $0x10, s6  }
0xe6: {  	s8 =	sadd.s32 $0xFFFFFFFF, s8;
	v21 =	vld [tilespmem:s6+$0x0]  }
.LBB2_32:
0xe7: {  	_ =	sdelay $0x3  }
0xe8: {  	v22 =	vand.u32 $0xF000, v21  }
0xe9: {  	vm1 =	veq.s32 v22, $0x4000  }
0xea: {  	v22 =	vmpcnt.ones.xlane vm1;
	_ =	sdelay $0x1  }
0xeb: {  	(v2sf) =	vpush v22, $0x0;
	_ =	sdelay $0xc  }
0xec: {  	s6 =	spop @p5 (v2sf)  }
.Ltmp20:
0xed: {  	s2 =	sadd.s32 @p5 s2, s6;
	s6 =	smov.u32 s0;
	(pc) =	sbr.rel @!p3 .LBB2_33-.Ltmp20, $4  }
0xee: {  	s6 =	smov.u32 @p5 s2;
	s31 =	spop (v2sf)  }
0xef: {  	s2 =	sadd.s32 s6, s31  }
0xf0: {  	[tilespmem:s6+$0x8080] =	vst.msk vm1, v21;
	vm1 =	veq.s32 v1, $0x4;
	s6 =	simm.s32 $0x4000;
	s8 =	ssub.s32 s2, s0  }
0xf1: {  	v19 =	vsel vm1, s0, v19;
	v21 =	vld [tilespmem:s6+$0x0];
	v20 =	vsel vm1, s8, v20  }
0xf2: {  	_ =	sdelay $0x3  }
0xf3: {  	v22 =	vand.u32 $0xF000, v21  }
0xf4: {  	vm1 =	veq.s32 v22, $0x5000  }
0xf5: {  	v22 =	vmpcnt.ones.xlane vm1;
	_ =	sdelay $0x1  }
0xf6: {  	(v2sf) =	vpush v22, $0x0;
	_ =	sdelay $0x1  }
0xf7: {  	p0 =	sne.s32 s25, $0x1  }
.Ltmp21:
0xf8: {  	_ = 	snop;
	(pc) =	sbr.rel @!p0 .LBB2_35-.Ltmp21, $3  }
0xf9: {  	_ =	sdelay $0x1  }
0xfa: {  	s8 =	simm.s32 $0x4010;
	[tilespmem:s2+$0x8080] =	vst.msk vm1, v21  }
0xfb: {  	s18 =	sadd.s32 $0xFFFFFFFF, s25;
	p4 =	por $0x1, $0x1;
	s0 =	smov.u32 s2;
	v21 =	vld [tilespmem:s8+$0x0]  }
.LBB2_36:
0xfc: {  	p5 =	sne.s32 s18, $0x1;
	_ =	sdelay $0x3  }
0xfd: {  	v22 =	vand.u32 $0xF000, v21  }
0xfe: {  	vm1 =	veq.s32 v22, $0x5000  }
0xff: {  	v22 =	vmpcnt.ones.xlane vm1  }
0x100: {  	s20 =	spop (v2sf)  }
0x101: {  	(v2sf) =	vpush v22, $0x0;
	s0 =	sadd.s32 s0, s20  }
0x102: {  	[tilespmem:s0+$0x8080] =	vst.msk vm1, v21;
	_ =	sdelay $0x1  }
.Ltmp22:
0x103: {  	(pc) =	sbr.rel @p5 .LBB2_36-.Ltmp22, $3  }
0x104: {  	_ =	sdelay $0x1  }
0x105: {  	s8 =	sadd.s32 $0x10, s8  }
0x106: {  	s18 =	sadd.s32 $0xFFFFFFFF, s18;
	v21 =	vld [tilespmem:s8+$0x0]  }
.LBB2_37:
0x107: {  	_ =	sdelay $0x3  }
0x108: {  	v22 =	vand.u32 $0xF000, v21  }
0x109: {  	vm1 =	veq.s32 v22, $0x5000  }
0x10a: {  	v22 =	vmpcnt.ones.xlane vm1;
	_ =	sdelay $0x1  }
0x10b: {  	(v2sf) =	vpush v22, $0x0;
	_ =	sdelay $0xc  }
0x10c: {  	s8 =	spop @p4 (v2sf)  }
.Ltmp23:
0x10d: {  	s0 =	sadd.s32 @p4 s0, s8;
	s8 =	smov.u32 s2;
	(pc) =	sbr.rel @!p3 .LBB2_38-.Ltmp23, $4  }
0x10e: {  	s8 =	smov.u32 @p4 s0;
	s30 =	spop (v2sf)  }
0x10f: {  	s0 =	sadd.s32 s8, s30  }
0x110: {  	[tilespmem:s8+$0x8080] =	vst.msk vm1, v21;
	vm1 =	veq.s32 v1, $0x5;
	s31 =	ssub.s32 s0, s2  }
0x111: {  	p4 =	por $0x0, $0x0;
	v19 =	vsel vm1, s2, v19;
	v21 =	vld [tilespmem:s6+$0x0];
	v20 =	vsel vm1, s31, v20  }
0x112: {  	_ =	sdelay $0x3  }
0x113: {  	v22 =	vand.u32 $0xF000, v21  }
0x114: {  	vm1 =	veq.s32 v22, $0x6000  }
0x115: {  	v22 =	vmpcnt.ones.xlane vm1;
	_ =	sdelay $0x1  }
0x116: {  	(v2sf) =	vpush v22, $0x0;
	_ =	sdelay $0x1  }
0x117: {  	p0 =	sne.s32 s25, $0x1  }
.Ltmp24:
0x118: {  	_ = 	snop;
	(pc) =	sbr.rel @!p0 .LBB2_40-.Ltmp24, $3  }
0x119: {  	_ =	sdelay $0x1  }
0x11a: {  	s6 =	simm.s32 $0x4010;
	[tilespmem:s0+$0x8080] =	vst.msk vm1, v21  }
0x11b: {  	s8 =	sadd.s32 $0xFFFFFFFF, s25;
	p5 =	por $0x1, $0x1;
	s2 =	smov.u32 s0;
	v21 =	vld [tilespmem:s6+$0x0]  }
.LBB2_41:
0x11c: {  	p6 =	sne.s32 s8, $0x1;
	_ =	sdelay $0x3  }
0x11d: {  	v22 =	vand.u32 $0xF000, v21  }
0x11e: {  	vm1 =	veq.s32 v22, $0x6000  }
0x11f: {  	v22 =	vmpcnt.ones.xlane vm1  }
0x120: {  	s18 =	spop (v2sf)  }
0x121: {  	(v2sf) =	vpush v22, $0x0;
	s2 =	sadd.s32 s2, s18  }
0x122: {  	[tilespmem:s2+$0x8080] =	vst.msk vm1, v21;
	_ =	sdelay $0x1  }
.Ltmp25:
0x123: {  	(pc) =	sbr.rel @p6 .LBB2_41-.Ltmp25, $3  }
0x124: {  	_ =	sdelay $0x1  }
0x125: {  	s6 =	sadd.s32 $0x10, s6  }
0x126: {  	s8 =	sadd.s32 $0xFFFFFFFF, s8;
	v21 =	vld [tilespmem:s6+$0x0]  }
.LBB2_42:
0x127: {  	_ =	sdelay $0x3  }
0x128: {  	v22 =	vand.u32 $0xF000, v21  }
0x129: {  	vm1 =	veq.s32 v22, $0x6000  }
0x12a: {  	v22 =	vmpcnt.ones.xlane vm1;
	_ =	sdelay $0x1  }
0x12b: {  	(v2sf) =	vpush v22, $0x0;
	_ =	sdelay $0xc  }
0x12c: {  	s6 =	spop @p5 (v2sf)  }
.Ltmp26:
0x12d: {  	s2 =	sadd.s32 @p5 s2, s6;
	s6 =	smov.u32 s0;
	(pc) =	sbr.rel @!p3 .LBB2_43-.Ltmp26, $4  }
0x12e: {  	s6 =	smov.u32 @p5 s2;
	s31 =	spop (v2sf)  }
0x12f: {  	s2 =	sadd.s32 s6, s31  }
0x130: {  	[tilespmem:s6+$0x8080] =	vst.msk vm1, v21;
	vm1 =	veq.s32 v1, $0x6;
	s6 =	simm.s32 $0x4000;
	s8 =	ssub.s32 s2, s0  }
0x131: {  	v19 =	vsel vm1, s0, v19;
	v21 =	vld [tilespmem:s6+$0x0];
	v20 =	vsel vm1, s8, v20  }
0x132: {  	_ =	sdelay $0x3  }
0x133: {  	v22 =	vand.u32 $0xF000, v21  }
0x134: {  	vm1 =	veq.s32 v22, $0x7000  }
0x135: {  	v22 =	vmpcnt.ones.xlane vm1;
	_ =	sdelay $0x1  }
0x136: {  	(v2sf) =	vpush v22, $0x0;
	_ =	sdelay $0x1  }
0x137: {  	p0 =	sne.s32 s25, $0x1  }
.Ltmp27:
0x138: {  	_ = 	snop;
	(pc) =	sbr.rel @!p0 .LBB2_45-.Ltmp27, $3  }
0x139: {  	_ =	sdelay $0x1  }
0x13a: {  	s8 =	simm.s32 $0x4010;
	[tilespmem:s2+$0x8080] =	vst.msk vm1, v21  }
0x13b: {  	s18 =	sadd.s32 $0xFFFFFFFF, s25;
	p4 =	por $0x1, $0x1;
	s0 =	smov.u32 s2;
	v21 =	vld [tilespmem:s8+$0x0]  }
.LBB2_46:
0x13c: {  	p5 =	sne.s32 s18, $0x1;
	_ =	sdelay $0x3  }
0x13d: {  	v22 =	vand.u32 $0xF000, v21  }
0x13e: {  	vm1 =	veq.s32 v22, $0x7000  }
0x13f: {  	v22 =	vmpcnt.ones.xlane vm1  }
0x140: {  	s20 =	spop (v2sf)  }
0x141: {  	(v2sf) =	vpush v22, $0x0;
	s0 =	sadd.s32 s0, s20  }
0x142: {  	[tilespmem:s0+$0x8080] =	vst.msk vm1, v21;
	_ =	sdelay $0x1  }
.Ltmp28:
0x143: {  	(pc) =	sbr.rel @p5 .LBB2_46-.Ltmp28, $3  }
0x144: {  	_ =	sdelay $0x1  }
0x145: {  	s8 =	sadd.s32 $0x10, s8  }
0x146: {  	s18 =	sadd.s32 $0xFFFFFFFF, s18;
	v21 =	vld [tilespmem:s8+$0x0]  }
.LBB2_47:
0x147: {  	_ =	sdelay $0x3  }
0x148: {  	v22 =	vand.u32 $0xF000, v21  }
0x149: {  	vm1 =	veq.s32 v22, $0x7000  }
0x14a: {  	v22 =	vmpcnt.ones.xlane vm1;
	_ =	sdelay $0x1  }
0x14b: {  	(v2sf) =	vpush v22, $0x0;
	_ =	sdelay $0xc  }
0x14c: {  	s8 =	spop @p4 (v2sf)  }
.Ltmp29:
0x14d: {  	s0 =	sadd.s32 @p4 s0, s8;
	s8 =	smov.u32 s2;
	(pc) =	sbr.rel @!p3 .LBB2_48-.Ltmp29, $4  }
0x14e: {  	s8 =	smov.u32 @p4 s0;
	s30 =	spop (v2sf)  }
0x14f: {  	s0 =	sadd.s32 s8, s30  }
0x150: {  	[tilespmem:s8+$0x8080] =	vst.msk vm1, v21;
	vm1 =	veq.s32 v1, $0x7;
	s31 =	ssub.s32 s0, s2  }
0x151: {  	p4 =	por $0x0, $0x0;
	v19 =	vsel vm1, s2, v19;
	v21 =	vld [tilespmem:s6+$0x0];
	v20 =	vsel vm1, s31, v20  }
0x152: {  	_ =	sdelay $0x3  }
0x153: {  	v22 =	vand.u32 $0xF000, v21  }
0x154: {  	vm1 =	veq.s32 v22, $0x8000  }
0x155: {  	v22 =	vmpcnt.ones.xlane vm1;
	_ =	sdelay $0x1  }
0x156: {  	(v2sf) =	vpush v22, $0x0;
	_ =	sdelay $0x1  }
0x157: {  	p0 =	sne.s32 s25, $0x1  }
.Ltmp30:
0x158: {  	_ = 	snop;
	(pc) =	sbr.rel @!p0 .LBB2_50-.Ltmp30, $3  }
0x159: {  	_ =	sdelay $0x1  }
0x15a: {  	s6 =	simm.s32 $0x4010;
	[tilespmem:s0+$0x8080] =	vst.msk vm1, v21  }
0x15b: {  	s8 =	sadd.s32 $0xFFFFFFFF, s25;
	p5 =	por $0x1, $0x1;
	s2 =	smov.u32 s0;
	v21 =	vld [tilespmem:s6+$0x0]  }
.LBB2_51:
0x15c: {  	p6 =	sne.s32 s8, $0x1;
	_ =	sdelay $0x3  }
0x15d: {  	v22 =	vand.u32 $0xF000, v21  }
0x15e: {  	vm1 =	veq.s32 v22, $0x8000  }
0x15f: {  	v22 =	vmpcnt.ones.xlane vm1  }
0x160: {  	s18 =	spop (v2sf)  }
0x161: {  	(v2sf) =	vpush v22, $0x0;
	s2 =	sadd.s32 s2, s18  }
0x162: {  	[tilespmem:s2+$0x8080] =	vst.msk vm1, v21;
	_ =	sdelay $0x1  }
.Ltmp31:
0x163: {  	(pc) =	sbr.rel @p6 .LBB2_51-.Ltmp31, $3  }
0x164: {  	_ =	sdelay $0x1  }
0x165: {  	s6 =	sadd.s32 $0x10, s6  }
0x166: {  	s8 =	sadd.s32 $0xFFFFFFFF, s8;
	v21 =	vld [tilespmem:s6+$0x0]  }
.LBB2_52:
0x167: {  	_ =	sdelay $0x3  }
0x168: {  	v22 =	vand.u32 $0xF000, v21  }
0x169: {  	vm1 =	veq.s32 v22, $0x8000  }
0x16a: {  	v22 =	vmpcnt.ones.xlane vm1;
	_ =	sdelay $0x1  }
0x16b: {  	(v2sf) =	vpush v22, $0x0;
	_ =	sdelay $0xc  }
0x16c: {  	s6 =	spop @p5 (v2sf)  }
.Ltmp32:
0x16d: {  	s2 =	sadd.s32 @p5 s2, s6;
	s6 =	smov.u32 s0;
	(pc) =	sbr.rel @!p3 .LBB2_53-.Ltmp32, $4  }
0x16e: {  	s6 =	smov.u32 @p5 s2;
	s31 =	spop (v2sf)  }
0x16f: {  	s2 =	sadd.s32 s6, s31  }
0x170: {  	[tilespmem:s6+$0x8080] =	vst.msk vm1, v21;
	vm1 =	veq.s32 v1, $0x8;
	s6 =	simm.s32 $0x4000;
	s8 =	ssub.s32 s2, s0  }
0x171: {  	v19 =	vsel vm1, s0, v19;
	v21 =	vld [tilespmem:s6+$0x0];
	v20 =	vsel vm1, s8, v20  }
0x172: {  	_ =	sdelay $0x3  }
0x173: {  	v22 =	vand.u32 $0xF000, v21  }
0x174: {  	vm1 =	veq.s32 v22, $0x9000  }
0x175: {  	v22 =	vmpcnt.ones.xlane vm1;
	_ =	sdelay $0x1  }
0x176: {  	(v2sf) =	vpush v22, $0x0;
	_ =	sdelay $0x1  }
0x177: {  	p0 =	sne.s32 s25, $0x1  }
.Ltmp33:
0x178: {  	_ = 	snop;
	(pc) =	sbr.rel @!p0 .LBB2_55-.Ltmp33, $3  }
0x179: {  	_ =	sdelay $0x1  }
0x17a: {  	s8 =	simm.s32 $0x4010;
	[tilespmem:s2+$0x8080] =	vst.msk vm1, v21  }
0x17b: {  	s18 =	sadd.s32 $0xFFFFFFFF, s25;
	p4 =	por $0x1, $0x1;
	s0 =	smov.u32 s2;
	v21 =	vld [tilespmem:s8+$0x0]  }
.LBB2_56:
0x17c: {  	p5 =	sne.s32 s18, $0x1;
	_ =	sdelay $0x3  }
0x17d: {  	v22 =	vand.u32 $0xF000, v21  }
0x17e: {  	vm1 =	veq.s32 v22, $0x9000  }
0x17f: {  	v22 =	vmpcnt.ones.xlane vm1  }
0x180: {  	s20 =	spop (v2sf)  }
0x181: {  	(v2sf) =	vpush v22, $0x0;
	s0 =	sadd.s32 s0, s20  }
0x182: {  	[tilespmem:s0+$0x8080] =	vst.msk vm1, v21;
	_ =	sdelay $0x1  }
.Ltmp34:
0x183: {  	(pc) =	sbr.rel @p5 .LBB2_56-.Ltmp34, $3  }
0x184: {  	_ =	sdelay $0x1  }
0x185: {  	s8 =	sadd.s32 $0x10, s8  }
0x186: {  	s18 =	sadd.s32 $0xFFFFFFFF, s18;
	v21 =	vld [tilespmem:s8+$0x0]  }
.LBB2_57:
0x187: {  	_ =	sdelay $0x3  }
0x188: {  	v22 =	vand.u32 $0xF000, v21  }
0x189: {  	vm1 =	veq.s32 v22, $0x9000  }
0x18a: {  	v22 =	vmpcnt.ones.xlane vm1;
	_ =	sdelay $0x1  }
0x18b: {  	(v2sf) =	vpush v22, $0x0;
	_ =	sdelay $0xc  }
0x18c: {  	s8 =	spop @p4 (v2sf)  }
.Ltmp35:
0x18d: {  	s0 =	sadd.s32 @p4 s0, s8;
	s8 =	smov.u32 s2;
	(pc) =	sbr.rel @!p3 .LBB2_58-.Ltmp35, $4  }
0x18e: {  	s8 =	smov.u32 @p4 s0;
	s30 =	spop (v2sf)  }
0x18f: {  	s0 =	sadd.s32 s8, s30  }
0x190: {  	[tilespmem:s8+$0x8080] =	vst.msk vm1, v21;
	vm1 =	veq.s32 v1, $0x9;
	s31 =	ssub.s32 s0, s2  }
0x191: {  	p4 =	por $0x0, $0x0;
	v19 =	vsel vm1, s2, v19;
	v21 =	vld [tilespmem:s6+$0x0];
	v20 =	vsel vm1, s31, v20  }
0x192: {  	_ =	sdelay $0x3  }
0x193: {  	v22 =	vand.u32 $0xF000, v21  }
0x194: {  	vm1 =	veq.s32 v22, $0xA000  }
0x195: {  	v22 =	vmpcnt.ones.xlane vm1;
	_ =	sdelay $0x1  }
0x196: {  	(v2sf) =	vpush v22, $0x0;
	_ =	sdelay $0x1  }
0x197: {  	p0 =	sne.s32 s25, $0x1  }
.Ltmp36:
0x198: {  	_ = 	snop;
	(pc) =	sbr.rel @!p0 .LBB2_60-.Ltmp36, $3  }
0x199: {  	_ =	sdelay $0x1  }
0x19a: {  	s6 =	simm.s32 $0x4010;
	[tilespmem:s0+$0x8080] =	vst.msk vm1, v21  }
0x19b: {  	s8 =	sadd.s32 $0xFFFFFFFF, s25;
	p5 =	por $0x1, $0x1;
	s2 =	smov.u32 s0;
	v21 =	vld [tilespmem:s6+$0x0]  }
.LBB2_61:
0x19c: {  	p6 =	sne.s32 s8, $0x1;
	_ =	sdelay $0x3  }
0x19d: {  	v22 =	vand.u32 $0xF000, v21  }
0x19e: {  	vm1 =	veq.s32 v22, $0xA000  }
0x19f: {  	v22 =	vmpcnt.ones.xlane vm1  }
0x1a0: {  	s18 =	spop (v2sf)  }
0x1a1: {  	(v2sf) =	vpush v22, $0x0;
	s2 =	sadd.s32 s2, s18  }
0x1a2: {  	[tilespmem:s2+$0x8080] =	vst.msk vm1, v21;
	_ =	sdelay $0x1  }
.Ltmp37:
0x1a3: {  	(pc) =	sbr.rel @p6 .LBB2_61-.Ltmp37, $3  }
0x1a4: {  	_ =	sdelay $0x1  }
0x1a5: {  	s6 =	sadd.s32 $0x10, s6  }
0x1a6: {  	s8 =	sadd.s32 $0xFFFFFFFF, s8;
	v21 =	vld [tilespmem:s6+$0x0]  }
.LBB2_62:
0x1a7: {  	_ =	sdelay $0x3  }
0x1a8: {  	v22 =	vand.u32 $0xF000, v21  }
0x1a9: {  	vm1 =	veq.s32 v22, $0xA000  }
0x1aa: {  	v22 =	vmpcnt.ones.xlane vm1;
	_ =	sdelay $0x1  }
0x1ab: {  	(v2sf) =	vpush v22, $0x0;
	_ =	sdelay $0xc  }
0x1ac: {  	s6 =	spop @p5 (v2sf)  }
.Ltmp38:
0x1ad: {  	s2 =	sadd.s32 @p5 s2, s6;
	s6 =	smov.u32 s0;
	(pc) =	sbr.rel @!p3 .LBB2_63-.Ltmp38, $4  }
0x1ae: {  	s6 =	smov.u32 @p5 s2;
	s31 =	spop (v2sf)  }
0x1af: {  	s2 =	sadd.s32 s6, s31  }
0x1b0: {  	[tilespmem:s6+$0x8080] =	vst.msk vm1, v21;
	vm1 =	veq.s32 v1, $0xA;
	s6 =	simm.s32 $0x4000;
	s8 =	ssub.s32 s2, s0  }
0x1b1: {  	v19 =	vsel vm1, s0, v19;
	v21 =	vld [tilespmem:s6+$0x0];
	v20 =	vsel vm1, s8, v20  }
0x1b2: {  	_ =	sdelay $0x3  }
0x1b3: {  	v22 =	vand.u32 $0xF000, v21  }
0x1b4: {  	vm1 =	veq.s32 v22, $0xB000  }
0x1b5: {  	v22 =	vmpcnt.ones.xlane vm1;
	_ =	sdelay $0x1  }
0x1b6: {  	(v2sf) =	vpush v22, $0x0;
	_ =	sdelay $0x1  }
0x1b7: {  	p0 =	sne.s32 s25, $0x1  }
.Ltmp39:
0x1b8: {  	_ = 	snop;
	(pc) =	sbr.rel @!p0 .LBB2_65-.Ltmp39, $3  }
0x1b9: {  	_ =	sdelay $0x1  }
0x1ba: {  	s8 =	simm.s32 $0x4010;
	[tilespmem:s2+$0x8080] =	vst.msk vm1, v21  }
0x1bb: {  	s18 =	sadd.s32 $0xFFFFFFFF, s25;
	p4 =	por $0x1, $0x1;
	s0 =	smov.u32 s2;
	v21 =	vld [tilespmem:s8+$0x0]  }
.LBB2_66:
0x1bc: {  	p5 =	sne.s32 s18, $0x1;
	_ =	sdelay $0x3  }
0x1bd: {  	v22 =	vand.u32 $0xF000, v21  }
0x1be: {  	vm1 =	veq.s32 v22, $0xB000  }
0x1bf: {  	v22 =	vmpcnt.ones.xlane vm1  }
0x1c0: {  	s20 =	spop (v2sf)  }
0x1c1: {  	(v2sf) =	vpush v22, $0x0;
	s0 =	sadd.s32 s0, s20  }
0x1c2: {  	[tilespmem:s0+$0x8080] =	vst.msk vm1, v21;
	_ =	sdelay $0x1  }
.Ltmp40:
0x1c3: {  	(pc) =	sbr.rel @p5 .LBB2_66-.Ltmp40, $3  }
0x1c4: {  	_ =	sdelay $0x1  }
0x1c5: {  	s8 =	sadd.s32 $0x10, s8  }
0x1c6: {  	s18 =	sadd.s32 $0xFFFFFFFF, s18;
	v21 =	vld [tilespmem:s8+$0x0]  }
.LBB2_67:
0x1c7: {  	_ =	sdelay $0x3  }
0x1c8: {  	v22 =	vand.u32 $0xF000, v21  }
0x1c9: {  	vm1 =	veq.s32 v22, $0xB000  }
0x1ca: {  	v22 =	vmpcnt.ones.xlane vm1;
	_ =	sdelay $0x1  }
0x1cb: {  	(v2sf) =	vpush v22, $0x0;
	_ =	sdelay $0xc  }
0x1cc: {  	s8 =	spop @p4 (v2sf)  }
.Ltmp41:
0x1cd: {  	s0 =	sadd.s32 @p4 s0, s8;
	s8 =	smov.u32 s2;
	(pc) =	sbr.rel @!p3 .LBB2_68-.Ltmp41, $4  }
0x1ce: {  	s8 =	smov.u32 @p4 s0;
	s30 =	spop (v2sf)  }
0x1cf: {  	s0 =	sadd.s32 s8, s30  }
0x1d0: {  	[tilespmem:s8+$0x8080] =	vst.msk vm1, v21;
	vm1 =	veq.s32 v1, $0xB;
	s31 =	ssub.s32 s0, s2  }
0x1d1: {  	p4 =	por $0x0, $0x0;
	v19 =	vsel vm1, s2, v19;
	v21 =	vld [tilespmem:s6+$0x0];
	v20 =	vsel vm1, s31, v20  }
0x1d2: {  	_ =	sdelay $0x3  }
0x1d3: {  	v22 =	vand.u32 $0xF000, v21  }
0x1d4: {  	vm1 =	veq.s32 v22, $0xC000  }
0x1d5: {  	v22 =	vmpcnt.ones.xlane vm1;
	_ =	sdelay $0x1  }
0x1d6: {  	(v2sf) =	vpush v22, $0x0;
	_ =	sdelay $0x1  }
0x1d7: {  	p0 =	sne.s32 s25, $0x1  }
.Ltmp42:
0x1d8: {  	_ = 	snop;
	(pc) =	sbr.rel @!p0 .LBB2_70-.Ltmp42, $3  }
0x1d9: {  	_ =	sdelay $0x1  }
0x1da: {  	s6 =	simm.s32 $0x4010;
	[tilespmem:s0+$0x8080] =	vst.msk vm1, v21  }
0x1db: {  	s8 =	sadd.s32 $0xFFFFFFFF, s25;
	p5 =	por $0x1, $0x1;
	s2 =	smov.u32 s0;
	v21 =	vld [tilespmem:s6+$0x0]  }
.LBB2_71:
0x1dc: {  	p6 =	sne.s32 s8, $0x1;
	_ =	sdelay $0x3  }
0x1dd: {  	v22 =	vand.u32 $0xF000, v21  }
0x1de: {  	vm1 =	veq.s32 v22, $0xC000  }
0x1df: {  	v22 =	vmpcnt.ones.xlane vm1  }
0x1e0: {  	s18 =	spop (v2sf)  }
0x1e1: {  	(v2sf) =	vpush v22, $0x0;
	s2 =	sadd.s32 s2, s18  }
0x1e2: {  	[tilespmem:s2+$0x8080] =	vst.msk vm1, v21;
	_ =	sdelay $0x1  }
.Ltmp43:
0x1e3: {  	(pc) =	sbr.rel @p6 .LBB2_71-.Ltmp43, $3  }
0x1e4: {  	_ =	sdelay $0x1  }
0x1e5: {  	s6 =	sadd.s32 $0x10, s6  }
0x1e6: {  	s8 =	sadd.s32 $0xFFFFFFFF, s8;
	v21 =	vld [tilespmem:s6+$0x0]  }
.LBB2_72:
0x1e7: {  	_ =	sdelay $0x3  }
0x1e8: {  	v22 =	vand.u32 $0xF000, v21  }
0x1e9: {  	vm1 =	veq.s32 v22, $0xC000  }
0x1ea: {  	v22 =	vmpcnt.ones.xlane vm1;
	_ =	sdelay $0x1  }
0x1eb: {  	(v2sf) =	vpush v22, $0x0;
	_ =	sdelay $0xc  }
0x1ec: {  	s6 =	spop @p5 (v2sf)  }
.Ltmp44:
0x1ed: {  	s8 =	smov.u32 s0;
	s2 =	sadd.s32 @p5 s2, s6;
	(pc) =	sbr.rel @!p3 .LBB2_73-.Ltmp44, $4  }
0x1ee: {  	s8 =	smov.u32 @p5 s2;
	s31 =	spop (v2sf)  }
0x1ef: {  	s6 =	sadd.s32 s8, s31  }
0x1f0: {  	[tilespmem:s8+$0x8080] =	vst.msk vm1, v21;
	vm1 =	veq.s32 v1, $0xC;
	s8 =	simm.s32 $0x4000;
	s2 =	ssub.s32 s6, s0  }
0x1f1: {  	v19 =	vsel vm1, s0, v19;
	v21 =	vld [tilespmem:s8+$0x0];
	v20 =	vsel vm1, s2, v20  }
0x1f2: {  	_ =	sdelay $0x3  }
0x1f3: {  	v22 =	vand.u32 $0xF000, v21  }
0x1f4: {  	vm1 =	veq.s32 v22, $0xD000  }
0x1f5: {  	v22 =	vmpcnt.ones.xlane vm1;
	_ =	sdelay $0x1  }
0x1f6: {  	(v2sf) =	vpush v22, $0x0;
	_ =	sdelay $0x1  }
0x1f7: {  	p0 =	sne.s32 s25, $0x1  }
.Ltmp45:
0x1f8: {  	_ = 	snop;
	(pc) =	sbr.rel @!p0 .LBB2_75-.Ltmp45, $3  }
0x1f9: {  	_ =	sdelay $0x1  }
0x1fa: {  	s2 =	simm.s32 $0x4010;
	[tilespmem:s6+$0x8080] =	vst.msk vm1, v21  }
0x1fb: {  	s18 =	sadd.s32 $0xFFFFFFFF, s25;
	p4 =	por $0x1, $0x1;
	s0 =	smov.u32 s6;
	v21 =	vld [tilespmem:s2+$0x0]  }
.LBB2_76:
0x1fc: {  	p5 =	sne.s32 s18, $0x1;
	_ =	sdelay $0x3  }
0x1fd: {  	v22 =	vand.u32 $0xF000, v21  }
0x1fe: {  	vm1 =	veq.s32 v22, $0xD000  }
0x1ff: {  	v22 =	vmpcnt.ones.xlane vm1  }
0x200: {  	s20 =	spop (v2sf)  }
0x201: {  	(v2sf) =	vpush v22, $0x0;
	s0 =	sadd.s32 s0, s20  }
0x202: {  	[tilespmem:s0+$0x8080] =	vst.msk vm1, v21;
	_ =	sdelay $0x1  }
.Ltmp46:
0x203: {  	(pc) =	sbr.rel @p5 .LBB2_76-.Ltmp46, $3  }
0x204: {  	_ =	sdelay $0x1  }
0x205: {  	s2 =	sadd.s32 $0x10, s2  }
0x206: {  	s18 =	sadd.s32 $0xFFFFFFFF, s18;
	v21 =	vld [tilespmem:s2+$0x0]  }
.LBB2_77:
0x207: {  	_ =	sdelay $0x3  }
0x208: {  	v22 =	vand.u32 $0xF000, v21  }
0x209: {  	vm1 =	veq.s32 v22, $0xD000  }
0x20a: {  	v22 =	vmpcnt.ones.xlane vm1;
	_ =	sdelay $0x1  }
0x20b: {  	(v2sf) =	vpush v22, $0x0;
	_ =	sdelay $0xc  }
0x20c: {  	s2 =	spop @p4 (v2sf)  }
.Ltmp47:
0x20d: {  	s18 =	smov.u32 s6;
	s0 =	sadd.s32 @p4 s0, s2;
	(pc) =	sbr.rel @!p3 .LBB2_78-.Ltmp47, $4  }
0x20e: {  	s18 =	smov.u32 @p4 s0;
	s31 =	spop (v2sf)  }
0x20f: {  	s2 =	sadd.s32 s18, s31  }
0x210: {  	[tilespmem:s18+$0x8080] =	vst.msk vm1, v21;
	vm1 =	veq.s32 v1, $0xD;
	s0 =	ssub.s32 s2, s6  }
0x211: {  	p4 =	por $0x0, $0x0;
	v19 =	vsel vm1, s6, v19;
	v21 =	vsel vm1, s0, v20;
	v20 =	vld [tilespmem:s8+$0x0]  }
0x212: {  	_ =	sdelay $0x3  }
0x213: {  	v22 =	vand.u32 $0xF000, v20  }
0x214: {  	vm1 =	veq.s32 v22, $0xE000  }
0x215: {  	v22 =	vmpcnt.ones.xlane vm1;
	_ =	sdelay $0x1  }
0x216: {  	(v2sf) =	vpush v22, $0x0;
	_ =	sdelay $0x1  }
0x217: {  	p0 =	sne.s32 s25, $0x1  }
.Ltmp48:
0x218: {  	_ = 	snop;
	(pc) =	sbr.rel @!p0 .LBB2_80-.Ltmp48, $3  }
0x219: {  	_ =	sdelay $0x1  }
0x21a: {  	s6 =	simm.s32 $0x4010;
	[tilespmem:s2+$0x8080] =	vst.msk vm1, v20  }
0x21b: {  	s8 =	sadd.s32 $0xFFFFFFFF, s25;
	p5 =	por $0x1, $0x1;
	s0 =	smov.u32 s2;
	v20 =	vld [tilespmem:s6+$0x0]  }
.LBB2_81:
0x21c: {  	p6 =	sne.s32 s8, $0x1;
	_ =	sdelay $0x3  }
0x21d: {  	v22 =	vand.u32 $0xF000, v20  }
0x21e: {  	vm1 =	veq.s32 v22, $0xE000  }
0x21f: {  	v22 =	vmpcnt.ones.xlane vm1  }
0x220: {  	s18 =	spop (v2sf)  }
0x221: {  	(v2sf) =	vpush v22, $0x0;
	s0 =	sadd.s32 s0, s18  }
0x222: {  	[tilespmem:s0+$0x8080] =	vst.msk vm1, v20;
	_ =	sdelay $0x1  }
.Ltmp49:
0x223: {  	(pc) =	sbr.rel @p6 .LBB2_81-.Ltmp49, $3  }
0x224: {  	_ =	sdelay $0x1  }
0x225: {  	s6 =	sadd.s32 $0x10, s6  }
0x226: {  	s8 =	sadd.s32 $0xFFFFFFFF, s8;
	v20 =	vld [tilespmem:s6+$0x0]  }
.LBB2_82:
0x227: {  	_ =	sdelay $0x3  }
0x228: {  	v22 =	vand.u32 $0xF000, v20  }
0x229: {  	vm1 =	veq.s32 v22, $0xE000  }
0x22a: {  	v22 =	vmpcnt.ones.xlane vm1;
	_ =	sdelay $0x1  }
0x22b: {  	(v2sf) =	vpush v22, $0x0;
	_ =	sdelay $0xc  }
0x22c: {  	s6 =	spop @p5 (v2sf)  }
.Ltmp50:
0x22d: {  	s0 =	sadd.s32 @p5 s0, s6;
	s6 =	smov.u32 s2;
	(pc) =	sbr.rel @!p3 .LBB2_83-.Ltmp50, $4  }
0x22e: {  	s6 =	smov.u32 @p5 s0;
	s30 =	spop (v2sf)  }
0x22f: {  	s0 =	sadd.s32 s6, s30  }
0x230: {  	s8 =	simm.s32 $0x4000;
	[tilespmem:s6+$0x8080] =	vst.msk vm1, v20;
	vm1 =	veq.s32 v1, $0xE;
	s31 =	ssub.s32 s0, s2  }
0x231: {  	v20 =	vsel vm1, s2, v19;
	v19 =	vsel vm1, s31, v21;
	v21 =	vld [tilespmem:s8+$0x0]  }
0x232: {  	_ =	sdelay $0x3  }
0x233: {  	v22 =	vand.u32 $0xF000, v21  }
0x234: {  	vm1 =	veq.s32 v22, $0xF000  }
0x235: {  	v22 =	vmpcnt.ones.xlane vm1;
	_ =	sdelay $0x1  }
0x236: {  	(v2sf) =	vpush v22, $0x0;
	_ =	sdelay $0x1  }
0x237: {  	p0 =	sne.s32 s25, $0x1  }
.Ltmp51:
0x238: {  	_ = 	snop;
	(pc) =	sbr.rel @!p0 .LBB2_85-.Ltmp51, $3  }
0x239: {  	_ =	sdelay $0x1  }
0x23a: {  	s6 =	simm.s32 $0x4010;
	[tilespmem:s0+$0x8080] =	vst.msk vm1, v21  }
0x23b: {  	s8 =	sadd.s32 $0xFFFFFFFF, s25;
	p4 =	por $0x1, $0x1;
	s2 =	smov.u32 s0;
	v21 =	vld [tilespmem:s6+$0x0]  }
.LBB2_86:
0x23c: {  	p3 =	sne.s32 s8, $0x1;
	_ =	sdelay $0x3  }
0x23d: {  	v22 =	vand.u32 $0xF000, v21  }
0x23e: {  	vm1 =	veq.s32 v22, $0xF000  }
0x23f: {  	v22 =	vmpcnt.ones.xlane vm1  }
0x240: {  	s18 =	spop (v2sf)  }
0x241: {  	(v2sf) =	vpush v22, $0x0;
	s2 =	sadd.s32 s2, s18  }
0x242: {  	[tilespmem:s2+$0x8080] =	vst.msk vm1, v21;
	_ =	sdelay $0x1  }
.Ltmp52:
0x243: {  	(pc) =	sbr.rel @p3 .LBB2_86-.Ltmp52, $3  }
0x244: {  	_ =	sdelay $0x1  }
0x245: {  	s6 =	sadd.s32 $0x10, s6  }
0x246: {  	s8 =	sadd.s32 $0xFFFFFFFF, s8;
	v21 =	vld [tilespmem:s6+$0x0]  }
.LBB2_87:
0x247: {  	_ =	sdelay $0x3  }
0x248: {  	v22 =	vand.u32 $0xF000, v21  }
0x249: {  	vm1 =	veq.s32 v22, $0xF000  }
0x24a: {  	v22 =	vmpcnt.ones.xlane vm1;
	_ =	sdelay $0x1  }
0x24b: {  	(v2sf) =	vpush v22, $0x0;
	_ =	sdelay $0xb  }
.Ltmp53:
0x24c: {  	_ = 	snop;
	(pc) =	sbr.rel .LBB2_88-.Ltmp53, $4  }
0x24d: {  	s6 =	spop @p4 (v2sf)  }
0x24e: {  	s2 =	sadd.s32 @p4 s2, s6;
	s6 =	smov.u32 s0  }
0x24f: {  	s6 =	smov.u32 @p4 s2;
	s31 =	spop (v2sf)  }
0x250: {  	[tilespmem:s6+$0x8080] =	vst.msk vm1, v21;
	s2 =	sadd.s32 s6, s31  }
.LBB2_6:
0x251: {  	v19 =	vimm.s32 $0x0;
	v20 =	vimm.s32 $0x0;
	s2 =	simm.s32 $0x0  }
.LBB2_88:
0x252: {  	vm1 =	veq.s32 v1, $0xF  }
0x253: {  	s2 =	ssub.s32 s2, s0;
	v20 =	vsel vm1, s0, v20  }
0x254: {  	v19 =	vsel vm1, s2, v19;
	[tilespmem:$0xC180] =	vst v20  }
0x255: {  	[tilespmem:$0xC200] =	vst v19  }
0x256: {  	v19 =	vld.msk [tilespmem:s14+$0x0], $0xffff  }
0x257: {  	v20 =	vld.idx.msk [tilespmem:v4+s14+$0x0], $0xffff  }
0x258: {  	v21 =	vld.idx.msk [tilespmem:v5+s14+$0x0], $0xffff  }
0x259: {  	v22 =	vld.idx.msk [tilespmem:v6+s14+$0x0], $0xffff  }
0x25a: {  	v23 =	vld.idx.msk [tilespmem:v7+s14+$0x0], $0xffff  }
0x25b: {  	(v2sf) =	vpush v19, $0x0;
	v19 =	vld.idx.msk [tilespmem:v8+s14+$0x0], $0xffff  }
0x25c: {  	(v2sf) =	vpush v20, $0x0  }
0x25d: {  	v20 =	vld.idx.msk [tilespmem:v9+s14+$0x0], $0xffff;
	(v2sf) =	vpush v21, $0x0  }
0x25e: {  	v60 =	vld.idx.msk [tilespmem:v10+s14+$0x0], $0xffff;
	(v2sf) =	vpush v22, $0x0  }
0x25f: {  	v61 =	vld.idx.msk [tilespmem:v11+s14+$0x0], $0xffff;
	(v2sf) =	vpush v23, $0x0  }
0x260: {  	v62 =	vld.idx.msk [tilespmem:v12+s14+$0x0], $0xffff;
	(v2sf) =	vpush v19, $0x0  }
0x261: {  	v19 =	vld.idx.msk [tilespmem:v13+s14+$0x0], $0xffff  }
0x262: {  	(v2sf) =	vpush v20, $0x0;
	v20 =	vld.idx.msk [tilespmem:v14+s14+$0x0], $0xffff  }
0x263: {  	(v2sf) =	vpush v60, $0x0  }
0x264: {  	(v2sf) =	vpush v61, $0x0  }
0x265: {  	(v2sf) =	vpush v62, $0x0  }
0x266: {  	(v2sf) =	vpush v19, $0x0;
	v19 =	vld.idx.msk [tilespmem:v15+s14+$0x0], $0xffff  }
0x267: {  	(v2sf) =	vpush v20, $0x0;
	v20 =	vld.idx.msk [tilespmem:v16+s14+$0x0], $0xffff  }
0x268: {  	v63 =	vld.idx.msk [tilespmem:v17+s14+$0x0], $0xffff;
	_ =	sdelay $0x1  }
0x269: {  	s5 =	spop (v2sf)  }
0x26a: {  	(v2sf) =	vpush v19, $0x0;
	s22 =	spop (v2sf)  }
0x26b: {  	(v2sf) =	vpush v20, $0x0;
	s0 =	sadd.s32 $0x3F, s5;
	s6 =	spop (v2sf);
	s2 =	sadd.s32 $0x3F, s22  }
0x26c: {  	(v2sf) =	vpush v63, $0x0;
	s0 =	sand.u32 $0xFFFFFFC0, s0;
	s8 =	spop (v2sf);
	s2 =	sand.u32 $0xFFFFFFC0, s2  }
0x26d: {  	s6 =	sadd.s32 $0x3F, s6;
	s18 =	spop (v2sf);
	s2 =	sadd.s32 s0, s2  }
0x26e: {  	s6 =	sand.u32 $0xFFFFFFC0, s6;
	s8 =	sadd.s32 $0x3F, s8;
	s20 =	spop (v2sf)  }
0x26f: {  	s6 =	sadd.s32 s6, s2;
	s8 =	sand.u32 $0xFFFFFFC0, s8;
	s18 =	sadd.s32 $0x3F, s18  }
0x270: {  	s23 =	spop (v2sf);
	s8 =	sadd.s32 s8, s6;
	s18 =	sand.u32 $0xFFFFFFC0, s18  }
0x271: {  	s20 =	sadd.s32 $0x3F, s20;
	s24 =	spop (v2sf);
	s18 =	sadd.s32 s18, s8  }
0x272: {  	s20 =	sand.u32 $0xFFFFFFC0, s20;
	s23 =	sadd.s32 $0x3F, s23;
	s25 =	spop (v2sf)  }
0x273: {  	s20 =	sadd.s32 s20, s18;
	s23 =	sand.u32 $0xFFFFFFC0, s23;
	s24 =	sadd.s32 $0x3F, s24  }
0x274: {  	s26 =	spop (v2sf);
	s23 =	sadd.s32 s23, s20;
	s24 =	sand.u32 $0xFFFFFFC0, s24  }
0x275: {  	s25 =	sadd.s32 $0x3F, s25;
	s28 =	spop (v2sf);
	s24 =	sadd.s32 s24, s23  }
0x276: {  	s25 =	sand.u32 $0xFFFFFFC0, s25;
	s26 =	sadd.s32 $0x3F, s26;
	s30 =	spop (v2sf)  }
0x277: {  	s25 =	sadd.s32 s25, s24;
	s26 =	sand.u32 $0xFFFFFFC0, s26;
	s28 =	sadd.s32 $0x3F, s28  }
0x278: {  	s26 =	sadd.s32 s26, s25;
	s28 =	sand.u32 $0xFFFFFFC0, s28;
	s30 =	sadd.s32 $0x3F, s30  }
0x279: {  	s28 =	sadd.s32 s28, s26;
	s30 =	sand.u32 $0xFFFFFFC0, s30;
	s31 =	spop (v2sf)  }
0x27a: {  	v19 =	vld.idx.msk [tilespmem:v18+s14+$0x0], $0xffff;
	s30 =	sadd.s32 s30, s28;
	s22 =	spop (v2sf);
	s31 =	sadd.s32 $0x3F, s31  }
0x27b: {  	s31 =	sand.u32 $0xFFFFFFC0, s31;
	s22 =	sadd.s32 $0x3F, s22;
	s1 =	spop (v2sf)  }
0x27c: {  	s31 =	sadd.s32 s31, s30;
	s22 =	sand.u32 $0xFFFFFFC0, s22;
	s1 =	sadd.s32 $0x3F, s1  }
0x27d: {  	s22 =	sadd.s32 s22, s31;
	s1 =	sand.u32 $0xFFFFFFC0, s1  }
0x27e: {  	s1 =	sadd.s32 s1, s22  }
0x27f: {  	vm1 =	vcmask $0x300;
	(v2sf) =	vpush v19, $0x0;
	v19 =	vmov s1  }
0x280: {  	v19 =	vsel vm1, $0x0, v19  }
0x281: {  	vm1 =	vcmask $0xB08;
	v19 =	vsel vm2, s0, v19  }
0x282: {  	v19 =	vsel vm1, s2, v19;
	vm1 =	vcmask $0xF0C  }
0x283: {  	v19 =	vsel vm1, s6, v19;
	vm1 =	vcmask $0x1310  }
0x284: {  	v19 =	vsel vm1, s8, v19  }
0x285: {  	v19 =	vsel vm6, s18, v19  }
0x286: {  	v19 =	vsel vm7, s20, v19  }
0x287: {  	v19 =	vsel vm8, s23, v19  }
0x288: {  	v19 =	vsel vm9, s24, v19  }
0x289: {  	v19 =	vsel vm10, s25, v19  }
0x28a: {  	v19 =	vsel vm11, s26, v19  }
0x28b: {  	v19 =	vsel vm12, s28, v19  }
0x28c: {  	v19 =	vsel vm13, s30, v19  }
.Ltmp54:
0x28d: {  	v19 =	vsel vm14, s31, v19;
	(pc) =	sbr.rel @p1 .LBB2_91-.Ltmp54, $4  }
0x28e: {  	s31 =	spop (v2sf);
	v19 =	vsel vm15, s22, v19  }
0x28f: {  	[smem:$0x0] =	sst s4;
	s0 =	sadd.s32 $0x3F, s31;
	[tilespmem:$0x1C280] =	vst v19  }
0x290: {  	s0 =	sand.u32 $0xFFFFFFC0, s0;
	[bflag:$0x0] =	sbarrier.arrive $0xFFFF  }
0x291: {  	s0 =	sadd.s32 s0, s1  }
0x292: {  	s1 =	sld [smem:$0x7FC];
	_ =	sdelay $0x2  }
0x293: {  	p0 =	seq.s32 s1, $0x1  }
.Ltmp55:
0x294: {  	_ = 	snop;
	(pc) =	sbr.rel @p0 .LBB2_92-.Ltmp55, $1  }
0x295: {  	_ =	sdelay $0x3  }
0x296: {  	s1 =	simm.s32 $0x4  }
0x297: {  	s2 =	simm.s32 $0x10000;
	[sflag:s1] =	ssyncset.done $0x0  }
0x298: {  	[smem:s2], [sflag:$0x4] =	smem.add.s32 s0  }
0x299: {  	_ =	swait.done [sflag:s1]  }
0x29a: {  	[sflag:s1] =	ssyncset.s32 $0x0  }
0x29b: {  	[sflag:s1] =	ssyncset.done $0x0  }
.LBB2_91:
0x29c: {  	s1 =	simm.s32 $0x5  }
0x29d: {  	s2 =	simm.s32 $0x20000;
	[sflag:s1] =	ssyncset.done $0x0  }
0x29e: {  	[smem:s2], [sflag:$0x5] =	smem.add.s32 s0  }
0x29f: {  	_ =	swait.done [sflag:s1]  }
0x2a0: {  	[sflag:s1] =	ssyncset.s32 $0x0  }
0x2a1: {  	[sflag:s1] =	ssyncset.done $0x0  }
.LBB2_93:
0x2a2: {  	s1 =	simm.s32 $0x6  }
0x2a3: {  	s2 =	simm.s32 $0x30000;
	[sflag:s1] =	ssyncset.done $0x0  }
0x2a4: {  	[smem:s2], [sflag:$0x6] =	smem.add.s32 s0  }
0x2a5: {  	_ =	swait.done [sflag:s1]  }
0x2a6: {  	[sflag:s1] =	ssyncset.s32 $0x0  }
0x2a7: {  	[sflag:s1] =	ssyncset.done $0x0  }
.LBB2_95:
0x2a8: {  	s1 =	simm.s32 $0x7  }
0x2a9: {  	s2 =	simm.s32 $0x40000;
	[sflag:s1] =	ssyncset.done $0x0  }
0x2aa: {  	[smem:s2], [sflag:$0x7] =	smem.add.s32 s0  }
0x2ab: {  	_ =	swait.done [sflag:s1]  }
0x2ac: {  	[sflag:s1] =	ssyncset.s32 $0x0  }
0x2ad: {  	[sflag:s1] =	ssyncset.done $0x0  }
.LBB2_97:
0x2ae: {  	s1 =	simm.s32 $0x8  }
0x2af: {  	s2 =	simm.s32 $0x50000;
	[sflag:s1] =	ssyncset.done $0x0  }
0x2b0: {  	[smem:s2], [sflag:$0x8] =	smem.add.s32 s0  }
0x2b1: {  	_ =	swait.done [sflag:s1]  }
0x2b2: {  	[sflag:s1] =	ssyncset.s32 $0x0  }
0x2b3: {  	[sflag:s1] =	ssyncset.done $0x0  }
.LBB2_99:
0x2b4: {  	s1 =	simm.s32 $0x9  }
0x2b5: {  	s2 =	simm.s32 $0x60000;
	[sflag:s1] =	ssyncset.done $0x0  }
0x2b6: {  	[smem:s2], [sflag:$0x9] =	smem.add.s32 s0  }
0x2b7: {  	_ =	swait.done [sflag:s1]  }
0x2b8: {  	[sflag:s1] =	ssyncset.s32 $0x0  }
0x2b9: {  	[sflag:s1] =	ssyncset.done $0x0  }
.LBB2_101:
0x2ba: {  	s1 =	simm.s32 $0xA  }
0x2bb: {  	s2 =	simm.s32 $0x70000;
	[sflag:s1] =	ssyncset.done $0x0  }
0x2bc: {  	[smem:s2], [sflag:$0xA] =	smem.add.s32 s0  }
0x2bd: {  	_ =	swait.done [sflag:s1]  }
0x2be: {  	[sflag:s1] =	ssyncset.s32 $0x0  }
0x2bf: {  	[sflag:s1] =	ssyncset.done $0x0  }
.LBB2_103:
0x2c0: {  	s1 =	simm.s32 $0xB  }
0x2c1: {  	s2 =	simm.s32 $0x80000;
	[sflag:s1] =	ssyncset.done $0x0  }
0x2c2: {  	[smem:s2], [sflag:$0xB] =	smem.add.s32 s0  }
0x2c3: {  	_ =	swait.done [sflag:s1]  }
0x2c4: {  	[sflag:s1] =	ssyncset.s32 $0x0  }
0x2c5: {  	[sflag:s1] =	ssyncset.done $0x0  }
.LBB2_105:
0x2c6: {  	s1 =	simm.s32 $0xC  }
0x2c7: {  	s2 =	simm.s32 $0x90000;
	[sflag:s1] =	ssyncset.done $0x0  }
0x2c8: {  	[smem:s2], [sflag:$0xC] =	smem.add.s32 s0  }
0x2c9: {  	_ =	swait.done [sflag:s1]  }
0x2ca: {  	[sflag:s1] =	ssyncset.s32 $0x0  }
0x2cb: {  	[sflag:s1] =	ssyncset.done $0x0  }
.LBB2_107:
0x2cc: {  	s1 =	simm.s32 $0xD  }
0x2cd: {  	s2 =	simm.s32 $0xA0000;
	[sflag:s1] =	ssyncset.done $0x0  }
0x2ce: {  	[smem:s2], [sflag:$0xD] =	smem.add.s32 s0  }
0x2cf: {  	_ =	swait.done [sflag:s1]  }
0x2d0: {  	[sflag:s1] =	ssyncset.s32 $0x0  }
0x2d1: {  	[sflag:s1] =	ssyncset.done $0x0  }
.LBB2_109:
0x2d2: {  	s1 =	simm.s32 $0xE  }
0x2d3: {  	s2 =	simm.s32 $0xB0000;
	[sflag:s1] =	ssyncset.done $0x0  }
0x2d4: {  	[smem:s2], [sflag:$0xE] =	smem.add.s32 s0  }
0x2d5: {  	_ =	swait.done [sflag:s1]  }
0x2d6: {  	[sflag:s1] =	ssyncset.s32 $0x0  }
0x2d7: {  	[sflag:s1] =	ssyncset.done $0x0  }
.LBB2_111:
0x2d8: {  	s1 =	simm.s32 $0xF  }
0x2d9: {  	s2 =	simm.s32 $0xC0000;
	[sflag:s1] =	ssyncset.done $0x0  }
0x2da: {  	[smem:s2], [sflag:$0xF] =	smem.add.s32 s0  }
0x2db: {  	_ =	swait.done [sflag:s1]  }
0x2dc: {  	[sflag:s1] =	ssyncset.s32 $0x0  }
0x2dd: {  	[sflag:s1] =	ssyncset.done $0x0  }
.LBB2_113:
0x2de: {  	s1 =	simm.s32 $0x10  }
0x2df: {  	s2 =	simm.s32 $0xD0000;
	[sflag:s1] =	ssyncset.done $0x0  }
0x2e0: {  	[smem:s2], [sflag:$0x10] =	smem.add.s32 s0  }
0x2e1: {  	_ =	swait.done [sflag:s1]  }
0x2e2: {  	[sflag:s1] =	ssyncset.s32 $0x0  }
0x2e3: {  	[sflag:s1] =	ssyncset.done $0x0  }
.LBB2_117:
0x2e4: {  	s1 =	simm.s32 $0x11  }
0x2e5: {  	s2 =	simm.s32 $0xE0000;
	[sflag:s1] =	ssyncset.done $0x0  }
0x2e6: {  	[smem:s2], [sflag:$0x11] =	smem.add.s32 s0  }
0x2e7: {  	_ =	swait.done [sflag:s1]  }
0x2e8: {  	[sflag:s1] =	ssyncset.s32 $0x0  }
0x2e9: {  	[sflag:s1] =	ssyncset.done $0x0  }
.LBB2_118:
0x2ea: {  	s1 =	simm.s32 $0x12  }
0x2eb: {  	s2 =	simm.s32 $0xF0000;
	[sflag:s1] =	ssyncset.done $0x0  }
0x2ec: {  	[smem:s2], [sflag:$0x12] =	smem.add.s32 s0  }
0x2ed: {  	_ =	swait.done [sflag:s1]  }
0x2ee: {  	[sflag:s1] =	ssyncset.s32 $0x0  }
0x2ef: {  	p3 =	por $0x0, $0x0;
	[sflag:s1] =	ssyncset.done $0x0  }
.LBB2_119:
0x2f0: {  	[bflag:$0x0] =	sbarrier.arrive $0xFFFF  }
0x2f1: {  	v19 =	vld.msk [tilespmem:s14+$0x0], $0xffff;
	_ =	sdelay $0x4  }
0x2f2: {  	(v2sf) =	vpush v19, $0x0;
	_ =	sdelay $0xd  }
0x2f3: {  	s25 =	sld [smem:$0x0]  }
.Ltmp56:
0x2f4: {  	s0 =	spop (v2sf);
	(pc) =	sbr.rel .LBB2_121-.Ltmp56, $4  }
0x2f5: {  	s2 =	rddreg [dreg:$0x7];
	p0 =	slt.s32 s0, $0x1  }
0x2f6: {  	s31 =	rddreg [dreg:$0x9];
	s0 =	simm.s32 @!p0 $0x0;
	s1 =	simm.s32 @!p0 $0xC280  }
0x2f7: {  	[tilespmem:s1], [sflag:$0x2] =	stream.linear.gather @!p0 [hbm4b:s2+s0], $0x8000, $0x38;
	[tilespmem:$0x1CC00] =	vst v63  }
0x2f8: {  	s28 =	sadd.s32 s25, s31;
	s0 =	simm.s32 $0x0  }
.LBB2_120:
0x2f9: {  	p0 =	seq.s32 s0, $0x40  }
.Ltmp57:
0x2fa: {  	_ = 	snop;
	(pc) =	sbr.rel @p0 .LBB2_138-.Ltmp57, $1  }
0x2fb: {  	_ =	sdelay $0x3  }
.LBB2_121:
0x2fc: {  	s31 =	sand.u32 $0xF, s0  }
0x2fd: {  	v19 =	vmov s31;
	_ =	sdelay $0x4  }
0x2fe: {  	v20 =	vld.idx.msk [tilespmem:v19+s14+$0x0], $0xffff;
	_ =	sdelay $0x4  }
0x2ff: {  	(v2sf) =	vpush v20, $0x0;
	_ =	sdelay $0x8  }
0x300: {  	p0 =	seq.s32 s31, $0xF  }
0x301: {  	s2 =	sor.u32 s10, s31;
	p0 =	por !p3, !p0  }
0x302: {  	p4 =	por !p0, !p0;
	p0 =	sgt.u32 s2, $0xF3  }
0x303: {  	s30 =	smov.u32 s0;
	s0 =	simm.s32 @!p0 $0x1;
	p5 =	por !p4, p0  }
0x304: {  	s0 =	simm.s32 @p5 $0x0  }
0x305: {  	p5 =	seq.s32 @!p0 s0, $0x1  }
0x306: {  	p0 =	por p0, p5;
	s0 =	spop (v2sf)  }
0x307: {  	p5 =	slt.s32 @!p0 s0, $0x1  }
0x308: {  	p0 =	por p0, p5  }
.Ltmp58:
0x309: {  	_ = 	snop;
	(pc) =	sbr.rel @p0 .LBB2_123-.Ltmp58, $1  }
0x30a: {  	_ =	sdelay $0x3  }
.Ltmp59:
0x30b: {  	(pc) =	sbr.rel .LBB2_124-.Ltmp59, $4  }
0x30c: {  	s1 =	simm.s32 $0x2  }
0x30d: {  	_ =	swait.ge [sflag:s1], $0x8000  }
0x30e: {  	[sflag:s1] =	ssyncset.done $0x0  }
0x30f: {  	[sflag:s1] =	ssyncadd.s32 $0xFFFF8000  }
.LBB2_123:
0x310: {  	p0 =	sne.s32 s2, $0xF4  }
0x311: {  	p5 =	slt.s32 @!p0 s0, $0x1  }
0x312: {  	p0 =	por p5, p0  }
0x313: {  	s1 =	simm.s32 @!p0 $0x2  }
0x314: {  	_ =	swait.ge @!p0 [sflag:s1], $0x1000  }
0x315: {  	[sflag:s1] =	ssyncset.done @!p0 $0x0  }
0x316: {  	[sflag:s1] =	ssyncadd.s32 @!p0 $0xFFFFF000  }
.LBB2_124:
0x317: {  	p0 =	slt.s32 s0, $0x1;
	p4 =	por !p4, !p4  }
0x318: {  	p0 =	por p4, p0;
	p4 =	seq.s32 s30, $0x3F  }
.Ltmp60:
0x319: {  	_ = 	snop;
	(pc) =	sbr.rel @p4 .LBB2_129-.Ltmp60, $4  }
0x31a: {  	s0 =	simm.s32 @!p0 $0x2  }
0x31b: {  	_ =	swait.ge @!p0 [sflag:s0], $0x400  }
0x31c: {  	[sflag:s0] =	ssyncset.done @!p0 $0x0  }
0x31d: {  	s2 =	sand.u32 $0x1, s30;
	[sflag:s0] =	ssyncadd.s32 @!p0 $0xFFFFFC00;
	s0 =	sadd.s32 $0x1, s30  }
0x31e: {  	s1 =	sand.u32 $0xF, s0  }
0x31f: {  	v20 =	vmov s1;
	_ =	sdelay $0x4  }
0x320: {  	v20 =	vld.idx.msk [tilespmem:v20+s14+$0x0], $0xffff;
	_ =	sdelay $0x4  }
0x321: {  	(v2sf) =	vpush v20, $0x0;
	_ =	sdelay $0x8  }
0x322: {  	p0 =	seq.s32 s1, $0xF  }
0x323: {  	s20 =	sor.u32 s10, s1;
	p0 =	por !p3, !p0  }
0x324: {  	p4 =	por !p0, !p0;
	p0 =	sgt.u32 s20, $0xF3  }
0x325: {  	s1 =	simm.s32 @!p0 $0x1;
	p5 =	por !p4, p0  }
0x326: {  	s1 =	simm.s32 @p5 $0x0  }
0x327: {  	p5 =	seq.s32 @!p0 s1, $0x1  }
0x328: {  	p0 =	por p0, p5;
	s6 =	spop (v2sf)  }
0x329: {  	p5 =	slt.s32 @!p0 s6, $0x1  }
0x32a: {  	p0 =	por p0, p5  }
.Ltmp61:
0x32b: {  	_ = 	snop;
	(pc) =	sbr.rel @p0 .LBB2_127-.Ltmp61, $3  }
0x32c: {  	_ =	sdelay $0x1  }
0x32d: {  	s31 =	sshrl.u32 s0, $0x4;
	s5 =	rddreg [dreg:$0x6]  }
0x32e: {  	s8 =	sxor.u32 $0x1, s2;
	s18 =	sadd.s32 s5, s31  }
0x32f: {  	s1 =	smul.u32 $0x7A1400, s18  }
.Ltmp62:
0x330: {  	s20 =	sshll.u32 s20, $0xF;
	(pc) =	sbr.rel .LBB2_128-.Ltmp62, $4  }
0x331: {  	s1 =	sadd.s32 s20, s1  }
0x332: {  	s31 =	sshll.u32 s8, $0xF;
	s5 =	rddreg [dreg:$0x1];
	s1 =	sshrl.u32 s1, $0x3  }
0x333: {  	s20 =	sadd.s32 $0xC280, s31;
	s1 =	sadd.s32 s5, s1  }
0x334: {  	[tilespmem:s20], [sflag:$0x2] =	stream.linear.gather [hbm4b:s1+s4], $0x8000, $0x38;
	[tilespmem:$0x1CC00] =	vst v63  }
.LBB2_127:
0x335: {  	p0 =	sne.s32 s20, $0xF4  }
0x336: {  	p5 =	slt.s32 @!p0 s6, $0x1  }
0x337: {  	p0 =	por p5, p0  }
0x338: {  	s1 =	smul.u32 @!p0 $0x7A1400, s18;
	_ =	sdelay $0x1  }
0x339: {  	s5 =	rddreg [dreg:$0x1];
	s1 =	sshrl.u32 @!p0 s1, $0x3  }
0x33a: {  	s20 =	sshll.u32 @!p0 s8, $0xF;
	s1 =	sadd.s32 @!p0 s5, s1  }
0x33b: {  	s22 =	simm.s32 @!p0 $0x0;
	s20 =	sadd.s32 @!p0 $0xC280, s20;
	s1 =	sadd.s32 @!p0 $0xF4000, s1  }
0x33c: {  	[tilespmem:s20], [sflag:$0x2] =	stream.linear.gather @!p0 [hbm4b:s1+s22], $0x1000, $0x38;
	[tilespmem:$0x1CC00] =	vst v63  }
.LBB2_128:
0x33d: {  	p0 =	slt.s32 s6, $0x1;
	p4 =	por !p4, !p4  }
0x33e: {  	p0 =	por p4, p0  }
0x33f: {  	s5 =	rddreg [dreg:$0x5];
	s1 =	sshll.u32 @!p0 s8, $0xF;
	s6 =	sshll.u32 @!p0 s18, $0x7  }
0x340: {  	s8 =	simm.s32 @!p0 $0x0;
	s1 =	sadd.s32 @!p0 $0xC280, s1;
	s6 =	sadd.s32 @!p0 s5, s6  }
0x341: {  	[tilespmem:s1], [sflag:$0x2] =	stream.linear.gather @!p0 [hbm4b:s6+s8], $0x400, $0x38;
	[tilespmem:$0x1CC00] =	vst v63  }
.LBB2_129:
0x342: {  	_ =	sdelay $0x3  }
0x343: {  	v20 =	vld.idx.msk [tilespmem:v19+s14+$0x0], $0xffff;
	_ =	sdelay $0x4  }
0x344: {  	(v2sf) =	vpush v20, $0x0;
	_ =	sdelay $0x1  }
0x345: {  	s1 =	simm.s32 $0x1C280  }
0x346: {  	v21 =	vld.idx.msk [tilespmem:v19+s1+$0x0], $0xffff;
	_ =	sdelay $0x4  }
0x347: {  	(v2sf) =	vpush v21, $0x0;
	_ =	sdelay $0x6  }
0x348: {  	s26 =	spop (v2sf)  }
0x349: {  	s1 =	sadd.s32 $0x3F, s26  }
0x34a: {  	s18 =	sshrl.u32 s1, $0x6  }
0x34b: {  	p0 =	seq.s32 s18, $0x0  }
.Ltmp63:
0x34c: {  	_ = 	snop;
	(pc) =	sbr.rel @p0 .LBB2_134-.Ltmp63, $3  }
0x34d: {  	_ =	sdelay $0x1  }
0x34e: {  	s31 =	simm.s32 $0xC180  }
0x34f: {  	v19 =	vld.idx.msk [tilespmem:v19+s31+$0x0], $0xffff;
	s6 =	spop (v2sf)  }
0x350: {  	_ =	sdelay $0x3  }
0x351: {  	(v2sf) =	vpush v19, $0x0;
	_ =	sdelay $0xd  }
.Ltmp64:
0x352: {  	_ = 	snop;
	(pc) =	sbr.rel .LBB2_131-.Ltmp64, $4  }
0x353: {  	s8 =	sshll.u32 s30, $0xE;
	s26 =	sadd.s32 s6, s28;
	s1 =	spop (v2sf)  }
0x354: {  	s20 =	sadd.s32 s25, s6;
	s31 =	simm.s32 $0x0;
	v19 =	vmov s2;
	s1 =	sshll.u32 s1, $0x2  }
0x355: {  	s23 =	simm.s32 $0x30;
	s8 =	sand.u32 $0xFFFC0000, s8;
	v21 =	vshll.u32 v19, $0xF;
	s1 =	sshra.s32 s1, $0x2  }
0x356: {  	p4 =	sgt.u32 s30, $0xF;
	s24 =	sadd.s32 s8, s26;
	v19 =	vbroadcast v20, $0x0;
	v20 =	vbroadcast v21, $0x0;
	s26 =	sadd.s32 $0x80A0, s1  }
.LBB2_133:
0x357: {  	s31 =	sadd.s32 $0x1, s31  }
0x358: {  	p0 =	sne.s32 s18, s31  }
.Ltmp65:
0x359: {  	_ = 	snop;
	(pc) =	sbr.rel @!p0 .LBB2_134-.Ltmp65, $2  }
0x35a: {  	_ =	sdelay $0x2  }
0x35b: {  	s23 =	sadd.s32 $0x40, s23;
	s26 =	sadd.s32 $0x40, s26  }
.LBB2_131:
0x35c: {  	s2 =	sand.u32 $0x1, s31  }
0x35d: {  	p5 =	seq.s32 s2, $0x1  }
0x35e: {  	p0 =	slt.u32 @!p5 s31, $0x2  }
0x35f: {  	p6 =	por p0, p5  }
0x360: {  	s1 =	simm.s32 @!p6 $0x1  }
0x361: {  	_ =	swait.ge @!p6 [sflag:s1], $0x40  }
0x362: {  	[sflag:s1] =	ssyncset.done @!p6 $0x0  }
0x363: {  	[sflag:s1] =	ssyncadd.s32 @!p6 $0xFFFFFFC0  }
0x364: {  	_ =	swait.ge @!p6 [sflag:s1], $0x40  }
0x365: {  	[sflag:s1] =	ssyncset.done @!p6 $0x0  }
0x366: {  	[sflag:s1] =	ssyncadd.s32 @!p6 $0xFFFFFFC0  }
0x367: {  	_ =	swait.ge @!p6 [sflag:s1], $0x40  }
0x368: {  	[sflag:s1] =	ssyncset.done @!p6 $0x0  }
0x369: {  	[sflag:s1] =	ssyncadd.s32 @!p6 $0xFFFFFFC0  }
0x36a: {  	_ =	swait.ge @!p6 [sflag:s1], $0x40  }
0x36b: {  	[sflag:s1] =	ssyncset.done @!p6 $0x0  }
0x36c: {  	[sflag:s1] =	ssyncadd.s32 @!p6 $0xFFFFFFC0  }
0x36d: {  	_ =	swait.ge @!p6 [sflag:s1], $0x40  }
0x36e: {  	[sflag:s1] =	ssyncset.done @!p6 $0x0  }
0x36f: {  	[sflag:s1] =	ssyncadd.s32 @!p6 $0xFFFFFFC0  }
0x370: {  	_ =	swait.ge @!p6 [sflag:s1], $0x40  }
0x371: {  	[sflag:s1] =	ssyncset.done @!p6 $0x0  }
0x372: {  	[sflag:s1] =	ssyncadd.s32 @!p6 $0xFFFFFFC0  }
0x373: {  	_ =	swait.ge @!p6 [sflag:s1], $0x40  }
0x374: {  	[sflag:s1] =	ssyncset.done @!p6 $0x0  }
0x375: {  	p2 =	sgt.u32 @!p6 s30, $0xF;
	[sflag:s1] =	ssyncadd.s32 @!p6 $0xFFFFFFC0  }
0x376: {  	p0 =	por @!p5 p2, p0;
	_ =	swait.ge @!p6 [sflag:s1], $0x40  }
0x377: {  	p0 =	por p0, p5;
	[sflag:s1] =	ssyncset.done @!p6 $0x0  }
0x378: {  	[sflag:s1] =	ssyncadd.s32 @!p6 $0xFFFFFFC0;
	s1 =	simm.s32 @!p0 $0x1  }
0x379: {  	_ =	swait.ge @!p0 [sflag:s1], $0x40  }
0x37a: {  	[sflag:s1] =	ssyncset.done @!p0 $0x0  }
0x37b: {  	[sflag:s1] =	ssyncadd.s32 @!p0 $0xFFFFFFC0  }
0x37c: {  	v21 =	vld @!p5 [tilespmem:s26+$0xFFFFFFE0];
	_ =	sdelay $0x4  }
0x37d: {  	v22 =	vshll.u32 @!p5 v21, $0x3  }
0x37e: {  	v23 =	vand.u32 @!p5 $0x7F, v21;
	v22 =	vand.u32 @!p5 $0x7C00, v22  }
0x37f: {  	v22 =	vor.u32 @!p5 v23, v22  }
0x380: {  	v22 =	vor.u32 @!p5 v20, v22;
	_ =	sdelay $0x3  }
0x381: {  	s8 =	simm.s32 @!p5 $0xC280  }
0x382: {  	v23 =	vld.idx.msk @!p5 [tilespmem:v22+s8+$0x0], $0xffff  }
0x383: {  	v24 =	vor.u32 @!p5 $0x80, v22;
	_ =	sdelay $0x3  }
0x384: {  	[tilespmem:$0x1C300] =	vst @!p5 v23  }
0x385: {  	v23 =	vld.idx.msk @!p5 [tilespmem:v24+s8+$0x0], $0xffff  }
0x386: {  	v24 =	vor.u32 @!p5 $0x100, v22;
	_ =	sdelay $0x3  }
0x387: {  	[tilespmem:$0x1C380] =	vst @!p5 v23  }
0x388: {  	v23 =	vld.idx.msk @!p5 [tilespmem:v24+s8+$0x0], $0xffff  }
0x389: {  	v24 =	vor.u32 @!p5 $0x180, v22;
	_ =	sdelay $0x3  }
0x38a: {  	[tilespmem:$0x1C400] =	vst @!p5 v23  }
0x38b: {  	v23 =	vld.idx.msk @!p5 [tilespmem:v24+s8+$0x0], $0xffff  }
0x38c: {  	v24 =	vor.u32 @!p5 $0x200, v22;
	_ =	sdelay $0x3  }
0x38d: {  	[tilespmem:$0x1C480] =	vst @!p5 v23  }
0x38e: {  	v23 =	vld.idx.msk @!p5 [tilespmem:v24+s8+$0x0], $0xffff  }
0x38f: {  	v24 =	vor.u32 @!p5 $0x280, v22;
	_ =	sdelay $0x3  }
0x390: {  	[tilespmem:$0x1C500] =	vst @!p5 v23  }
0x391: {  	v23 =	vld.idx.msk @!p5 [tilespmem:v24+s8+$0x0], $0xffff  }
0x392: {  	v24 =	vor.u32 @!p5 $0x300, v22;
	_ =	sdelay $0x3  }
0x393: {  	[tilespmem:$0x1C580] =	vst @!p5 v23  }
0x394: {  	v23 =	vld.idx.msk @!p5 [tilespmem:v24+s8+$0x0], $0xffff  }
0x395: {  	v22 =	vor.u32 @!p5 $0x380, v22;
	_ =	sdelay $0x1  }
0x396: {  	p0 =	sgt.u32 @!p5 s30, $0xF  }
0x397: {  	p6 =	por p0, p5  }
0x398: {  	s6 =	sadd.s32 $0xFFFFFFD0, s23;
	[tilespmem:$0x1C600] =	vst @!p5 v23;
	v23 =	vlaneseq.u32 @!p6  }
0x399: {  	v22 =	vld.idx.msk @!p5 [tilespmem:v22+s8+$0x0], $0xffff;
	v24 =	vor.u32 @!p6 s6, v23  }
0x39a: {  	vm3 =	vlt.u32 @!p6 v21, $0x40000000;
	vm1 =	vlt.s32 @!p6 v24, v19  }
0x39b: {  	v21 =	vshrl.u32 @!p6 v21, $0x10;
	vm1 =	vmand @!p6 vm1, vm3  }
0x39c: {  	v21 =	vnsel @!p6 vm1, $0x4000, v21  }
0x39d: {  	[tilespmem:$0x1CB00] =	vst @!p6 v21  }
0x39e: {  	[tilespmem:$0x1C680] =	vst @!p5 v22  }
0x39f: {  	v21 =	vld @!p5 [tilespmem:s26+$0xFFFFFFF0];
	_ =	sdelay $0x4  }
0x3a0: {  	v22 =	vshll.u32 @!p5 v21, $0x3  }
0x3a1: {  	v24 =	vand.u32 @!p5 $0x7F, v21;
	v22 =	vand.u32 @!p5 $0x7C00, v22  }
0x3a2: {  	v22 =	vor.u32 @!p5 v24, v22  }
0x3a3: {  	v22 =	vor.u32 @!p5 v20, v22;
	_ =	sdelay $0x4  }
0x3a4: {  	v24 =	vld.idx.msk @!p5 [tilespmem:v22+s8+$0x0], $0xffff  }
0x3a5: {  	v25 =	vor.u32 @!p5 $0x80, v22;
	_ =	sdelay $0x3  }
0x3a6: {  	[tilespmem:$0x1C310] =	vst @!p5 v24  }
0x3a7: {  	v24 =	vld.idx.msk @!p5 [tilespmem:v25+s8+$0x0], $0xffff  }
0x3a8: {  	v25 =	vor.u32 @!p5 $0x100, v22;
	_ =	sdelay $0x3  }
0x3a9: {  	[tilespmem:$0x1C390] =	vst @!p5 v24  }
0x3aa: {  	v24 =	vld.idx.msk @!p5 [tilespmem:v25+s8+$0x0], $0xffff  }
0x3ab: {  	v25 =	vor.u32 @!p5 $0x180, v22;
	_ =	sdelay $0x3  }
0x3ac: {  	[tilespmem:$0x1C410] =	vst @!p5 v24  }
0x3ad: {  	v24 =	vld.idx.msk @!p5 [tilespmem:v25+s8+$0x0], $0xffff  }
0x3ae: {  	v25 =	vor.u32 @!p5 $0x200, v22;
	_ =	sdelay $0x3  }
0x3af: {  	[tilespmem:$0x1C490] =	vst @!p5 v24  }
0x3b0: {  	v24 =	vld.idx.msk @!p5 [tilespmem:v25+s8+$0x0], $0xffff  }
0x3b1: {  	v25 =	vor.u32 @!p5 $0x280, v22;
	_ =	sdelay $0x3  }
0x3b2: {  	[tilespmem:$0x1C510] =	vst @!p5 v24  }
0x3b3: {  	v24 =	vld.idx.msk @!p5 [tilespmem:v25+s8+$0x0], $0xffff  }
0x3b4: {  	v25 =	vor.u32 @!p5 $0x300, v22;
	_ =	sdelay $0x3  }
0x3b5: {  	[tilespmem:$0x1C590] =	vst @!p5 v24  }
0x3b6: {  	v24 =	vld.idx.msk @!p5 [tilespmem:v25+s8+$0x0], $0xffff  }
0x3b7: {  	v22 =	vor.u32 @!p5 $0x380, v22;
	_ =	sdelay $0x3  }
0x3b8: {  	s1 =	sadd.s32 @!p5 $0xFFFFFFE0, s23;
	[tilespmem:$0x1C610] =	vst @!p5 v24  }
0x3b9: {  	v24 =	vor.u32 @!p6 s1, v23;
	v22 =	vld.idx.msk @!p5 [tilespmem:v22+s8+$0x0], $0xffff  }
0x3ba: {  	vm3 =	vlt.u32 @!p6 v21, $0x40000000;
	vm1 =	vlt.s32 @!p6 v24, v19  }
0x3bb: {  	v21 =	vshrl.u32 @!p6 v21, $0x10;
	vm1 =	vmand @!p6 vm1, vm3  }
0x3bc: {  	v21 =	vnsel @!p6 vm1, $0x4000, v21  }
0x3bd: {  	[tilespmem:$0x1CB10] =	vst @!p6 v21  }
0x3be: {  	[tilespmem:$0x1C690] =	vst @!p5 v22  }
0x3bf: {  	v21 =	vld @!p5 [tilespmem:s26+$0x0];
	_ =	sdelay $0x4  }
0x3c0: {  	v22 =	vshll.u32 @!p5 v21, $0x3  }
0x3c1: {  	v24 =	vand.u32 @!p5 $0x7F, v21;
	v22 =	vand.u32 @!p5 $0x7C00, v22  }
0x3c2: {  	v22 =	vor.u32 @!p5 v24, v22  }
0x3c3: {  	v22 =	vor.u32 @!p5 v20, v22;
	_ =	sdelay $0x4  }
0x3c4: {  	v24 =	vld.idx.msk @!p5 [tilespmem:v22+s8+$0x0], $0xffff  }
0x3c5: {  	v25 =	vor.u32 @!p5 $0x80, v22;
	_ =	sdelay $0x3  }
0x3c6: {  	[tilespmem:$0x1C320] =	vst @!p5 v24  }
0x3c7: {  	v24 =	vld.idx.msk @!p5 [tilespmem:v25+s8+$0x0], $0xffff  }
0x3c8: {  	v25 =	vor.u32 @!p5 $0x100, v22;
	_ =	sdelay $0x3  }
0x3c9: {  	[tilespmem:$0x1C3A0] =	vst @!p5 v24  }
0x3ca: {  	v24 =	vld.idx.msk @!p5 [tilespmem:v25+s8+$0x0], $0xffff  }
0x3cb: {  	v25 =	vor.u32 @!p5 $0x180, v22;
	_ =	sdelay $0x3  }
0x3cc: {  	[tilespmem:$0x1C420] =	vst @!p5 v24  }
0x3cd: {  	v24 =	vld.idx.msk @!p5 [tilespmem:v25+s8+$0x0], $0xffff  }
0x3ce: {  	v25 =	vor.u32 @!p5 $0x200, v22;
	_ =	sdelay $0x3  }
0x3cf: {  	[tilespmem:$0x1C4A0] =	vst @!p5 v24  }
0x3d0: {  	v24 =	vld.idx.msk @!p5 [tilespmem:v25+s8+$0x0], $0xffff  }
0x3d1: {  	v25 =	vor.u32 @!p5 $0x280, v22;
	_ =	sdelay $0x3  }
0x3d2: {  	[tilespmem:$0x1C520] =	vst @!p5 v24  }
0x3d3: {  	v24 =	vld.idx.msk @!p5 [tilespmem:v25+s8+$0x0], $0xffff  }
0x3d4: {  	v25 =	vor.u32 @!p5 $0x300, v22;
	_ =	sdelay $0x3  }
0x3d5: {  	[tilespmem:$0x1C5A0] =	vst @!p5 v24  }
0x3d6: {  	v24 =	vld.idx.msk @!p5 [tilespmem:v25+s8+$0x0], $0xffff  }
0x3d7: {  	v22 =	vor.u32 @!p5 $0x380, v22;
	_ =	sdelay $0x3  }
0x3d8: {  	s1 =	sadd.s32 @!p5 $0xFFFFFFF0, s23;
	[tilespmem:$0x1C620] =	vst @!p5 v24  }
0x3d9: {  	v24 =	vor.u32 @!p6 s1, v23;
	v22 =	vld.idx.msk @!p5 [tilespmem:v22+s8+$0x0], $0xffff  }
0x3da: {  	vm3 =	vlt.u32 @!p6 v21, $0x40000000;
	vm1 =	vlt.s32 @!p6 v24, v19  }
0x3db: {  	v21 =	vshrl.u32 @!p6 v21, $0x10;
	vm1 =	vmand @!p6 vm1, vm3  }
0x3dc: {  	v21 =	vnsel @!p6 vm1, $0x4000, v21  }
0x3dd: {  	[tilespmem:$0x1CB20] =	vst @!p6 v21  }
0x3de: {  	[tilespmem:$0x1C6A0] =	vst @!p5 v22  }
0x3df: {  	v21 =	vld @!p5 [tilespmem:s26+$0x10];
	_ =	sdelay $0x4  }
0x3e0: {  	v22 =	vshll.u32 @!p5 v21, $0x3  }
0x3e1: {  	v24 =	vand.u32 @!p5 $0x7F, v21;
	v22 =	vand.u32 @!p5 $0x7C00, v22  }
0x3e2: {  	v22 =	vor.u32 @!p5 v24, v22  }
0x3e3: {  	v22 =	vor.u32 @!p5 v20, v22;
	_ =	sdelay $0x4  }
0x3e4: {  	v24 =	vld.idx.msk @!p5 [tilespmem:v22+s8+$0x0], $0xffff  }
0x3e5: {  	v25 =	vor.u32 @!p5 $0x80, v22;
	_ =	sdelay $0x3  }
0x3e6: {  	[tilespmem:$0x1C330] =	vst @!p5 v24  }
0x3e7: {  	v24 =	vld.idx.msk @!p5 [tilespmem:v25+s8+$0x0], $0xffff  }
0x3e8: {  	v25 =	vor.u32 @!p5 $0x100, v22;
	_ =	sdelay $0x3  }
0x3e9: {  	[tilespmem:$0x1C3B0] =	vst @!p5 v24  }
0x3ea: {  	v24 =	vld.idx.msk @!p5 [tilespmem:v25+s8+$0x0], $0xffff  }
0x3eb: {  	v25 =	vor.u32 @!p5 $0x180, v22;
	_ =	sdelay $0x3  }
0x3ec: {  	[tilespmem:$0x1C430] =	vst @!p5 v24  }
0x3ed: {  	v24 =	vld.idx.msk @!p5 [tilespmem:v25+s8+$0x0], $0xffff  }
0x3ee: {  	v25 =	vor.u32 @!p5 $0x200, v22;
	_ =	sdelay $0x3  }
0x3ef: {  	[tilespmem:$0x1C4B0] =	vst @!p5 v24  }
0x3f0: {  	v24 =	vld.idx.msk @!p5 [tilespmem:v25+s8+$0x0], $0xffff  }
0x3f1: {  	v25 =	vor.u32 @!p5 $0x280, v22;
	_ =	sdelay $0x3  }
0x3f2: {  	[tilespmem:$0x1C530] =	vst @!p5 v24  }
0x3f3: {  	v24 =	vld.idx.msk @!p5 [tilespmem:v25+s8+$0x0], $0xffff  }
0x3f4: {  	v25 =	vor.u32 @!p5 $0x300, v22;
	_ =	sdelay $0x3  }
0x3f5: {  	[tilespmem:$0x1C5B0] =	vst @!p5 v24  }
0x3f6: {  	v24 =	vld.idx.msk @!p5 [tilespmem:v25+s8+$0x0], $0xffff  }
0x3f7: {  	v22 =	vor.u32 @!p5 $0x380, v22;
	_ =	sdelay $0x3  }
0x3f8: {  	[tilespmem:$0x1C630] =	vst @!p5 v24  }
0x3f9: {  	v23 =	vor.u32 @!p6 s23, v23;
	v22 =	vld.idx.msk @!p5 [tilespmem:v22+s8+$0x0], $0xffff  }
0x3fa: {  	vm1 =	vlt.s32 @!p6 v23, v19;
	vm3 =	vlt.u32 @!p6 v21, $0x40000000  }
0x3fb: {  	s1 =	sadd.s32 @!p5 s23, s24;
	v21 =	vshrl.u32 @!p6 v21, $0x10;
	vm1 =	vmand @!p6 vm1, vm3  }
0x3fc: {  	v21 =	vnsel @!p6 vm1, $0x4000, v21;
	s8 =	sadd.s32 @!p5 $0xFFFFFFD0, s1  }
0x3fd: {  	[tilespmem:$0x1CB30] =	vst @!p6 v21;
	s8 =	sshrl.u32 @!p5 s8, $0x3  }
0x3fe: {  	s22 =	simm.s32 @!p5 $0x0;
	s5 =	simm.s32 @!p5 $0x1C300;
	s8 =	sadd.s32 @!p5 s7, s8;
	[tilespmem:$0x1C6B0] =	vst @!p5 v22  }
0x3ff: {  	[hbm4b:s8+s22] =	stream.linear.scatter @!p5 [tilespmem:s5], [sflag:$0x1], $0x40, $0x38;
	[tilespmem:$0x1CC00] =	vst v63  }
0x400: {  	s5 =	sadd.s32 @!p5 $0x7FD0, s1  }
0x401: {  	s5 =	sshrl.u32 @!p5 s5, $0x3  }
0x402: {  	s8 =	simm.s32 @!p5 $0x1C380;
	s5 =	sadd.s32 @!p5 s7, s5  }
0x403: {  	[hbm4b:s5+s22] =	stream.linear.scatter @!p5 [tilespmem:s8], [sflag:$0x1], $0x40, $0x38;
	[tilespmem:$0x1CC00] =	vst v63  }
0x404: {  	s5 =	sadd.s32 @!p5 $0xFFD0, s1  }
0x405: {  	s5 =	sshrl.u32 @!p5 s5, $0x3  }
0x406: {  	s8 =	simm.s32 @!p5 $0x1C400;
	s5 =	sadd.s32 @!p5 s7, s5  }
0x407: {  	[hbm4b:s5+s22] =	stream.linear.scatter @!p5 [tilespmem:s8], [sflag:$0x1], $0x40, $0x38;
	[tilespmem:$0x1CC00] =	vst v63  }
0x408: {  	s5 =	sadd.s32 @!p5 $0x17FD0, s1  }
0x409: {  	s5 =	sshrl.u32 @!p5 s5, $0x3  }
0x40a: {  	s8 =	simm.s32 @!p5 $0x1C480;
	s5 =	sadd.s32 @!p5 s7, s5  }
0x40b: {  	[hbm4b:s5+s22] =	stream.linear.scatter @!p5 [tilespmem:s8], [sflag:$0x1], $0x40, $0x38;
	[tilespmem:$0x1CC00] =	vst v63  }
0x40c: {  	s5 =	sadd.s32 @!p5 $0x1FFD0, s1  }
0x40d: {  	s5 =	sshrl.u32 @!p5 s5, $0x3  }
0x40e: {  	s8 =	simm.s32 @!p5 $0x1C500;
	s5 =	sadd.s32 @!p5 s7, s5  }
0x40f: {  	[hbm4b:s5+s22] =	stream.linear.scatter @!p5 [tilespmem:s8], [sflag:$0x1], $0x40, $0x38;
	[tilespmem:$0x1CC00] =	vst v63  }
0x410: {  	s5 =	sadd.s32 @!p5 $0x27FD0, s1  }
0x411: {  	s5 =	sshrl.u32 @!p5 s5, $0x3  }
0x412: {  	s8 =	simm.s32 @!p5 $0x1C580;
	s5 =	sadd.s32 @!p5 s7, s5  }
0x413: {  	[hbm4b:s5+s22] =	stream.linear.scatter @!p5 [tilespmem:s8], [sflag:$0x1], $0x40, $0x38;
	[tilespmem:$0x1CC00] =	vst v63  }
0x414: {  	p0 =	seq.s32 @!p5 s2, $0x0;
	s5 =	sadd.s32 @!p5 $0x2FFD0, s1;
	s1 =	sadd.s32 @!p5 $0x37FD0, s1  }
0x415: {  	p0 =	por p5, !p0;
	s5 =	sshrl.u32 @!p5 s5, $0x3;
	s1 =	sshrl.u32 @!p5 s1, $0x3  }
0x416: {  	s8 =	simm.s32 @!p5 $0x1C600;
	s5 =	sadd.s32 @!p5 s7, s5;
	s1 =	sadd.s32 @!p5 s7, s1  }
0x417: {  	[hbm4b:s5+s22] =	stream.linear.scatter @!p5 [tilespmem:s8], [sflag:$0x1], $0x40, $0x38;
	[tilespmem:$0x1CC00] =	vst v63  }
.Ltmp66:
0x418: {  	s8 =	sadd.s32 s20, s6;
	s5 =	simm.s32 @!p5 $0x1C680;
	(pc) =	sbr.rel @!p0 .LBB2_133-.Ltmp66, $4  }
0x419: {  	[hbm4b:s1+s22] =	stream.linear.scatter @!p5 [tilespmem:s5], [sflag:$0x1], $0x40, $0x38;
	[tilespmem:$0x1CC00] =	vst v63  }
0x41a: {  	s1 =	sshrl.u32 @!p6 s8, $0x3  }
0x41b: {  	s5 =	simm.s32 @!p6 $0x0;
	s22 =	simm.s32 @!p6 $0x1CB00;
	s1 =	sadd.s32 @!p6 s3, s1  }
0x41c: {  	[hbm4b:s1+s5] =	stream.linear.scatter @!p6 [tilespmem:s22], [sflag:$0x1], $0x40, $0x38;
	[tilespmem:$0x1CC00] =	vst v63  }
0x41d: {  	p5 =	slt.u32 s31, $0x2  }
0x41e: {  	s1 =	simm.s32 @!p5 $0x1  }
0x41f: {  	_ =	swait.ge @!p5 [sflag:s1], $0x40  }
0x420: {  	[sflag:s1] =	ssyncset.done @!p5 $0x0  }
0x421: {  	[sflag:s1] =	ssyncadd.s32 @!p5 $0xFFFFFFC0  }
0x422: {  	_ =	swait.ge @!p5 [sflag:s1], $0x40  }
0x423: {  	[sflag:s1] =	ssyncset.done @!p5 $0x0  }
0x424: {  	[sflag:s1] =	ssyncadd.s32 @!p5 $0xFFFFFFC0  }
0x425: {  	_ =	swait.ge @!p5 [sflag:s1], $0x40  }
0x426: {  	[sflag:s1] =	ssyncset.done @!p5 $0x0  }
0x427: {  	[sflag:s1] =	ssyncadd.s32 @!p5 $0xFFFFFFC0  }
0x428: {  	_ =	swait.ge @!p5 [sflag:s1], $0x40  }
0x429: {  	[sflag:s1] =	ssyncset.done @!p5 $0x0  }
0x42a: {  	[sflag:s1] =	ssyncadd.s32 @!p5 $0xFFFFFFC0  }
0x42b: {  	_ =	swait.ge @!p5 [sflag:s1], $0x40  }
0x42c: {  	[sflag:s1] =	ssyncset.done @!p5 $0x0  }
0x42d: {  	[sflag:s1] =	ssyncadd.s32 @!p5 $0xFFFFFFC0  }
0x42e: {  	_ =	swait.ge @!p5 [sflag:s1], $0x40  }
0x42f: {  	[sflag:s1] =	ssyncset.done @!p5 $0x0  }
0x430: {  	[sflag:s1] =	ssyncadd.s32 @!p5 $0xFFFFFFC0  }
0x431: {  	_ =	swait.ge @!p5 [sflag:s1], $0x40  }
0x432: {  	[sflag:s1] =	ssyncset.done @!p5 $0x0  }
0x433: {  	[sflag:s1] =	ssyncadd.s32 @!p5 $0xFFFFFFC0  }
0x434: {  	p0 =	sgt.u32 @!p5 s30, $0xF;
	_ =	swait.ge @!p5 [sflag:s1], $0x40  }
0x435: {  	p0 =	por p0, p5;
	[sflag:s1] =	ssyncset.done @!p5 $0x0  }
0x436: {  	[sflag:s1] =	ssyncadd.s32 @!p5 $0xFFFFFFC0;
	s1 =	simm.s32 @!p0 $0x1  }
0x437: {  	_ =	swait.ge @!p0 [sflag:s1], $0x40  }
0x438: {  	[sflag:s1] =	ssyncset.done @!p0 $0x0  }
0x439: {  	[sflag:s1] =	ssyncadd.s32 @!p0 $0xFFFFFFC0  }
0x43a: {  	v21 =	vld [tilespmem:s26+$0xFFFFFFE0];
	_ =	sdelay $0x4  }
0x43b: {  	v22 =	vshll.u32 v21, $0x3  }
0x43c: {  	v23 =	vand.u32 $0x7F, v21;
	v22 =	vand.u32 $0x7C00, v22  }
0x43d: {  	v22 =	vor.u32 v23, v22  }
0x43e: {  	v22 =	vor.u32 v20, v22;
	_ =	sdelay $0x4  }
0x43f: {  	v23 =	vld.idx.msk [tilespmem:v22+s16+$0x0], $0xffff  }
0x440: {  	v24 =	vor.u32 $0x80, v22;
	_ =	sdelay $0x3  }
0x441: {  	[tilespmem:$0x1C700] =	vst v23  }
0x442: {  	v23 =	vld.idx.msk [tilespmem:v24+s16+$0x0], $0xffff  }
0x443: {  	v36 =	vor.u32 $0x100, v22;
	_ =	sdelay $0x3  }
0x444: {  	[tilespmem:$0x1C780] =	vst v23  }
0x445: {  	v23 =	vld.idx.msk [tilespmem:v36+s16+$0x0], $0xffff  }
0x446: {  	v37 =	vor.u32 $0x180, v22;
	_ =	sdelay $0x3  }
0x447: {  	[tilespmem:$0x1C800] =	vst v23  }
0x448: {  	v23 =	vld.idx.msk [tilespmem:v37+s16+$0x0], $0xffff  }
0x449: {  	v38 =	vor.u32 $0x200, v22;
	_ =	sdelay $0x3  }
0x44a: {  	[tilespmem:$0x1C880] =	vst v23  }
0x44b: {  	v23 =	vld.idx.msk [tilespmem:v38+s16+$0x0], $0xffff  }
0x44c: {  	v39 =	vor.u32 $0x280, v22;
	_ =	sdelay $0x3  }
0x44d: {  	[tilespmem:$0x1C900] =	vst v23  }
0x44e: {  	v23 =	vld.idx.msk [tilespmem:v39+s16+$0x0], $0xffff  }
0x44f: {  	v40 =	vor.u32 $0x300, v22;
	_ =	sdelay $0x3  }
0x450: {  	[tilespmem:$0x1C980] =	vst v23  }
0x451: {  	v23 =	vld.idx.msk [tilespmem:v40+s16+$0x0], $0xffff  }
0x452: {  	v22 =	vor.u32 $0x380, v22;
	_ =	sdelay $0x3  }
0x453: {  	[tilespmem:$0x1CA00] =	vst v23;
	v23 =	vlaneseq.u32 @!p4  }
0x454: {  	v22 =	vld.idx.msk [tilespmem:v22+s16+$0x0], $0xffff;
	v24 =	vor.u32 @!p4 s6, v23  }
0x455: {  	vm3 =	vlt.u32 @!p4 v21, $0x40000000;
	vm1 =	vlt.s32 @!p4 v24, v19  }
0x456: {  	v21 =	vshrl.u32 @!p4 v21, $0x10;
	vm1 =	vmand @!p4 vm1, vm3  }
0x457: {  	v21 =	vnsel @!p4 vm1, $0x4000, v21  }
0x458: {  	[tilespmem:$0x1CB80] =	vst @!p4 v21  }
0x459: {  	[tilespmem:$0x1CA80] =	vst v22  }
0x45a: {  	v21 =	vld [tilespmem:s26+$0xFFFFFFF0];
	_ =	sdelay $0x4  }
0x45b: {  	v22 =	vshll.u32 v21, $0x3  }
0x45c: {  	v41 =	vand.u32 $0x7F, v21;
	v22 =	vand.u32 $0x7C00, v22  }
0x45d: {  	v22 =	vor.u32 v41, v22  }
0x45e: {  	v22 =	vor.u32 v20, v22;
	_ =	sdelay $0x4  }
0x45f: {  	v42 =	vld.idx.msk [tilespmem:v22+s16+$0x0], $0xffff  }
0x460: {  	v25 =	vor.u32 $0x80, v22;
	_ =	sdelay $0x3  }
0x461: {  	[tilespmem:$0x1C710] =	vst v42  }
0x462: {  	v24 =	vld.idx.msk [tilespmem:v25+s16+$0x0], $0xffff  }
0x463: {  	v43 =	vor.u32 $0x100, v22;
	_ =	sdelay $0x3  }
0x464: {  	[tilespmem:$0x1C790] =	vst v24  }
0x465: {  	v24 =	vld.idx.msk [tilespmem:v43+s16+$0x0], $0xffff  }
0x466: {  	v44 =	vor.u32 $0x180, v22;
	_ =	sdelay $0x3  }
0x467: {  	[tilespmem:$0x1C810] =	vst v24  }
0x468: {  	v24 =	vld.idx.msk [tilespmem:v44+s16+$0x0], $0xffff  }
0x469: {  	v45 =	vor.u32 $0x200, v22;
	_ =	sdelay $0x3  }
0x46a: {  	[tilespmem:$0x1C890] =	vst v24  }
0x46b: {  	v24 =	vld.idx.msk [tilespmem:v45+s16+$0x0], $0xffff  }
0x46c: {  	v46 =	vor.u32 $0x280, v22;
	_ =	sdelay $0x3  }
0x46d: {  	[tilespmem:$0x1C910] =	vst v24  }
0x46e: {  	v24 =	vld.idx.msk [tilespmem:v46+s16+$0x0], $0xffff  }
0x46f: {  	v47 =	vor.u32 $0x300, v22;
	_ =	sdelay $0x3  }
0x470: {  	[tilespmem:$0x1C990] =	vst v24  }
0x471: {  	v24 =	vld.idx.msk [tilespmem:v47+s16+$0x0], $0xffff  }
0x472: {  	v22 =	vor.u32 $0x380, v22;
	_ =	sdelay $0x3  }
0x473: {  	s1 =	sadd.s32 $0xFFFFFFE0, s23;
	[tilespmem:$0x1CA10] =	vst v24  }
0x474: {  	v24 =	vor.u32 @!p4 s1, v23;
	v22 =	vld.idx.msk [tilespmem:v22+s16+$0x0], $0xffff  }
0x475: {  	vm3 =	vlt.u32 @!p4 v21, $0x40000000;
	vm1 =	vlt.s32 @!p4 v24, v19  }
0x476: {  	v21 =	vshrl.u32 @!p4 v21, $0x10;
	vm1 =	vmand @!p4 vm1, vm3  }
0x477: {  	v21 =	vnsel @!p4 vm1, $0x4000, v21  }
0x478: {  	[tilespmem:$0x1CB90] =	vst @!p4 v21  }
0x479: {  	[tilespmem:$0x1CA90] =	vst v22  }
0x47a: {  	v21 =	vld [tilespmem:s26+$0x0];
	_ =	sdelay $0x4  }
0x47b: {  	v22 =	vshll.u32 v21, $0x3  }
0x47c: {  	v48 =	vand.u32 $0x7F, v21;
	v22 =	vand.u32 $0x7C00, v22  }
0x47d: {  	v22 =	vor.u32 v48, v22  }
0x47e: {  	v22 =	vor.u32 v20, v22;
	_ =	sdelay $0x4  }
0x47f: {  	v49 =	vld.idx.msk [tilespmem:v22+s16+$0x0], $0xffff  }
0x480: {  	v50 =	vor.u32 $0x80, v22;
	_ =	sdelay $0x3  }
0x481: {  	[tilespmem:$0x1C720] =	vst v49  }
0x482: {  	v24 =	vld.idx.msk [tilespmem:v50+s16+$0x0], $0xffff  }
0x483: {  	v51 =	vor.u32 $0x100, v22;
	_ =	sdelay $0x3  }
0x484: {  	[tilespmem:$0x1C7A0] =	vst v24  }
0x485: {  	v24 =	vld.idx.msk [tilespmem:v51+s16+$0x0], $0xffff  }
0x486: {  	v52 =	vor.u32 $0x180, v22;
	_ =	sdelay $0x3  }
0x487: {  	[tilespmem:$0x1C820] =	vst v24  }
0x488: {  	v24 =	vld.idx.msk [tilespmem:v52+s16+$0x0], $0xffff  }
0x489: {  	v53 =	vor.u32 $0x200, v22;
	_ =	sdelay $0x3  }
0x48a: {  	[tilespmem:$0x1C8A0] =	vst v24  }
0x48b: {  	v24 =	vld.idx.msk [tilespmem:v53+s16+$0x0], $0xffff  }
0x48c: {  	v54 =	vor.u32 $0x280, v22;
	_ =	sdelay $0x3  }
0x48d: {  	[tilespmem:$0x1C920] =	vst v24  }
0x48e: {  	v24 =	vld.idx.msk [tilespmem:v54+s16+$0x0], $0xffff  }
0x48f: {  	v55 =	vor.u32 $0x300, v22;
	_ =	sdelay $0x3  }
0x490: {  	[tilespmem:$0x1C9A0] =	vst v24  }
0x491: {  	v24 =	vld.idx.msk [tilespmem:v55+s16+$0x0], $0xffff  }
0x492: {  	v22 =	vor.u32 $0x380, v22;
	_ =	sdelay $0x3  }
0x493: {  	s1 =	sadd.s32 $0xFFFFFFF0, s23;
	[tilespmem:$0x1CA20] =	vst v24  }
0x494: {  	v24 =	vor.u32 @!p4 s1, v23;
	v22 =	vld.idx.msk [tilespmem:v22+s16+$0x0], $0xffff  }
0x495: {  	vm3 =	vlt.u32 @!p4 v21, $0x40000000;
	vm1 =	vlt.s32 @!p4 v24, v19  }
0x496: {  	v21 =	vshrl.u32 @!p4 v21, $0x10;
	vm1 =	vmand @!p4 vm1, vm3  }
0x497: {  	v21 =	vnsel @!p4 vm1, $0x4000, v21  }
0x498: {  	[tilespmem:$0x1CBA0] =	vst @!p4 v21  }
0x499: {  	[tilespmem:$0x1CAA0] =	vst v22  }
0x49a: {  	v21 =	vld [tilespmem:s26+$0x10];
	_ =	sdelay $0x4  }
0x49b: {  	v22 =	vshll.u32 v21, $0x3  }
0x49c: {  	v56 =	vand.u32 $0x7F, v21;
	v22 =	vand.u32 $0x7C00, v22  }
0x49d: {  	v22 =	vor.u32 v56, v22  }
0x49e: {  	v22 =	vor.u32 v20, v22;
	_ =	sdelay $0x4  }
0x49f: {  	v57 =	vld.idx.msk [tilespmem:v22+s16+$0x0], $0xffff  }
0x4a0: {  	v58 =	vor.u32 $0x80, v22;
	_ =	sdelay $0x3  }
0x4a1: {  	[tilespmem:$0x1C730] =	vst v57  }
0x4a2: {  	v24 =	vld.idx.msk [tilespmem:v58+s16+$0x0], $0xffff  }
0x4a3: {  	v59 =	vor.u32 $0x100, v22;
	_ =	sdelay $0x3  }
0x4a4: {  	[tilespmem:$0x1C7B0] =	vst v24  }
0x4a5: {  	v24 =	vld.idx.msk [tilespmem:v59+s16+$0x0], $0xffff  }
0x4a6: {  	v60 =	vor.u32 $0x180, v22;
	_ =	sdelay $0x3  }
0x4a7: {  	[tilespmem:$0x1C830] =	vst v24  }
0x4a8: {  	v24 =	vld.idx.msk [tilespmem:v60+s16+$0x0], $0xffff  }
0x4a9: {  	v61 =	vor.u32 $0x200, v22;
	_ =	sdelay $0x3  }
0x4aa: {  	[tilespmem:$0x1C8B0] =	vst v24  }
0x4ab: {  	v24 =	vld.idx.msk [tilespmem:v61+s16+$0x0], $0xffff  }
0x4ac: {  	v62 =	vor.u32 $0x280, v22;
	_ =	sdelay $0x3  }
0x4ad: {  	[tilespmem:$0x1C930] =	vst v24  }
0x4ae: {  	v24 =	vld.idx.msk [tilespmem:v62+s16+$0x0], $0xffff  }
0x4af: {  	v63 =	vor.u32 $0x300, v22;
	_ =	sdelay $0x3  }
0x4b0: {  	[tilespmem:$0x1C9B0] =	vst v24  }
0x4b1: {  	v24 =	vld.idx.msk [tilespmem:v63+s16+$0x0], $0xffff  }
0x4b2: {  	v22 =	vor.u32 $0x380, v22;
	_ =	sdelay $0x3  }
0x4b3: {  	[tilespmem:$0x1CA30] =	vst v24  }
0x4b4: {  	v23 =	vor.u32 @!p4 s23, v23;
	v22 =	vld.idx.msk [tilespmem:v22+s16+$0x0], $0xffff  }
0x4b5: {  	vm1 =	vlt.s32 @!p4 v23, v19;
	vm3 =	vlt.u32 @!p4 v21, $0x40000000  }
0x4b6: {  	s1 =	sadd.s32 s23, s24;
	v21 =	vshrl.u32 @!p4 v21, $0x10;
	vm1 =	vmand @!p4 vm1, vm3  }
0x4b7: {  	s2 =	sadd.s32 $0xFFFFFFD0, s1;
	v21 =	vnsel @!p4 vm1, $0x4000, v21  }
0x4b8: {  	s2 =	sshrl.u32 s2, $0x3;
	[tilespmem:$0x1CBB0] =	vst @!p4 v21  }
0x4b9: {  	s5 =	sadd.s32 $0x7FD0, s1;
	s2 =	sadd.s32 s7, s2;
	[tilespmem:$0x1CAB0] =	vst v22  }
0x4ba: {  	[hbm4b:s2+s4] =	stream.linear.scatter [tilespmem:s9], [sflag:$0x1], $0x40, $0x38;
	[tilespmem:$0x1CC00] =	vst v63  }
0x4bb: {  	s2 =	sshrl.u32 s5, $0x3  }
0x4bc: {  	s6 =	sadd.s32 $0xFFD0, s1;
	s2 =	sadd.s32 s7, s2  }
0x4bd: {  	[hbm4b:s2+s4] =	stream.linear.scatter [tilespmem:s11], [sflag:$0x1], $0x40, $0x38;
	[tilespmem:$0x1CC00] =	vst v63  }
0x4be: {  	s2 =	sshrl.u32 s6, $0x3  }
0x4bf: {  	s22 =	sadd.s32 $0x17FD0, s1;
	s2 =	sadd.s32 s7, s2  }
0x4c0: {  	[hbm4b:s2+s4] =	stream.linear.scatter [tilespmem:s12], [sflag:$0x1], $0x40, $0x38;
	[tilespmem:$0x1CC00] =	vst v63  }
0x4c1: {  	s2 =	sshrl.u32 s22, $0x3  }
0x4c2: {  	s5 =	sadd.s32 $0x1FFD0, s1;
	s2 =	sadd.s32 s7, s2  }
0x4c3: {  	[hbm4b:s2+s4] =	stream.linear.scatter [tilespmem:s15], [sflag:$0x1], $0x40, $0x38;
	[tilespmem:$0x1CC00] =	vst v63  }
0x4c4: {  	s2 =	sshrl.u32 s5, $0x3  }
0x4c5: {  	s6 =	sadd.s32 $0x27FD0, s1;
	s2 =	sadd.s32 s7, s2  }
0x4c6: {  	[hbm4b:s2+s4] =	stream.linear.scatter [tilespmem:s13], [sflag:$0x1], $0x40, $0x38;
	[tilespmem:$0x1CC00] =	vst v63  }
0x4c7: {  	s2 =	sshrl.u32 s6, $0x3  }
0x4c8: {  	s22 =	sadd.s32 $0x2FFD0, s1;
	s2 =	sadd.s32 s7, s2  }
0x4c9: {  	[hbm4b:s2+s4] =	stream.linear.scatter [tilespmem:s17], [sflag:$0x1], $0x40, $0x38;
	[tilespmem:$0x1CC00] =	vst v63  }
0x4ca: {  	s1 =	sadd.s32 $0x37FD0, s1;
	s2 =	sshrl.u32 s22, $0x3  }
0x4cb: {  	s1 =	sshrl.u32 s1, $0x3;
	s2 =	sadd.s32 s7, s2  }
0x4cc: {  	[hbm4b:s2+s4] =	stream.linear.scatter [tilespmem:s19], [sflag:$0x1], $0x40, $0x38;
	[tilespmem:$0x1CC00] =	vst v63  }
.Ltmp67:
0x4cd: {  	s1 =	sadd.s32 s7, s1;
	(pc) =	sbr.rel .LBB2_133-.Ltmp67, $4  }
0x4ce: {  	[hbm4b:s1+s4] =	stream.linear.scatter [tilespmem:s21], [sflag:$0x1], $0x40, $0x38;
	[tilespmem:$0x1CC00] =	vst v63  }
0x4cf: {  	s1 =	sshrl.u32 @!p4 s8, $0x3  }
0x4d0: {  	s5 =	simm.s32 @!p4 $0x1CB80;
	s2 =	simm.s32 @!p4 $0x0;
	s1 =	sadd.s32 @!p4 s3, s1  }
0x4d1: {  	[hbm4b:s1+s2] =	stream.linear.scatter @!p4 [tilespmem:s5], [sflag:$0x1], $0x40, $0x38;
	[tilespmem:$0x1CC00] =	vst v63  }
.LBB2_134:
0x4d2: {  	s1 =	smax.u32 s18, $0x2  }
0x4d3: {  	s2 =	sadd.s32 $0xFFFFFFFE, s1  }
0x4d4: {  	p0 =	sge.s32 s2, s18  }
.Ltmp68:
0x4d5: {  	_ = 	snop;
	(pc) =	sbr.rel @p0 .LBB2_120-.Ltmp68, $4  }
.Ltmp69:
0x4d6: {  	_ = 	snop;
	(pc) =	sbr.rel @!p0 .LBB2_135-.Ltmp69, $4  }
0x4d7: {  	_ = 	snop  }
0x4d8: {  	_ = 	snop  }
0x4d9: {  	_ = 	snop  }
0x4da: {  	_ = 	snop  }
.LBB2_137:
0x4db: {  	s2 =	sadd.s32 $0x1, s2  }
0x4dc: {  	p0 =	seq.s32 s18, s2  }
.Ltmp70:
0x4dd: {  	_ = 	snop;
	(pc) =	sbr.rel @p0 .LBB2_120-.Ltmp70, $1  }
0x4de: {  	_ =	sdelay $0x3  }
.LBB2_135:
0x4df: {  	s1 =	sand.u32 $0x1, s2  }
0x4e0: {  	p4 =	seq.s32 s1, $0x1  }
0x4e1: {  	s5 =	simm.s32 @!p4 $0x1  }
0x4e2: {  	_ =	swait.ge @!p4 [sflag:s5], $0x40  }
0x4e3: {  	[sflag:s5] =	ssyncset.done @!p4 $0x0  }
0x4e4: {  	[sflag:s5] =	ssyncadd.s32 @!p4 $0xFFFFFFC0  }
0x4e5: {  	_ =	swait.ge @!p4 [sflag:s5], $0x40  }
0x4e6: {  	[sflag:s5] =	ssyncset.done @!p4 $0x0  }
0x4e7: {  	[sflag:s5] =	ssyncadd.s32 @!p4 $0xFFFFFFC0  }
0x4e8: {  	_ =	swait.ge @!p4 [sflag:s5], $0x40  }
0x4e9: {  	[sflag:s5] =	ssyncset.done @!p4 $0x0  }
0x4ea: {  	[sflag:s5] =	ssyncadd.s32 @!p4 $0xFFFFFFC0  }
0x4eb: {  	_ =	swait.ge @!p4 [sflag:s5], $0x40  }
0x4ec: {  	[sflag:s5] =	ssyncset.done @!p4 $0x0  }
0x4ed: {  	[sflag:s5] =	ssyncadd.s32 @!p4 $0xFFFFFFC0  }
0x4ee: {  	_ =	swait.ge @!p4 [sflag:s5], $0x40  }
0x4ef: {  	[sflag:s5] =	ssyncset.done @!p4 $0x0  }
0x4f0: {  	[sflag:s5] =	ssyncadd.s32 @!p4 $0xFFFFFFC0  }
0x4f1: {  	_ =	swait.ge @!p4 [sflag:s5], $0x40  }
0x4f2: {  	[sflag:s5] =	ssyncset.done @!p4 $0x0  }
0x4f3: {  	[sflag:s5] =	ssyncadd.s32 @!p4 $0xFFFFFFC0  }
0x4f4: {  	_ =	swait.ge @!p4 [sflag:s5], $0x40  }
0x4f5: {  	[sflag:s5] =	ssyncset.done @!p4 $0x0  }
0x4f6: {  	p2 =	seq.s32 @!p4 s1, $0x0;
	[sflag:s5] =	ssyncadd.s32 @!p4 $0xFFFFFFC0  }
0x4f7: {  	p0 =	sgt.u32 @!p4 s30, $0xF;
	p2 =	por p4, !p2;
	_ =	swait.ge @!p4 [sflag:s5], $0x40  }
.Ltmp71:
0x4f8: {  	p0 =	por p0, p4;
	[sflag:s5] =	ssyncset.done @!p4 $0x0;
	(pc) =	sbr.rel @!p2 .LBB2_137-.Ltmp71, $4  }
0x4f9: {  	[sflag:s5] =	ssyncadd.s32 @!p4 $0xFFFFFFC0;
	s5 =	simm.s32 @!p0 $0x1  }
0x4fa: {  	_ =	swait.ge @!p0 [sflag:s5], $0x40  }
0x4fb: {  	[sflag:s5] =	ssyncset.done @!p0 $0x0  }
0x4fc: {  	[sflag:s5] =	ssyncadd.s32 @!p0 $0xFFFFFFC0  }
0x4fd: {  	_ =	swait.ge [sflag:s29], $0x40  }
0x4fe: {  	[sflag:s29] =	ssyncset.done $0x0  }
0x4ff: {  	[sflag:s29] =	ssyncadd.s32 $0xFFFFFFC0  }
0x500: {  	_ =	swait.ge [sflag:s29], $0x40  }
0x501: {  	[sflag:s29] =	ssyncset.done $0x0  }
0x502: {  	[sflag:s29] =	ssyncadd.s32 $0xFFFFFFC0  }
0x503: {  	_ =	swait.ge [sflag:s29], $0x40  }
0x504: {  	[sflag:s29] =	ssyncset.done $0x0  }
0x505: {  	[sflag:s29] =	ssyncadd.s32 $0xFFFFFFC0  }
0x506: {  	_ =	swait.ge [sflag:s29], $0x40  }
0x507: {  	[sflag:s29] =	ssyncset.done $0x0  }
0x508: {  	[sflag:s29] =	ssyncadd.s32 $0xFFFFFFC0  }
0x509: {  	_ =	swait.ge [sflag:s29], $0x40  }
0x50a: {  	[sflag:s29] =	ssyncset.done $0x0  }
0x50b: {  	[sflag:s29] =	ssyncadd.s32 $0xFFFFFFC0  }
0x50c: {  	_ =	swait.ge [sflag:s29], $0x40  }
0x50d: {  	[sflag:s29] =	ssyncset.done $0x0  }
0x50e: {  	[sflag:s29] =	ssyncadd.s32 $0xFFFFFFC0  }
0x50f: {  	_ =	swait.ge [sflag:s29], $0x40  }
0x510: {  	[sflag:s29] =	ssyncset.done $0x0  }
0x511: {  	[sflag:s29] =	ssyncadd.s32 $0xFFFFFFC0  }
0x512: {  	_ =	swait.ge [sflag:s29], $0x40  }
.Ltmp72:
0x513: {  	p0 =	sgt.u32 s30, $0xF;
	[sflag:s29] =	ssyncset.done $0x0;
	(pc) =	sbr.rel .LBB2_137-.Ltmp72, $4  }
0x514: {  	s1 =	simm.s32 @!p0 $0x1;
	[sflag:s29] =	ssyncadd.s32 $0xFFFFFFC0  }
0x515: {  	_ =	swait.ge @!p0 [sflag:s1], $0x40  }
0x516: {  	[sflag:s1] =	ssyncset.done @!p0 $0x0  }
0x517: {  	[sflag:s1] =	ssyncadd.s32 @!p0 $0xFFFFFFC0  }
.LBB2_92:
0x518: {  	s1 =	stileid.u32  }
0x519: {  	p0 =	sgt.u32 s1, $0x2  }
.Ltmp73:
0x51a: {  	_ = 	snop;
	(pc) =	sbr.rel @!p0 .LBB2_93-.Ltmp73, $1  }
0x51b: {  	_ =	sdelay $0x3  }
0x51c: {  	s1 =	stileid.u32  }
0x51d: {  	p0 =	sne.s32 s1, $0x3  }
.Ltmp74:
0x51e: {  	_ = 	snop;
	(pc) =	sbr.rel @!p0 .LBB2_95-.Ltmp74, $1  }
0x51f: {  	_ =	sdelay $0x3  }
0x520: {  	s1 =	stileid.u32  }
0x521: {  	p0 =	sgt.u32 s1, $0x4  }
.Ltmp75:
0x522: {  	_ = 	snop;
	(pc) =	sbr.rel @!p0 .LBB2_97-.Ltmp75, $1  }
0x523: {  	_ =	sdelay $0x3  }
0x524: {  	s1 =	stileid.u32  }
0x525: {  	p0 =	sne.s32 s1, $0x5  }
.Ltmp76:
0x526: {  	_ = 	snop;
	(pc) =	sbr.rel @!p0 .LBB2_99-.Ltmp76, $1  }
0x527: {  	_ =	sdelay $0x3  }
0x528: {  	s1 =	stileid.u32  }
0x529: {  	p0 =	sgt.u32 s1, $0x6  }
.Ltmp77:
0x52a: {  	_ = 	snop;
	(pc) =	sbr.rel @!p0 .LBB2_101-.Ltmp77, $1  }
0x52b: {  	_ =	sdelay $0x3  }
0x52c: {  	s1 =	stileid.u32  }
0x52d: {  	p0 =	sne.s32 s1, $0x7  }
.Ltmp78:
0x52e: {  	_ = 	snop;
	(pc) =	sbr.rel @!p0 .LBB2_103-.Ltmp78, $1  }
0x52f: {  	_ =	sdelay $0x3  }
0x530: {  	s1 =	stileid.u32  }
0x531: {  	p0 =	sgt.u32 s1, $0x8  }
.Ltmp79:
0x532: {  	_ = 	snop;
	(pc) =	sbr.rel @!p0 .LBB2_105-.Ltmp79, $1  }
0x533: {  	_ =	sdelay $0x3  }
0x534: {  	s1 =	stileid.u32  }
0x535: {  	p0 =	sne.s32 s1, $0x9  }
.Ltmp80:
0x536: {  	_ = 	snop;
	(pc) =	sbr.rel @!p0 .LBB2_107-.Ltmp80, $1  }
0x537: {  	_ =	sdelay $0x3  }
0x538: {  	s1 =	stileid.u32  }
0x539: {  	p0 =	sgt.u32 s1, $0xA  }
.Ltmp81:
0x53a: {  	_ = 	snop;
	(pc) =	sbr.rel @!p0 .LBB2_109-.Ltmp81, $1  }
0x53b: {  	_ =	sdelay $0x3  }
0x53c: {  	s1 =	stileid.u32  }
0x53d: {  	p0 =	sne.s32 s1, $0xB  }
.Ltmp82:
0x53e: {  	_ = 	snop;
	(pc) =	sbr.rel @!p0 .LBB2_111-.Ltmp82, $1  }
0x53f: {  	_ =	sdelay $0x3  }
0x540: {  	s1 =	stileid.u32  }
0x541: {  	p0 =	sgt.u32 s1, $0xC  }
.Ltmp83:
0x542: {  	_ = 	snop;
	(pc) =	sbr.rel @!p0 .LBB2_113-.Ltmp83, $1  }
0x543: {  	_ =	sdelay $0x3  }
0x544: {  	s1 =	sld [smem:$0x7FD];
	_ =	sdelay $0x2  }
0x545: {  	p0 =	seq.s32 s1, $0x1  }
.Ltmp84:
0x546: {  	_ = 	snop;
	(pc) =	sbr.rel @p0 .LBB2_115-.Ltmp84, $1  }
0x547: {  	_ =	sdelay $0x3  }
0x548: {  	s1 =	stileid.u32  }
0x549: {  	p0 =	sne.s32 s1, $0xD  }
.Ltmp85:
0x54a: {  	_ = 	snop;
	(pc) =	sbr.rel @!p0 .LBB2_117-.Ltmp85, $4  }
.Ltmp86:
0x54b: {  	_ = 	snop;
	(pc) =	sbr.rel @p0 .LBB2_118-.Ltmp86, $4  }
0x54c: {  	_ = 	snop  }
0x54d: {  	_ = 	snop  }
0x54e: {  	_ = 	snop  }
0x54f: {  	_ = 	snop  }
.LBB2_8:
.Ltmp87:
0x550: {  	(pc) =	sbr.rel .LBB2_12-.Ltmp87, $2  }
0x551: {  	_ =	sdelay $0x2  }
0x552: {  	s6 =	simm.s32 $0x0;
	p3 =	por $0x0, $0x0  }
.LBB2_13:
.Ltmp88:
0x553: {  	(pc) =	sbr.rel .LBB2_17-.Ltmp88, $2  }
0x554: {  	_ =	sdelay $0x2  }
0x555: {  	s0 =	smov.u32 s8  }
.LBB2_18:
.Ltmp89:
0x556: {  	(pc) =	sbr.rel .LBB2_22-.Ltmp89, $2  }
0x557: {  	_ =	sdelay $0x2  }
0x558: {  	s2 =	smov.u32 s0;
	p5 =	por $0x0, $0x0  }
.LBB2_23:
.Ltmp90:
0x559: {  	(pc) =	sbr.rel .LBB2_27-.Ltmp90, $2  }
0x55a: {  	_ =	sdelay $0x2  }
0x55b: {  	s0 =	smov.u32 s2  }
.LBB2_28:
.Ltmp91:
0x55c: {  	(pc) =	sbr.rel .LBB2_32-.Ltmp91, $2  }
0x55d: {  	_ =	sdelay $0x2  }
0x55e: {  	s2 =	smov.u32 s0;
	p5 =	por $0x0, $0x0  }
.LBB2_33:
.Ltmp92:
0x55f: {  	(pc) =	sbr.rel .LBB2_37-.Ltmp92, $2  }
0x560: {  	_ =	sdelay $0x2  }
0x561: {  	s0 =	smov.u32 s2  }
.LBB2_38:
.Ltmp93:
0x562: {  	(pc) =	sbr.rel .LBB2_42-.Ltmp93, $2  }
0x563: {  	_ =	sdelay $0x2  }
0x564: {  	s2 =	smov.u32 s0;
	p5 =	por $0x0, $0x0  }
.LBB2_43:
.Ltmp94:
0x565: {  	(pc) =	sbr.rel .LBB2_47-.Ltmp94, $2  }
0x566: {  	_ =	sdelay $0x2  }
0x567: {  	s0 =	smov.u32 s2  }
.LBB2_48:
.Ltmp95:
0x568: {  	(pc) =	sbr.rel .LBB2_52-.Ltmp95, $2  }
0x569: {  	_ =	sdelay $0x2  }
0x56a: {  	s2 =	smov.u32 s0;
	p5 =	por $0x0, $0x0  }
.LBB2_53:
.Ltmp96:
0x56b: {  	(pc) =	sbr.rel .LBB2_57-.Ltmp96, $2  }
0x56c: {  	_ =	sdelay $0x2  }
0x56d: {  	s0 =	smov.u32 s2  }
.LBB2_58:
.Ltmp97:
0x56e: {  	(pc) =	sbr.rel .LBB2_62-.Ltmp97, $2  }
0x56f: {  	_ =	sdelay $0x2  }
0x570: {  	s2 =	smov.u32 s0;
	p5 =	por $0x0, $0x0  }
.LBB2_63:
.Ltmp98:
0x571: {  	(pc) =	sbr.rel .LBB2_67-.Ltmp98, $2  }
0x572: {  	_ =	sdelay $0x2  }
0x573: {  	s0 =	smov.u32 s2  }
.LBB2_68:
.Ltmp99:
0x574: {  	(pc) =	sbr.rel .LBB2_72-.Ltmp99, $2  }
0x575: {  	_ =	sdelay $0x2  }
0x576: {  	s2 =	smov.u32 s0;
	p5 =	por $0x0, $0x0  }
.LBB2_73:
.Ltmp100:
0x577: {  	(pc) =	sbr.rel .LBB2_77-.Ltmp100, $2  }
0x578: {  	_ =	sdelay $0x2  }
0x579: {  	s0 =	smov.u32 s6  }
.LBB2_78:
.Ltmp101:
0x57a: {  	(pc) =	sbr.rel .LBB2_82-.Ltmp101, $2  }
0x57b: {  	_ =	sdelay $0x2  }
0x57c: {  	s0 =	smov.u32 s2;
	p5 =	por $0x0, $0x0  }
.LBB2_83:
.Ltmp102:
0x57d: {  	(pc) =	sbr.rel .LBB2_87-.Ltmp102, $2  }
0x57e: {  	_ =	sdelay $0x2  }
0x57f: {  	s2 =	smov.u32 s0  }
.LBB2_10:
.Ltmp103:
0x580: {  	(pc) =	sbr.rel .LBB2_12-.Ltmp103, $2  }
0x581: {  	_ =	sdelay $0x2  }
0x582: {  	s6 =	simm.s32 $0x0  }
.LBB2_15:
.Ltmp104:
0x583: {  	(pc) =	sbr.rel .LBB2_17-.Ltmp104, $2  }
0x584: {  	_ =	sdelay $0x2  }
0x585: {  	s0 =	smov.u32 s8  }
.LBB2_20:
.Ltmp105:
0x586: {  	(pc) =	sbr.rel .LBB2_22-.Ltmp105, $2  }
0x587: {  	_ =	sdelay $0x2  }
0x588: {  	s2 =	smov.u32 s0  }
.LBB2_25:
.Ltmp106:
0x589: {  	(pc) =	sbr.rel .LBB2_27-.Ltmp106, $2  }
0x58a: {  	_ =	sdelay $0x2  }
0x58b: {  	s0 =	smov.u32 s2  }
.LBB2_30:
.Ltmp107:
0x58c: {  	(pc) =	sbr.rel .LBB2_32-.Ltmp107, $2  }
0x58d: {  	_ =	sdelay $0x2  }
0x58e: {  	s2 =	smov.u32 s0  }
.LBB2_35:
.Ltmp108:
0x58f: {  	(pc) =	sbr.rel .LBB2_37-.Ltmp108, $2  }
0x590: {  	_ =	sdelay $0x2  }
0x591: {  	s0 =	smov.u32 s2  }
.LBB2_40:
.Ltmp109:
0x592: {  	(pc) =	sbr.rel .LBB2_42-.Ltmp109, $2  }
0x593: {  	_ =	sdelay $0x2  }
0x594: {  	s2 =	smov.u32 s0  }
.LBB2_45:
.Ltmp110:
0x595: {  	(pc) =	sbr.rel .LBB2_47-.Ltmp110, $2  }
0x596: {  	_ =	sdelay $0x2  }
0x597: {  	s0 =	smov.u32 s2  }
.LBB2_50:
.Ltmp111:
0x598: {  	(pc) =	sbr.rel .LBB2_52-.Ltmp111, $2  }
0x599: {  	_ =	sdelay $0x2  }
0x59a: {  	s2 =	smov.u32 s0  }
.LBB2_55:
.Ltmp112:
0x59b: {  	(pc) =	sbr.rel .LBB2_57-.Ltmp112, $2  }
0x59c: {  	_ =	sdelay $0x2  }
0x59d: {  	s0 =	smov.u32 s2  }
.LBB2_60:
.Ltmp113:
0x59e: {  	(pc) =	sbr.rel .LBB2_62-.Ltmp113, $2  }
0x59f: {  	_ =	sdelay $0x2  }
0x5a0: {  	s2 =	smov.u32 s0  }
.LBB2_65:
.Ltmp114:
0x5a1: {  	(pc) =	sbr.rel .LBB2_67-.Ltmp114, $2  }
0x5a2: {  	_ =	sdelay $0x2  }
0x5a3: {  	s0 =	smov.u32 s2  }
.LBB2_70:
.Ltmp115:
0x5a4: {  	(pc) =	sbr.rel .LBB2_72-.Ltmp115, $2  }
0x5a5: {  	_ =	sdelay $0x2  }
0x5a6: {  	s2 =	smov.u32 s0  }
.LBB2_75:
.Ltmp116:
0x5a7: {  	(pc) =	sbr.rel .LBB2_77-.Ltmp116, $2  }
0x5a8: {  	_ =	sdelay $0x2  }
0x5a9: {  	s0 =	smov.u32 s6  }
.LBB2_80:
.Ltmp117:
0x5aa: {  	(pc) =	sbr.rel .LBB2_82-.Ltmp117, $2  }
0x5ab: {  	_ =	sdelay $0x2  }
0x5ac: {  	s0 =	smov.u32 s2  }
.LBB2_85:
.Ltmp118:
0x5ad: {  	(pc) =	sbr.rel .LBB2_87-.Ltmp118, $2  }
0x5ae: {  	_ =	sdelay $0x2  }
0x5af: {  	s2 =	smov.u32 s0  }
.LBB2_115:
.Ltmp119:
0x5b0: {  	(pc) =	sbr.rel .LBB2_119-.Ltmp119, $2  }
0x5b1: {  	_ =	sdelay $0x2  }
0x5b2: {  	p3 =	por $0x1, $0x1  }
.LBB2_139:
0x5b3: {  	_ =	sfence.sel $0x180000  }
0x5b4: {  	[bflag:$0x0] =	sbarrier.arrive $0xFFFF  }
0x5b5: {  	_ =	strace $0x90000047  }
0x5b6: {  	[bflag:$0x2] =	sbarrier.arrive $0xFFFF  }
0x5b7: {  	s1 =	sld [smem:$0x7FC];
	_ =	sdelay $0x2  }
0x5b8: {  	s0 =	rddreg [dreg:$0x4];
	p0 =	seq.s32 s1, $0x1  }
0x5b9: {  	s0 =	sadd.s32 @!p0 $0x100000, s0  }
0x5ba: {  	[sflag:s0] =	ssyncadd.tile.s32 @!p0 $0x1;
	_ =	shalt  }
.Lfunc_end2:
_tile_overlayer_lowered:
.L_overlay_start_2:
0x5bb: {  	(tag) =	ssettag $0x2  }
0x5bc: {  	s0 =	rddreg [dreg:$0x0];
	s2 =	stileid.u32  }
0x5bd: {  	s1 =	rddreg [dreg:$0x1];
	p0 =	sne.s32 s2, $0x0  }
0x5be: {  	s3 =	rddreg [dreg:$0x2];
	[bflag:$0x3] =	sbarrier.arrive $0xFFFF;
	s2 =	simm.s32 @!p0 $0x1C03  }
0x5bf: {  	[timem:s3], [sflag:s2] =	dma.local @!p0 [hbm:s0], s1  }
0x5c0: {  	s0 =	simm.s32 @!p0 $0x3  }
0x5c1: {  	_ =	swait.ge @!p0 [sflag:s0], s1  }
0x5c2: {  	s1 =	ssub.s32 @!p0 $0x0, s1;
	[sflag:s0] =	ssyncset.done @!p0 $0x0  }
0x5c3: {  	[sflag:s0] =	ssyncadd.s32 @!p0 s1  }
0x5c4: {  	[bflag:$0x3] =	sbarrier.arrive $0xFFFF  }
0x5c5: {  	_ =	shalt  }

// kernel: scatter_offload_async_start
scs
__scs_entry_jumppad:
0x0: {  	(pc) =	sbr.rel $0x88, $3  }
0x1: {  	(tag) =	ssettag $0x0;
	lr =	simm.s32 $0x1  }
0x2: {  	[smem:$0x3F9F] =	sst lr;
	_ =	strace $0xD0000000  }
0x3: {  	_ = 	snop  }
0x4: {  	_ = 	snop  }
0x5: {  	_ = 	snop  }
0x6: {  	_ = 	snop  }
0x7: {  	_ = 	snop  }
__scs_overlays_trampoline_lowered:
0x8: {  	[smem:$0x3FAE] =	sst s0  }
0x9: {  	[smem:$0x3FAF] =	sst s1  }
0xa: {  	[smem:$0x3FB0] =	sst s2  }
0xb: {  	[smem:$0x3FB1] =	sst s3  }
0xc: {  	[smem:$0x3FB2] =	sst s4  }
0xd: {  	[smem:$0x3FB3] =	sst s5  }
0xe: {  	[smem:$0x3FB4] =	sst s6  }
0xf: {  	[smem:$0x3FB5] =	sst s7  }
0x10: {  	[smem:$0x3FB6] =	sst s8  }
0x11: {  	[smem:$0x3FB7] =	sst s9;
	s0 =	simm.s32 @!p0 $0x0  }
0x12: {  	s1 =	sld [smem:$0x3F9D];
	s0 =	simm.s32 @p0 $0x1  }
0x13: {  	[smem:$0x3FB8] =	sst s0;
	s0 =	simm.s32 @!p1 $0x0  }
0x14: {  	s2 =	sld [smem:$0x3F9C];
	s0 =	simm.s32 @p1 $0x1  }
0x15: {  	[smem:$0x3FB9] =	sst s0;
	s0 =	simm.s32 @!p2 $0x0  }
0x16: {  	s3 =	sld [smem:$0x3FDB];
	s0 =	simm.s32 @p2 $0x1  }
0x17: {  	s4 =	simm.s32 $0x1BF5;
	[smem:$0x3FBB] =	sst s0  }
0x18: {  	s0 =	sld [smem:$0x3F9E];
	_ =	swait.ge [sflag:s4], $0x0  }
0x19: {  	s7 =	sld [smem:$0x3F9F]  }
0x1a: {  	s8 =	sadd.s32 $0xFFFFE003, lr  }
0x1b: {  	s9 =	sadd.s32 $0xFFFFFEF7, lr;
	s5 =	simm.s32 $0xFFFFFFFF;
	p2 =	slt.u32 s8, $0xFFFFF086  }
0x1c: {  	p1 =	slt.u32 s9, $0xF7A;
	s5 =	simm.s32 @!p2 $0x0  }
0x1d: {  	s5 =	simm.s32 @p1 $0x1;
	p0 =	seq.s32 s7, s2  }
0x1e: {  	s7 =	smul.u32 @!p0 $0xF7A, s2;
	p2 =	seq.s32 @!p0 s5, $0x0  }
0x1f: {  	s9 =	smul.u32 $0xF7A, s1;
	s8 =	simm.s32 @!p0 $0x1BF5;
	p2 =	por !p2, p0  }
0x20: {  	[sflag:s8] =	ssyncset.s32 @!p0 $0xFFFFF086;
	s6 =	sadd.s32 @!p0 s3, s7;
	s7 =	simm.s32 @!p0 $0x108  }
0x21: {  	s3 =	sadd.s32 s3, s9;
	s6 =	sadd.s32 @!p0 $0x88, s6;
	s7 =	simm.s32 @p2 $0x1082  }
0x22: {  	[simem:s7], [sflag:s8] =	dma.local @!p0 [hbm:s6], $0xF7A  }
0x23: {  	s9 =	sor.u32 $0xD0000000, s2;
	s6 =	simm.s32 $0x108;
	_ =	swait.ge @!p0 [sflag:s8], $0x0  }
0x24: {  	s3 =	sadd.s32 $0x88, s3;
	s6 =	simm.s32 @!p1 $0x1082;
	[sflag:s4] =	ssyncset.s32 $0xFFFFF086  }
0x25: {  	[simem:s6], [sflag:s4] =	dma.local [hbm:s3], $0xF7A  }
0x26: {  	[smem:$0x3F9F] =	sst s1;
	(tag) =	ssettag s2;
	_ =	strace s9  }
0x27: {  	s1 =	sld [smem:$0x3FAF]  }
0x28: {  	s2 =	sld [smem:$0x3FB0]  }
0x29: {  	s4 =	sld [smem:$0x3FB2]  }
0x2a: {  	p0 =	seq.s32 s5, $0x0;
	s5 =	sld [smem:$0x3FB3]  }
0x2b: {  	s6 =	sld [smem:$0x3FB4]  }
0x2c: {  	s7 =	sld [smem:$0x3FB5]  }
0x2d: {  	s3 =	simm.s32 $0x108;
	s8 =	sld [smem:$0x3FB6]  }
0x2e: {  	s3 =	simm.s32 @!p0 $0x1082;
	s9 =	sld [smem:$0x3FB7]  }
0x2f: {  	lr =	sadd.s32 s0, s3;
	s0 =	sld [smem:$0x3FAE]  }
0x30: {  	s3 =	sld [smem:$0x3FB1]  }
0x31: {  	[smem:$0x3FBA] =	sst s10  }
0x32: {  	s10 =	sld [smem:$0x3FB8];
	_ =	sdelay $0x3  }
0x33: {  	p0 =	seq.s32 s10, $0x1;
	s10 =	sld [smem:$0x3FBA];
	_ =	sdelay $0x3  }
0x34: {  	[smem:$0x3FBA] =	sst s10  }
0x35: {  	s10 =	sld [smem:$0x3FB9];
	_ =	sdelay $0x3  }
0x36: {  	p1 =	seq.s32 s10, $0x1;
	s10 =	sld [smem:$0x3FBA];
	_ =	sdelay $0x3  }
0x37: {  	[smem:$0x3FBA] =	sst s10  }
0x38: {  	s10 =	sld [smem:$0x3FBB]  }
0x39: {  	_ = 	snop;
	(pc) =	sbr.ind lr, $3  }
0x3a: {  	_ = 	snop  }
0x3b: {  	_ = 	snop  }
0x3c: {  	p2 =	seq.s32 s10, $0x1;
	s10 =	sld [smem:$0x3FBA]  }
0x3d: {  	_ =	shalt  }
0x3e: {  	_ =	shalt  }
0x3f: {  	_ =	shalt  }
0x40: {  	_ =	shalt  }
0x41: {  	_ =	shalt  }
0x42: {  	_ =	shalt  }
0x43: {  	_ =	shalt  }
0x44: {  	_ =	shalt  }
0x45: {  	_ =	shalt  }
0x46: {  	_ =	shalt  }
0x47: {  	_ =	shalt  }
0x48: {  	_ =	shalt  }
0x49: {  	_ =	shalt  }
0x4a: {  	_ =	shalt  }
0x4b: {  	_ =	shalt  }
0x4c: {  	_ =	shalt  }
0x4d: {  	_ =	shalt  }
0x4e: {  	_ =	shalt  }
0x4f: {  	_ =	shalt  }
0x50: {  	_ =	shalt  }
0x51: {  	_ =	shalt  }
0x52: {  	_ =	shalt  }
0x53: {  	_ =	shalt  }
0x54: {  	_ =	shalt  }
0x55: {  	_ =	shalt  }
0x56: {  	_ =	shalt  }
0x57: {  	_ =	shalt  }
0x58: {  	_ =	shalt  }
0x59: {  	_ =	shalt  }
0x5a: {  	_ =	shalt  }
0x5b: {  	_ =	shalt  }
0x5c: {  	_ =	shalt  }
0x5d: {  	_ =	shalt  }
0x5e: {  	_ =	shalt  }
0x5f: {  	_ =	shalt  }
0x60: {  	_ =	shalt  }
0x61: {  	_ =	shalt  }
0x62: {  	_ =	shalt  }
0x63: {  	_ =	shalt  }
0x64: {  	_ =	shalt  }
0x65: {  	_ =	shalt  }
0x66: {  	_ =	shalt  }
0x67: {  	_ =	shalt  }
0x68: {  	_ =	shalt  }
0x69: {  	_ =	shalt  }
0x6a: {  	_ =	shalt  }
0x6b: {  	_ =	shalt  }
0x6c: {  	_ =	shalt  }
0x6d: {  	_ =	shalt  }
0x6e: {  	_ =	shalt  }
0x6f: {  	_ =	shalt  }
0x70: {  	_ =	shalt  }
0x71: {  	_ =	shalt  }
0x72: {  	_ =	shalt  }
0x73: {  	_ =	shalt  }
0x74: {  	_ =	shalt  }
0x75: {  	_ =	shalt  }
0x76: {  	_ =	shalt  }
0x77: {  	_ =	shalt  }
0x78: {  	_ =	shalt  }
0x79: {  	_ =	shalt  }
0x7a: {  	_ =	shalt  }
0x7b: {  	_ =	shalt  }
0x7c: {  	_ =	shalt  }
0x7d: {  	_ =	shalt  }
0x7e: {  	_ =	shalt  }
0x7f: {  	_ =	shalt  }
0x80: {  	_ =	shalt  }
0x81: {  	_ =	shalt  }
0x82: {  	_ =	shalt  }
0x83: {  	_ =	shalt  }
0x84: {  	_ =	shalt  }
0x85: {  	_ =	shalt  }
0x86: {  	_ =	shalt  }
0x87: {  	_ =	shalt  }
.Lfunc_end0:
.L_simem_size_0:
called_computation_lowered:
.L_overlay_start_0:
0x88: {  	s0 =	sld [smem:$0x3FD9]  }
0x89: {  	s1 =	sld [smem:$0x3FFE];
	_ =	sdelay $0x3  }
0x8a: {  	s0 =	sadd.s32 s1, s0  }
0x8b: {  	[smem:$0x3FC6] =	sst s0  }
0x8c: {  	_ = 	snop  }
0x8d: {  	s0 =	sld [smem:$0x3FD0];
	(tm) =	ssettm $0x1  }
0x8e: {  	s16 =	sld [smem:$0x3FFB];
	_ =	sdelay $0x3  }
0x8f: {  	_ =	strace s16  }
0x90: {  	s1 =	sld [smem:$0x3FFC];
	_ =	sdelay $0x3  }
0x91: {  	_ =	strace s1  }
0x92: {  	s1 =	sld [smem:$0x3FFD];
	_ =	sdelay $0x3  }
0x93: {  	_ =	strace s1  }
0x94: {  	_ =	strace $0x8FFFFFFF  }
0x95: {  	s17 =	sld [smem:$0x3FDB];
	_ =	sdelay $0x1  }
0x96: {  	s2 =	simm.s32 $_scs_section_size  }
0x97: {  	s3 =	simm.s32 $_size__tile_overlayer_lowered;
	s4 =	simm.s32 $_tile_overlayer_lowered  }
0x98: {  	s20 =	simm.s32 $0x1BFF;
	s19 =	sshll.u32 s4, $0x1;
	s1 =	sadd.s32 s2, s17  }
0x99: {  	s5 =	simm.s32 $0x0;
	s18 =	sshll.u32 s3, $0x1;
	s3 =	sadd.s32 s19, s1  }
0x9a: {  	[timem:s5], [sflag:s20] =	dma.local [hbm:s3], s18  }
0x9b: {  	_ =	swait.ge [sflag:s20], s18  }
0x9c: {  	s2 =	ssub.s32 $0x0, s18;
	[sflag:s20] =	ssyncset.done $0x0  }
0x9d: {  	[sflag:s20] =	ssyncadd.s32 s2;
	_ =	sdelay $0x1  }
0x9e: {  	s21 =	simm.s32 $0x1B8B  }
0x9f: {  	_ =	swait.ge [sflag:s21], $0x1  }
0xa0: {  	[sflag:s21] =	ssyncset.done $0x0  }
0xa1: {  	s23 =	simm.s32 $0x1B8E;
	s22 =	sld [smem:$0x3FFE];
	[sflag:s21] =	ssyncadd.s32 $0xFFFFFFFF  }
0xa2: {  	s24 =	simm.s32 $execute0_lowered;
	[smem:$0x3FD2] =	sst s23  }
0xa3: {  	s3 =	sshll.u32 s24, $0x1;
	_ =	strace $0x80000049;
	[dreg:$0x1] =	wrdreg $0xFFFFFFFF  }
0xa4: {  	s25 =	simm.s32 $_size_execute0_lowered;
	s1 =	sadd.s32 s1, s3;
	[dreg:$0x0] =	wrdreg $0x0  }
0xa5: {  	s3 =	sshll.u32 s25, $0x1;
	[dreg:$0x2] =	wrdreg s1  }
0xa6: {  	[dreg:$0x3] =	wrdreg s3  }
0xa7: {  	[dreg:$0x4] =	wrdreg $0xC0  }
0xa8: {  	_ =	task [dreg:s5], $0x5FFFF  }
0xa9: {  	[dreg:$0x1] =	wrdreg $0xFFFFFFFF  }
0xaa: {  	[dreg:$0x0] =	wrdreg $0x60  }
0xab: {  	[dreg:$0x2] =	wrdreg s0  }
0xac: {  	[dreg:$0x3] =	wrdreg s22  }
0xad: {  	[dreg:$0x4] =	wrdreg $0x9  }
0xae: {  	_ =	task.clear_ibuf [dreg:s5], $0x5FFFF;
	_ =	strace $0x90000049  }
0xaf: {  	s26 =	simm.s32 $0x9;
	_ =	strace $0x8000004B  }
0xb0: {  	_ =	swait.ge [sflag:s26], $0x1  }
0xb1: {  	[sflag:s26] =	ssyncadd.s32 $0xFFFFFFFF  }
0xb2: {  	_ =	strace $0x9000004B  }
0xb3: {  	_ =	sfence  }
0xb4: {  	s28 =	sld [smem:$0x0];
	_ =	sdelay $0x1  }
0xb5: {  	s29 =	srdreg.scid  }
0xb6: {  	s30 =	sshll.u32 s29, $0xD;
	s31 =	sshrl.u32 s29, $0x2  }
0xb7: {  	s2 =	sand.u32 $0x4000, s30;
	s1 =	sand.u32 $0x1, s29;
	s0 =	sadd.s32 s31, s28  }
0xb8: {  	s1 =	sor.u32 s2, s1;
	s0 =	sshll.u32 s0, $0x11  }
0xb9: {  	s0 =	sor.u32 s0, s1  }
0xba: {  	s0 =	sadd.s32 $0x8F2B, s0  }
0xbb: {  	[sflag:s0] =	ssyncadd.remote.s32 $0x1  }
0xbc: {  	_ =	sfence.sel $0xFFFF  }
0xbd: {  	[dreg:$0x0] =	wrdreg $0xFFFFFFFF;
	(pc) =	sbr.abs _section_cstart, $3  }
0xbe: {  	[dreg:$0x1] =	wrdreg $0xFFFFFFFF  }
0xbf: {  	_ =	task.clear_ibuf [dreg:s5], $0x2FFFF;
	_ =	strace $0x9FFFFFFF  }
0xc0: {  	(tm) =	ssettm $0x7FFFFFFF  }
0xc1: {  	_ =	shalt  }
tec
execute0_lowered:
.L_overlay_start_1:
0x0: {  	(tag) =	ssettag $0x1  }
0x1: {  	s1 =	rddreg [dreg:$0x0]  }
0x2: {  	s2 =	rddreg [dreg:$0x1]  }
0x3: {  	s0 =	rddreg [dreg:$0x2];
	s3 =	stileid.u32  }
0x4: {  	_ =	strace $0x8000004A;
	s4 =	simm.s32 $0x3E;
	p0 =	sne.s32 s3, $0x0  }
0x5: {  	[sflag:s4] =	ssyncpa.u1 $0x0;
	s5 =	simm.s32 @!p0 $0x1C3E;
	s6 =	simm.s32 @!p0 $0x0  }
0x6: {  	[spmem:s6], [sflag:s5] =	dma.local @!p0 [hbm:s1], $0x1800  }
0x7: {  	s5 =	simm.s32 @!p0 $0x3E  }
0x8: {  	_ =	swait.ge @!p0 [sflag:s5], $0x1800  }
0x9: {  	[sflag:s5] =	ssyncset.done @!p0 $0x0  }
0xa: {  	s26 =	simm.s32 $0x1;
	[sflag:s5] =	ssyncadd.s32 @!p0 $0xFFFFE800  }
0xb: {  	s29 =	simm.s32 $0x2;
	s7 =	simm.s32 $0x1400;
	[bflag:$0x0] =	sbarrier.arrive $0xFFFF  }
0xc: {  	s28 =	sadd.s32 $0xE00, s2;
	s30 =	sadd.s32 $0x81E00, s2;
	[sflag:s4] =	ssyncpa.u1 $0x1  }
0xd: {  	s3 =	sshll.u32 s3, $0x8;
	s2 =	simm.s32 $0x0;
	[sflag:s26] =	ssyncpa.u1 $0x0  }
0xe: {  	s4 =	sadd.s32 s28, s3;
	(ifvalue) =	ssetifvalue $0xC000;
	[sflag:s29] =	ssyncpa.u1 $0x0  }
0xf: {  	[tilespmem:s7], [sflag:$0x2] =	stream.linear.gather [hbm4b:s4+s2], $0x800, $0x38;
	[tilespmem:$0x2C00] =	vst v63  }
0x10: {  	s31 =	sadd.s32 s30, s3;
	s3 =	simm.s32 $0x2400  }
0x11: {  	[tilespmem:s3], [sflag:$0x2] =	stream.linear.gather [hbm4b:s31+s2], $0x800, $0x38;
	[tilespmem:$0x2C00] =	vst v63  }
0x12: {  	_ =	swait.ge [sflag:s29], $0x1000  }
0x13: {  	[sflag:s29] =	ssyncset.done $0x0  }
0x14: {  	[sflag:s29] =	ssyncadd.s32 $0xFFFFF000  }
0x15: {  	v0 =	vld.msk [tilespmem:s7+$0x0 ss:$0x1], $0xffff;
	_ =	sdelay $0x4  }
0x16: {  	v0 =	vmin.u32 v0, $0xC000;
	_ =	sdelay $0x3  }
0x17: {  	vm0 =	vmmov $0xffff;
	s5 =	simm.s32 $0x1410;
	s4 =	simm.s32 $0x0  }
0x18: {  	[spmem:s2] =	stream.indirect_vreg.scatter.add.s32 [tilespmem:s3], [sflag:$0x1], $0x1, v0, vm0, $0x4038;
	[tilespmem:$0x2C00] =	vst v63  }
.LBB2_1:
0x19: {  	v0 =	vld.msk [tilespmem:s5+$0x0 ss:$0x1], $0xffff;
	s4 =	sadd.s32 $0x10, s4  }
0x1a: {  	p1 =	slt.u32 s4, $0x7F0;
	_ =	sdelay $0x4  }
0x1b: {  	v0 =	vmin.u32 v0, $0xC000  }
.Ltmp0:
0x1c: {  	(pc) =	sbr.rel @p1 .LBB2_1-.Ltmp0, $3  }
0x1d: {  	_ =	sdelay $0x1  }
0x1e: {  	s5 =	sadd.s32 $0x10, s5;
	s3 =	sadd.s32 $0x10, s3  }
0x1f: {  	[spmem:s2] =	stream.indirect_vreg.scatter.add.s32 [tilespmem:s3], [sflag:$0x1], $0x1, v0, vm0, $0x4038;
	[tilespmem:$0x2C00] =	vst v63  }
0x20: {  	s2 =	simm.s32 $0x1  }
0x21: {  	_ =	swait.ge [sflag:s2], $0x800  }
0x22: {  	[sflag:s2] =	ssyncset.done $0x0  }
0x23: {  	[sflag:s2] =	ssyncadd.s32 $0xFFFFF800  }
0x24: {  	_ =	sfence.sel $0x180000  }
0x25: {  	s3 =	simm.s32 $0x2;
	[bflag:$0x0] =	sbarrier.arrive $0xFFFF  }
0x26: {  	[sflag:s3] =	ssyncpa.u1 $0x1  }
0x27: {  	[sflag:s2] =	ssyncpa.u1 $0x1  }
0x28: {  	_ =	sfence.stream.spmem  }
0x29: {  	s31 =	simm.s32 $0x3D;
	[bflag:$0x0] =	sbarrier.arrive $0xFFFF  }
0x2a: {  	s2 =	simm.s32 @p0 $0x3D;
	[sflag:s31] =	ssyncpa.u1 $0x0  }
0x2b: {  	[sflag:s2] =	ssyncpa.u1 @p0 $0x1  }
0x2c: {  	[bflag:$0x0] =	sbarrier.arrive @p0 $0xFFFF  }
0x2d: {  	_ =	strace @p0 $0x9000004A  }
0x2e: {  	s3 =	simm.s32 @!p0 $0x1C3D;
	s2 =	simm.s32 @!p0 $0x0;
	[bflag:$0x2] =	sbarrier.arrive @p0 $0xFFFF  }
0x2f: {  	[hbm:s1], [sflag:s3] =	dma.local @!p0 [spmem:s2], $0x1800  }
0x30: {  	s1 =	simm.s32 @!p0 $0x3D  }
0x31: {  	_ =	swait.ge @!p0 [sflag:s1], $0x1800  }
0x32: {  	[sflag:s1] =	ssyncset.done @!p0 $0x0  }
0x33: {  	[sflag:s1] =	ssyncadd.s32 @!p0 $0xFFFFE800  }
0x34: {  	[sflag:s1] =	ssyncpa.u1 @!p0 $0x1  }
0x35: {  	[bflag:$0x0] =	sbarrier.arrive @!p0 $0xFFFF  }
0x36: {  	_ =	strace @!p0 $0x9000004A  }
0x37: {  	s0 =	sadd.s32 @!p0 $0x100000, s0;
	[bflag:$0x2] =	sbarrier.arrive @!p0 $0xFFFF  }
0x38: {  	[sflag:s0] =	ssyncadd.tile.s32 @!p0 $0x1;
	_ =	shalt  }
.Lfunc_end2:
_tile_overlayer_lowered:
.L_overlay_start_2:
0x39: {  	(tag) =	ssettag $0x2  }
0x3a: {  	s0 =	rddreg [dreg:$0x0];
	s2 =	stileid.u32  }
0x3b: {  	s1 =	rddreg [dreg:$0x1];
	p0 =	sne.s32 s2, $0x0  }
0x3c: {  	s3 =	rddreg [dreg:$0x2];
	[bflag:$0x3] =	sbarrier.arrive $0xFFFF;
	s2 =	simm.s32 @!p0 $0x1C01  }
0x3d: {  	[timem:s3], [sflag:s2] =	dma.local @!p0 [hbm:s0], s1  }
0x3e: {  	s0 =	simm.s32 @!p0 $0x1  }
0x3f: {  	_ =	swait.ge @!p0 [sflag:s0], s1  }
0x40: {  	s1 =	ssub.s32 @!p0 $0x0, s1;
	[sflag:s0] =	ssyncset.done @!p0 $0x0  }
0x41: {  	[sflag:s0] =	ssyncadd.s32 @!p0 s1  }
0x42: {  	[bflag:$0x3] =	sbarrier.arrive $0xFFFF  }
0x43: {  	_ =	shalt  }

</sc_bundles>
